<compile_context>
chip_gen: v7x
topology: tpu7x:2x2x1
jax: 0.10.2.dev20260603
libtpu: 0.0.44.dev20260713+nightly
codegen_flags: <defaults>
</compile_context>

<pallas_src>
import functools

import jax
import jax.numpy as jnp
from jax import lax
from jax.experimental import pallas as pl
from jax.experimental.pallas import tpu as pltpu
from jax.experimental.pallas import tpu_sc as plsc

_NC = 2
_NS = 16
_L = 16
_NW = _NC * _NS

_N = 10000
_D = 128
_D2 = _D // 2
_E = 320000
_EPW = _E // _NW
_CHUNK = 256
_NCHUNK = -(-_EPW // _CHUNK)
_LAST_OFF = _EPW - _CHUNK
_STRM = 128
_INV_TEMP = 10.0


def _normalize_body(a_ref, b_ref, pa_ref, pb_ref):
    for src, dst in ((a_ref, pa_ref), (b_ref, pb_ref)):
        x = src[...]
        norm = jnp.sqrt(jnp.sum(x * x, axis=-1, keepdims=True))
        y = (x / jnp.maximum(norm, 1e-12)).astype(jnp.bfloat16)
        lo = lax.bitcast_convert_type(y[:, :_D2], jnp.uint16).astype(jnp.uint32)
        hi = lax.bitcast_convert_type(y[:, _D2:], jnp.uint16).astype(jnp.uint32)
        dst[...] = lo | (hi << 16)


_NBLK = 1000


def _normalize(userA, userB):
    return pl.pallas_call(
        _normalize_body,
        grid=(_N // _NBLK,),
        in_specs=[pl.BlockSpec((_NBLK, _D), lambda i: (i, 0))] * 2,
        out_specs=[pl.BlockSpec((_NBLK, _D2), lambda i: (i, 0))] * 2,
        out_shape=(
            jax.ShapeDtypeStruct((_N, _D2), jnp.uint32),
            jax.ShapeDtypeStruct((_N, _D2), jnp.uint32),
        ),
    )(userA, userB)


def _sc_body(tabA, tabB, idx_hbm, out_hbm,
             idxA_v, idxB_v, rowsA0, rowsB0, rowsA1, rowsB1, out0, out1,
             sem0, sem1, osem0, osem1):
    sid = lax.axis_index("s")
    wid = sid * _NC + lax.axis_index("c")
    base = pl.multiple_of(wid * _EPW, 8)
    pltpu.sync_copy(idx_hbm.at[0, pl.ds(base, _EPW)], idxA_v)
    pltpu.sync_copy(idx_hbm.at[1, pl.ds(base, _EPW)], idxB_v)
    lanes = lax.iota(jnp.int32, _L)
    bufs = ((rowsA0, rowsB0, out0, sem0, osem0),
            (rowsA1, rowsB1, out1, sem1, osem1))

    def chunk_off(cc):
        return pl.multiple_of(jnp.minimum(cc * _CHUNK, _LAST_OFF), 8)

    def issue(cc, ra, rb, ov, sem, osem):
        del ov, osem
        off = chunk_off(cc)
        for h in range(_CHUNK // _STRM):
            o = pl.multiple_of(off + h * _STRM, 8)
            r = pl.multiple_of(h * _STRM, 8)
            pltpu.async_copy(tabA.at[idxA_v.at[pl.ds(o, _STRM)]],
                             ra.at[pl.ds(r, _STRM)], sem)
            pltpu.async_copy(tabB.at[idxB_v.at[pl.ds(o, _STRM)]],
                             rb.at[pl.ds(r, _STRM)], sem)

    def drain(ra, rb, sem):
        for h in range(_CHUNK // _STRM):
            r = pl.multiple_of(h * _STRM, 8)
            pltpu.make_async_copy(tabA.at[idxA_v.at[pl.ds(0, _STRM)]],
                                  ra.at[pl.ds(r, _STRM)], sem).wait()
            pltpu.make_async_copy(tabB.at[idxB_v.at[pl.ds(0, _STRM)]],
                                  rb.at[pl.ds(r, _STRM)], sem).wait()

    def compute(c, rowsA_v, rowsB_v, out_v, osem):
        off = chunk_off(c)

        @pl.when(c >= 2)
        def _drain_store():
            pltpu.make_async_copy(out_v, out_hbm.at[pl.ds(0, _CHUNK)],
                                  osem).wait()

        def ebody(t, _):
            res = jnp.zeros((_L,), jnp.float32)
            for u in range(_L):
                e = t * _L + u
                ps = []
                for q in range(_D2 // _L):
                    a = plsc.bitcast(rowsA_v[e, pl.ds(q * _L, _L)],
                                     jnp.bfloat16)
                    b = plsc.bitcast(rowsB_v[e, pl.ds(q * _L, _L)],
                                     jnp.bfloat16)
                    ps.append(a * b)
                s = (ps[0] + ps[1]) + (ps[2] + ps[3])
                plo, phi = plsc.unpack(s, format=plsc.PackFormat.INTERLEAVED)
                res = jnp.where(lanes == u, jnp.sum(plo + phi), res)
            out_v[pl.ds(pl.multiple_of(t * _L, 8), _L)] = res * _INV_TEMP
            return 0

        lax.fori_loop(0, _CHUNK // _L, ebody, 0)
        pltpu.async_copy(out_v, out_hbm.at[pl.ds(base + off, _CHUNK)], osem)

    issue(0, *bufs[0])
    issue(1, *bufs[1])

    def pair_body(p, _):
        c = p * 2
        for b in range(2):
            ra, rb, ov, sem, osem = bufs[b]
            cc = c + b

            @pl.when(cc < _NCHUNK)
            def _process():
                drain(ra, rb, sem)
                compute(cc, ra, rb, ov, osem)

                @pl.when(cc + 2 < _NCHUNK)
                def _prefetch():
                    issue(cc + 2, *bufs[b])

        return 0

    lax.fori_loop(0, (_NCHUNK + 1) // 2, pair_body, 0)
    for _ra, _rb, ov, _sem, osem in bufs:
        pltpu.make_async_copy(ov, out_hbm.at[pl.ds(0, _CHUNK)], osem).wait()


_sc_call = functools.partial(
    pl.kernel,
    out_type=jax.ShapeDtypeStruct((_E,), jnp.float32),
    mesh=plsc.VectorSubcoreMesh(core_axis_name="c", subcore_axis_name="s"),
    compiler_params=pltpu.CompilerParams(needs_layout_passes=False,
                                         use_tc_tiling_on_sc=False),
    scratch_types=[
        pltpu.VMEM((_EPW,), jnp.int32),
        pltpu.VMEM((_EPW,), jnp.int32),
        pltpu.VMEM((_CHUNK, _D2), jnp.uint32),
        pltpu.VMEM((_CHUNK, _D2), jnp.uint32),
        pltpu.VMEM((_CHUNK, _D2), jnp.uint32),
        pltpu.VMEM((_CHUNK, _D2), jnp.uint32),
        pltpu.VMEM((_CHUNK,), jnp.float32),
        pltpu.VMEM((_CHUNK,), jnp.float32),
        pltpu.SemaphoreType.DMA,
        pltpu.SemaphoreType.DMA,
        pltpu.SemaphoreType.DMA,
        pltpu.SemaphoreType.DMA,
    ],
)(_sc_body)


def kernel(userA, userB, edge_label_index):
    tabA, tabB = _normalize(userA, userB)
    idx = edge_label_index.astype(jnp.int32)
    return _sc_call(tabA, tabB, idx)

# --- scband reference (transcript-rebuilt; emitter-appended) ---
"""Pipeline reference for scband-classifier-54949811585354 (READ-ONLY COPY).

The authoritative reference and input builder live on the scoring server;
editing this copy changes nothing except your own understanding.
"""

import jax, jax.numpy as jnp
import numpy as np


def setup_inputs(seed: int = 0) -> dict:
    key = jax.random.key(seed)
    k1, k2, k3 = jax.random.split(key, 3)
    userA = jax.random.normal(k1, (10000, 128), dtype=jnp.float32)
    userB = jax.random.normal(k2, (10000, 128), dtype=jnp.float32)
    edge_label_index = jax.random.randint(k3, (2, 320000), 0, 10000, dtype=jnp.int64)
    return {"userA": userA, "userB": userB, "edge_label_index": edge_label_index}


def _l2_normalize(x, eps=1e-12):
    # Matches torch.nn.functional.normalize(p=2, dim=-1): x / max(||x||_2, eps)
    norm = jnp.sqrt(jnp.sum(x * x, axis=-1, keepdims=True))
    return x / jnp.maximum(norm, eps)


def reference(userA, userB, edge_label_index):
    temperature = 0.1
    featA = jnp.take(userA, edge_label_index[0], axis=0)
    featB = jnp.take(userB, edge_label_index[1], axis=0)
    featA = _l2_normalize(featA)
    featB = _l2_normalize(featB)
    cosine_sim = jnp.sum(featA * featB, axis=-1)
    logits = cosine_sim / temperature
    return logits

if __name__ == "__main__":
    import jax
    _d = setup_inputs()
    print(jax.jit(kernel)(*tuple(_d.values())))

</pallas_src>

<mosaic_0001>
#map = affine_map<(d0, d1) -> (0, 0)>
#map1 = affine_map<(d0, d1) -> (0)>
module attributes {stable_mosaic.version = 14 : i64} {
  func.func @_sc_body(%arg0: i32, %arg1: i32, %arg2: memref<10000x64xi32, #tpu.memory_space<hbm>>, %arg3: memref<10000x64xi32, #tpu.memory_space<hbm>>, %arg4: memref<2x320000xi32, #tpu.memory_space<hbm>>, %arg5: memref<320000xf32, #tpu.memory_space<hbm>>, %arg6: memref<10000xi32, #tpu.memory_space<vmem>>, %arg7: memref<10000xi32, #tpu.memory_space<vmem>>, %arg8: memref<256x64xi32, #tpu.memory_space<vmem>>, %arg9: memref<256x64xi32, #tpu.memory_space<vmem>>, %arg10: memref<256x64xi32, #tpu.memory_space<vmem>>, %arg11: memref<256x64xi32, #tpu.memory_space<vmem>>, %arg12: memref<256xf32, #tpu.memory_space<vmem>>, %arg13: memref<256xf32, #tpu.memory_space<vmem>>, %arg14: memref<!tpu.dma_semaphore, #tpu.memory_space<semaphore_mem>>, %arg15: memref<!tpu.dma_semaphore, #tpu.memory_space<semaphore_mem>>, %arg16: memref<!tpu.dma_semaphore, #tpu.memory_space<semaphore_mem>>, %arg17: memref<!tpu.dma_semaphore, #tpu.memory_space<semaphore_mem>>) attributes {dimension_semantics = [#tpu.dimension_semantics<core_parallel>, #tpu.dimension_semantics<subcore_parallel>], iteration_bounds = array<i64: 2, 16>, scalar_prefetch = 0 : i64, scratch_operands = 12 : i64, tpu.core_type = #tpu.core_type<sc_vector_subcore>, window_params = [{transform_indices = #map}, {transform_indices = #map}, {transform_indices = #map}, {transform_indices = #map1}]} {
    %mul3A = arith.constant 2 : i32
    %mul3A_0 = arith.muli %arg1, %mul3A : i32
    %add3A = arith.addi %mul3A_0, %arg0 : i32
    %mul3A_1 = arith.constant 10000 : i32
    %mul3A_2 = arith.muli %add3A, %mul3A_1 : i32
    %multiple_of3A = tpu.assume_multiple %mul3A_2, 8 : i32
    %run_scoped3A = arith.constant 0 : i32
    "tpu.region"() ({
      %run_scoped3A_91 = tpu.sem_alloc : memref<!tpu.dma_semaphore, #tpu.memory_space<semaphore_mem>>
      %dma_start3A_92 = tpu.memref_slice %arg4[%run_scoped3A, %multiple_of3A] : memref<2x320000xi32, #tpu.memory_space<hbm>> -> memref<1x10000xi32, #tpu.memory_space<hbm>>
      %dma_start3A_93 = tpu.memref_squeeze %dma_start3A_92 : memref<1x10000xi32, #tpu.memory_space<hbm>> -> memref<10000xi32, #tpu.memory_space<hbm>>
      %dma_start3A_94 = tpu.memref_slice %arg4[%run_scoped3A, %multiple_of3A] : memref<2x320000xi32, #tpu.memory_space<hbm>> -> memref<1x10000xi32, #tpu.memory_space<hbm>>
      %dma_start3A_95 = tpu.memref_squeeze %dma_start3A_94 : memref<1x10000xi32, #tpu.memory_space<hbm>> -> memref<10000xi32, #tpu.memory_space<hbm>>
      tpu.enqueue_dma source(%dma_start3A_95 : memref<10000xi32, #tpu.memory_space<hbm>>) target(%arg6 : memref<10000xi32, #tpu.memory_space<vmem>>) target_semaphore(%run_scoped3A_91 : memref<!tpu.dma_semaphore, #tpu.memory_space<semaphore_mem>>)
      %dma_wait3A_96 = tpu.memref_slice %arg4[%run_scoped3A, %multiple_of3A] : memref<2x320000xi32, #tpu.memory_space<hbm>> -> memref<1x10000xi32, #tpu.memory_space<hbm>>
      %dma_wait3A_97 = tpu.memref_squeeze %dma_wait3A_96 : memref<1x10000xi32, #tpu.memory_space<hbm>> -> memref<10000xi32, #tpu.memory_space<hbm>>
      %dma_wait3A_98 = tpu.memref_slice %arg4[%run_scoped3A, %multiple_of3A] : memref<2x320000xi32, #tpu.memory_space<hbm>> -> memref<1x10000xi32, #tpu.memory_space<hbm>>
      %dma_wait3A_99 = tpu.memref_squeeze %dma_wait3A_98 : memref<1x10000xi32, #tpu.memory_space<hbm>> -> memref<10000xi32, #tpu.memory_space<hbm>>
      tpu.wait_dma2 semaphore(%run_scoped3A_91 : memref<!tpu.dma_semaphore, #tpu.memory_space<semaphore_mem>>) src(%dma_wait3A_99 : memref<10000xi32, #tpu.memory_space<hbm>>) dst(%arg6 : memref<10000xi32, #tpu.memory_space<vmem>>)
      tpu.yield
    }) : () -> ()
    %run_scoped3A_3 = arith.constant 1 : i32
    "tpu.region"() ({
      %run_scoped3A_91 = tpu.sem_alloc : memref<!tpu.dma_semaphore, #tpu.memory_space<semaphore_mem>>
      %dma_start3A_92 = tpu.memref_slice %arg4[%run_scoped3A_3, %multiple_of3A] : memref<2x320000xi32, #tpu.memory_space<hbm>> -> memref<1x10000xi32, #tpu.memory_space<hbm>>
      %dma_start3A_93 = tpu.memref_squeeze %dma_start3A_92 : memref<1x10000xi32, #tpu.memory_space<hbm>> -> memref<10000xi32, #tpu.memory_space<hbm>>
      %dma_start3A_94 = tpu.memref_slice %arg4[%run_scoped3A_3, %multiple_of3A] : memref<2x320000xi32, #tpu.memory_space<hbm>> -> memref<1x10000xi32, #tpu.memory_space<hbm>>
      %dma_start3A_95 = tpu.memref_squeeze %dma_start3A_94 : memref<1x10000xi32, #tpu.memory_space<hbm>> -> memref<10000xi32, #tpu.memory_space<hbm>>
      tpu.enqueue_dma source(%dma_start3A_95 : memref<10000xi32, #tpu.memory_space<hbm>>) target(%arg7 : memref<10000xi32, #tpu.memory_space<vmem>>) target_semaphore(%run_scoped3A_91 : memref<!tpu.dma_semaphore, #tpu.memory_space<semaphore_mem>>)
      %dma_wait3A_96 = tpu.memref_slice %arg4[%run_scoped3A_3, %multiple_of3A] : memref<2x320000xi32, #tpu.memory_space<hbm>> -> memref<1x10000xi32, #tpu.memory_space<hbm>>
      %dma_wait3A_97 = tpu.memref_squeeze %dma_wait3A_96 : memref<1x10000xi32, #tpu.memory_space<hbm>> -> memref<10000xi32, #tpu.memory_space<hbm>>
      %dma_wait3A_98 = tpu.memref_slice %arg4[%run_scoped3A_3, %multiple_of3A] : memref<2x320000xi32, #tpu.memory_space<hbm>> -> memref<1x10000xi32, #tpu.memory_space<hbm>>
      %dma_wait3A_99 = tpu.memref_squeeze %dma_wait3A_98 : memref<1x10000xi32, #tpu.memory_space<hbm>> -> memref<10000xi32, #tpu.memory_space<hbm>>
      tpu.wait_dma2 semaphore(%run_scoped3A_91 : memref<!tpu.dma_semaphore, #tpu.memory_space<semaphore_mem>>) src(%dma_wait3A_99 : memref<10000xi32, #tpu.memory_space<hbm>>) dst(%arg7 : memref<10000xi32, #tpu.memory_space<vmem>>)
      tpu.yield
    }) : () -> ()
    %iota3A = tpu.iota {dimensions = array<i32: 0>} : vector<16xi32>
    %min3A = arith.constant 0 : i32
    %min3A_4 = arith.constant 9744 : i32
    %min3A_5 = arith.minsi %min3A, %min3A_4 : i32
    %multiple_of3A_6 = tpu.assume_multiple %min3A_5, 8 : i32
    %add3A_7 = arith.constant 0 : i32
    %add3A_8 = arith.addi %multiple_of3A_6, %add3A_7 : i32
    %multiple_of3A_9 = tpu.assume_multiple %add3A_8, 8 : i32
    %multiple_of3A_10 = arith.constant 0 : i32
    %multiple_of3A_11 = tpu.assume_multiple %multiple_of3A_10, 8 : i32
    %dma_start3A = arith.constant 0 : i32
    %dma_start3A_12 = tpu.memref_slice %arg8[%multiple_of3A_11, %dma_start3A] : memref<256x64xi32, #tpu.memory_space<vmem>> -> memref<128x64xi32, #tpu.memory_space<vmem>>
    %dma_start3A_13 = tpu.memref_slice %arg6[%multiple_of3A_9] : memref<10000xi32, #tpu.memory_space<vmem>> -> memref<128xi32, #tpu.memory_space<vmem>>
    %dma_start3A_14 = arith.constant 0 : i32
    %dma_start3A_15 = arith.constant 0 : i32
    %dma_start3A_16 = tpu.memref_slice %arg2[%dma_start3A_14, %dma_start3A_15] : memref<10000x64xi32, #tpu.memory_space<hbm>> -> memref<10000x64xi32, #tpu.memory_space<hbm>>
    tpu.enqueue_indirect_dma source(%dma_start3A_16 : memref<10000x64xi32, #tpu.memory_space<hbm>>) target(%dma_start3A_12 : memref<128x64xi32, #tpu.memory_space<vmem>>) offsets(%dma_start3A_13 : memref<128xi32, #tpu.memory_space<vmem>>) semaphore(%arg14 : memref<!tpu.dma_semaphore, #tpu.memory_space<semaphore_mem>>)
    %dma_start3A_17 = arith.constant 0 : i32
    %dma_start3A_18 = tpu.memref_slice %arg9[%multiple_of3A_11, %dma_start3A_17] : memref<256x64xi32, #tpu.memory_space<vmem>> -> memref<128x64xi32, #tpu.memory_space<vmem>>
    %dma_start3A_19 = tpu.memref_slice %arg7[%multiple_of3A_9] : memref<10000xi32, #tpu.memory_space<vmem>> -> memref<128xi32, #tpu.memory_space<vmem>>
    %dma_start3A_20 = arith.constant 0 : i32
    %dma_start3A_21 = arith.constant 0 : i32
    %dma_start3A_22 = tpu.memref_slice %arg3[%dma_start3A_20, %dma_start3A_21] : memref<10000x64xi32, #tpu.memory_space<hbm>> -> memref<10000x64xi32, #tpu.memory_space<hbm>>
    tpu.enqueue_indirect_dma source(%dma_start3A_22 : memref<10000x64xi32, #tpu.memory_space<hbm>>) target(%dma_start3A_18 : memref<128x64xi32, #tpu.memory_space<vmem>>) offsets(%dma_start3A_19 : memref<128xi32, #tpu.memory_space<vmem>>) semaphore(%arg14 : memref<!tpu.dma_semaphore, #tpu.memory_space<semaphore_mem>>)
    %add3A_23 = arith.constant 128 : i32
    %add3A_24 = arith.addi %multiple_of3A_6, %add3A_23 : i32
    %multiple_of3A_25 = tpu.assume_multiple %add3A_24, 8 : i32
    %multiple_of3A_26 = arith.constant 128 : i32
    %multiple_of3A_27 = tpu.assume_multiple %multiple_of3A_26, 8 : i32
    %dma_start3A_28 = arith.constant 0 : i32
    %dma_start3A_29 = tpu.memref_slice %arg8[%multiple_of3A_27, %dma_start3A_28] : memref<256x64xi32, #tpu.memory_space<vmem>> -> memref<128x64xi32, #tpu.memory_space<vmem>>
    %dma_start3A_30 = tpu.memref_slice %arg6[%multiple_of3A_25] : memref<10000xi32, #tpu.memory_space<vmem>> -> memref<128xi32, #tpu.memory_space<vmem>>
    %dma_start3A_31 = arith.constant 0 : i32
    %dma_start3A_32 = arith.constant 0 : i32
    %dma_start3A_33 = tpu.memref_slice %arg2[%dma_start3A_31, %dma_start3A_32] : memref<10000x64xi32, #tpu.memory_space<hbm>> -> memref<10000x64xi32, #tpu.memory_space<hbm>>
    tpu.enqueue_indirect_dma source(%dma_start3A_33 : memref<10000x64xi32, #tpu.memory_space<hbm>>) target(%dma_start3A_29 : memref<128x64xi32, #tpu.memory_space<vmem>>) offsets(%dma_start3A_30 : memref<128xi32, #tpu.memory_space<vmem>>) semaphore(%arg14 : memref<!tpu.dma_semaphore, #tpu.memory_space<semaphore_mem>>)
    %dma_start3A_34 = arith.constant 0 : i32
    %dma_start3A_35 = tpu.memref_slice %arg9[%multiple_of3A_27, %dma_start3A_34] : memref<256x64xi32, #tpu.memory_space<vmem>> -> memref<128x64xi32, #tpu.memory_space<vmem>>
    %dma_start3A_36 = tpu.memref_slice %arg7[%multiple_of3A_25] : memref<10000xi32, #tpu.memory_space<vmem>> -> memref<128xi32, #tpu.memory_space<vmem>>
    %dma_start3A_37 = arith.constant 0 : i32
    %dma_start3A_38 = arith.constant 0 : i32
    %dma_start3A_39 = tpu.memref_slice %arg3[%dma_start3A_37, %dma_start3A_38] : memref<10000x64xi32, #tpu.memory_space<hbm>> -> memref<10000x64xi32, #tpu.memory_space<hbm>>
    tpu.enqueue_indirect_dma source(%dma_start3A_39 : memref<10000x64xi32, #tpu.memory_space<hbm>>) target(%dma_start3A_35 : memref<128x64xi32, #tpu.memory_space<vmem>>) offsets(%dma_start3A_36 : memref<128xi32, #tpu.memory_space<vmem>>) semaphore(%arg14 : memref<!tpu.dma_semaphore, #tpu.memory_space<semaphore_mem>>)
    %min3A_40 = arith.constant 256 : i32
    %min3A_41 = arith.constant 9744 : i32
    %min3A_42 = arith.minsi %min3A_40, %min3A_41 : i32
    %multiple_of3A_43 = tpu.assume_multiple %min3A_42, 8 : i32
    %add3A_44 = arith.constant 0 : i32
    %add3A_45 = arith.addi %multiple_of3A_43, %add3A_44 : i32
    %multiple_of3A_46 = tpu.assume_multiple %add3A_45, 8 : i32
    %multiple_of3A_47 = arith.constant 0 : i32
    %multiple_of3A_48 = tpu.assume_multiple %multiple_of3A_47, 8 : i32
    %dma_start3A_49 = arith.constant 0 : i32
    %dma_start3A_50 = tpu.memref_slice %arg10[%multiple_of3A_48, %dma_start3A_49] : memref<256x64xi32, #tpu.memory_space<vmem>> -> memref<128x64xi32, #tpu.memory_space<vmem>>
    %dma_start3A_51 = tpu.memref_slice %arg6[%multiple_of3A_46] : memref<10000xi32, #tpu.memory_space<vmem>> -> memref<128xi32, #tpu.memory_space<vmem>>
    %dma_start3A_52 = arith.constant 0 : i32
    %dma_start3A_53 = arith.constant 0 : i32
    %dma_start3A_54 = tpu.memref_slice %arg2[%dma_start3A_52, %dma_start3A_53] : memref<10000x64xi32, #tpu.memory_space<hbm>> -> memref<10000x64xi32, #tpu.memory_space<hbm>>
    tpu.enqueue_indirect_dma source(%dma_start3A_54 : memref<10000x64xi32, #tpu.memory_space<hbm>>) target(%dma_start3A_50 : memref<128x64xi32, #tpu.memory_space<vmem>>) offsets(%dma_start3A_51 : memref<128xi32, #tpu.memory_space<vmem>>) semaphore(%arg15 : memref<!tpu.dma_semaphore, #tpu.memory_space<semaphore_mem>>)
    %dma_start3A_55 = arith.constant 0 : i32
    %dma_start3A_56 = tpu.memref_slice %arg11[%multiple_of3A_48, %dma_start3A_55] : memref<256x64xi32, #tpu.memory_space<vmem>> -> memref<128x64xi32, #tpu.memory_space<vmem>>
    %dma_start3A_57 = tpu.memref_slice %arg7[%multiple_of3A_46] : memref<10000xi32, #tpu.memory_space<vmem>> -> memref<128xi32, #tpu.memory_space<vmem>>
    %dma_start3A_58 = arith.constant 0 : i32
    %dma_start3A_59 = arith.constant 0 : i32
    %dma_start3A_60 = tpu.memref_slice %arg3[%dma_start3A_58, %dma_start3A_59] : memref<10000x64xi32, #tpu.memory_space<hbm>> -> memref<10000x64xi32, #tpu.memory_space<hbm>>
    tpu.enqueue_indirect_dma source(%dma_start3A_60 : memref<10000x64xi32, #tpu.memory_space<hbm>>) target(%dma_start3A_56 : memref<128x64xi32, #tpu.memory_space<vmem>>) offsets(%dma_start3A_57 : memref<128xi32, #tpu.memory_space<vmem>>) semaphore(%arg15 : memref<!tpu.dma_semaphore, #tpu.memory_space<semaphore_mem>>)
    %add3A_61 = arith.constant 128 : i32
    %add3A_62 = arith.addi %multiple_of3A_43, %add3A_61 : i32
    %multiple_of3A_63 = tpu.assume_multiple %add3A_62, 8 : i32
    %multiple_of3A_64 = arith.constant 128 : i32
    %multiple_of3A_65 = tpu.assume_multiple %multiple_of3A_64, 8 : i32
    %dma_start3A_66 = arith.constant 0 : i32
    %dma_start3A_67 = tpu.memref_slice %arg10[%multiple_of3A_65, %dma_start3A_66] : memref<256x64xi32, #tpu.memory_space<vmem>> -> memref<128x64xi32, #tpu.memory_space<vmem>>
    %dma_start3A_68 = tpu.memref_slice %arg6[%multiple_of3A_63] : memref<10000xi32, #tpu.memory_space<vmem>> -> memref<128xi32, #tpu.memory_space<vmem>>
    %dma_start3A_69 = arith.constant 0 : i32
    %dma_start3A_70 = arith.constant 0 : i32
    %dma_start3A_71 = tpu.memref_slice %arg2[%dma_start3A_69, %dma_start3A_70] : memref<10000x64xi32, #tpu.memory_space<hbm>> -> memref<10000x64xi32, #tpu.memory_space<hbm>>
    tpu.enqueue_indirect_dma source(%dma_start3A_71 : memref<10000x64xi32, #tpu.memory_space<hbm>>) target(%dma_start3A_67 : memref<128x64xi32, #tpu.memory_space<vmem>>) offsets(%dma_start3A_68 : memref<128xi32, #tpu.memory_space<vmem>>) semaphore(%arg15 : memref<!tpu.dma_semaphore, #tpu.memory_space<semaphore_mem>>)
    %dma_start3A_72 = arith.constant 0 : i32
    %dma_start3A_73 = tpu.memref_slice %arg11[%multiple_of3A_65, %dma_start3A_72] : memref<256x64xi32, #tpu.memory_space<vmem>> -> memref<128x64xi32, #tpu.memory_space<vmem>>
    %dma_start3A_74 = tpu.memref_slice %arg7[%multiple_of3A_63] : memref<10000xi32, #tpu.memory_space<vmem>> -> memref<128xi32, #tpu.memory_space<vmem>>
    %dma_start3A_75 = arith.constant 0 : i32
    %dma_start3A_76 = arith.constant 0 : i32
    %dma_start3A_77 = tpu.memref_slice %arg3[%dma_start3A_75, %dma_start3A_76] : memref<10000x64xi32, #tpu.memory_space<hbm>> -> memref<10000x64xi32, #tpu.memory_space<hbm>>
    tpu.enqueue_indirect_dma source(%dma_start3A_77 : memref<10000x64xi32, #tpu.memory_space<hbm>>) target(%dma_start3A_73 : memref<128x64xi32, #tpu.memory_space<vmem>>) offsets(%dma_start3A_74 : memref<128xi32, #tpu.memory_space<vmem>>) semaphore(%arg15 : memref<!tpu.dma_semaphore, #tpu.memory_space<semaphore_mem>>)
    %scan3A = arith.constant 0 : i32
    %scan3A_78 = arith.constant 0 : i32
    %scan3A_79 = arith.constant 20 : i32
    %scan3A_80 = arith.addi %scan3A_78, %scan3A_79 : i32
    %scan3A_81 = arith.constant 1 : i32
    %scan3A_82 = scf.for %scan3A_91 = %scan3A_78 to %scan3A_80 step %scan3A_81 iter_args(%scan3A_92 = %scan3A) -> (i32)  : i32 {
      %mul3A_93 = arith.constant 2 : i32
      %mul3A_94 = arith.muli %scan3A_91, %mul3A_93 : i32
      %add3A_95 = arith.constant 0 : i32
      %add3A_96 = arith.addi %mul3A_94, %add3A_95 : i32
      %lt3A = arith.constant 40 : i32
      %lt3A_97 = arith.cmpi slt, %add3A_96, %lt3A : i32
      %convert_element_type3A = arith.extui %lt3A_97 : i1 to i32
      %cond3A = arith.constant 0 : i32
      %cond3A_98 = arith.cmpi ne, %convert_element_type3A, %cond3A : i32
      scf.if %cond3A_98 {
        %multiple_of3A_107 = arith.constant 0 : i32
        %multiple_of3A_108 = tpu.assume_multiple %multiple_of3A_107, 8 : i32
        %dma_wait3A_109 = arith.constant 0 : i32
        %dma_wait3A_110 = tpu.memref_slice %arg8[%multiple_of3A_108, %dma_wait3A_109] : memref<256x64xi32, #tpu.memory_space<vmem>> -> memref<128x64xi32, #tpu.memory_space<vmem>>
        %dma_wait3A_111 = arith.constant 0 : i32
        %dma_wait3A_112 = tpu.memref_slice %arg6[%dma_wait3A_111] : memref<10000xi32, #tpu.memory_space<vmem>> -> memref<128xi32, #tpu.memory_space<vmem>>
        %dma_wait3A_113 = arith.constant 0 : i32
        %dma_wait3A_114 = arith.constant 0 : i32
        %dma_wait3A_115 = tpu.memref_slice %arg2[%dma_wait3A_113, %dma_wait3A_114] : memref<10000x64xi32, #tpu.memory_space<hbm>> -> memref<10000x64xi32, #tpu.memory_space<hbm>>
        tpu.wait_indirect_dma semaphore(%arg14 : memref<!tpu.dma_semaphore, #tpu.memory_space<semaphore_mem>>) src(%dma_wait3A_115 : memref<10000x64xi32, #tpu.memory_space<hbm>>) dst(%dma_wait3A_110 : memref<128x64xi32, #tpu.memory_space<vmem>>)
        %dma_wait3A_116 = arith.constant 0 : i32
        %dma_wait3A_117 = tpu.memref_slice %arg9[%multiple_of3A_108, %dma_wait3A_116] : memref<256x64xi32, #tpu.memory_space<vmem>> -> memref<128x64xi32, #tpu.memory_space<vmem>>
        %dma_wait3A_118 = arith.constant 0 : i32
        %dma_wait3A_119 = tpu.memref_slice %arg7[%dma_wait3A_118] : memref<10000xi32, #tpu.memory_space<vmem>> -> memref<128xi32, #tpu.memory_space<vmem>>
        %dma_wait3A_120 = arith.constant 0 : i32
        %dma_wait3A_121 = arith.constant 0 : i32
        %dma_wait3A_122 = tpu.memref_slice %arg3[%dma_wait3A_120, %dma_wait3A_121] : memref<10000x64xi32, #tpu.memory_space<hbm>> -> memref<10000x64xi32, #tpu.memory_space<hbm>>
        tpu.wait_indirect_dma semaphore(%arg14 : memref<!tpu.dma_semaphore, #tpu.memory_space<semaphore_mem>>) src(%dma_wait3A_122 : memref<10000x64xi32, #tpu.memory_space<hbm>>) dst(%dma_wait3A_117 : memref<128x64xi32, #tpu.memory_space<vmem>>)
        %multiple_of3A_123 = arith.constant 128 : i32
        %multiple_of3A_124 = tpu.assume_multiple %multiple_of3A_123, 8 : i32
        %dma_wait3A_125 = arith.constant 0 : i32
        %dma_wait3A_126 = tpu.memref_slice %arg8[%multiple_of3A_124, %dma_wait3A_125] : memref<256x64xi32, #tpu.memory_space<vmem>> -> memref<128x64xi32, #tpu.memory_space<vmem>>
        %dma_wait3A_127 = arith.constant 0 : i32
        %dma_wait3A_128 = tpu.memref_slice %arg6[%dma_wait3A_127] : memref<10000xi32, #tpu.memory_space<vmem>> -> memref<128xi32, #tpu.memory_space<vmem>>
        %dma_wait3A_129 = arith.constant 0 : i32
        %dma_wait3A_130 = arith.constant 0 : i32
        %dma_wait3A_131 = tpu.memref_slice %arg2[%dma_wait3A_129, %dma_wait3A_130] : memref<10000x64xi32, #tpu.memory_space<hbm>> -> memref<10000x64xi32, #tpu.memory_space<hbm>>
        tpu.wait_indirect_dma semaphore(%arg14 : memref<!tpu.dma_semaphore, #tpu.memory_space<semaphore_mem>>) src(%dma_wait3A_131 : memref<10000x64xi32, #tpu.memory_space<hbm>>) dst(%dma_wait3A_126 : memref<128x64xi32, #tpu.memory_space<vmem>>)
        %dma_wait3A_132 = arith.constant 0 : i32
        %dma_wait3A_133 = tpu.memref_slice %arg9[%multiple_of3A_124, %dma_wait3A_132] : memref<256x64xi32, #tpu.memory_space<vmem>> -> memref<128x64xi32, #tpu.memory_space<vmem>>
        %dma_wait3A_134 = arith.constant 0 : i32
        %dma_wait3A_135 = tpu.memref_slice %arg7[%dma_wait3A_134] : memref<10000xi32, #tpu.memory_space<vmem>> -> memref<128xi32, #tpu.memory_space<vmem>>
        %dma_wait3A_136 = arith.constant 0 : i32
        %dma_wait3A_137 = arith.constant 0 : i32
        %dma_wait3A_138 = tpu.memref_slice %arg3[%dma_wait3A_136, %dma_wait3A_137] : memref<10000x64xi32, #tpu.memory_space<hbm>> -> memref<10000x64xi32, #tpu.memory_space<hbm>>
        tpu.wait_indirect_dma semaphore(%arg14 : memref<!tpu.dma_semaphore, #tpu.memory_space<semaphore_mem>>) src(%dma_wait3A_138 : memref<10000x64xi32, #tpu.memory_space<hbm>>) dst(%dma_wait3A_133 : memref<128x64xi32, #tpu.memory_space<vmem>>)
        %mul3A_139 = arith.constant 256 : i32
        %mul3A_140 = arith.muli %add3A_96, %mul3A_139 : i32
        %min3A_141 = arith.constant 9744 : i32
        %min3A_142 = arith.minsi %mul3A_140, %min3A_141 : i32
        %multiple_of3A_143 = tpu.assume_multiple %min3A_142, 8 : i32
        %ge3A = arith.constant 2 : i32
        %ge3A_144 = arith.cmpi sge, %add3A_96, %ge3A : i32
        %convert_element_type3A_145 = arith.extui %ge3A_144 : i1 to i32
        %cond3A_146 = arith.constant 0 : i32
        %cond3A_147 = arith.cmpi ne, %convert_element_type3A_145, %cond3A_146 : i32
        scf.if %cond3A_147 {
          %dma_wait3A_165 = arith.constant 0 : i32
          %dma_wait3A_166 = tpu.memref_slice %arg5[%dma_wait3A_165] : memref<320000xf32, #tpu.memory_space<hbm>> -> memref<256xf32, #tpu.memory_space<hbm>>
          %dma_wait3A_167 = arith.constant 0 : i32
          %dma_wait3A_168 = tpu.memref_slice %arg5[%dma_wait3A_167] : memref<320000xf32, #tpu.memory_space<hbm>> -> memref<256xf32, #tpu.memory_space<hbm>>
          tpu.wait_dma2 semaphore(%arg16 : memref<!tpu.dma_semaphore, #tpu.memory_space<semaphore_mem>>) src(%arg12 : memref<256xf32, #tpu.memory_space<vmem>>) dst(%dma_wait3A_168 : memref<256xf32, #tpu.memory_space<hbm>>)
        } else {
        }
        %scan3A_148 = arith.constant 0 : i32
        %scan3A_149 = arith.constant 0 : i32
        %scan3A_150 = arith.constant 16 : i32
        %scan3A_151 = arith.addi %scan3A_149, %scan3A_150 : i32
        %scan3A_152 = arith.constant 1 : i32
        %scan3A_153 = scf.for %scan3A_165 = %scan3A_149 to %scan3A_151 step %scan3A_152 iter_args(%scan3A_166 = %scan3A_148) -> (i32)  : i32 {
          %broadcast_in_dim3A = arith.constant 0.000000e+00 : f32
          %broadcast_in_dim3A_167 = vector.broadcast %broadcast_in_dim3A : f32 to vector<16xf32>
          %mul3A_168 = arith.constant 16 : i32
          %mul3A_169 = arith.muli %scan3A_165, %mul3A_168 : i32
          %add3A_170 = arith.constant 0 : i32
          %add3A_171 = arith.addi %mul3A_169, %add3A_170 : i32
          %get3A = arith.index_cast %add3A_171 : i32 to index
          %get3A_172 = arith.constant 0 : index
          %get3A_173 = tpu.vector_load %arg8[%get3A, %get3A_172] {strides = array<i32>} : memref<256x64xi32, #tpu.memory_space<vmem>>, vector<16xi32>,
          %bitcast3A = vector.bitcast %get3A_173 : vector<16xi32> to vector<32xbf16>
          %get3A_174 = arith.index_cast %add3A_171 : i32 to index
          %get3A_175 = arith.constant 0 : index
          %get3A_176 = tpu.vector_load %arg9[%get3A_174, %get3A_175] {strides = array<i32>} : memref<256x64xi32, #tpu.memory_space<vmem>>, vector<16xi32>,
          %bitcast3A_177 = vector.bitcast %get3A_176 : vector<16xi32> to vector<32xbf16>
          %mul3A_178 = arith.mulf %bitcast3A, %bitcast3A_177 : vector<32xbf16>
          %get3A_179 = arith.index_cast %add3A_171 : i32 to index
          %get3A_180 = arith.constant 16 : index
          %get3A_181 = tpu.vector_load %arg8[%get3A_179, %get3A_180] {strides = array<i32>} : memref<256x64xi32, #tpu.memory_space<vmem>>, vector<16xi32>,
          %bitcast3A_182 = vector.bitcast %get3A_181 : vector<16xi32> to vector<32xbf16>
          %get3A_183 = arith.index_cast %add3A_171 : i32 to index
          %get3A_184 = arith.constant 16 : index
          %get3A_185 = tpu.vector_load %arg9[%get3A_183, %get3A_184] {strides = array<i32>} : memref<256x64xi32, #tpu.memory_space<vmem>>, vector<16xi32>,
          %bitcast3A_186 = vector.bitcast %get3A_185 : vector<16xi32> to vector<32xbf16>
          %mul3A_187 = arith.mulf %bitcast3A_182, %bitcast3A_186 : vector<32xbf16>
          %get3A_188 = arith.index_cast %add3A_171 : i32 to index
          %get3A_189 = arith.constant 32 : index
          %get3A_190 = tpu.vector_load %arg8[%get3A_188, %get3A_189] {strides = array<i32>} : memref<256x64xi32, #tpu.memory_space<vmem>>, vector<16xi32>,
          %bitcast3A_191 = vector.bitcast %get3A_190 : vector<16xi32> to vector<32xbf16>
          %get3A_192 = arith.index_cast %add3A_171 : i32 to index
          %get3A_193 = arith.constant 32 : index
          %get3A_194 = tpu.vector_load %arg9[%get3A_192, %get3A_193] {strides = array<i32>} : memref<256x64xi32, #tpu.memory_space<vmem>>, vector<16xi32>,
          %bitcast3A_195 = vector.bitcast %get3A_194 : vector<16xi32> to vector<32xbf16>
          %mul3A_196 = arith.mulf %bitcast3A_191, %bitcast3A_195 : vector<32xbf16>
          %get3A_197 = arith.index_cast %add3A_171 : i32 to index
          %get3A_198 = arith.constant 48 : index
          %get3A_199 = tpu.vector_load %arg8[%get3A_197, %get3A_198] {strides = array<i32>} : memref<256x64xi32, #tpu.memory_space<vmem>>, vector<16xi32>,
          %bitcast3A_200 = vector.bitcast %get3A_199 : vector<16xi32> to vector<32xbf16>
          %get3A_201 = arith.index_cast %add3A_171 : i32 to index
          %get3A_202 = arith.constant 48 : index
          %get3A_203 = tpu.vector_load %arg9[%get3A_201, %get3A_202] {strides = array<i32>} : memref<256x64xi32, #tpu.memory_space<vmem>>, vector<16xi32>,
          %bitcast3A_204 = vector.bitcast %get3A_203 : vector<16xi32> to vector<32xbf16>
          %mul3A_205 = arith.mulf %bitcast3A_200, %bitcast3A_204 : vector<32xbf16>
          %add3A_206 = arith.addf %mul3A_178, %mul3A_187 : vector<32xbf16>
          %add3A_207 = arith.addf %mul3A_196, %mul3A_205 : vector<32xbf16>
          %add3A_208 = arith.addf %add3A_206, %add3A_207 : vector<32xbf16>
          %unpack3A = tpu.unpack_subelements %add3A_208, 0 {pack_format = #tpu.pack_format<interleaved>} : vector<32xbf16> -> vector<16xf32>
          %unpack3A_209 = tpu.unpack_subelements %add3A_208, 1 {pack_format = #tpu.pack_format<interleaved>} : vector<32xbf16> -> vector<16xf32>
          %eq3A = arith.constant 0 : i32
          %eq3A_210 = vector.broadcast %eq3A : i32 to vector<16xi32>
          %eq3A_211 = arith.cmpi eq, %iota3A, %eq3A_210 : vector<16xi32>
          %add3A_212 = arith.addf %unpack3A, %unpack3A_209 : vector<16xf32>
          %reduce_sum3A = arith.constant true
          %reduce_sum3A_213 = vector.broadcast %reduce_sum3A : i1 to vector<16xi1>
          %reduce_sum3A_214 = tpu.scan <sum>, %add3A_212 masked %reduce_sum3A_213 : vector<16xf32>, vector<16xi1> -> vector<16xf32>
          %reduce_sum3A_215 = vector.extract %reduce_sum3A_214[15] : f32 from vector<16xf32>
          %broadcast_in_dim3A_216 = vector.broadcast %reduce_sum3A_215 : f32 to vector<16xf32>
          %select_n3A = arith.select %eq3A_211, %broadcast_in_dim3A_216, %broadcast_in_dim3A_167 : vector<16xi1>, vector<16xf32>
          %mul3A_217 = arith.constant 16 : i32
          %mul3A_218 = arith.muli %scan3A_165, %mul3A_217 : i32
          %add3A_219 = arith.constant 1 : i32
          %add3A_220 = arith.addi %mul3A_218, %add3A_219 : i32
          %get3A_221 = arith.index_cast %add3A_220 : i32 to index
          %get3A_222 = arith.constant 0 : index
          %get3A_223 = tpu.vector_load %arg8[%get3A_221, %get3A_222] {strides = array<i32>} : memref<256x64xi32, #tpu.memory_space<vmem>>, vector<16xi32>,
          %bitcast3A_224 = vector.bitcast %get3A_223 : vector<16xi32> to vector<32xbf16>
          %get3A_225 = arith.index_cast %add3A_220 : i32 to index
          %get3A_226 = arith.constant 0 : index
          %get3A_227 = tpu.vector_load %arg9[%get3A_225, %get3A_226] {strides = array<i32>} : memref<256x64xi32, #tpu.memory_space<vmem>>, vector<16xi32>,
          %bitcast3A_228 = vector.bitcast %get3A_227 : vector<16xi32> to vector<32xbf16>
          %mul3A_229 = arith.mulf %bitcast3A_224, %bitcast3A_228 : vector<32xbf16>
          %get3A_230 = arith.index_cast %add3A_220 : i32 to index
          %get3A_231 = arith.constant 16 : index
          %get3A_232 = tpu.vector_load %arg8[%get3A_230, %get3A_231] {strides = array<i32>} : memref<256x64xi32, #tpu.memory_space<vmem>>, vector<16xi32>,
          %bitcast3A_233 = vector.bitcast %get3A_232 : vector<16xi32> to vector<32xbf16>
          %get3A_234 = arith.index_cast %add3A_220 : i32 to index
          %get3A_235 = arith.constant 16 : index
          %get3A_236 = tpu.vector_load %arg9[%get3A_234, %get3A_235] {strides = array<i32>} : memref<256x64xi32, #tpu.memory_space<vmem>>, vector<16xi32>,
          %bitcast3A_237 = vector.bitcast %get3A_236 : vector<16xi32> to vector<32xbf16>
          %mul3A_238 = arith.mulf %bitcast3A_233, %bitcast3A_237 : vector<32xbf16>
          %get3A_239 = arith.index_cast %add3A_220 : i32 to index
          %get3A_240 = arith.constant 32 : index
          %get3A_241 = tpu.vector_load %arg8[%get3A_239, %get3A_240] {strides = array<i32>} : memref<256x64xi32, #tpu.memory_space<vmem>>, vector<16xi32>,
          %bitcast3A_242 = vector.bitcast %get3A_241 : vector<16xi32> to vector<32xbf16>
          %get3A_243 = arith.index_cast %add3A_220 : i32 to index
          %get3A_244 = arith.constant 32 : index
          %get3A_245 = tpu.vector_load %arg9[%get3A_243, %get3A_244] {strides = array<i32>} : memref<256x64xi32, #tpu.memory_space<vmem>>, vector<16xi32>,
          %bitcast3A_246 = vector.bitcast %get3A_245 : vector<16xi32> to vector<32xbf16>
          %mul3A_247 = arith.mulf %bitcast3A_242, %bitcast3A_246 : vector<32xbf16>
          %get3A_248 = arith.index_cast %add3A_220 : i32 to index
          %get3A_249 = arith.constant 48 : index
          %get3A_250 = tpu.vector_load %arg8[%get3A_248, %get3A_249] {strides = array<i32>} : memref<256x64xi32, #tpu.memory_space<vmem>>, vector<16xi32>,
          %bitcast3A_251 = vector.bitcast %get3A_250 : vector<16xi32> to vector<32xbf16>
          %get3A_252 = arith.index_cast %add3A_220 : i32 to index
          %get3A_253 = arith.constant 48 : index
          %get3A_254 = tpu.vector_load %arg9[%get3A_252, %get3A_253] {strides = array<i32>} : memref<256x64xi32, #tpu.memory_space<vmem>>, vector<16xi32>,
          %bitcast3A_255 = vector.bitcast %get3A_254 : vector<16xi32> to vector<32xbf16>
          %mul3A_256 = arith.mulf %bitcast3A_251, %bitcast3A_255 : vector<32xbf16>
          %add3A_257 = arith.addf %mul3A_229, %mul3A_238 : vector<32xbf16>
          %add3A_258 = arith.addf %mul3A_247, %mul3A_256 : vector<32xbf16>
          %add3A_259 = arith.addf %add3A_257, %add3A_258 : vector<32xbf16>
          %unpack3A_260 = tpu.unpack_subelements %add3A_259, 0 {pack_format = #tpu.pack_format<interleaved>} : vector<32xbf16> -> vector<16xf32>
          %unpack3A_261 = tpu.unpack_subelements %add3A_259, 1 {pack_format = #tpu.pack_format<interleaved>} : vector<32xbf16> -> vector<16xf32>
          %eq3A_262 = arith.constant 1 : i32
          %eq3A_263 = vector.broadcast %eq3A_262 : i32 to vector<16xi32>
          %eq3A_264 = arith.cmpi eq, %iota3A, %eq3A_263 : vector<16xi32>
          %add3A_265 = arith.addf %unpack3A_260, %unpack3A_261 : vector<16xf32>
          %reduce_sum3A_266 = arith.constant true
          %reduce_sum3A_267 = vector.broadcast %reduce_sum3A_266 : i1 to vector<16xi1>
          %reduce_sum3A_268 = tpu.scan <sum>, %add3A_265 masked %reduce_sum3A_267 : vector<16xf32>, vector<16xi1> -> vector<16xf32>
          %reduce_sum3A_269 = vector.extract %reduce_sum3A_268[15] : f32 from vector<16xf32>
          %broadcast_in_dim3A_270 = vector.broadcast %reduce_sum3A_269 : f32 to vector<16xf32>
          %select_n3A_271 = arith.select %eq3A_264, %broadcast_in_dim3A_270, %select_n3A : vector<16xi1>, vector<16xf32>
          %mul3A_272 = arith.constant 16 : i32
          %mul3A_273 = arith.muli %scan3A_165, %mul3A_272 : i32
          %add3A_274 = arith.constant 2 : i32
          %add3A_275 = arith.addi %mul3A_273, %add3A_274 : i32
          %get3A_276 = arith.index_cast %add3A_275 : i32 to index
          %get3A_277 = arith.constant 0 : index
          %get3A_278 = tpu.vector_load %arg8[%get3A_276, %get3A_277] {strides = array<i32>} : memref<256x64xi32, #tpu.memory_space<vmem>>, vector<16xi32>,
          %bitcast3A_279 = vector.bitcast %get3A_278 : vector<16xi32> to vector<32xbf16>
          %get3A_280 = arith.index_cast %add3A_275 : i32 to index
          %get3A_281 = arith.constant 0 : index
          %get3A_282 = tpu.vector_load %arg9[%get3A_280, %get3A_281] {strides = array<i32>} : memref<256x64xi32, #tpu.memory_space<vmem>>, vector<16xi32>,
          %bitcast3A_283 = vector.bitcast %get3A_282 : vector<16xi32> to vector<32xbf16>
          %mul3A_284 = arith.mulf %bitcast3A_279, %bitcast3A_283 : vector<32xbf16>
          %get3A_285 = arith.index_cast %add3A_275 : i32 to index
          %get3A_286 = arith.constant 16 : index
          %get3A_287 = tpu.vector_load %arg8[%get3A_285, %get3A_286] {strides = array<i32>} : memref<256x64xi32, #tpu.memory_space<vmem>>, vector<16xi32>,
          %bitcast3A_288 = vector.bitcast %get3A_287 : vector<16xi32> to vector<32xbf16>
          %get3A_289 = arith.index_cast %add3A_275 : i32 to index
          %get3A_290 = arith.constant 16 : index
          %get3A_291 = tpu.vector_load %arg9[%get3A_289, %get3A_290] {strides = array<i32>} : memref<256x64xi32, #tpu.memory_space<vmem>>, vector<16xi32>,
          %bitcast3A_292 = vector.bitcast %get3A_291 : vector<16xi32> to vector<32xbf16>
          %mul3A_293 = arith.mulf %bitcast3A_288, %bitcast3A_292 : vector<32xbf16>
          %get3A_294 = arith.index_cast %add3A_275 : i32 to index
          %get3A_295 = arith.constant 32 : index
          %get3A_296 = tpu.vector_load %arg8[%get3A_294, %get3A_295] {strides = array<i32>} : memref<256x64xi32, #tpu.memory_space<vmem>>, vector<16xi32>,
          %bitcast3A_297 = vector.bitcast %get3A_296 : vector<16xi32> to vector<32xbf16>
          %get3A_298 = arith.index_cast %add3A_275 : i32 to index
          %get3A_299 = arith.constant 32 : index
          %get3A_300 = tpu.vector_load %arg9[%get3A_298, %get3A_299] {strides = array<i32>} : memref<256x64xi32, #tpu.memory_space<vmem>>, vector<16xi32>,
          %bitcast3A_301 = vector.bitcast %get3A_300 : vector<16xi32> to vector<32xbf16>
          %mul3A_302 = arith.mulf %bitcast3A_297, %bitcast3A_301 : vector<32xbf16>
          %get3A_303 = arith.index_cast %add3A_275 : i32 to index
          %get3A_304 = arith.constant 48 : index
          %get3A_305 = tpu.vector_load %arg8[%get3A_303, %get3A_304] {strides = array<i32>} : memref<256x64xi32, #tpu.memory_space<vmem>>, vector<16xi32>,
          %bitcast3A_306 = vector.bitcast %get3A_305 : vector<16xi32> to vector<32xbf16>
          %get3A_307 = arith.index_cast %add3A_275 : i32 to index
          %get3A_308 = arith.constant 48 : index
          %get3A_309 = tpu.vector_load %arg9[%get3A_307, %get3A_308] {strides = array<i32>} : memref<256x64xi32, #tpu.memory_space<vmem>>, vector<16xi32>,
          %bitcast3A_310 = vector.bitcast %get3A_309 : vector<16xi32> to vector<32xbf16>
          %mul3A_311 = arith.mulf %bitcast3A_306, %bitcast3A_310 : vector<32xbf16>
          %add3A_312 = arith.addf %mul3A_284, %mul3A_293 : vector<32xbf16>
          %add3A_313 = arith.addf %mul3A_302, %mul3A_311 : vector<32xbf16>
          %add3A_314 = arith.addf %add3A_312, %add3A_313 : vector<32xbf16>
          %unpack3A_315 = tpu.unpack_subelements %add3A_314, 0 {pack_format = #tpu.pack_format<interleaved>} : vector<32xbf16> -> vector<16xf32>
          %unpack3A_316 = tpu.unpack_subelements %add3A_314, 1 {pack_format = #tpu.pack_format<interleaved>} : vector<32xbf16> -> vector<16xf32>
          %eq3A_317 = arith.constant 2 : i32
          %eq3A_318 = vector.broadcast %eq3A_317 : i32 to vector<16xi32>
          %eq3A_319 = arith.cmpi eq, %iota3A, %eq3A_318 : vector<16xi32>
          %add3A_320 = arith.addf %unpack3A_315, %unpack3A_316 : vector<16xf32>
          %reduce_sum3A_321 = arith.constant true
          %reduce_sum3A_322 = vector.broadcast %reduce_sum3A_321 : i1 to vector<16xi1>
          %reduce_sum3A_323 = tpu.scan <sum>, %add3A_320 masked %reduce_sum3A_322 : vector<16xf32>, vector<16xi1> -> vector<16xf32>
          %reduce_sum3A_324 = vector.extract %reduce_sum3A_323[15] : f32 from vector<16xf32>
          %broadcast_in_dim3A_325 = vector.broadcast %reduce_sum3A_324 : f32 to vector<16xf32>
          %select_n3A_326 = arith.select %eq3A_319, %broadcast_in_dim3A_325, %select_n3A_271 : vector<16xi1>, vector<16xf32>
          %mul3A_327 = arith.constant 16 : i32
          %mul3A_328 = arith.muli %scan3A_165, %mul3A_327 : i32
          %add3A_329 = arith.constant 3 : i32
          %add3A_330 = arith.addi %mul3A_328, %add3A_329 : i32
          %get3A_331 = arith.index_cast %add3A_330 : i32 to index
          %get3A_332 = arith.constant 0 : index
          %get3A_333 = tpu.vector_load %arg8[%get3A_331, %get3A_332] {strides = array<i32>} : memref<256x64xi32, #tpu.memory_space<vmem>>, vector<16xi32>,
          %bitcast3A_334 = vector.bitcast %get3A_333 : vector<16xi32> to vector<32xbf16>
          %get3A_335 = arith.index_cast %add3A_330 : i32 to index
          %get3A_336 = arith.constant 0 : index
          %get3A_337 = tpu.vector_load %arg9[%get3A_335, %get3A_336] {strides = array<i32>} : memref<256x64xi32, #tpu.memory_space<vmem>>, vector<16xi32>,
          %bitcast3A_338 = vector.bitcast %get3A_337 : vector<16xi32> to vector<32xbf16>
          %mul3A_339 = arith.mulf %bitcast3A_334, %bitcast3A_338 : vector<32xbf16>
          %get3A_340 = arith.index_cast %add3A_330 : i32 to index
          %get3A_341 = arith.constant 16 : index
          %get3A_342 = tpu.vector_load %arg8[%get3A_340, %get3A_341] {strides = array<i32>} : memref<256x64xi32, #tpu.memory_space<vmem>>, vector<16xi32>,
          %bitcast3A_343 = vector.bitcast %get3A_342 : vector<16xi32> to vector<32xbf16>
          %get3A_344 = arith.index_cast %add3A_330 : i32 to index
          %get3A_345 = arith.constant 16 : index
          %get3A_346 = tpu.vector_load %arg9[%get3A_344, %get3A_345] {strides = array<i32>} : memref<256x64xi32, #tpu.memory_space<vmem>>, vector<16xi32>,
          %bitcast3A_347 = vector.bitcast %get3A_346 : vector<16xi32> to vector<32xbf16>
          %mul3A_348 = arith.mulf %bitcast3A_343, %bitcast3A_347 : vector<32xbf16>
          %get3A_349 = arith.index_cast %add3A_330 : i32 to index
          %get3A_350 = arith.constant 32 : index
          %get3A_351 = tpu.vector_load %arg8[%get3A_349, %get3A_350] {strides = array<i32>} : memref<256x64xi32, #tpu.memory_space<vmem>>, vector<16xi32>,
          %bitcast3A_352 = vector.bitcast %get3A_351 : vector<16xi32> to vector<32xbf16>
          %get3A_353 = arith.index_cast %add3A_330 : i32 to index
          %get3A_354 = arith.constant 32 : index
          %get3A_355 = tpu.vector_load %arg9[%get3A_353, %get3A_354] {strides = array<i32>} : memref<256x64xi32, #tpu.memory_space<vmem>>, vector<16xi32>,
          %bitcast3A_356 = vector.bitcast %get3A_355 : vector<16xi32> to vector<32xbf16>
          %mul3A_357 = arith.mulf %bitcast3A_352, %bitcast3A_356 : vector<32xbf16>
          %get3A_358 = arith.index_cast %add3A_330 : i32 to index
          %get3A_359 = arith.constant 48 : index
          %get3A_360 = tpu.vector_load %arg8[%get3A_358, %get3A_359] {strides = array<i32>} : memref<256x64xi32, #tpu.memory_space<vmem>>, vector<16xi32>,
          %bitcast3A_361 = vector.bitcast %get3A_360 : vector<16xi32> to vector<32xbf16>
          %get3A_362 = arith.index_cast %add3A_330 : i32 to index
          %get3A_363 = arith.constant 48 : index
          %get3A_364 = tpu.vector_load %arg9[%get3A_362, %get3A_363] {strides = array<i32>} : memref<256x64xi32, #tpu.memory_space<vmem>>, vector<16xi32>,
          %bitcast3A_365 = vector.bitcast %get3A_364 : vector<16xi32> to vector<32xbf16>
          %mul3A_366 = arith.mulf %bitcast3A_361, %bitcast3A_365 : vector<32xbf16>
          %add3A_367 = arith.addf %mul3A_339, %mul3A_348 : vector<32xbf16>
          %add3A_368 = arith.addf %mul3A_357, %mul3A_366 : vector<32xbf16>
          %add3A_369 = arith.addf %add3A_367, %add3A_368 : vector<32xbf16>
          %unpack3A_370 = tpu.unpack_subelements %add3A_369, 0 {pack_format = #tpu.pack_format<interleaved>} : vector<32xbf16> -> vector<16xf32>
          %unpack3A_371 = tpu.unpack_subelements %add3A_369, 1 {pack_format = #tpu.pack_format<interleaved>} : vector<32xbf16> -> vector<16xf32>
          %eq3A_372 = arith.constant 3 : i32
          %eq3A_373 = vector.broadcast %eq3A_372 : i32 to vector<16xi32>
          %eq3A_374 = arith.cmpi eq, %iota3A, %eq3A_373 : vector<16xi32>
          %add3A_375 = arith.addf %unpack3A_370, %unpack3A_371 : vector<16xf32>
          %reduce_sum3A_376 = arith.constant true
          %reduce_sum3A_377 = vector.broadcast %reduce_sum3A_376 : i1 to vector<16xi1>
          %reduce_sum3A_378 = tpu.scan <sum>, %add3A_375 masked %reduce_sum3A_377 : vector<16xf32>, vector<16xi1> -> vector<16xf32>
          %reduce_sum3A_379 = vector.extract %reduce_sum3A_378[15] : f32 from vector<16xf32>
          %broadcast_in_dim3A_380 = vector.broadcast %reduce_sum3A_379 : f32 to vector<16xf32>
          %select_n3A_381 = arith.select %eq3A_374, %broadcast_in_dim3A_380, %select_n3A_326 : vector<16xi1>, vector<16xf32>
          %mul3A_382 = arith.constant 16 : i32
          %mul3A_383 = arith.muli %scan3A_165, %mul3A_382 : i32
          %add3A_384 = arith.constant 4 : i32
          %add3A_385 = arith.addi %mul3A_383, %add3A_384 : i32
          %get3A_386 = arith.index_cast %add3A_385 : i32 to index
          %get3A_387 = arith.constant 0 : index
          %get3A_388 = tpu.vector_load %arg8[%get3A_386, %get3A_387] {strides = array<i32>} : memref<256x64xi32, #tpu.memory_space<vmem>>, vector<16xi32>,
          %bitcast3A_389 = vector.bitcast %get3A_388 : vector<16xi32> to vector<32xbf16>
          %get3A_390 = arith.index_cast %add3A_385 : i32 to index
          %get3A_391 = arith.constant 0 : index
          %get3A_392 = tpu.vector_load %arg9[%get3A_390, %get3A_391] {strides = array<i32>} : memref<256x64xi32, #tpu.memory_space<vmem>>, vector<16xi32>,
          %bitcast3A_393 = vector.bitcast %get3A_392 : vector<16xi32> to vector<32xbf16>
          %mul3A_394 = arith.mulf %bitcast3A_389, %bitcast3A_393 : vector<32xbf16>
          %get3A_395 = arith.index_cast %add3A_385 : i32 to index
          %get3A_396 = arith.constant 16 : index
          %get3A_397 = tpu.vector_load %arg8[%get3A_395, %get3A_396] {strides = array<i32>} : memref<256x64xi32, #tpu.memory_space<vmem>>, vector<16xi32>,
          %bitcast3A_398 = vector.bitcast %get3A_397 : vector<16xi32> to vector<32xbf16>
          %get3A_399 = arith.index_cast %add3A_385 : i32 to index
          %get3A_400 = arith.constant 16 : index
          %get3A_401 = tpu.vector_load %arg9[%get3A_399, %get3A_400] {strides = array<i32>} : memref<256x64xi32, #tpu.memory_space<vmem>>, vector<16xi32>,
          %bitcast3A_402 = vector.bitcast %get3A_401 : vector<16xi32> to vector<32xbf16>
          %mul3A_403 = arith.mulf %bitcast3A_398, %bitcast3A_402 : vector<32xbf16>
          %get3A_404 = arith.index_cast %add3A_385 : i32 to index
          %get3A_405 = arith.constant 32 : index
          %get3A_406 = tpu.vector_load %arg8[%get3A_404, %get3A_405] {strides = array<i32>} : memref<256x64xi32, #tpu.memory_space<vmem>>, vector<16xi32>,
          %bitcast3A_407 = vector.bitcast %get3A_406 : vector<16xi32> to vector<32xbf16>
          %get3A_408 = arith.index_cast %add3A_385 : i32 to index
          %get3A_409 = arith.constant 32 : index
          %get3A_410 = tpu.vector_load %arg9[%get3A_408, %get3A_409] {strides = array<i32>} : memref<256x64xi32, #tpu.memory_space<vmem>>, vector<16xi32>,
          %bitcast3A_411 = vector.bitcast %get3A_410 : vector<16xi32> to vector<32xbf16>
          %mul3A_412 = arith.mulf %bitcast3A_407, %bitcast3A_411 : vector<32xbf16>
          %get3A_413 = arith.index_cast %add3A_385 : i32 to index
          %get3A_414 = arith.constant 48 : index
          %get3A_415 = tpu.vector_load %arg8[%get3A_413, %get3A_414] {strides = array<i32>} : memref<256x64xi32, #tpu.memory_space<vmem>>, vector<16xi32>,
          %bitcast3A_416 = vector.bitcast %get3A_415 : vector<16xi32> to vector<32xbf16>
          %get3A_417 = arith.index_cast %add3A_385 : i32 to index
          %get3A_418 = arith.constant 48 : index
          %get3A_419 = tpu.vector_load %arg9[%get3A_417, %get3A_418] {strides = array<i32>} : memref<256x64xi32, #tpu.memory_space<vmem>>, vector<16xi32>,
          %bitcast3A_420 = vector.bitcast %get3A_419 : vector<16xi32> to vector<32xbf16>
          %mul3A_421 = arith.mulf %bitcast3A_416, %bitcast3A_420 : vector<32xbf16>
          %add3A_422 = arith.addf %mul3A_394, %mul3A_403 : vector<32xbf16>
          %add3A_423 = arith.addf %mul3A_412, %mul3A_421 : vector<32xbf16>
          %add3A_424 = arith.addf %add3A_422, %add3A_423 : vector<32xbf16>
          %unpack3A_425 = tpu.unpack_subelements %add3A_424, 0 {pack_format = #tpu.pack_format<interleaved>} : vector<32xbf16> -> vector<16xf32>
          %unpack3A_426 = tpu.unpack_subelements %add3A_424, 1 {pack_format = #tpu.pack_format<interleaved>} : vector<32xbf16> -> vector<16xf32>
          %eq3A_427 = arith.constant 4 : i32
          %eq3A_428 = vector.broadcast %eq3A_427 : i32 to vector<16xi32>
          %eq3A_429 = arith.cmpi eq, %iota3A, %eq3A_428 : vector<16xi32>
          %add3A_430 = arith.addf %unpack3A_425, %unpack3A_426 : vector<16xf32>
          %reduce_sum3A_431 = arith.constant true
          %reduce_sum3A_432 = vector.broadcast %reduce_sum3A_431 : i1 to vector<16xi1>
          %reduce_sum3A_433 = tpu.scan <sum>, %add3A_430 masked %reduce_sum3A_432 : vector<16xf32>, vector<16xi1> -> vector<16xf32>
          %reduce_sum3A_434 = vector.extract %reduce_sum3A_433[15] : f32 from vector<16xf32>
          %broadcast_in_dim3A_435 = vector.broadcast %reduce_sum3A_434 : f32 to vector<16xf32>
          %select_n3A_436 = arith.select %eq3A_429, %broadcast_in_dim3A_435, %select_n3A_381 : vector<16xi1>, vector<16xf32>
          %mul3A_437 = arith.constant 16 : i32
          %mul3A_438 = arith.muli %scan3A_165, %mul3A_437 : i32
          %add3A_439 = arith.constant 5 : i32
          %add3A_440 = arith.addi %mul3A_438, %add3A_439 : i32
          %get3A_441 = arith.index_cast %add3A_440 : i32 to index
          %get3A_442 = arith.constant 0 : index
          %get3A_443 = tpu.vector_load %arg8[%get3A_441, %get3A_442] {strides = array<i32>} : memref<256x64xi32, #tpu.memory_space<vmem>>, vector<16xi32>,
          %bitcast3A_444 = vector.bitcast %get3A_443 : vector<16xi32> to vector<32xbf16>
          %get3A_445 = arith.index_cast %add3A_440 : i32 to index
          %get3A_446 = arith.constant 0 : index
          %get3A_447 = tpu.vector_load %arg9[%get3A_445, %get3A_446] {strides = array<i32>} : memref<256x64xi32, #tpu.memory_space<vmem>>, vector<16xi32>,
          %bitcast3A_448 = vector.bitcast %get3A_447 : vector<16xi32> to vector<32xbf16>
          %mul3A_449 = arith.mulf %bitcast3A_444, %bitcast3A_448 : vector<32xbf16>
          %get3A_450 = arith.index_cast %add3A_440 : i32 to index
          %get3A_451 = arith.constant 16 : index
          %get3A_452 = tpu.vector_load %arg8[%get3A_450, %get3A_451] {strides = array<i32>} : memref<256x64xi32, #tpu.memory_space<vmem>>, vector<16xi32>,
          %bitcast3A_453 = vector.bitcast %get3A_452 : vector<16xi32> to vector<32xbf16>
          %get3A_454 = arith.index_cast %add3A_440 : i32 to index
          %get3A_455 = arith.constant 16 : index
          %get3A_456 = tpu.vector_load %arg9[%get3A_454, %get3A_455] {strides = array<i32>} : memref<256x64xi32, #tpu.memory_space<vmem>>, vector<16xi32>,
          %bitcast3A_457 = vector.bitcast %get3A_456 : vector<16xi32> to vector<32xbf16>
          %mul3A_458 = arith.mulf %bitcast3A_453, %bitcast3A_457 : vector<32xbf16>
          %get3A_459 = arith.index_cast %add3A_440 : i32 to index
          %get3A_460 = arith.constant 32 : index
          %get3A_461 = tpu.vector_load %arg8[%get3A_459, %get3A_460] {strides = array<i32>} : memref<256x64xi32, #tpu.memory_space<vmem>>, vector<16xi32>,
          %bitcast3A_462 = vector.bitcast %get3A_461 : vector<16xi32> to vector<32xbf16>
          %get3A_463 = arith.index_cast %add3A_440 : i32 to index
          %get3A_464 = arith.constant 32 : index
          %get3A_465 = tpu.vector_load %arg9[%get3A_463, %get3A_464] {strides = array<i32>} : memref<256x64xi32, #tpu.memory_space<vmem>>, vector<16xi32>,
          %bitcast3A_466 = vector.bitcast %get3A_465 : vector<16xi32> to vector<32xbf16>
          %mul3A_467 = arith.mulf %bitcast3A_462, %bitcast3A_466 : vector<32xbf16>
          %get3A_468 = arith.index_cast %add3A_440 : i32 to index
          %get3A_469 = arith.constant 48 : index
          %get3A_470 = tpu.vector_load %arg8[%get3A_468, %get3A_469] {strides = array<i32>} : memref<256x64xi32, #tpu.memory_space<vmem>>, vector<16xi32>,
          %bitcast3A_471 = vector.bitcast %get3A_470 : vector<16xi32> to vector<32xbf16>
          %get3A_472 = arith.index_cast %add3A_440 : i32 to index
          %get3A_473 = arith.constant 48 : index
          %get3A_474 = tpu.vector_load %arg9[%get3A_472, %get3A_473] {strides = array<i32>} : memref<256x64xi32, #tpu.memory_space<vmem>>, vector<16xi32>,
          %bitcast3A_475 = vector.bitcast %get3A_474 : vector<16xi32> to vector<32xbf16>
          %mul3A_476 = arith.mulf %bitcast3A_471, %bitcast3A_475 : vector<32xbf16>
          %add3A_477 = arith.addf %mul3A_449, %mul3A_458 : vector<32xbf16>
          %add3A_478 = arith.addf %mul3A_467, %mul3A_476 : vector<32xbf16>
          %add3A_479 = arith.addf %add3A_477, %add3A_478 : vector<32xbf16>
          %unpack3A_480 = tpu.unpack_subelements %add3A_479, 0 {pack_format = #tpu.pack_format<interleaved>} : vector<32xbf16> -> vector<16xf32>
          %unpack3A_481 = tpu.unpack_subelements %add3A_479, 1 {pack_format = #tpu.pack_format<interleaved>} : vector<32xbf16> -> vector<16xf32>
          %eq3A_482 = arith.constant 5 : i32
          %eq3A_483 = vector.broadcast %eq3A_482 : i32 to vector<16xi32>
          %eq3A_484 = arith.cmpi eq, %iota3A, %eq3A_483 : vector<16xi32>
          %add3A_485 = arith.addf %unpack3A_480, %unpack3A_481 : vector<16xf32>
          %reduce_sum3A_486 = arith.constant true
          %reduce_sum3A_487 = vector.broadcast %reduce_sum3A_486 : i1 to vector<16xi1>
          %reduce_sum3A_488 = tpu.scan <sum>, %add3A_485 masked %reduce_sum3A_487 : vector<16xf32>, vector<16xi1> -> vector<16xf32>
          %reduce_sum3A_489 = vector.extract %reduce_sum3A_488[15] : f32 from vector<16xf32>
          %broadcast_in_dim3A_490 = vector.broadcast %reduce_sum3A_489 : f32 to vector<16xf32>
          %select_n3A_491 = arith.select %eq3A_484, %broadcast_in_dim3A_490, %select_n3A_436 : vector<16xi1>, vector<16xf32>
          %mul3A_492 = arith.constant 16 : i32
          %mul3A_493 = arith.muli %scan3A_165, %mul3A_492 : i32
          %add3A_494 = arith.constant 6 : i32
          %add3A_495 = arith.addi %mul3A_493, %add3A_494 : i32
          %get3A_496 = arith.index_cast %add3A_495 : i32 to index
          %get3A_497 = arith.constant 0 : index
          %get3A_498 = tpu.vector_load %arg8[%get3A_496, %get3A_497] {strides = array<i32>} : memref<256x64xi32, #tpu.memory_space<vmem>>, vector<16xi32>,
          %bitcast3A_499 = vector.bitcast %get3A_498 : vector<16xi32> to vector<32xbf16>
          %get3A_500 = arith.index_cast %add3A_495 : i32 to index
          %get3A_501 = arith.constant 0 : index
          %get3A_502 = tpu.vector_load %arg9[%get3A_500, %get3A_501] {strides = array<i32>} : memref<256x64xi32, #tpu.memory_space<vmem>>, vector<16xi32>,
          %bitcast3A_503 = vector.bitcast %get3A_502 : vector<16xi32> to vector<32xbf16>
          %mul3A_504 = arith.mulf %bitcast3A_499, %bitcast3A_503 : vector<32xbf16>
          %get3A_505 = arith.index_cast %add3A_495 : i32 to index
          %get3A_506 = arith.constant 16 : index
          %get3A_507 = tpu.vector_load %arg8[%get3A_505, %get3A_506] {strides = array<i32>} : memref<256x64xi32, #tpu.memory_space<vmem>>, vector<16xi32>,
          %bitcast3A_508 = vector.bitcast %get3A_507 : vector<16xi32> to vector<32xbf16>
          %get3A_509 = arith.index_cast %add3A_495 : i32 to index
          %get3A_510 = arith.constant 16 : index
          %get3A_511 = tpu.vector_load %arg9[%get3A_509, %get3A_510] {strides = array<i32>} : memref<256x64xi32, #tpu.memory_space<vmem>>, vector<16xi32>,
          %bitcast3A_512 = vector.bitcast %get3A_511 : vector<16xi32> to vector<32xbf16>
          %mul3A_513 = arith.mulf %bitcast3A_508, %bitcast3A_512 : vector<32xbf16>
          %get3A_514 = arith.index_cast %add3A_495 : i32 to index
          %get3A_515 = arith.constant 32 : index
          %get3A_516 = tpu.vector_load %arg8[%get3A_514, %get3A_515] {strides = array<i32>} : memref<256x64xi32, #tpu.memory_space<vmem>>, vector<16xi32>,
          %bitcast3A_517 = vector.bitcast %get3A_516 : vector<16xi32> to vector<32xbf16>
          %get3A_518 = arith.index_cast %add3A_495 : i32 to index
          %get3A_519 = arith.constant 32 : index
          %get3A_520 = tpu.vector_load %arg9[%get3A_518, %get3A_519] {strides = array<i32>} : memref<256x64xi32, #tpu.memory_space<vmem>>, vector<16xi32>,
          %bitcast3A_521 = vector.bitcast %get3A_520 : vector<16xi32> to vector<32xbf16>
          %mul3A_522 = arith.mulf %bitcast3A_517, %bitcast3A_521 : vector<32xbf16>
          %get3A_523 = arith.index_cast %add3A_495 : i32 to index
          %get3A_524 = arith.constant 48 : index
          %get3A_525 = tpu.vector_load %arg8[%get3A_523, %get3A_524] {strides = array<i32>} : memref<256x64xi32, #tpu.memory_space<vmem>>, vector<16xi32>,
          %bitcast3A_526 = vector.bitcast %get3A_525 : vector<16xi32> to vector<32xbf16>
          %get3A_527 = arith.index_cast %add3A_495 : i32 to index
          %get3A_528 = arith.constant 48 : index
          %get3A_529 = tpu.vector_load %arg9[%get3A_527, %get3A_528] {strides = array<i32>} : memref<256x64xi32, #tpu.memory_space<vmem>>, vector<16xi32>,
          %bitcast3A_530 = vector.bitcast %get3A_529 : vector<16xi32> to vector<32xbf16>
          %mul3A_531 = arith.mulf %bitcast3A_526, %bitcast3A_530 : vector<32xbf16>
          %add3A_532 = arith.addf %mul3A_504, %mul3A_513 : vector<32xbf16>
          %add3A_533 = arith.addf %mul3A_522, %mul3A_531 : vector<32xbf16>
          %add3A_534 = arith.addf %add3A_532, %add3A_533 : vector<32xbf16>
          %unpack3A_535 = tpu.unpack_subelements %add3A_534, 0 {pack_format = #tpu.pack_format<interleaved>} : vector<32xbf16> -> vector<16xf32>
          %unpack3A_536 = tpu.unpack_subelements %add3A_534, 1 {pack_format = #tpu.pack_format<interleaved>} : vector<32xbf16> -> vector<16xf32>
          %eq3A_537 = arith.constant 6 : i32
          %eq3A_538 = vector.broadcast %eq3A_537 : i32 to vector<16xi32>
          %eq3A_539 = arith.cmpi eq, %iota3A, %eq3A_538 : vector<16xi32>
          %add3A_540 = arith.addf %unpack3A_535, %unpack3A_536 : vector<16xf32>
          %reduce_sum3A_541 = arith.constant true
          %reduce_sum3A_542 = vector.broadcast %reduce_sum3A_541 : i1 to vector<16xi1>
          %reduce_sum3A_543 = tpu.scan <sum>, %add3A_540 masked %reduce_sum3A_542 : vector<16xf32>, vector<16xi1> -> vector<16xf32>
          %reduce_sum3A_544 = vector.extract %reduce_sum3A_543[15] : f32 from vector<16xf32>
          %broadcast_in_dim3A_545 = vector.broadcast %reduce_sum3A_544 : f32 to vector<16xf32>
          %select_n3A_546 = arith.select %eq3A_539, %broadcast_in_dim3A_545, %select_n3A_491 : vector<16xi1>, vector<16xf32>
          %mul3A_547 = arith.constant 16 : i32
          %mul3A_548 = arith.muli %scan3A_165, %mul3A_547 : i32
          %add3A_549 = arith.constant 7 : i32
          %add3A_550 = arith.addi %mul3A_548, %add3A_549 : i32
          %get3A_551 = arith.index_cast %add3A_550 : i32 to index
          %get3A_552 = arith.constant 0 : index
          %get3A_553 = tpu.vector_load %arg8[%get3A_551, %get3A_552] {strides = array<i32>} : memref<256x64xi32, #tpu.memory_space<vmem>>, vector<16xi32>,
          %bitcast3A_554 = vector.bitcast %get3A_553 : vector<16xi32> to vector<32xbf16>
          %get3A_555 = arith.index_cast %add3A_550 : i32 to index
          %get3A_556 = arith.constant 0 : index
          %get3A_557 = tpu.vector_load %arg9[%get3A_555, %get3A_556] {strides = array<i32>} : memref<256x64xi32, #tpu.memory_space<vmem>>, vector<16xi32>,
          %bitcast3A_558 = vector.bitcast %get3A_557 : vector<16xi32> to vector<32xbf16>
          %mul3A_559 = arith.mulf %bitcast3A_554, %bitcast3A_558 : vector<32xbf16>
          %get3A_560 = arith.index_cast %add3A_550 : i32 to index
          %get3A_561 = arith.constant 16 : index
          %get3A_562 = tpu.vector_load %arg8[%get3A_560, %get3A_561] {strides = array<i32>} : memref<256x64xi32, #tpu.memory_space<vmem>>, vector<16xi32>,
          %bitcast3A_563 = vector.bitcast %get3A_562 : vector<16xi32> to vector<32xbf16>
          %get3A_564 = arith.index_cast %add3A_550 : i32 to index
          %get3A_565 = arith.constant 16 : index
          %get3A_566 = tpu.vector_load %arg9[%get3A_564, %get3A_565] {strides = array<i32>} : memref<256x64xi32, #tpu.memory_space<vmem>>, vector<16xi32>,
          %bitcast3A_567 = vector.bitcast %get3A_566 : vector<16xi32> to vector<32xbf16>
          %mul3A_568 = arith.mulf %bitcast3A_563, %bitcast3A_567 : vector<32xbf16>
          %get3A_569 = arith.index_cast %add3A_550 : i32 to index
          %get3A_570 = arith.constant 32 : index
          %get3A_571 = tpu.vector_load %arg8[%get3A_569, %get3A_570] {strides = array<i32>} : memref<256x64xi32, #tpu.memory_space<vmem>>, vector<16xi32>,
          %bitcast3A_572 = vector.bitcast %get3A_571 : vector<16xi32> to vector<32xbf16>
          %get3A_573 = arith.index_cast %add3A_550 : i32 to index
          %get3A_574 = arith.constant 32 : index
          %get3A_575 = tpu.vector_load %arg9[%get3A_573, %get3A_574] {strides = array<i32>} : memref<256x64xi32, #tpu.memory_space<vmem>>, vector<16xi32>,
          %bitcast3A_576 = vector.bitcast %get3A_575 : vector<16xi32> to vector<32xbf16>
          %mul3A_577 = arith.mulf %bitcast3A_572, %bitcast3A_576 : vector<32xbf16>
          %get3A_578 = arith.index_cast %add3A_550 : i32 to index
          %get3A_579 = arith.constant 48 : index
          %get3A_580 = tpu.vector_load %arg8[%get3A_578, %get3A_579] {strides = array<i32>} : memref<256x64xi32, #tpu.memory_space<vmem>>, vector<16xi32>,
          %bitcast3A_581 = vector.bitcast %get3A_580 : vector<16xi32> to vector<32xbf16>
          %get3A_582 = arith.index_cast %add3A_550 : i32 to index
          %get3A_583 = arith.constant 48 : index
          %get3A_584 = tpu.vector_load %arg9[%get3A_582, %get3A_583] {strides = array<i32>} : memref<256x64xi32, #tpu.memory_space<vmem>>, vector<16xi32>,
          %bitcast3A_585 = vector.bitcast %get3A_584 : vector<16xi32> to vector<32xbf16>
          %mul3A_586 = arith.mulf %bitcast3A_581, %bitcast3A_585 : vector<32xbf16>
          %add3A_587 = arith.addf %mul3A_559, %mul3A_568 : vector<32xbf16>
          %add3A_588 = arith.addf %mul3A_577, %mul3A_586 : vector<32xbf16>
          %add3A_589 = arith.addf %add3A_587, %add3A_588 : vector<32xbf16>
          %unpack3A_590 = tpu.unpack_subelements %add3A_589, 0 {pack_format = #tpu.pack_format<interleaved>} : vector<32xbf16> -> vector<16xf32>
          %unpack3A_591 = tpu.unpack_subelements %add3A_589, 1 {pack_format = #tpu.pack_format<interleaved>} : vector<32xbf16> -> vector<16xf32>
          %eq3A_592 = arith.constant 7 : i32
          %eq3A_593 = vector.broadcast %eq3A_592 : i32 to vector<16xi32>
          %eq3A_594 = arith.cmpi eq, %iota3A, %eq3A_593 : vector<16xi32>
          %add3A_595 = arith.addf %unpack3A_590, %unpack3A_591 : vector<16xf32>
          %reduce_sum3A_596 = arith.constant true
          %reduce_sum3A_597 = vector.broadcast %reduce_sum3A_596 : i1 to vector<16xi1>
          %reduce_sum3A_598 = tpu.scan <sum>, %add3A_595 masked %reduce_sum3A_597 : vector<16xf32>, vector<16xi1> -> vector<16xf32>
          %reduce_sum3A_599 = vector.extract %reduce_sum3A_598[15] : f32 from vector<16xf32>
          %broadcast_in_dim3A_600 = vector.broadcast %reduce_sum3A_599 : f32 to vector<16xf32>
          %select_n3A_601 = arith.select %eq3A_594, %broadcast_in_dim3A_600, %select_n3A_546 : vector<16xi1>, vector<16xf32>
          %mul3A_602 = arith.constant 16 : i32
          %mul3A_603 = arith.muli %scan3A_165, %mul3A_602 : i32
          %add3A_604 = arith.constant 8 : i32
          %add3A_605 = arith.addi %mul3A_603, %add3A_604 : i32
          %get3A_606 = arith.index_cast %add3A_605 : i32 to index
          %get3A_607 = arith.constant 0 : index
          %get3A_608 = tpu.vector_load %arg8[%get3A_606, %get3A_607] {strides = array<i32>} : memref<256x64xi32, #tpu.memory_space<vmem>>, vector<16xi32>,
          %bitcast3A_609 = vector.bitcast %get3A_608 : vector<16xi32> to vector<32xbf16>
          %get3A_610 = arith.index_cast %add3A_605 : i32 to index
          %get3A_611 = arith.constant 0 : index
          %get3A_612 = tpu.vector_load %arg9[%get3A_610, %get3A_611] {strides = array<i32>} : memref<256x64xi32, #tpu.memory_space<vmem>>, vector<16xi32>,
          %bitcast3A_613 = vector.bitcast %get3A_612 : vector<16xi32> to vector<32xbf16>
          %mul3A_614 = arith.mulf %bitcast3A_609, %bitcast3A_613 : vector<32xbf16>
          %get3A_615 = arith.index_cast %add3A_605 : i32 to index
          %get3A_616 = arith.constant 16 : index
          %get3A_617 = tpu.vector_load %arg8[%get3A_615, %get3A_616] {strides = array<i32>} : memref<256x64xi32, #tpu.memory_space<vmem>>, vector<16xi32>,
          %bitcast3A_618 = vector.bitcast %get3A_617 : vector<16xi32> to vector<32xbf16>
          %get3A_619 = arith.index_cast %add3A_605 : i32 to index
          %get3A_620 = arith.constant 16 : index
          %get3A_621 = tpu.vector_load %arg9[%get3A_619, %get3A_620] {strides = array<i32>} : memref<256x64xi32, #tpu.memory_space<vmem>>, vector<16xi32>,
          %bitcast3A_622 = vector.bitcast %get3A_621 : vector<16xi32> to vector<32xbf16>
          %mul3A_623 = arith.mulf %bitcast3A_618, %bitcast3A_622 : vector<32xbf16>
          %get3A_624 = arith.index_cast %add3A_605 : i32 to index
          %get3A_625 = arith.constant 32 : index
          %get3A_626 = tpu.vector_load %arg8[%get3A_624, %get3A_625] {strides = array<i32>} : memref<256x64xi32, #tpu.memory_space<vmem>>, vector<16xi32>,
          %bitcast3A_627 = vector.bitcast %get3A_626 : vector<16xi32> to vector<32xbf16>
          %get3A_628 = arith.index_cast %add3A_605 : i32 to index
          %get3A_629 = arith.constant 32 : index
          %get3A_630 = tpu.vector_load %arg9[%get3A_628, %get3A_629] {strides = array<i32>} : memref<256x64xi32, #tpu.memory_space<vmem>>, vector<16xi32>,
          %bitcast3A_631 = vector.bitcast %get3A_630 : vector<16xi32> to vector<32xbf16>
          %mul3A_632 = arith.mulf %bitcast3A_627, %bitcast3A_631 : vector<32xbf16>
          %get3A_633 = arith.index_cast %add3A_605 : i32 to index
          %get3A_634 = arith.constant 48 : index
          %get3A_635 = tpu.vector_load %arg8[%get3A_633, %get3A_634] {strides = array<i32>} : memref<256x64xi32, #tpu.memory_space<vmem>>, vector<16xi32>,
          %bitcast3A_636 = vector.bitcast %get3A_635 : vector<16xi32> to vector<32xbf16>
          %get3A_637 = arith.index_cast %add3A_605 : i32 to index
          %get3A_638 = arith.constant 48 : index
          %get3A_639 = tpu.vector_load %arg9[%get3A_637, %get3A_638] {strides = array<i32>} : memref<256x64xi32, #tpu.memory_space<vmem>>, vector<16xi32>,
          %bitcast3A_640 = vector.bitcast %get3A_639 : vector<16xi32> to vector<32xbf16>
          %mul3A_641 = arith.mulf %bitcast3A_636, %bitcast3A_640 : vector<32xbf16>
          %add3A_642 = arith.addf %mul3A_614, %mul3A_623 : vector<32xbf16>
          %add3A_643 = arith.addf %mul3A_632, %mul3A_641 : vector<32xbf16>
          %add3A_644 = arith.addf %add3A_642, %add3A_643 : vector<32xbf16>
          %unpack3A_645 = tpu.unpack_subelements %add3A_644, 0 {pack_format = #tpu.pack_format<interleaved>} : vector<32xbf16> -> vector<16xf32>
          %unpack3A_646 = tpu.unpack_subelements %add3A_644, 1 {pack_format = #tpu.pack_format<interleaved>} : vector<32xbf16> -> vector<16xf32>
          %eq3A_647 = arith.constant 8 : i32
          %eq3A_648 = vector.broadcast %eq3A_647 : i32 to vector<16xi32>
          %eq3A_649 = arith.cmpi eq, %iota3A, %eq3A_648 : vector<16xi32>
          %add3A_650 = arith.addf %unpack3A_645, %unpack3A_646 : vector<16xf32>
          %reduce_sum3A_651 = arith.constant true
          %reduce_sum3A_652 = vector.broadcast %reduce_sum3A_651 : i1 to vector<16xi1>
          %reduce_sum3A_653 = tpu.scan <sum>, %add3A_650 masked %reduce_sum3A_652 : vector<16xf32>, vector<16xi1> -> vector<16xf32>
          %reduce_sum3A_654 = vector.extract %reduce_sum3A_653[15] : f32 from vector<16xf32>
          %broadcast_in_dim3A_655 = vector.broadcast %reduce_sum3A_654 : f32 to vector<16xf32>
          %select_n3A_656 = arith.select %eq3A_649, %broadcast_in_dim3A_655, %select_n3A_601 : vector<16xi1>, vector<16xf32>
          %mul3A_657 = arith.constant 16 : i32
          %mul3A_658 = arith.muli %scan3A_165, %mul3A_657 : i32
          %add3A_659 = arith.constant 9 : i32
          %add3A_660 = arith.addi %mul3A_658, %add3A_659 : i32
          %get3A_661 = arith.index_cast %add3A_660 : i32 to index
          %get3A_662 = arith.constant 0 : index
          %get3A_663 = tpu.vector_load %arg8[%get3A_661, %get3A_662] {strides = array<i32>} : memref<256x64xi32, #tpu.memory_space<vmem>>, vector<16xi32>,
          %bitcast3A_664 = vector.bitcast %get3A_663 : vector<16xi32> to vector<32xbf16>
          %get3A_665 = arith.index_cast %add3A_660 : i32 to index
          %get3A_666 = arith.constant 0 : index
          %get3A_667 = tpu.vector_load %arg9[%get3A_665, %get3A_666] {strides = array<i32>} : memref<256x64xi32, #tpu.memory_space<vmem>>, vector<16xi32>,
          %bitcast3A_668 = vector.bitcast %get3A_667 : vector<16xi32> to vector<32xbf16>
          %mul3A_669 = arith.mulf %bitcast3A_664, %bitcast3A_668 : vector<32xbf16>
          %get3A_670 = arith.index_cast %add3A_660 : i32 to index
          %get3A_671 = arith.constant 16 : index
          %get3A_672 = tpu.vector_load %arg8[%get3A_670, %get3A_671] {strides = array<i32>} : memref<256x64xi32, #tpu.memory_space<vmem>>, vector<16xi32>,
          %bitcast3A_673 = vector.bitcast %get3A_672 : vector<16xi32> to vector<32xbf16>
          %get3A_674 = arith.index_cast %add3A_660 : i32 to index
          %get3A_675 = arith.constant 16 : index
          %get3A_676 = tpu.vector_load %arg9[%get3A_674, %get3A_675] {strides = array<i32>} : memref<256x64xi32, #tpu.memory_space<vmem>>, vector<16xi32>,
          %bitcast3A_677 = vector.bitcast %get3A_676 : vector<16xi32> to vector<32xbf16>
          %mul3A_678 = arith.mulf %bitcast3A_673, %bitcast3A_677 : vector<32xbf16>
          %get3A_679 = arith.index_cast %add3A_660 : i32 to index
          %get3A_680 = arith.constant 32 : index
          %get3A_681 = tpu.vector_load %arg8[%get3A_679, %get3A_680] {strides = array<i32>} : memref<256x64xi32, #tpu.memory_space<vmem>>, vector<16xi32>,
          %bitcast3A_682 = vector.bitcast %get3A_681 : vector<16xi32> to vector<32xbf16>
          %get3A_683 = arith.index_cast %add3A_660 : i32 to index
          %get3A_684 = arith.constant 32 : index
          %get3A_685 = tpu.vector_load %arg9[%get3A_683, %get3A_684] {strides = array<i32>} : memref<256x64xi32, #tpu.memory_space<vmem>>, vector<16xi32>,
          %bitcast3A_686 = vector.bitcast %get3A_685 : vector<16xi32> to vector<32xbf16>
          %mul3A_687 = arith.mulf %bitcast3A_682, %bitcast3A_686 : vector<32xbf16>
          %get3A_688 = arith.index_cast %add3A_660 : i32 to index
          %get3A_689 = arith.constant 48 : index
          %get3A_690 = tpu.vector_load %arg8[%get3A_688, %get3A_689] {strides = array<i32>} : memref<256x64xi32, #tpu.memory_space<vmem>>, vector<16xi32>,
          %bitcast3A_691 = vector.bitcast %get3A_690 : vector<16xi32> to vector<32xbf16>
          %get3A_692 = arith.index_cast %add3A_660 : i32 to index
          %get3A_693 = arith.constant 48 : index
          %get3A_694 = tpu.vector_load %arg9[%get3A_692, %get3A_693] {strides = array<i32>} : memref<256x64xi32, #tpu.memory_space<vmem>>, vector<16xi32>,
          %bitcast3A_695 = vector.bitcast %get3A_694 : vector<16xi32> to vector<32xbf16>
          %mul3A_696 = arith.mulf %bitcast3A_691, %bitcast3A_695 : vector<32xbf16>
          %add3A_697 = arith.addf %mul3A_669, %mul3A_678 : vector<32xbf16>
          %add3A_698 = arith.addf %mul3A_687, %mul3A_696 : vector<32xbf16>
          %add3A_699 = arith.addf %add3A_697, %add3A_698 : vector<32xbf16>
          %unpack3A_700 = tpu.unpack_subelements %add3A_699, 0 {pack_format = #tpu.pack_format<interleaved>} : vector<32xbf16> -> vector<16xf32>
          %unpack3A_701 = tpu.unpack_subelements %add3A_699, 1 {pack_format = #tpu.pack_format<interleaved>} : vector<32xbf16> -> vector<16xf32>
          %eq3A_702 = arith.constant 9 : i32
          %eq3A_703 = vector.broadcast %eq3A_702 : i32 to vector<16xi32>
          %eq3A_704 = arith.cmpi eq, %iota3A, %eq3A_703 : vector<16xi32>
          %add3A_705 = arith.addf %unpack3A_700, %unpack3A_701 : vector<16xf32>
          %reduce_sum3A_706 = arith.constant true
          %reduce_sum3A_707 = vector.broadcast %reduce_sum3A_706 : i1 to vector<16xi1>
          %reduce_sum3A_708 = tpu.scan <sum>, %add3A_705 masked %reduce_sum3A_707 : vector<16xf32>, vector<16xi1> -> vector<16xf32>
          %reduce_sum3A_709 = vector.extract %reduce_sum3A_708[15] : f32 from vector<16xf32>
          %broadcast_in_dim3A_710 = vector.broadcast %reduce_sum3A_709 : f32 to vector<16xf32>
          %select_n3A_711 = arith.select %eq3A_704, %broadcast_in_dim3A_710, %select_n3A_656 : vector<16xi1>, vector<16xf32>
          %mul3A_712 = arith.constant 16 : i32
          %mul3A_713 = arith.muli %scan3A_165, %mul3A_712 : i32
          %add3A_714 = arith.constant 10 : i32
          %add3A_715 = arith.addi %mul3A_713, %add3A_714 : i32
          %get3A_716 = arith.index_cast %add3A_715 : i32 to index
          %get3A_717 = arith.constant 0 : index
          %get3A_718 = tpu.vector_load %arg8[%get3A_716, %get3A_717] {strides = array<i32>} : memref<256x64xi32, #tpu.memory_space<vmem>>, vector<16xi32>,
          %bitcast3A_719 = vector.bitcast %get3A_718 : vector<16xi32> to vector<32xbf16>
          %get3A_720 = arith.index_cast %add3A_715 : i32 to index
          %get3A_721 = arith.constant 0 : index
          %get3A_722 = tpu.vector_load %arg9[%get3A_720, %get3A_721] {strides = array<i32>} : memref<256x64xi32, #tpu.memory_space<vmem>>, vector<16xi32>,
          %bitcast3A_723 = vector.bitcast %get3A_722 : vector<16xi32> to vector<32xbf16>
          %mul3A_724 = arith.mulf %bitcast3A_719, %bitcast3A_723 : vector<32xbf16>
          %get3A_725 = arith.index_cast %add3A_715 : i32 to index
          %get3A_726 = arith.constant 16 : index
          %get3A_727 = tpu.vector_load %arg8[%get3A_725, %get3A_726] {strides = array<i32>} : memref<256x64xi32, #tpu.memory_space<vmem>>, vector<16xi32>,
          %bitcast3A_728 = vector.bitcast %get3A_727 : vector<16xi32> to vector<32xbf16>
          %get3A_729 = arith.index_cast %add3A_715 : i32 to index
          %get3A_730 = arith.constant 16 : index
          %get3A_731 = tpu.vector_load %arg9[%get3A_729, %get3A_730] {strides = array<i32>} : memref<256x64xi32, #tpu.memory_space<vmem>>, vector<16xi32>,
          %bitcast3A_732 = vector.bitcast %get3A_731 : vector<16xi32> to vector<32xbf16>
          %mul3A_733 = arith.mulf %bitcast3A_728, %bitcast3A_732 : vector<32xbf16>
          %get3A_734 = arith.index_cast %add3A_715 : i32 to index
          %get3A_735 = arith.constant 32 : index
          %get3A_736 = tpu.vector_load %arg8[%get3A_734, %get3A_735] {strides = array<i32>} : memref<256x64xi32, #tpu.memory_space<vmem>>, vector<16xi32>,
          %bitcast3A_737 = vector.bitcast %get3A_736 : vector<16xi32> to vector<32xbf16>
          %get3A_738 = arith.index_cast %add3A_715 : i32 to index
          %get3A_739 = arith.constant 32 : index
          %get3A_740 = tpu.vector_load %arg9[%get3A_738, %get3A_739] {strides = array<i32>} : memref<256x64xi32, #tpu.memory_space<vmem>>, vector<16xi32>,
          %bitcast3A_741 = vector.bitcast %get3A_740 : vector<16xi32> to vector<32xbf16>
          %mul3A_742 = arith.mulf %bitcast3A_737, %bitcast3A_741 : vector<32xbf16>
          %get3A_743 = arith.index_cast %add3A_715 : i32 to index
          %get3A_744 = arith.constant 48 : index
          %get3A_745 = tpu.vector_load %arg8[%get3A_743, %get3A_744] {strides = array<i32>} : memref<256x64xi32, #tpu.memory_space<vmem>>, vector<16xi32>,
          %bitcast3A_746 = vector.bitcast %get3A_745 : vector<16xi32> to vector<32xbf16>
          %get3A_747 = arith.index_cast %add3A_715 : i32 to index
          %get3A_748 = arith.constant 48 : index
          %get3A_749 = tpu.vector_load %arg9[%get3A_747, %get3A_748] {strides = array<i32>} : memref<256x64xi32, #tpu.memory_space<vmem>>, vector<16xi32>,
          %bitcast3A_750 = vector.bitcast %get3A_749 : vector<16xi32> to vector<32xbf16>
          %mul3A_751 = arith.mulf %bitcast3A_746, %bitcast3A_750 : vector<32xbf16>
          %add3A_752 = arith.addf %mul3A_724, %mul3A_733 : vector<32xbf16>
          %add3A_753 = arith.addf %mul3A_742, %mul3A_751 : vector<32xbf16>
          %add3A_754 = arith.addf %add3A_752, %add3A_753 : vector<32xbf16>
          %unpack3A_755 = tpu.unpack_subelements %add3A_754, 0 {pack_format = #tpu.pack_format<interleaved>} : vector<32xbf16> -> vector<16xf32>
          %unpack3A_756 = tpu.unpack_subelements %add3A_754, 1 {pack_format = #tpu.pack_format<interleaved>} : vector<32xbf16> -> vector<16xf32>
          %eq3A_757 = arith.constant 10 : i32
          %eq3A_758 = vector.broadcast %eq3A_757 : i32 to vector<16xi32>
          %eq3A_759 = arith.cmpi eq, %iota3A, %eq3A_758 : vector<16xi32>
          %add3A_760 = arith.addf %unpack3A_755, %unpack3A_756 : vector<16xf32>
          %reduce_sum3A_761 = arith.constant true
          %reduce_sum3A_762 = vector.broadcast %reduce_sum3A_761 : i1 to vector<16xi1>
          %reduce_sum3A_763 = tpu.scan <sum>, %add3A_760 masked %reduce_sum3A_762 : vector<16xf32>, vector<16xi1> -> vector<16xf32>
          %reduce_sum3A_764 = vector.extract %reduce_sum3A_763[15] : f32 from vector<16xf32>
          %broadcast_in_dim3A_765 = vector.broadcast %reduce_sum3A_764 : f32 to vector<16xf32>
          %select_n3A_766 = arith.select %eq3A_759, %broadcast_in_dim3A_765, %select_n3A_711 : vector<16xi1>, vector<16xf32>
          %mul3A_767 = arith.constant 16 : i32
          %mul3A_768 = arith.muli %scan3A_165, %mul3A_767 : i32
          %add3A_769 = arith.constant 11 : i32
          %add3A_770 = arith.addi %mul3A_768, %add3A_769 : i32
          %get3A_771 = arith.index_cast %add3A_770 : i32 to index
          %get3A_772 = arith.constant 0 : index
          %get3A_773 = tpu.vector_load %arg8[%get3A_771, %get3A_772] {strides = array<i32>} : memref<256x64xi32, #tpu.memory_space<vmem>>, vector<16xi32>,
          %bitcast3A_774 = vector.bitcast %get3A_773 : vector<16xi32> to vector<32xbf16>
          %get3A_775 = arith.index_cast %add3A_770 : i32 to index
          %get3A_776 = arith.constant 0 : index
          %get3A_777 = tpu.vector_load %arg9[%get3A_775, %get3A_776] {strides = array<i32>} : memref<256x64xi32, #tpu.memory_space<vmem>>, vector<16xi32>,
          %bitcast3A_778 = vector.bitcast %get3A_777 : vector<16xi32> to vector<32xbf16>
          %mul3A_779 = arith.mulf %bitcast3A_774, %bitcast3A_778 : vector<32xbf16>
          %get3A_780 = arith.index_cast %add3A_770 : i32 to index
          %get3A_781 = arith.constant 16 : index
          %get3A_782 = tpu.vector_load %arg8[%get3A_780, %get3A_781] {strides = array<i32>} : memref<256x64xi32, #tpu.memory_space<vmem>>, vector<16xi32>,
          %bitcast3A_783 = vector.bitcast %get3A_782 : vector<16xi32> to vector<32xbf16>
          %get3A_784 = arith.index_cast %add3A_770 : i32 to index
          %get3A_785 = arith.constant 16 : index
          %get3A_786 = tpu.vector_load %arg9[%get3A_784, %get3A_785] {strides = array<i32>} : memref<256x64xi32, #tpu.memory_space<vmem>>, vector<16xi32>,
          %bitcast3A_787 = vector.bitcast %get3A_786 : vector<16xi32> to vector<32xbf16>
          %mul3A_788 = arith.mulf %bitcast3A_783, %bitcast3A_787 : vector<32xbf16>
          %get3A_789 = arith.index_cast %add3A_770 : i32 to index
          %get3A_790 = arith.constant 32 : index
          %get3A_791 = tpu.vector_load %arg8[%get3A_789, %get3A_790] {strides = array<i32>} : memref<256x64xi32, #tpu.memory_space<vmem>>, vector<16xi32>,
          %bitcast3A_792 = vector.bitcast %get3A_791 : vector<16xi32> to vector<32xbf16>
          %get3A_793 = arith.index_cast %add3A_770 : i32 to index
          %get3A_794 = arith.constant 32 : index
          %get3A_795 = tpu.vector_load %arg9[%get3A_793, %get3A_794] {strides = array<i32>} : memref<256x64xi32, #tpu.memory_space<vmem>>, vector<16xi32>,
          %bitcast3A_796 = vector.bitcast %get3A_795 : vector<16xi32> to vector<32xbf16>
          %mul3A_797 = arith.mulf %bitcast3A_792, %bitcast3A_796 : vector<32xbf16>
          %get3A_798 = arith.index_cast %add3A_770 : i32 to index
          %get3A_799 = arith.constant 48 : index
          %get3A_800 = tpu.vector_load %arg8[%get3A_798, %get3A_799] {strides = array<i32>} : memref<256x64xi32, #tpu.memory_space<vmem>>, vector<16xi32>,
          %bitcast3A_801 = vector.bitcast %get3A_800 : vector<16xi32> to vector<32xbf16>
          %get3A_802 = arith.index_cast %add3A_770 : i32 to index
          %get3A_803 = arith.constant 48 : index
          %get3A_804 = tpu.vector_load %arg9[%get3A_802, %get3A_803] {strides = array<i32>} : memref<256x64xi32, #tpu.memory_space<vmem>>, vector<16xi32>,
          %bitcast3A_805 = vector.bitcast %get3A_804 : vector<16xi32> to vector<32xbf16>
          %mul3A_806 = arith.mulf %bitcast3A_801, %bitcast3A_805 : vector<32xbf16>
          %add3A_807 = arith.addf %mul3A_779, %mul3A_788 : vector<32xbf16>
          %add3A_808 = arith.addf %mul3A_797, %mul3A_806 : vector<32xbf16>
          %add3A_809 = arith.addf %add3A_807, %add3A_808 : vector<32xbf16>
          %unpack3A_810 = tpu.unpack_subelements %add3A_809, 0 {pack_format = #tpu.pack_format<interleaved>} : vector<32xbf16> -> vector<16xf32>
          %unpack3A_811 = tpu.unpack_subelements %add3A_809, 1 {pack_format = #tpu.pack_format<interleaved>} : vector<32xbf16> -> vector<16xf32>
          %eq3A_812 = arith.constant 11 : i32
          %eq3A_813 = vector.broadcast %eq3A_812 : i32 to vector<16xi32>
          %eq3A_814 = arith.cmpi eq, %iota3A, %eq3A_813 : vector<16xi32>
          %add3A_815 = arith.addf %unpack3A_810, %unpack3A_811 : vector<16xf32>
          %reduce_sum3A_816 = arith.constant true
          %reduce_sum3A_817 = vector.broadcast %reduce_sum3A_816 : i1 to vector<16xi1>
          %reduce_sum3A_818 = tpu.scan <sum>, %add3A_815 masked %reduce_sum3A_817 : vector<16xf32>, vector<16xi1> -> vector<16xf32>
          %reduce_sum3A_819 = vector.extract %reduce_sum3A_818[15] : f32 from vector<16xf32>
          %broadcast_in_dim3A_820 = vector.broadcast %reduce_sum3A_819 : f32 to vector<16xf32>
          %select_n3A_821 = arith.select %eq3A_814, %broadcast_in_dim3A_820, %select_n3A_766 : vector<16xi1>, vector<16xf32>
          %mul3A_822 = arith.constant 16 : i32
          %mul3A_823 = arith.muli %scan3A_165, %mul3A_822 : i32
          %add3A_824 = arith.constant 12 : i32
          %add3A_825 = arith.addi %mul3A_823, %add3A_824 : i32
          %get3A_826 = arith.index_cast %add3A_825 : i32 to index
          %get3A_827 = arith.constant 0 : index
          %get3A_828 = tpu.vector_load %arg8[%get3A_826, %get3A_827] {strides = array<i32>} : memref<256x64xi32, #tpu.memory_space<vmem>>, vector<16xi32>,
          %bitcast3A_829 = vector.bitcast %get3A_828 : vector<16xi32> to vector<32xbf16>
          %get3A_830 = arith.index_cast %add3A_825 : i32 to index
          %get3A_831 = arith.constant 0 : index
          %get3A_832 = tpu.vector_load %arg9[%get3A_830, %get3A_831] {strides = array<i32>} : memref<256x64xi32, #tpu.memory_space<vmem>>, vector<16xi32>,
          %bitcast3A_833 = vector.bitcast %get3A_832 : vector<16xi32> to vector<32xbf16>
          %mul3A_834 = arith.mulf %bitcast3A_829, %bitcast3A_833 : vector<32xbf16>
          %get3A_835 = arith.index_cast %add3A_825 : i32 to index
          %get3A_836 = arith.constant 16 : index
          %get3A_837 = tpu.vector_load %arg8[%get3A_835, %get3A_836] {strides = array<i32>} : memref<256x64xi32, #tpu.memory_space<vmem>>, vector<16xi32>,
          %bitcast3A_838 = vector.bitcast %get3A_837 : vector<16xi32> to vector<32xbf16>
          %get3A_839 = arith.index_cast %add3A_825 : i32 to index
          %get3A_840 = arith.constant 16 : index
          %get3A_841 = tpu.vector_load %arg9[%get3A_839, %get3A_840] {strides = array<i32>} : memref<256x64xi32, #tpu.memory_space<vmem>>, vector<16xi32>,
          %bitcast3A_842 = vector.bitcast %get3A_841 : vector<16xi32> to vector<32xbf16>
          %mul3A_843 = arith.mulf %bitcast3A_838, %bitcast3A_842 : vector<32xbf16>
          %get3A_844 = arith.index_cast %add3A_825 : i32 to index
          %get3A_845 = arith.constant 32 : index
          %get3A_846 = tpu.vector_load %arg8[%get3A_844, %get3A_845] {strides = array<i32>} : memref<256x64xi32, #tpu.memory_space<vmem>>, vector<16xi32>,
          %bitcast3A_847 = vector.bitcast %get3A_846 : vector<16xi32> to vector<32xbf16>
          %get3A_848 = arith.index_cast %add3A_825 : i32 to index
          %get3A_849 = arith.constant 32 : index
          %get3A_850 = tpu.vector_load %arg9[%get3A_848, %get3A_849] {strides = array<i32>} : memref<256x64xi32, #tpu.memory_space<vmem>>, vector<16xi32>,
          %bitcast3A_851 = vector.bitcast %get3A_850 : vector<16xi32> to vector<32xbf16>
          %mul3A_852 = arith.mulf %bitcast3A_847, %bitcast3A_851 : vector<32xbf16>
          %get3A_853 = arith.index_cast %add3A_825 : i32 to index
          %get3A_854 = arith.constant 48 : index
          %get3A_855 = tpu.vector_load %arg8[%get3A_853, %get3A_854] {strides = array<i32>} : memref<256x64xi32, #tpu.memory_space<vmem>>, vector<16xi32>,
          %bitcast3A_856 = vector.bitcast %get3A_855 : vector<16xi32> to vector<32xbf16>
          %get3A_857 = arith.index_cast %add3A_825 : i32 to index
          %get3A_858 = arith.constant 48 : index
          %get3A_859 = tpu.vector_load %arg9[%get3A_857, %get3A_858] {strides = array<i32>} : memref<256x64xi32, #tpu.memory_space<vmem>>, vector<16xi32>,
          %bitcast3A_860 = vector.bitcast %get3A_859 : vector<16xi32> to vector<32xbf16>
          %mul3A_861 = arith.mulf %bitcast3A_856, %bitcast3A_860 : vector<32xbf16>
          %add3A_862 = arith.addf %mul3A_834, %mul3A_843 : vector<32xbf16>
          %add3A_863 = arith.addf %mul3A_852, %mul3A_861 : vector<32xbf16>
          %add3A_864 = arith.addf %add3A_862, %add3A_863 : vector<32xbf16>
          %unpack3A_865 = tpu.unpack_subelements %add3A_864, 0 {pack_format = #tpu.pack_format<interleaved>} : vector<32xbf16> -> vector<16xf32>
          %unpack3A_866 = tpu.unpack_subelements %add3A_864, 1 {pack_format = #tpu.pack_format<interleaved>} : vector<32xbf16> -> vector<16xf32>
          %eq3A_867 = arith.constant 12 : i32
          %eq3A_868 = vector.broadcast %eq3A_867 : i32 to vector<16xi32>
          %eq3A_869 = arith.cmpi eq, %iota3A, %eq3A_868 : vector<16xi32>
          %add3A_870 = arith.addf %unpack3A_865, %unpack3A_866 : vector<16xf32>
          %reduce_sum3A_871 = arith.constant true
          %reduce_sum3A_872 = vector.broadcast %reduce_sum3A_871 : i1 to vector<16xi1>
          %reduce_sum3A_873 = tpu.scan <sum>, %add3A_870 masked %reduce_sum3A_872 : vector<16xf32>, vector<16xi1> -> vector<16xf32>
          %reduce_sum3A_874 = vector.extract %reduce_sum3A_873[15] : f32 from vector<16xf32>
          %broadcast_in_dim3A_875 = vector.broadcast %reduce_sum3A_874 : f32 to vector<16xf32>
          %select_n3A_876 = arith.select %eq3A_869, %broadcast_in_dim3A_875, %select_n3A_821 : vector<16xi1>, vector<16xf32>
          %mul3A_877 = arith.constant 16 : i32
          %mul3A_878 = arith.muli %scan3A_165, %mul3A_877 : i32
          %add3A_879 = arith.constant 13 : i32
          %add3A_880 = arith.addi %mul3A_878, %add3A_879 : i32
          %get3A_881 = arith.index_cast %add3A_880 : i32 to index
          %get3A_882 = arith.constant 0 : index
          %get3A_883 = tpu.vector_load %arg8[%get3A_881, %get3A_882] {strides = array<i32>} : memref<256x64xi32, #tpu.memory_space<vmem>>, vector<16xi32>,
          %bitcast3A_884 = vector.bitcast %get3A_883 : vector<16xi32> to vector<32xbf16>
          %get3A_885 = arith.index_cast %add3A_880 : i32 to index
          %get3A_886 = arith.constant 0 : index
          %get3A_887 = tpu.vector_load %arg9[%get3A_885, %get3A_886] {strides = array<i32>} : memref<256x64xi32, #tpu.memory_space<vmem>>, vector<16xi32>,
          %bitcast3A_888 = vector.bitcast %get3A_887 : vector<16xi32> to vector<32xbf16>
          %mul3A_889 = arith.mulf %bitcast3A_884, %bitcast3A_888 : vector<32xbf16>
          %get3A_890 = arith.index_cast %add3A_880 : i32 to index
          %get3A_891 = arith.constant 16 : index
          %get3A_892 = tpu.vector_load %arg8[%get3A_890, %get3A_891] {strides = array<i32>} : memref<256x64xi32, #tpu.memory_space<vmem>>, vector<16xi32>,
          %bitcast3A_893 = vector.bitcast %get3A_892 : vector<16xi32> to vector<32xbf16>
          %get3A_894 = arith.index_cast %add3A_880 : i32 to index
          %get3A_895 = arith.constant 16 : index
          %get3A_896 = tpu.vector_load %arg9[%get3A_894, %get3A_895] {strides = array<i32>} : memref<256x64xi32, #tpu.memory_space<vmem>>, vector<16xi32>,
          %bitcast3A_897 = vector.bitcast %get3A_896 : vector<16xi32> to vector<32xbf16>
          %mul3A_898 = arith.mulf %bitcast3A_893, %bitcast3A_897 : vector<32xbf16>
          %get3A_899 = arith.index_cast %add3A_880 : i32 to index
          %get3A_900 = arith.constant 32 : index
          %get3A_901 = tpu.vector_load %arg8[%get3A_899, %get3A_900] {strides = array<i32>} : memref<256x64xi32, #tpu.memory_space<vmem>>, vector<16xi32>,
          %bitcast3A_902 = vector.bitcast %get3A_901 : vector<16xi32> to vector<32xbf16>
          %get3A_903 = arith.index_cast %add3A_880 : i32 to index
          %get3A_904 = arith.constant 32 : index
          %get3A_905 = tpu.vector_load %arg9[%get3A_903, %get3A_904] {strides = array<i32>} : memref<256x64xi32, #tpu.memory_space<vmem>>, vector<16xi32>,
          %bitcast3A_906 = vector.bitcast %get3A_905 : vector<16xi32> to vector<32xbf16>
          %mul3A_907 = arith.mulf %bitcast3A_902, %bitcast3A_906 : vector<32xbf16>
          %get3A_908 = arith.index_cast %add3A_880 : i32 to index
          %get3A_909 = arith.constant 48 : index
          %get3A_910 = tpu.vector_load %arg8[%get3A_908, %get3A_909] {strides = array<i32>} : memref<256x64xi32, #tpu.memory_space<vmem>>, vector<16xi32>,
          %bitcast3A_911 = vector.bitcast %get3A_910 : vector<16xi32> to vector<32xbf16>
          %get3A_912 = arith.index_cast %add3A_880 : i32 to index
          %get3A_913 = arith.constant 48 : index
          %get3A_914 = tpu.vector_load %arg9[%get3A_912, %get3A_913] {strides = array<i32>} : memref<256x64xi32, #tpu.memory_space<vmem>>, vector<16xi32>,
          %bitcast3A_915 = vector.bitcast %get3A_914 : vector<16xi32> to vector<32xbf16>
          %mul3A_916 = arith.mulf %bitcast3A_911, %bitcast3A_915 : vector<32xbf16>
          %add3A_917 = arith.addf %mul3A_889, %mul3A_898 : vector<32xbf16>
          %add3A_918 = arith.addf %mul3A_907, %mul3A_916 : vector<32xbf16>
          %add3A_919 = arith.addf %add3A_917, %add3A_918 : vector<32xbf16>
          %unpack3A_920 = tpu.unpack_subelements %add3A_919, 0 {pack_format = #tpu.pack_format<interleaved>} : vector<32xbf16> -> vector<16xf32>
          %unpack3A_921 = tpu.unpack_subelements %add3A_919, 1 {pack_format = #tpu.pack_format<interleaved>} : vector<32xbf16> -> vector<16xf32>
          %eq3A_922 = arith.constant 13 : i32
          %eq3A_923 = vector.broadcast %eq3A_922 : i32 to vector<16xi32>
          %eq3A_924 = arith.cmpi eq, %iota3A, %eq3A_923 : vector<16xi32>
          %add3A_925 = arith.addf %unpack3A_920, %unpack3A_921 : vector<16xf32>
          %reduce_sum3A_926 = arith.constant true
          %reduce_sum3A_927 = vector.broadcast %reduce_sum3A_926 : i1 to vector<16xi1>
          %reduce_sum3A_928 = tpu.scan <sum>, %add3A_925 masked %reduce_sum3A_927 : vector<16xf32>, vector<16xi1> -> vector<16xf32>
          %reduce_sum3A_929 = vector.extract %reduce_sum3A_928[15] : f32 from vector<16xf32>
          %broadcast_in_dim3A_930 = vector.broadcast %reduce_sum3A_929 : f32 to vector<16xf32>
          %select_n3A_931 = arith.select %eq3A_924, %broadcast_in_dim3A_930, %select_n3A_876 : vector<16xi1>, vector<16xf32>
          %mul3A_932 = arith.constant 16 : i32
          %mul3A_933 = arith.muli %scan3A_165, %mul3A_932 : i32
          %add3A_934 = arith.constant 14 : i32
          %add3A_935 = arith.addi %mul3A_933, %add3A_934 : i32
          %get3A_936 = arith.index_cast %add3A_935 : i32 to index
          %get3A_937 = arith.constant 0 : index
          %get3A_938 = tpu.vector_load %arg8[%get3A_936, %get3A_937] {strides = array<i32>} : memref<256x64xi32, #tpu.memory_space<vmem>>, vector<16xi32>,
          %bitcast3A_939 = vector.bitcast %get3A_938 : vector<16xi32> to vector<32xbf16>
          %get3A_940 = arith.index_cast %add3A_935 : i32 to index
          %get3A_941 = arith.constant 0 : index
          %get3A_942 = tpu.vector_load %arg9[%get3A_940, %get3A_941] {strides = array<i32>} : memref<256x64xi32, #tpu.memory_space<vmem>>, vector<16xi32>,
          %bitcast3A_943 = vector.bitcast %get3A_942 : vector<16xi32> to vector<32xbf16>
          %mul3A_944 = arith.mulf %bitcast3A_939, %bitcast3A_943 : vector<32xbf16>
          %get3A_945 = arith.index_cast %add3A_935 : i32 to index
          %get3A_946 = arith.constant 16 : index
          %get3A_947 = tpu.vector_load %arg8[%get3A_945, %get3A_946] {strides = array<i32>} : memref<256x64xi32, #tpu.memory_space<vmem>>, vector<16xi32>,
          %bitcast3A_948 = vector.bitcast %get3A_947 : vector<16xi32> to vector<32xbf16>
          %get3A_949 = arith.index_cast %add3A_935 : i32 to index
          %get3A_950 = arith.constant 16 : index
          %get3A_951 = tpu.vector_load %arg9[%get3A_949, %get3A_950] {strides = array<i32>} : memref<256x64xi32, #tpu.memory_space<vmem>>, vector<16xi32>,
          %bitcast3A_952 = vector.bitcast %get3A_951 : vector<16xi32> to vector<32xbf16>
          %mul3A_953 = arith.mulf %bitcast3A_948, %bitcast3A_952 : vector<32xbf16>
          %get3A_954 = arith.index_cast %add3A_935 : i32 to index
          %get3A_955 = arith.constant 32 : index
          %get3A_956 = tpu.vector_load %arg8[%get3A_954, %get3A_955] {strides = array<i32>} : memref<256x64xi32, #tpu.memory_space<vmem>>, vector<16xi32>,
          %bitcast3A_957 = vector.bitcast %get3A_956 : vector<16xi32> to vector<32xbf16>
          %get3A_958 = arith.index_cast %add3A_935 : i32 to index
          %get3A_959 = arith.constant 32 : index
          %get3A_960 = tpu.vector_load %arg9[%get3A_958, %get3A_959] {strides = array<i32>} : memref<256x64xi32, #tpu.memory_space<vmem>>, vector<16xi32>,
          %bitcast3A_961 = vector.bitcast %get3A_960 : vector<16xi32> to vector<32xbf16>
          %mul3A_962 = arith.mulf %bitcast3A_957, %bitcast3A_961 : vector<32xbf16>
          %get3A_963 = arith.index_cast %add3A_935 : i32 to index
          %get3A_964 = arith.constant 48 : index
          %get3A_965 = tpu.vector_load %arg8[%get3A_963, %get3A_964] {strides = array<i32>} : memref<256x64xi32, #tpu.memory_space<vmem>>, vector<16xi32>,
          %bitcast3A_966 = vector.bitcast %get3A_965 : vector<16xi32> to vector<32xbf16>
          %get3A_967 = arith.index_cast %add3A_935 : i32 to index
          %get3A_968 = arith.constant 48 : index
          %get3A_969 = tpu.vector_load %arg9[%get3A_967, %get3A_968] {strides = array<i32>} : memref<256x64xi32, #tpu.memory_space<vmem>>, vector<16xi32>,
          %bitcast3A_970 = vector.bitcast %get3A_969 : vector<16xi32> to vector<32xbf16>
          %mul3A_971 = arith.mulf %bitcast3A_966, %bitcast3A_970 : vector<32xbf16>
          %add3A_972 = arith.addf %mul3A_944, %mul3A_953 : vector<32xbf16>
          %add3A_973 = arith.addf %mul3A_962, %mul3A_971 : vector<32xbf16>
          %add3A_974 = arith.addf %add3A_972, %add3A_973 : vector<32xbf16>
          %unpack3A_975 = tpu.unpack_subelements %add3A_974, 0 {pack_format = #tpu.pack_format<interleaved>} : vector<32xbf16> -> vector<16xf32>
          %unpack3A_976 = tpu.unpack_subelements %add3A_974, 1 {pack_format = #tpu.pack_format<interleaved>} : vector<32xbf16> -> vector<16xf32>
          %eq3A_977 = arith.constant 14 : i32
          %eq3A_978 = vector.broadcast %eq3A_977 : i32 to vector<16xi32>
          %eq3A_979 = arith.cmpi eq, %iota3A, %eq3A_978 : vector<16xi32>
          %add3A_980 = arith.addf %unpack3A_975, %unpack3A_976 : vector<16xf32>
          %reduce_sum3A_981 = arith.constant true
          %reduce_sum3A_982 = vector.broadcast %reduce_sum3A_981 : i1 to vector<16xi1>
          %reduce_sum3A_983 = tpu.scan <sum>, %add3A_980 masked %reduce_sum3A_982 : vector<16xf32>, vector<16xi1> -> vector<16xf32>
          %reduce_sum3A_984 = vector.extract %reduce_sum3A_983[15] : f32 from vector<16xf32>
          %broadcast_in_dim3A_985 = vector.broadcast %reduce_sum3A_984 : f32 to vector<16xf32>
          %select_n3A_986 = arith.select %eq3A_979, %broadcast_in_dim3A_985, %select_n3A_931 : vector<16xi1>, vector<16xf32>
          %mul3A_987 = arith.constant 16 : i32
          %mul3A_988 = arith.muli %scan3A_165, %mul3A_987 : i32
          %add3A_989 = arith.constant 15 : i32
          %add3A_990 = arith.addi %mul3A_988, %add3A_989 : i32
          %get3A_991 = arith.index_cast %add3A_990 : i32 to index
          %get3A_992 = arith.constant 0 : index
          %get3A_993 = tpu.vector_load %arg8[%get3A_991, %get3A_992] {strides = array<i32>} : memref<256x64xi32, #tpu.memory_space<vmem>>, vector<16xi32>,
          %bitcast3A_994 = vector.bitcast %get3A_993 : vector<16xi32> to vector<32xbf16>
          %get3A_995 = arith.index_cast %add3A_990 : i32 to index
          %get3A_996 = arith.constant 0 : index
          %get3A_997 = tpu.vector_load %arg9[%get3A_995, %get3A_996] {strides = array<i32>} : memref<256x64xi32, #tpu.memory_space<vmem>>, vector<16xi32>,
          %bitcast3A_998 = vector.bitcast %get3A_997 : vector<16xi32> to vector<32xbf16>
          %mul3A_999 = arith.mulf %bitcast3A_994, %bitcast3A_998 : vector<32xbf16>
          %get3A_1000 = arith.index_cast %add3A_990 : i32 to index
          %get3A_1001 = arith.constant 16 : index
          %get3A_1002 = tpu.vector_load %arg8[%get3A_1000, %get3A_1001] {strides = array<i32>} : memref<256x64xi32, #tpu.memory_space<vmem>>, vector<16xi32>,
          %bitcast3A_1003 = vector.bitcast %get3A_1002 : vector<16xi32> to vector<32xbf16>
          %get3A_1004 = arith.index_cast %add3A_990 : i32 to index
          %get3A_1005 = arith.constant 16 : index
          %get3A_1006 = tpu.vector_load %arg9[%get3A_1004, %get3A_1005] {strides = array<i32>} : memref<256x64xi32, #tpu.memory_space<vmem>>, vector<16xi32>,
          %bitcast3A_1007 = vector.bitcast %get3A_1006 : vector<16xi32> to vector<32xbf16>
          %mul3A_1008 = arith.mulf %bitcast3A_1003, %bitcast3A_1007 : vector<32xbf16>
          %get3A_1009 = arith.index_cast %add3A_990 : i32 to index
          %get3A_1010 = arith.constant 32 : index
          %get3A_1011 = tpu.vector_load %arg8[%get3A_1009, %get3A_1010] {strides = array<i32>} : memref<256x64xi32, #tpu.memory_space<vmem>>, vector<16xi32>,
          %bitcast3A_1012 = vector.bitcast %get3A_1011 : vector<16xi32> to vector<32xbf16>
          %get3A_1013 = arith.index_cast %add3A_990 : i32 to index
          %get3A_1014 = arith.constant 32 : index
          %get3A_1015 = tpu.vector_load %arg9[%get3A_1013, %get3A_1014] {strides = array<i32>} : memref<256x64xi32, #tpu.memory_space<vmem>>, vector<16xi32>,
          %bitcast3A_1016 = vector.bitcast %get3A_1015 : vector<16xi32> to vector<32xbf16>
          %mul3A_1017 = arith.mulf %bitcast3A_1012, %bitcast3A_1016 : vector<32xbf16>
          %get3A_1018 = arith.index_cast %add3A_990 : i32 to index
          %get3A_1019 = arith.constant 48 : index
          %get3A_1020 = tpu.vector_load %arg8[%get3A_1018, %get3A_1019] {strides = array<i32>} : memref<256x64xi32, #tpu.memory_space<vmem>>, vector<16xi32>,
          %bitcast3A_1021 = vector.bitcast %get3A_1020 : vector<16xi32> to vector<32xbf16>
          %get3A_1022 = arith.index_cast %add3A_990 : i32 to index
          %get3A_1023 = arith.constant 48 : index
          %get3A_1024 = tpu.vector_load %arg9[%get3A_1022, %get3A_1023] {strides = array<i32>} : memref<256x64xi32, #tpu.memory_space<vmem>>, vector<16xi32>,
          %bitcast3A_1025 = vector.bitcast %get3A_1024 : vector<16xi32> to vector<32xbf16>
          %mul3A_1026 = arith.mulf %bitcast3A_1021, %bitcast3A_1025 : vector<32xbf16>
          %add3A_1027 = arith.addf %mul3A_999, %mul3A_1008 : vector<32xbf16>
          %add3A_1028 = arith.addf %mul3A_1017, %mul3A_1026 : vector<32xbf16>
          %add3A_1029 = arith.addf %add3A_1027, %add3A_1028 : vector<32xbf16>
          %unpack3A_1030 = tpu.unpack_subelements %add3A_1029, 0 {pack_format = #tpu.pack_format<interleaved>} : vector<32xbf16> -> vector<16xf32>
          %unpack3A_1031 = tpu.unpack_subelements %add3A_1029, 1 {pack_format = #tpu.pack_format<interleaved>} : vector<32xbf16> -> vector<16xf32>
          %eq3A_1032 = arith.constant 15 : i32
          %eq3A_1033 = vector.broadcast %eq3A_1032 : i32 to vector<16xi32>
          %eq3A_1034 = arith.cmpi eq, %iota3A, %eq3A_1033 : vector<16xi32>
          %add3A_1035 = arith.addf %unpack3A_1030, %unpack3A_1031 : vector<16xf32>
          %reduce_sum3A_1036 = arith.constant true
          %reduce_sum3A_1037 = vector.broadcast %reduce_sum3A_1036 : i1 to vector<16xi1>
          %reduce_sum3A_1038 = tpu.scan <sum>, %add3A_1035 masked %reduce_sum3A_1037 : vector<16xf32>, vector<16xi1> -> vector<16xf32>
          %reduce_sum3A_1039 = vector.extract %reduce_sum3A_1038[15] : f32 from vector<16xf32>
          %broadcast_in_dim3A_1040 = vector.broadcast %reduce_sum3A_1039 : f32 to vector<16xf32>
          %select_n3A_1041 = arith.select %eq3A_1034, %broadcast_in_dim3A_1040, %select_n3A_986 : vector<16xi1>, vector<16xf32>
          %mul3A_1042 = arith.constant 1.000000e+01 : f32
          %mul3A_1043 = vector.broadcast %mul3A_1042 : f32 to vector<16xf32>
          %mul3A_1044 = arith.mulf %select_n3A_1041, %mul3A_1043 : vector<16xf32>
          %mul3A_1045 = arith.constant 16 : i32
          %mul3A_1046 = arith.muli %scan3A_165, %mul3A_1045 : i32
          %multiple_of3A_1047 = tpu.assume_multiple %mul3A_1046, 8 : i32
          %swap3A = arith.index_cast %multiple_of3A_1047 : i32 to index
          %swap3A_1048 = tpu.vector_load %arg12[%swap3A] {strides = array<i32>} : memref<256xf32, #tpu.memory_space<vmem>>, vector<16xf32>,
          tpu.vector_store %arg12[%swap3A], %mul3A_1044 {strides = array<i32>} : memref<256xf32, #tpu.memory_space<vmem>>, vector<16xf32>,
          %scan3A_1049 = arith.constant 0 : i32
          scf.yield %scan3A_1049 : i32
        }
        %scan3A_154 = arith.constant 16 : i32
        %add3A_155 = arith.addi %multiple_of3A, %multiple_of3A_143 : i32
        %dma_start3A_156 = tpu.memref_slice %arg5[%add3A_155] : memref<320000xf32, #tpu.memory_space<hbm>> -> memref<256xf32, #tpu.memory_space<hbm>>
        %dma_start3A_157 = tpu.memref_slice %arg5[%add3A_155] : memref<320000xf32, #tpu.memory_space<hbm>> -> memref<256xf32, #tpu.memory_space<hbm>>
        tpu.enqueue_dma source(%arg12 : memref<256xf32, #tpu.memory_space<vmem>>) target(%dma_start3A_157 : memref<256xf32, #tpu.memory_space<hbm>>) target_semaphore(%arg16 : memref<!tpu.dma_semaphore, #tpu.memory_space<semaphore_mem>>)
        %add3A_158 = arith.constant 2 : i32
        %add3A_159 = arith.addi %add3A_96, %add3A_158 : i32
        %lt3A_160 = arith.constant 40 : i32
        %lt3A_161 = arith.cmpi slt, %add3A_159, %lt3A_160 : i32
        %convert_element_type3A_162 = arith.extui %lt3A_161 : i1 to i32
        %cond3A_163 = arith.constant 0 : i32
        %cond3A_164 = arith.cmpi ne, %convert_element_type3A_162, %cond3A_163 : i32
        scf.if %cond3A_164 {
          %add3A_165 = arith.constant 2 : i32
          %add3A_166 = arith.addi %add3A_96, %add3A_165 : i32
          %mul3A_167 = arith.constant 256 : i32
          %mul3A_168 = arith.muli %add3A_166, %mul3A_167 : i32
          %min3A_169 = arith.constant 9744 : i32
          %min3A_170 = arith.minsi %mul3A_168, %min3A_169 : i32
          %multiple_of3A_171 = tpu.assume_multiple %min3A_170, 8 : i32
          %add3A_172 = arith.constant 0 : i32
          %add3A_173 = arith.addi %multiple_of3A_171, %add3A_172 : i32
          %multiple_of3A_174 = tpu.assume_multiple %add3A_173, 8 : i32
          %multiple_of3A_175 = arith.constant 0 : i32
          %multiple_of3A_176 = tpu.assume_multiple %multiple_of3A_175, 8 : i32
          %dma_start3A_177 = arith.constant 0 : i32
          %dma_start3A_178 = tpu.memref_slice %arg8[%multiple_of3A_176, %dma_start3A_177] : memref<256x64xi32, #tpu.memory_space<vmem>> -> memref<128x64xi32, #tpu.memory_space<vmem>>
          %dma_start3A_179 = tpu.memref_slice %arg6[%multiple_of3A_174] : memref<10000xi32, #tpu.memory_space<vmem>> -> memref<128xi32, #tpu.memory_space<vmem>>
          %dma_start3A_180 = arith.constant 0 : i32
          %dma_start3A_181 = arith.constant 0 : i32
          %dma_start3A_182 = tpu.memref_slice %arg2[%dma_start3A_180, %dma_start3A_181] : memref<10000x64xi32, #tpu.memory_space<hbm>> -> memref<10000x64xi32, #tpu.memory_space<hbm>>
          tpu.enqueue_indirect_dma source(%dma_start3A_182 : memref<10000x64xi32, #tpu.memory_space<hbm>>) target(%dma_start3A_178 : memref<128x64xi32, #tpu.memory_space<vmem>>) offsets(%dma_start3A_179 : memref<128xi32, #tpu.memory_space<vmem>>) semaphore(%arg14 : memref<!tpu.dma_semaphore, #tpu.memory_space<semaphore_mem>>)
          %dma_start3A_183 = arith.constant 0 : i32
          %dma_start3A_184 = tpu.memref_slice %arg9[%multiple_of3A_176, %dma_start3A_183] : memref<256x64xi32, #tpu.memory_space<vmem>> -> memref<128x64xi32, #tpu.memory_space<vmem>>
          %dma_start3A_185 = tpu.memref_slice %arg7[%multiple_of3A_174] : memref<10000xi32, #tpu.memory_space<vmem>> -> memref<128xi32, #tpu.memory_space<vmem>>
          %dma_start3A_186 = arith.constant 0 : i32
          %dma_start3A_187 = arith.constant 0 : i32
          %dma_start3A_188 = tpu.memref_slice %arg3[%dma_start3A_186, %dma_start3A_187] : memref<10000x64xi32, #tpu.memory_space<hbm>> -> memref<10000x64xi32, #tpu.memory_space<hbm>>
          tpu.enqueue_indirect_dma source(%dma_start3A_188 : memref<10000x64xi32, #tpu.memory_space<hbm>>) target(%dma_start3A_184 : memref<128x64xi32, #tpu.memory_space<vmem>>) offsets(%dma_start3A_185 : memref<128xi32, #tpu.memory_space<vmem>>) semaphore(%arg14 : memref<!tpu.dma_semaphore, #tpu.memory_space<semaphore_mem>>)
          %add3A_189 = arith.constant 128 : i32
          %add3A_190 = arith.addi %multiple_of3A_171, %add3A_189 : i32
          %multiple_of3A_191 = tpu.assume_multiple %add3A_190, 8 : i32
          %multiple_of3A_192 = arith.constant 128 : i32
          %multiple_of3A_193 = tpu.assume_multiple %multiple_of3A_192, 8 : i32
          %dma_start3A_194 = arith.constant 0 : i32
          %dma_start3A_195 = tpu.memref_slice %arg8[%multiple_of3A_193, %dma_start3A_194] : memref<256x64xi32, #tpu.memory_space<vmem>> -> memref<128x64xi32, #tpu.memory_space<vmem>>
          %dma_start3A_196 = tpu.memref_slice %arg6[%multiple_of3A_191] : memref<10000xi32, #tpu.memory_space<vmem>> -> memref<128xi32, #tpu.memory_space<vmem>>
          %dma_start3A_197 = arith.constant 0 : i32
          %dma_start3A_198 = arith.constant 0 : i32
          %dma_start3A_199 = tpu.memref_slice %arg2[%dma_start3A_197, %dma_start3A_198] : memref<10000x64xi32, #tpu.memory_space<hbm>> -> memref<10000x64xi32, #tpu.memory_space<hbm>>
          tpu.enqueue_indirect_dma source(%dma_start3A_199 : memref<10000x64xi32, #tpu.memory_space<hbm>>) target(%dma_start3A_195 : memref<128x64xi32, #tpu.memory_space<vmem>>) offsets(%dma_start3A_196 : memref<128xi32, #tpu.memory_space<vmem>>) semaphore(%arg14 : memref<!tpu.dma_semaphore, #tpu.memory_space<semaphore_mem>>)
          %dma_start3A_200 = arith.constant 0 : i32
          %dma_start3A_201 = tpu.memref_slice %arg9[%multiple_of3A_193, %dma_start3A_200] : memref<256x64xi32, #tpu.memory_space<vmem>> -> memref<128x64xi32, #tpu.memory_space<vmem>>
          %dma_start3A_202 = tpu.memref_slice %arg7[%multiple_of3A_191] : memref<10000xi32, #tpu.memory_space<vmem>> -> memref<128xi32, #tpu.memory_space<vmem>>
          %dma_start3A_203 = arith.constant 0 : i32
          %dma_start3A_204 = arith.constant 0 : i32
          %dma_start3A_205 = tpu.memref_slice %arg3[%dma_start3A_203, %dma_start3A_204] : memref<10000x64xi32, #tpu.memory_space<hbm>> -> memref<10000x64xi32, #tpu.memory_space<hbm>>
          tpu.enqueue_indirect_dma source(%dma_start3A_205 : memref<10000x64xi32, #tpu.memory_space<hbm>>) target(%dma_start3A_201 : memref<128x64xi32, #tpu.memory_space<vmem>>) offsets(%dma_start3A_202 : memref<128xi32, #tpu.memory_space<vmem>>) semaphore(%arg14 : memref<!tpu.dma_semaphore, #tpu.memory_space<semaphore_mem>>)
        } else {
        }
      } else {
      }
      %add3A_99 = arith.constant 1 : i32
      %add3A_100 = arith.addi %mul3A_94, %add3A_99 : i32
      %lt3A_101 = arith.constant 40 : i32
      %lt3A_102 = arith.cmpi slt, %add3A_100, %lt3A_101 : i32
      %convert_element_type3A_103 = arith.extui %lt3A_102 : i1 to i32
      %cond3A_104 = arith.constant 0 : i32
      %cond3A_105 = arith.cmpi ne, %convert_element_type3A_103, %cond3A_104 : i32
      scf.if %cond3A_105 {
        %multiple_of3A_107 = arith.constant 0 : i32
        %multiple_of3A_108 = tpu.assume_multiple %multiple_of3A_107, 8 : i32
        %dma_wait3A_109 = arith.constant 0 : i32
        %dma_wait3A_110 = tpu.memref_slice %arg10[%multiple_of3A_108, %dma_wait3A_109] : memref<256x64xi32, #tpu.memory_space<vmem>> -> memref<128x64xi32, #tpu.memory_space<vmem>>
        %dma_wait3A_111 = arith.constant 0 : i32
        %dma_wait3A_112 = tpu.memref_slice %arg6[%dma_wait3A_111] : memref<10000xi32, #tpu.memory_space<vmem>> -> memref<128xi32, #tpu.memory_space<vmem>>
        %dma_wait3A_113 = arith.constant 0 : i32
        %dma_wait3A_114 = arith.constant 0 : i32
        %dma_wait3A_115 = tpu.memref_slice %arg2[%dma_wait3A_113, %dma_wait3A_114] : memref<10000x64xi32, #tpu.memory_space<hbm>> -> memref<10000x64xi32, #tpu.memory_space<hbm>>
        tpu.wait_indirect_dma semaphore(%arg15 : memref<!tpu.dma_semaphore, #tpu.memory_space<semaphore_mem>>) src(%dma_wait3A_115 : memref<10000x64xi32, #tpu.memory_space<hbm>>) dst(%dma_wait3A_110 : memref<128x64xi32, #tpu.memory_space<vmem>>)
        %dma_wait3A_116 = arith.constant 0 : i32
        %dma_wait3A_117 = tpu.memref_slice %arg11[%multiple_of3A_108, %dma_wait3A_116] : memref<256x64xi32, #tpu.memory_space<vmem>> -> memref<128x64xi32, #tpu.memory_space<vmem>>
        %dma_wait3A_118 = arith.constant 0 : i32
        %dma_wait3A_119 = tpu.memref_slice %arg7[%dma_wait3A_118] : memref<10000xi32, #tpu.memory_space<vmem>> -> memref<128xi32, #tpu.memory_space<vmem>>
        %dma_wait3A_120 = arith.constant 0 : i32
        %dma_wait3A_121 = arith.constant 0 : i32
        %dma_wait3A_122 = tpu.memref_slice %arg3[%dma_wait3A_120, %dma_wait3A_121] : memref<10000x64xi32, #tpu.memory_space<hbm>> -> memref<10000x64xi32, #tpu.memory_space<hbm>>
        tpu.wait_indirect_dma semaphore(%arg15 : memref<!tpu.dma_semaphore, #tpu.memory_space<semaphore_mem>>) src(%dma_wait3A_122 : memref<10000x64xi32, #tpu.memory_space<hbm>>) dst(%dma_wait3A_117 : memref<128x64xi32, #tpu.memory_space<vmem>>)
        %multiple_of3A_123 = arith.constant 128 : i32
        %multiple_of3A_124 = tpu.assume_multiple %multiple_of3A_123, 8 : i32
        %dma_wait3A_125 = arith.constant 0 : i32
        %dma_wait3A_126 = tpu.memref_slice %arg10[%multiple_of3A_124, %dma_wait3A_125] : memref<256x64xi32, #tpu.memory_space<vmem>> -> memref<128x64xi32, #tpu.memory_space<vmem>>
        %dma_wait3A_127 = arith.constant 0 : i32
        %dma_wait3A_128 = tpu.memref_slice %arg6[%dma_wait3A_127] : memref<10000xi32, #tpu.memory_space<vmem>> -> memref<128xi32, #tpu.memory_space<vmem>>
        %dma_wait3A_129 = arith.constant 0 : i32
        %dma_wait3A_130 = arith.constant 0 : i32
        %dma_wait3A_131 = tpu.memref_slice %arg2[%dma_wait3A_129, %dma_wait3A_130] : memref<10000x64xi32, #tpu.memory_space<hbm>> -> memref<10000x64xi32, #tpu.memory_space<hbm>>
        tpu.wait_indirect_dma semaphore(%arg15 : memref<!tpu.dma_semaphore, #tpu.memory_space<semaphore_mem>>) src(%dma_wait3A_131 : memref<10000x64xi32, #tpu.memory_space<hbm>>) dst(%dma_wait3A_126 : memref<128x64xi32, #tpu.memory_space<vmem>>)
        %dma_wait3A_132 = arith.constant 0 : i32
        %dma_wait3A_133 = tpu.memref_slice %arg11[%multiple_of3A_124, %dma_wait3A_132] : memref<256x64xi32, #tpu.memory_space<vmem>> -> memref<128x64xi32, #tpu.memory_space<vmem>>
        %dma_wait3A_134 = arith.constant 0 : i32
        %dma_wait3A_135 = tpu.memref_slice %arg7[%dma_wait3A_134] : memref<10000xi32, #tpu.memory_space<vmem>> -> memref<128xi32, #tpu.memory_space<vmem>>
        %dma_wait3A_136 = arith.constant 0 : i32
        %dma_wait3A_137 = arith.constant 0 : i32
        %dma_wait3A_138 = tpu.memref_slice %arg3[%dma_wait3A_136, %dma_wait3A_137] : memref<10000x64xi32, #tpu.memory_space<hbm>> -> memref<10000x64xi32, #tpu.memory_space<hbm>>
        tpu.wait_indirect_dma semaphore(%arg15 : memref<!tpu.dma_semaphore, #tpu.memory_space<semaphore_mem>>) src(%dma_wait3A_138 : memref<10000x64xi32, #tpu.memory_space<hbm>>) dst(%dma_wait3A_133 : memref<128x64xi32, #tpu.memory_space<vmem>>)
        %mul3A_139 = arith.constant 256 : i32
        %mul3A_140 = arith.muli %add3A_100, %mul3A_139 : i32
        %min3A_141 = arith.constant 9744 : i32
        %min3A_142 = arith.minsi %mul3A_140, %min3A_141 : i32
        %multiple_of3A_143 = tpu.assume_multiple %min3A_142, 8 : i32
        %ge3A = arith.constant 2 : i32
        %ge3A_144 = arith.cmpi sge, %add3A_100, %ge3A : i32
        %convert_element_type3A_145 = arith.extui %ge3A_144 : i1 to i32
        %cond3A_146 = arith.constant 0 : i32
        %cond3A_147 = arith.cmpi ne, %convert_element_type3A_145, %cond3A_146 : i32
        scf.if %cond3A_147 {
          %dma_wait3A_165 = arith.constant 0 : i32
          %dma_wait3A_166 = tpu.memref_slice %arg5[%dma_wait3A_165] : memref<320000xf32, #tpu.memory_space<hbm>> -> memref<256xf32, #tpu.memory_space<hbm>>
          %dma_wait3A_167 = arith.constant 0 : i32
          %dma_wait3A_168 = tpu.memref_slice %arg5[%dma_wait3A_167] : memref<320000xf32, #tpu.memory_space<hbm>> -> memref<256xf32, #tpu.memory_space<hbm>>
          tpu.wait_dma2 semaphore(%arg17 : memref<!tpu.dma_semaphore, #tpu.memory_space<semaphore_mem>>) src(%arg13 : memref<256xf32, #tpu.memory_space<vmem>>) dst(%dma_wait3A_168 : memref<256xf32, #tpu.memory_space<hbm>>)
        } else {
        }
        %scan3A_148 = arith.constant 0 : i32
        %scan3A_149 = arith.constant 0 : i32
        %scan3A_150 = arith.constant 16 : i32
        %scan3A_151 = arith.addi %scan3A_149, %scan3A_150 : i32
        %scan3A_152 = arith.constant 1 : i32
        %scan3A_153 = scf.for %scan3A_165 = %scan3A_149 to %scan3A_151 step %scan3A_152 iter_args(%scan3A_166 = %scan3A_148) -> (i32)  : i32 {
          %broadcast_in_dim3A = arith.constant 0.000000e+00 : f32
          %broadcast_in_dim3A_167 = vector.broadcast %broadcast_in_dim3A : f32 to vector<16xf32>
          %mul3A_168 = arith.constant 16 : i32
          %mul3A_169 = arith.muli %scan3A_165, %mul3A_168 : i32
          %add3A_170 = arith.constant 0 : i32
          %add3A_171 = arith.addi %mul3A_169, %add3A_170 : i32
          %get3A = arith.index_cast %add3A_171 : i32 to index
          %get3A_172 = arith.constant 0 : index
          %get3A_173 = tpu.vector_load %arg10[%get3A, %get3A_172] {strides = array<i32>} : memref<256x64xi32, #tpu.memory_space<vmem>>, vector<16xi32>,
          %bitcast3A = vector.bitcast %get3A_173 : vector<16xi32> to vector<32xbf16>
          %get3A_174 = arith.index_cast %add3A_171 : i32 to index
          %get3A_175 = arith.constant 0 : index
          %get3A_176 = tpu.vector_load %arg11[%get3A_174, %get3A_175] {strides = array<i32>} : memref<256x64xi32, #tpu.memory_space<vmem>>, vector<16xi32>,
          %bitcast3A_177 = vector.bitcast %get3A_176 : vector<16xi32> to vector<32xbf16>
          %mul3A_178 = arith.mulf %bitcast3A, %bitcast3A_177 : vector<32xbf16>
          %get3A_179 = arith.index_cast %add3A_171 : i32 to index
          %get3A_180 = arith.constant 16 : index
          %get3A_181 = tpu.vector_load %arg10[%get3A_179, %get3A_180] {strides = array<i32>} : memref<256x64xi32, #tpu.memory_space<vmem>>, vector<16xi32>,
          %bitcast3A_182 = vector.bitcast %get3A_181 : vector<16xi32> to vector<32xbf16>
          %get3A_183 = arith.index_cast %add3A_171 : i32 to index
          %get3A_184 = arith.constant 16 : index
          %get3A_185 = tpu.vector_load %arg11[%get3A_183, %get3A_184] {strides = array<i32>} : memref<256x64xi32, #tpu.memory_space<vmem>>, vector<16xi32>,
          %bitcast3A_186 = vector.bitcast %get3A_185 : vector<16xi32> to vector<32xbf16>
          %mul3A_187 = arith.mulf %bitcast3A_182, %bitcast3A_186 : vector<32xbf16>
          %get3A_188 = arith.index_cast %add3A_171 : i32 to index
          %get3A_189 = arith.constant 32 : index
          %get3A_190 = tpu.vector_load %arg10[%get3A_188, %get3A_189] {strides = array<i32>} : memref<256x64xi32, #tpu.memory_space<vmem>>, vector<16xi32>,
          %bitcast3A_191 = vector.bitcast %get3A_190 : vector<16xi32> to vector<32xbf16>
          %get3A_192 = arith.index_cast %add3A_171 : i32 to index
          %get3A_193 = arith.constant 32 : index
          %get3A_194 = tpu.vector_load %arg11[%get3A_192, %get3A_193] {strides = array<i32>} : memref<256x64xi32, #tpu.memory_space<vmem>>, vector<16xi32>,
          %bitcast3A_195 = vector.bitcast %get3A_194 : vector<16xi32> to vector<32xbf16>
          %mul3A_196 = arith.mulf %bitcast3A_191, %bitcast3A_195 : vector<32xbf16>
          %get3A_197 = arith.index_cast %add3A_171 : i32 to index
          %get3A_198 = arith.constant 48 : index
          %get3A_199 = tpu.vector_load %arg10[%get3A_197, %get3A_198] {strides = array<i32>} : memref<256x64xi32, #tpu.memory_space<vmem>>, vector<16xi32>,
          %bitcast3A_200 = vector.bitcast %get3A_199 : vector<16xi32> to vector<32xbf16>
          %get3A_201 = arith.index_cast %add3A_171 : i32 to index
          %get3A_202 = arith.constant 48 : index
          %get3A_203 = tpu.vector_load %arg11[%get3A_201, %get3A_202] {strides = array<i32>} : memref<256x64xi32, #tpu.memory_space<vmem>>, vector<16xi32>,
          %bitcast3A_204 = vector.bitcast %get3A_203 : vector<16xi32> to vector<32xbf16>
          %mul3A_205 = arith.mulf %bitcast3A_200, %bitcast3A_204 : vector<32xbf16>
          %add3A_206 = arith.addf %mul3A_178, %mul3A_187 : vector<32xbf16>
          %add3A_207 = arith.addf %mul3A_196, %mul3A_205 : vector<32xbf16>
          %add3A_208 = arith.addf %add3A_206, %add3A_207 : vector<32xbf16>
          %unpack3A = tpu.unpack_subelements %add3A_208, 0 {pack_format = #tpu.pack_format<interleaved>} : vector<32xbf16> -> vector<16xf32>
          %unpack3A_209 = tpu.unpack_subelements %add3A_208, 1 {pack_format = #tpu.pack_format<interleaved>} : vector<32xbf16> -> vector<16xf32>
          %eq3A = arith.constant 0 : i32
          %eq3A_210 = vector.broadcast %eq3A : i32 to vector<16xi32>
          %eq3A_211 = arith.cmpi eq, %iota3A, %eq3A_210 : vector<16xi32>
          %add3A_212 = arith.addf %unpack3A, %unpack3A_209 : vector<16xf32>
          %reduce_sum3A = arith.constant true
          %reduce_sum3A_213 = vector.broadcast %reduce_sum3A : i1 to vector<16xi1>
          %reduce_sum3A_214 = tpu.scan <sum>, %add3A_212 masked %reduce_sum3A_213 : vector<16xf32>, vector<16xi1> -> vector<16xf32>
          %reduce_sum3A_215 = vector.extract %reduce_sum3A_214[15] : f32 from vector<16xf32>
          %broadcast_in_dim3A_216 = vector.broadcast %reduce_sum3A_215 : f32 to vector<16xf32>
          %select_n3A = arith.select %eq3A_211, %broadcast_in_dim3A_216, %broadcast_in_dim3A_167 : vector<16xi1>, vector<16xf32>
          %mul3A_217 = arith.constant 16 : i32
          %mul3A_218 = arith.muli %scan3A_165, %mul3A_217 : i32
          %add3A_219 = arith.constant 1 : i32
          %add3A_220 = arith.addi %mul3A_218, %add3A_219 : i32
          %get3A_221 = arith.index_cast %add3A_220 : i32 to index
          %get3A_222 = arith.constant 0 : index
          %get3A_223 = tpu.vector_load %arg10[%get3A_221, %get3A_222] {strides = array<i32>} : memref<256x64xi32, #tpu.memory_space<vmem>>, vector<16xi32>,
          %bitcast3A_224 = vector.bitcast %get3A_223 : vector<16xi32> to vector<32xbf16>
          %get3A_225 = arith.index_cast %add3A_220 : i32 to index
          %get3A_226 = arith.constant 0 : index
          %get3A_227 = tpu.vector_load %arg11[%get3A_225, %get3A_226] {strides = array<i32>} : memref<256x64xi32, #tpu.memory_space<vmem>>, vector<16xi32>,
          %bitcast3A_228 = vector.bitcast %get3A_227 : vector<16xi32> to vector<32xbf16>
          %mul3A_229 = arith.mulf %bitcast3A_224, %bitcast3A_228 : vector<32xbf16>
          %get3A_230 = arith.index_cast %add3A_220 : i32 to index
          %get3A_231 = arith.constant 16 : index
          %get3A_232 = tpu.vector_load %arg10[%get3A_230, %get3A_231] {strides = array<i32>} : memref<256x64xi32, #tpu.memory_space<vmem>>, vector<16xi32>,
          %bitcast3A_233 = vector.bitcast %get3A_232 : vector<16xi32> to vector<32xbf16>
          %get3A_234 = arith.index_cast %add3A_220 : i32 to index
          %get3A_235 = arith.constant 16 : index
          %get3A_236 = tpu.vector_load %arg11[%get3A_234, %get3A_235] {strides = array<i32>} : memref<256x64xi32, #tpu.memory_space<vmem>>, vector<16xi32>,
          %bitcast3A_237 = vector.bitcast %get3A_236 : vector<16xi32> to vector<32xbf16>
          %mul3A_238 = arith.mulf %bitcast3A_233, %bitcast3A_237 : vector<32xbf16>
          %get3A_239 = arith.index_cast %add3A_220 : i32 to index
          %get3A_240 = arith.constant 32 : index
          %get3A_241 = tpu.vector_load %arg10[%get3A_239, %get3A_240] {strides = array<i32>} : memref<256x64xi32, #tpu.memory_space<vmem>>, vector<16xi32>,
          %bitcast3A_242 = vector.bitcast %get3A_241 : vector<16xi32> to vector<32xbf16>
          %get3A_243 = arith.index_cast %add3A_220 : i32 to index
          %get3A_244 = arith.constant 32 : index
          %get3A_245 = tpu.vector_load %arg11[%get3A_243, %get3A_244] {strides = array<i32>} : memref<256x64xi32, #tpu.memory_space<vmem>>, vector<16xi32>,
          %bitcast3A_246 = vector.bitcast %get3A_245 : vector<16xi32> to vector<32xbf16>
          %mul3A_247 = arith.mulf %bitcast3A_242, %bitcast3A_246 : vector<32xbf16>
          %get3A_248 = arith.index_cast %add3A_220 : i32 to index
          %get3A_249 = arith.constant 48 : index
          %get3A_250 = tpu.vector_load %arg10[%get3A_248, %get3A_249] {strides = array<i32>} : memref<256x64xi32, #tpu.memory_space<vmem>>, vector<16xi32>,
          %bitcast3A_251 = vector.bitcast %get3A_250 : vector<16xi32> to vector<32xbf16>
          %get3A_252 = arith.index_cast %add3A_220 : i32 to index
          %get3A_253 = arith.constant 48 : index
          %get3A_254 = tpu.vector_load %arg11[%get3A_252, %get3A_253] {strides = array<i32>} : memref<256x64xi32, #tpu.memory_space<vmem>>, vector<16xi32>,
          %bitcast3A_255 = vector.bitcast %get3A_254 : vector<16xi32> to vector<32xbf16>
          %mul3A_256 = arith.mulf %bitcast3A_251, %bitcast3A_255 : vector<32xbf16>
          %add3A_257 = arith.addf %mul3A_229, %mul3A_238 : vector<32xbf16>
          %add3A_258 = arith.addf %mul3A_247, %mul3A_256 : vector<32xbf16>
          %add3A_259 = arith.addf %add3A_257, %add3A_258 : vector<32xbf16>
          %unpack3A_260 = tpu.unpack_subelements %add3A_259, 0 {pack_format = #tpu.pack_format<interleaved>} : vector<32xbf16> -> vector<16xf32>
          %unpack3A_261 = tpu.unpack_subelements %add3A_259, 1 {pack_format = #tpu.pack_format<interleaved>} : vector<32xbf16> -> vector<16xf32>
          %eq3A_262 = arith.constant 1 : i32
          %eq3A_263 = vector.broadcast %eq3A_262 : i32 to vector<16xi32>
          %eq3A_264 = arith.cmpi eq, %iota3A, %eq3A_263 : vector<16xi32>
          %add3A_265 = arith.addf %unpack3A_260, %unpack3A_261 : vector<16xf32>
          %reduce_sum3A_266 = arith.constant true
          %reduce_sum3A_267 = vector.broadcast %reduce_sum3A_266 : i1 to vector<16xi1>
          %reduce_sum3A_268 = tpu.scan <sum>, %add3A_265 masked %reduce_sum3A_267 : vector<16xf32>, vector<16xi1> -> vector<16xf32>
          %reduce_sum3A_269 = vector.extract %reduce_sum3A_268[15] : f32 from vector<16xf32>
          %broadcast_in_dim3A_270 = vector.broadcast %reduce_sum3A_269 : f32 to vector<16xf32>
          %select_n3A_271 = arith.select %eq3A_264, %broadcast_in_dim3A_270, %select_n3A : vector<16xi1>, vector<16xf32>
          %mul3A_272 = arith.constant 16 : i32
          %mul3A_273 = arith.muli %scan3A_165, %mul3A_272 : i32
          %add3A_274 = arith.constant 2 : i32
          %add3A_275 = arith.addi %mul3A_273, %add3A_274 : i32
          %get3A_276 = arith.index_cast %add3A_275 : i32 to index
          %get3A_277 = arith.constant 0 : index
          %get3A_278 = tpu.vector_load %arg10[%get3A_276, %get3A_277] {strides = array<i32>} : memref<256x64xi32, #tpu.memory_space<vmem>>, vector<16xi32>,
          %bitcast3A_279 = vector.bitcast %get3A_278 : vector<16xi32> to vector<32xbf16>
          %get3A_280 = arith.index_cast %add3A_275 : i32 to index
          %get3A_281 = arith.constant 0 : index
          %get3A_282 = tpu.vector_load %arg11[%get3A_280, %get3A_281] {strides = array<i32>} : memref<256x64xi32, #tpu.memory_space<vmem>>, vector<16xi32>,
          %bitcast3A_283 = vector.bitcast %get3A_282 : vector<16xi32> to vector<32xbf16>
          %mul3A_284 = arith.mulf %bitcast3A_279, %bitcast3A_283 : vector<32xbf16>
          %get3A_285 = arith.index_cast %add3A_275 : i32 to index
          %get3A_286 = arith.constant 16 : index
          %get3A_287 = tpu.vector_load %arg10[%get3A_285, %get3A_286] {strides = array<i32>} : memref<256x64xi32, #tpu.memory_space<vmem>>, vector<16xi32>,
          %bitcast3A_288 = vector.bitcast %get3A_287 : vector<16xi32> to vector<32xbf16>
          %get3A_289 = arith.index_cast %add3A_275 : i32 to index
          %get3A_290 = arith.constant 16 : index
          %get3A_291 = tpu.vector_load %arg11[%get3A_289, %get3A_290] {strides = array<i32>} : memref<256x64xi32, #tpu.memory_space<vmem>>, vector<16xi32>,
          %bitcast3A_292 = vector.bitcast %get3A_291 : vector<16xi32> to vector<32xbf16>
          %mul3A_293 = arith.mulf %bitcast3A_288, %bitcast3A_292 : vector<32xbf16>
          %get3A_294 = arith.index_cast %add3A_275 : i32 to index
          %get3A_295 = arith.constant 32 : index
          %get3A_296 = tpu.vector_load %arg10[%get3A_294, %get3A_295] {strides = array<i32>} : memref<256x64xi32, #tpu.memory_space<vmem>>, vector<16xi32>,
          %bitcast3A_297 = vector.bitcast %get3A_296 : vector<16xi32> to vector<32xbf16>
          %get3A_298 = arith.index_cast %add3A_275 : i32 to index
          %get3A_299 = arith.constant 32 : index
          %get3A_300 = tpu.vector_load %arg11[%get3A_298, %get3A_299] {strides = array<i32>} : memref<256x64xi32, #tpu.memory_space<vmem>>, vector<16xi32>,
          %bitcast3A_301 = vector.bitcast %get3A_300 : vector<16xi32> to vector<32xbf16>
          %mul3A_302 = arith.mulf %bitcast3A_297, %bitcast3A_301 : vector<32xbf16>
          %get3A_303 = arith.index_cast %add3A_275 : i32 to index
          %get3A_304 = arith.constant 48 : index
          %get3A_305 = tpu.vector_load %arg10[%get3A_303, %get3A_304] {strides = array<i32>} : memref<256x64xi32, #tpu.memory_space<vmem>>, vector<16xi32>,
          %bitcast3A_306 = vector.bitcast %get3A_305 : vector<16xi32> to vector<32xbf16>
          %get3A_307 = arith.index_cast %add3A_275 : i32 to index
          %get3A_308 = arith.constant 48 : index
          %get3A_309 = tpu.vector_load %arg11[%get3A_307, %get3A_308] {strides = array<i32>} : memref<256x64xi32, #tpu.memory_space<vmem>>, vector<16xi32>,
          %bitcast3A_310 = vector.bitcast %get3A_309 : vector<16xi32> to vector<32xbf16>
          %mul3A_311 = arith.mulf %bitcast3A_306, %bitcast3A_310 : vector<32xbf16>
          %add3A_312 = arith.addf %mul3A_284, %mul3A_293 : vector<32xbf16>
          %add3A_313 = arith.addf %mul3A_302, %mul3A_311 : vector<32xbf16>
          %add3A_314 = arith.addf %add3A_312, %add3A_313 : vector<32xbf16>
          %unpack3A_315 = tpu.unpack_subelements %add3A_314, 0 {pack_format = #tpu.pack_format<interleaved>} : vector<32xbf16> -> vector<16xf32>
          %unpack3A_316 = tpu.unpack_subelements %add3A_314, 1 {pack_format = #tpu.pack_format<interleaved>} : vector<32xbf16> -> vector<16xf32>
          %eq3A_317 = arith.constant 2 : i32
          %eq3A_318 = vector.broadcast %eq3A_317 : i32 to vector<16xi32>
          %eq3A_319 = arith.cmpi eq, %iota3A, %eq3A_318 : vector<16xi32>
          %add3A_320 = arith.addf %unpack3A_315, %unpack3A_316 : vector<16xf32>
          %reduce_sum3A_321 = arith.constant true
          %reduce_sum3A_322 = vector.broadcast %reduce_sum3A_321 : i1 to vector<16xi1>
          %reduce_sum3A_323 = tpu.scan <sum>, %add3A_320 masked %reduce_sum3A_322 : vector<16xf32>, vector<16xi1> -> vector<16xf32>
          %reduce_sum3A_324 = vector.extract %reduce_sum3A_323[15] : f32 from vector<16xf32>
          %broadcast_in_dim3A_325 = vector.broadcast %reduce_sum3A_324 : f32 to vector<16xf32>
          %select_n3A_326 = arith.select %eq3A_319, %broadcast_in_dim3A_325, %select_n3A_271 : vector<16xi1>, vector<16xf32>
          %mul3A_327 = arith.constant 16 : i32
          %mul3A_328 = arith.muli %scan3A_165, %mul3A_327 : i32
          %add3A_329 = arith.constant 3 : i32
          %add3A_330 = arith.addi %mul3A_328, %add3A_329 : i32
          %get3A_331 = arith.index_cast %add3A_330 : i32 to index
          %get3A_332 = arith.constant 0 : index
          %get3A_333 = tpu.vector_load %arg10[%get3A_331, %get3A_332] {strides = array<i32>} : memref<256x64xi32, #tpu.memory_space<vmem>>, vector<16xi32>,
          %bitcast3A_334 = vector.bitcast %get3A_333 : vector<16xi32> to vector<32xbf16>
          %get3A_335 = arith.index_cast %add3A_330 : i32 to index
          %get3A_336 = arith.constant 0 : index
          %get3A_337 = tpu.vector_load %arg11[%get3A_335, %get3A_336] {strides = array<i32>} : memref<256x64xi32, #tpu.memory_space<vmem>>, vector<16xi32>,
          %bitcast3A_338 = vector.bitcast %get3A_337 : vector<16xi32> to vector<32xbf16>
          %mul3A_339 = arith.mulf %bitcast3A_334, %bitcast3A_338 : vector<32xbf16>
          %get3A_340 = arith.index_cast %add3A_330 : i32 to index
          %get3A_341 = arith.constant 16 : index
          %get3A_342 = tpu.vector_load %arg10[%get3A_340, %get3A_341] {strides = array<i32>} : memref<256x64xi32, #tpu.memory_space<vmem>>, vector<16xi32>,
          %bitcast3A_343 = vector.bitcast %get3A_342 : vector<16xi32> to vector<32xbf16>
          %get3A_344 = arith.index_cast %add3A_330 : i32 to index
          %get3A_345 = arith.constant 16 : index
          %get3A_346 = tpu.vector_load %arg11[%get3A_344, %get3A_345] {strides = array<i32>} : memref<256x64xi32, #tpu.memory_space<vmem>>, vector<16xi32>,
          %bitcast3A_347 = vector.bitcast %get3A_346 : vector<16xi32> to vector<32xbf16>
          %mul3A_348 = arith.mulf %bitcast3A_343, %bitcast3A_347 : vector<32xbf16>
          %get3A_349 = arith.index_cast %add3A_330 : i32 to index
          %get3A_350 = arith.constant 32 : index
          %get3A_351 = tpu.vector_load %arg10[%get3A_349, %get3A_350] {strides = array<i32>} : memref<256x64xi32, #tpu.memory_space<vmem>>, vector<16xi32>,
          %bitcast3A_352 = vector.bitcast %get3A_351 : vector<16xi32> to vector<32xbf16>
          %get3A_353 = arith.index_cast %add3A_330 : i32 to index
          %get3A_354 = arith.constant 32 : index
          %get3A_355 = tpu.vector_load %arg11[%get3A_353, %get3A_354] {strides = array<i32>} : memref<256x64xi32, #tpu.memory_space<vmem>>, vector<16xi32>,
          %bitcast3A_356 = vector.bitcast %get3A_355 : vector<16xi32> to vector<32xbf16>
          %mul3A_357 = arith.mulf %bitcast3A_352, %bitcast3A_356 : vector<32xbf16>
          %get3A_358 = arith.index_cast %add3A_330 : i32 to index
          %get3A_359 = arith.constant 48 : index
          %get3A_360 = tpu.vector_load %arg10[%get3A_358, %get3A_359] {strides = array<i32>} : memref<256x64xi32, #tpu.memory_space<vmem>>, vector<16xi32>,
          %bitcast3A_361 = vector.bitcast %get3A_360 : vector<16xi32> to vector<32xbf16>
          %get3A_362 = arith.index_cast %add3A_330 : i32 to index
          %get3A_363 = arith.constant 48 : index
          %get3A_364 = tpu.vector_load %arg11[%get3A_362, %get3A_363] {strides = array<i32>} : memref<256x64xi32, #tpu.memory_space<vmem>>, vector<16xi32>,
          %bitcast3A_365 = vector.bitcast %get3A_364 : vector<16xi32> to vector<32xbf16>
          %mul3A_366 = arith.mulf %bitcast3A_361, %bitcast3A_365 : vector<32xbf16>
          %add3A_367 = arith.addf %mul3A_339, %mul3A_348 : vector<32xbf16>
          %add3A_368 = arith.addf %mul3A_357, %mul3A_366 : vector<32xbf16>
          %add3A_369 = arith.addf %add3A_367, %add3A_368 : vector<32xbf16>
          %unpack3A_370 = tpu.unpack_subelements %add3A_369, 0 {pack_format = #tpu.pack_format<interleaved>} : vector<32xbf16> -> vector<16xf32>
          %unpack3A_371 = tpu.unpack_subelements %add3A_369, 1 {pack_format = #tpu.pack_format<interleaved>} : vector<32xbf16> -> vector<16xf32>
          %eq3A_372 = arith.constant 3 : i32
          %eq3A_373 = vector.broadcast %eq3A_372 : i32 to vector<16xi32>
          %eq3A_374 = arith.cmpi eq, %iota3A, %eq3A_373 : vector<16xi32>
          %add3A_375 = arith.addf %unpack3A_370, %unpack3A_371 : vector<16xf32>
          %reduce_sum3A_376 = arith.constant true
          %reduce_sum3A_377 = vector.broadcast %reduce_sum3A_376 : i1 to vector<16xi1>
          %reduce_sum3A_378 = tpu.scan <sum>, %add3A_375 masked %reduce_sum3A_377 : vector<16xf32>, vector<16xi1> -> vector<16xf32>
          %reduce_sum3A_379 = vector.extract %reduce_sum3A_378[15] : f32 from vector<16xf32>
          %broadcast_in_dim3A_380 = vector.broadcast %reduce_sum3A_379 : f32 to vector<16xf32>
          %select_n3A_381 = arith.select %eq3A_374, %broadcast_in_dim3A_380, %select_n3A_326 : vector<16xi1>, vector<16xf32>
          %mul3A_382 = arith.constant 16 : i32
          %mul3A_383 = arith.muli %scan3A_165, %mul3A_382 : i32
          %add3A_384 = arith.constant 4 : i32
          %add3A_385 = arith.addi %mul3A_383, %add3A_384 : i32
          %get3A_386 = arith.index_cast %add3A_385 : i32 to index
          %get3A_387 = arith.constant 0 : index
          %get3A_388 = tpu.vector_load %arg10[%get3A_386, %get3A_387] {strides = array<i32>} : memref<256x64xi32, #tpu.memory_space<vmem>>, vector<16xi32>,
          %bitcast3A_389 = vector.bitcast %get3A_388 : vector<16xi32> to vector<32xbf16>
          %get3A_390 = arith.index_cast %add3A_385 : i32 to index
          %get3A_391 = arith.constant 0 : index
          %get3A_392 = tpu.vector_load %arg11[%get3A_390, %get3A_391] {strides = array<i32>} : memref<256x64xi32, #tpu.memory_space<vmem>>, vector<16xi32>,
          %bitcast3A_393 = vector.bitcast %get3A_392 : vector<16xi32> to vector<32xbf16>
          %mul3A_394 = arith.mulf %bitcast3A_389, %bitcast3A_393 : vector<32xbf16>
          %get3A_395 = arith.index_cast %add3A_385 : i32 to index
          %get3A_396 = arith.constant 16 : index
          %get3A_397 = tpu.vector_load %arg10[%get3A_395, %get3A_396] {strides = array<i32>} : memref<256x64xi32, #tpu.memory_space<vmem>>, vector<16xi32>,
          %bitcast3A_398 = vector.bitcast %get3A_397 : vector<16xi32> to vector<32xbf16>
          %get3A_399 = arith.index_cast %add3A_385 : i32 to index
          %get3A_400 = arith.constant 16 : index
          %get3A_401 = tpu.vector_load %arg11[%get3A_399, %get3A_400] {strides = array<i32>} : memref<256x64xi32, #tpu.memory_space<vmem>>, vector<16xi32>,
          %bitcast3A_402 = vector.bitcast %get3A_401 : vector<16xi32> to vector<32xbf16>
          %mul3A_403 = arith.mulf %bitcast3A_398, %bitcast3A_402 : vector<32xbf16>
          %get3A_404 = arith.index_cast %add3A_385 : i32 to index
          %get3A_405 = arith.constant 32 : index
          %get3A_406 = tpu.vector_load %arg10[%get3A_404, %get3A_405] {strides = array<i32>} : memref<256x64xi32, #tpu.memory_space<vmem>>, vector<16xi32>,
          %bitcast3A_407 = vector.bitcast %get3A_406 : vector<16xi32> to vector<32xbf16>
          %get3A_408 = arith.index_cast %add3A_385 : i32 to index
          %get3A_409 = arith.constant 32 : index
          %get3A_410 = tpu.vector_load %arg11[%get3A_408, %get3A_409] {strides = array<i32>} : memref<256x64xi32, #tpu.memory_space<vmem>>, vector<16xi32>,
          %bitcast3A_411 = vector.bitcast %get3A_410 : vector<16xi32> to vector<32xbf16>
          %mul3A_412 = arith.mulf %bitcast3A_407, %bitcast3A_411 : vector<32xbf16>
          %get3A_413 = arith.index_cast %add3A_385 : i32 to index
          %get3A_414 = arith.constant 48 : index
          %get3A_415 = tpu.vector_load %arg10[%get3A_413, %get3A_414] {strides = array<i32>} : memref<256x64xi32, #tpu.memory_space<vmem>>, vector<16xi32>,
          %bitcast3A_416 = vector.bitcast %get3A_415 : vector<16xi32> to vector<32xbf16>
          %get3A_417 = arith.index_cast %add3A_385 : i32 to index
          %get3A_418 = arith.constant 48 : index
          %get3A_419 = tpu.vector_load %arg11[%get3A_417, %get3A_418] {strides = array<i32>} : memref<256x64xi32, #tpu.memory_space<vmem>>, vector<16xi32>,
          %bitcast3A_420 = vector.bitcast %get3A_419 : vector<16xi32> to vector<32xbf16>
          %mul3A_421 = arith.mulf %bitcast3A_416, %bitcast3A_420 : vector<32xbf16>
          %add3A_422 = arith.addf %mul3A_394, %mul3A_403 : vector<32xbf16>
          %add3A_423 = arith.addf %mul3A_412, %mul3A_421 : vector<32xbf16>
          %add3A_424 = arith.addf %add3A_422, %add3A_423 : vector<32xbf16>
          %unpack3A_425 = tpu.unpack_subelements %add3A_424, 0 {pack_format = #tpu.pack_format<interleaved>} : vector<32xbf16> -> vector<16xf32>
          %unpack3A_426 = tpu.unpack_subelements %add3A_424, 1 {pack_format = #tpu.pack_format<interleaved>} : vector<32xbf16> -> vector<16xf32>
          %eq3A_427 = arith.constant 4 : i32
          %eq3A_428 = vector.broadcast %eq3A_427 : i32 to vector<16xi32>
          %eq3A_429 = arith.cmpi eq, %iota3A, %eq3A_428 : vector<16xi32>
          %add3A_430 = arith.addf %unpack3A_425, %unpack3A_426 : vector<16xf32>
          %reduce_sum3A_431 = arith.constant true
          %reduce_sum3A_432 = vector.broadcast %reduce_sum3A_431 : i1 to vector<16xi1>
          %reduce_sum3A_433 = tpu.scan <sum>, %add3A_430 masked %reduce_sum3A_432 : vector<16xf32>, vector<16xi1> -> vector<16xf32>
          %reduce_sum3A_434 = vector.extract %reduce_sum3A_433[15] : f32 from vector<16xf32>
          %broadcast_in_dim3A_435 = vector.broadcast %reduce_sum3A_434 : f32 to vector<16xf32>
          %select_n3A_436 = arith.select %eq3A_429, %broadcast_in_dim3A_435, %select_n3A_381 : vector<16xi1>, vector<16xf32>
          %mul3A_437 = arith.constant 16 : i32
          %mul3A_438 = arith.muli %scan3A_165, %mul3A_437 : i32
          %add3A_439 = arith.constant 5 : i32
          %add3A_440 = arith.addi %mul3A_438, %add3A_439 : i32
          %get3A_441 = arith.index_cast %add3A_440 : i32 to index
          %get3A_442 = arith.constant 0 : index
          %get3A_443 = tpu.vector_load %arg10[%get3A_441, %get3A_442] {strides = array<i32>} : memref<256x64xi32, #tpu.memory_space<vmem>>, vector<16xi32>,
          %bitcast3A_444 = vector.bitcast %get3A_443 : vector<16xi32> to vector<32xbf16>
          %get3A_445 = arith.index_cast %add3A_440 : i32 to index
          %get3A_446 = arith.constant 0 : index
          %get3A_447 = tpu.vector_load %arg11[%get3A_445, %get3A_446] {strides = array<i32>} : memref<256x64xi32, #tpu.memory_space<vmem>>, vector<16xi32>,
          %bitcast3A_448 = vector.bitcast %get3A_447 : vector<16xi32> to vector<32xbf16>
          %mul3A_449 = arith.mulf %bitcast3A_444, %bitcast3A_448 : vector<32xbf16>
          %get3A_450 = arith.index_cast %add3A_440 : i32 to index
          %get3A_451 = arith.constant 16 : index
          %get3A_452 = tpu.vector_load %arg10[%get3A_450, %get3A_451] {strides = array<i32>} : memref<256x64xi32, #tpu.memory_space<vmem>>, vector<16xi32>,
          %bitcast3A_453 = vector.bitcast %get3A_452 : vector<16xi32> to vector<32xbf16>
          %get3A_454 = arith.index_cast %add3A_440 : i32 to index
          %get3A_455 = arith.constant 16 : index
          %get3A_456 = tpu.vector_load %arg11[%get3A_454, %get3A_455] {strides = array<i32>} : memref<256x64xi32, #tpu.memory_space<vmem>>, vector<16xi32>,
          %bitcast3A_457 = vector.bitcast %get3A_456 : vector<16xi32> to vector<32xbf16>
          %mul3A_458 = arith.mulf %bitcast3A_453, %bitcast3A_457 : vector<32xbf16>
          %get3A_459 = arith.index_cast %add3A_440 : i32 to index
          %get3A_460 = arith.constant 32 : index
          %get3A_461 = tpu.vector_load %arg10[%get3A_459, %get3A_460] {strides = array<i32>} : memref<256x64xi32, #tpu.memory_space<vmem>>, vector<16xi32>,
          %bitcast3A_462 = vector.bitcast %get3A_461 : vector<16xi32> to vector<32xbf16>
          %get3A_463 = arith.index_cast %add3A_440 : i32 to index
          %get3A_464 = arith.constant 32 : index
          %get3A_465 = tpu.vector_load %arg11[%get3A_463, %get3A_464] {strides = array<i32>} : memref<256x64xi32, #tpu.memory_space<vmem>>, vector<16xi32>,
          %bitcast3A_466 = vector.bitcast %get3A_465 : vector<16xi32> to vector<32xbf16>
          %mul3A_467 = arith.mulf %bitcast3A_462, %bitcast3A_466 : vector<32xbf16>
          %get3A_468 = arith.index_cast %add3A_440 : i32 to index
          %get3A_469 = arith.constant 48 : index
          %get3A_470 = tpu.vector_load %arg10[%get3A_468, %get3A_469] {strides = array<i32>} : memref<256x64xi32, #tpu.memory_space<vmem>>, vector<16xi32>,
          %bitcast3A_471 = vector.bitcast %get3A_470 : vector<16xi32> to vector<32xbf16>
          %get3A_472 = arith.index_cast %add3A_440 : i32 to index
          %get3A_473 = arith.constant 48 : index
          %get3A_474 = tpu.vector_load %arg11[%get3A_472, %get3A_473] {strides = array<i32>} : memref<256x64xi32, #tpu.memory_space<vmem>>, vector<16xi32>,
          %bitcast3A_475 = vector.bitcast %get3A_474 : vector<16xi32> to vector<32xbf16>
          %mul3A_476 = arith.mulf %bitcast3A_471, %bitcast3A_475 : vector<32xbf16>
          %add3A_477 = arith.addf %mul3A_449, %mul3A_458 : vector<32xbf16>
          %add3A_478 = arith.addf %mul3A_467, %mul3A_476 : vector<32xbf16>
          %add3A_479 = arith.addf %add3A_477, %add3A_478 : vector<32xbf16>
          %unpack3A_480 = tpu.unpack_subelements %add3A_479, 0 {pack_format = #tpu.pack_format<interleaved>} : vector<32xbf16> -> vector<16xf32>
          %unpack3A_481 = tpu.unpack_subelements %add3A_479, 1 {pack_format = #tpu.pack_format<interleaved>} : vector<32xbf16> -> vector<16xf32>
          %eq3A_482 = arith.constant 5 : i32
          %eq3A_483 = vector.broadcast %eq3A_482 : i32 to vector<16xi32>
          %eq3A_484 = arith.cmpi eq, %iota3A, %eq3A_483 : vector<16xi32>
          %add3A_485 = arith.addf %unpack3A_480, %unpack3A_481 : vector<16xf32>
          %reduce_sum3A_486 = arith.constant true
          %reduce_sum3A_487 = vector.broadcast %reduce_sum3A_486 : i1 to vector<16xi1>
          %reduce_sum3A_488 = tpu.scan <sum>, %add3A_485 masked %reduce_sum3A_487 : vector<16xf32>, vector<16xi1> -> vector<16xf32>
          %reduce_sum3A_489 = vector.extract %reduce_sum3A_488[15] : f32 from vector<16xf32>
          %broadcast_in_dim3A_490 = vector.broadcast %reduce_sum3A_489 : f32 to vector<16xf32>
          %select_n3A_491 = arith.select %eq3A_484, %broadcast_in_dim3A_490, %select_n3A_436 : vector<16xi1>, vector<16xf32>
          %mul3A_492 = arith.constant 16 : i32
          %mul3A_493 = arith.muli %scan3A_165, %mul3A_492 : i32
          %add3A_494 = arith.constant 6 : i32
          %add3A_495 = arith.addi %mul3A_493, %add3A_494 : i32
          %get3A_496 = arith.index_cast %add3A_495 : i32 to index
          %get3A_497 = arith.constant 0 : index
          %get3A_498 = tpu.vector_load %arg10[%get3A_496, %get3A_497] {strides = array<i32>} : memref<256x64xi32, #tpu.memory_space<vmem>>, vector<16xi32>,
          %bitcast3A_499 = vector.bitcast %get3A_498 : vector<16xi32> to vector<32xbf16>
          %get3A_500 = arith.index_cast %add3A_495 : i32 to index
          %get3A_501 = arith.constant 0 : index
          %get3A_502 = tpu.vector_load %arg11[%get3A_500, %get3A_501] {strides = array<i32>} : memref<256x64xi32, #tpu.memory_space<vmem>>, vector<16xi32>,
          %bitcast3A_503 = vector.bitcast %get3A_502 : vector<16xi32> to vector<32xbf16>
          %mul3A_504 = arith.mulf %bitcast3A_499, %bitcast3A_503 : vector<32xbf16>
          %get3A_505 = arith.index_cast %add3A_495 : i32 to index
          %get3A_506 = arith.constant 16 : index
          %get3A_507 = tpu.vector_load %arg10[%get3A_505, %get3A_506] {strides = array<i32>} : memref<256x64xi32, #tpu.memory_space<vmem>>, vector<16xi32>,
          %bitcast3A_508 = vector.bitcast %get3A_507 : vector<16xi32> to vector<32xbf16>
          %get3A_509 = arith.index_cast %add3A_495 : i32 to index
          %get3A_510 = arith.constant 16 : index
          %get3A_511 = tpu.vector_load %arg11[%get3A_509, %get3A_510] {strides = array<i32>} : memref<256x64xi32, #tpu.memory_space<vmem>>, vector<16xi32>,
          %bitcast3A_512 = vector.bitcast %get3A_511 : vector<16xi32> to vector<32xbf16>
          %mul3A_513 = arith.mulf %bitcast3A_508, %bitcast3A_512 : vector<32xbf16>
          %get3A_514 = arith.index_cast %add3A_495 : i32 to index
          %get3A_515 = arith.constant 32 : index
          %get3A_516 = tpu.vector_load %arg10[%get3A_514, %get3A_515] {strides = array<i32>} : memref<256x64xi32, #tpu.memory_space<vmem>>, vector<16xi32>,
          %bitcast3A_517 = vector.bitcast %get3A_516 : vector<16xi32> to vector<32xbf16>
          %get3A_518 = arith.index_cast %add3A_495 : i32 to index
          %get3A_519 = arith.constant 32 : index
          %get3A_520 = tpu.vector_load %arg11[%get3A_518, %get3A_519] {strides = array<i32>} : memref<256x64xi32, #tpu.memory_space<vmem>>, vector<16xi32>,
          %bitcast3A_521 = vector.bitcast %get3A_520 : vector<16xi32> to vector<32xbf16>
          %mul3A_522 = arith.mulf %bitcast3A_517, %bitcast3A_521 : vector<32xbf16>
          %get3A_523 = arith.index_cast %add3A_495 : i32 to index
          %get3A_524 = arith.constant 48 : index
          %get3A_525 = tpu.vector_load %arg10[%get3A_523, %get3A_524] {strides = array<i32>} : memref<256x64xi32, #tpu.memory_space<vmem>>, vector<16xi32>,
          %bitcast3A_526 = vector.bitcast %get3A_525 : vector<16xi32> to vector<32xbf16>
          %get3A_527 = arith.index_cast %add3A_495 : i32 to index
          %get3A_528 = arith.constant 48 : index
          %get3A_529 = tpu.vector_load %arg11[%get3A_527, %get3A_528] {strides = array<i32>} : memref<256x64xi32, #tpu.memory_space<vmem>>, vector<16xi32>,
          %bitcast3A_530 = vector.bitcast %get3A_529 : vector<16xi32> to vector<32xbf16>
          %mul3A_531 = arith.mulf %bitcast3A_526, %bitcast3A_530 : vector<32xbf16>
          %add3A_532 = arith.addf %mul3A_504, %mul3A_513 : vector<32xbf16>
          %add3A_533 = arith.addf %mul3A_522, %mul3A_531 : vector<32xbf16>
          %add3A_534 = arith.addf %add3A_532, %add3A_533 : vector<32xbf16>
          %unpack3A_535 = tpu.unpack_subelements %add3A_534, 0 {pack_format = #tpu.pack_format<interleaved>} : vector<32xbf16> -> vector<16xf32>
          %unpack3A_536 = tpu.unpack_subelements %add3A_534, 1 {pack_format = #tpu.pack_format<interleaved>} : vector<32xbf16> -> vector<16xf32>
          %eq3A_537 = arith.constant 6 : i32
          %eq3A_538 = vector.broadcast %eq3A_537 : i32 to vector<16xi32>
          %eq3A_539 = arith.cmpi eq, %iota3A, %eq3A_538 : vector<16xi32>
          %add3A_540 = arith.addf %unpack3A_535, %unpack3A_536 : vector<16xf32>
          %reduce_sum3A_541 = arith.constant true
          %reduce_sum3A_542 = vector.broadcast %reduce_sum3A_541 : i1 to vector<16xi1>
          %reduce_sum3A_543 = tpu.scan <sum>, %add3A_540 masked %reduce_sum3A_542 : vector<16xf32>, vector<16xi1> -> vector<16xf32>
          %reduce_sum3A_544 = vector.extract %reduce_sum3A_543[15] : f32 from vector<16xf32>
          %broadcast_in_dim3A_545 = vector.broadcast %reduce_sum3A_544 : f32 to vector<16xf32>
          %select_n3A_546 = arith.select %eq3A_539, %broadcast_in_dim3A_545, %select_n3A_491 : vector<16xi1>, vector<16xf32>
          %mul3A_547 = arith.constant 16 : i32
          %mul3A_548 = arith.muli %scan3A_165, %mul3A_547 : i32
          %add3A_549 = arith.constant 7 : i32
          %add3A_550 = arith.addi %mul3A_548, %add3A_549 : i32
          %get3A_551 = arith.index_cast %add3A_550 : i32 to index
          %get3A_552 = arith.constant 0 : index
          %get3A_553 = tpu.vector_load %arg10[%get3A_551, %get3A_552] {strides = array<i32>} : memref<256x64xi32, #tpu.memory_space<vmem>>, vector<16xi32>,
          %bitcast3A_554 = vector.bitcast %get3A_553 : vector<16xi32> to vector<32xbf16>
          %get3A_555 = arith.index_cast %add3A_550 : i32 to index
          %get3A_556 = arith.constant 0 : index
          %get3A_557 = tpu.vector_load %arg11[%get3A_555, %get3A_556] {strides = array<i32>} : memref<256x64xi32, #tpu.memory_space<vmem>>, vector<16xi32>,
          %bitcast3A_558 = vector.bitcast %get3A_557 : vector<16xi32> to vector<32xbf16>
          %mul3A_559 = arith.mulf %bitcast3A_554, %bitcast3A_558 : vector<32xbf16>
          %get3A_560 = arith.index_cast %add3A_550 : i32 to index
          %get3A_561 = arith.constant 16 : index
          %get3A_562 = tpu.vector_load %arg10[%get3A_560, %get3A_561] {strides = array<i32>} : memref<256x64xi32, #tpu.memory_space<vmem>>, vector<16xi32>,
          %bitcast3A_563 = vector.bitcast %get3A_562 : vector<16xi32> to vector<32xbf16>
          %get3A_564 = arith.index_cast %add3A_550 : i32 to index
          %get3A_565 = arith.constant 16 : index
          %get3A_566 = tpu.vector_load %arg11[%get3A_564, %get3A_565] {strides = array<i32>} : memref<256x64xi32, #tpu.memory_space<vmem>>, vector<16xi32>,
          %bitcast3A_567 = vector.bitcast %get3A_566 : vector<16xi32> to vector<32xbf16>
          %mul3A_568 = arith.mulf %bitcast3A_563, %bitcast3A_567 : vector<32xbf16>
          %get3A_569 = arith.index_cast %add3A_550 : i32 to index
          %get3A_570 = arith.constant 32 : index
          %get3A_571 = tpu.vector_load %arg10[%get3A_569, %get3A_570] {strides = array<i32>} : memref<256x64xi32, #tpu.memory_space<vmem>>, vector<16xi32>,
          %bitcast3A_572 = vector.bitcast %get3A_571 : vector<16xi32> to vector<32xbf16>
          %get3A_573 = arith.index_cast %add3A_550 : i32 to index
          %get3A_574 = arith.constant 32 : index
          %get3A_575 = tpu.vector_load %arg11[%get3A_573, %get3A_574] {strides = array<i32>} : memref<256x64xi32, #tpu.memory_space<vmem>>, vector<16xi32>,
          %bitcast3A_576 = vector.bitcast %get3A_575 : vector<16xi32> to vector<32xbf16>
          %mul3A_577 = arith.mulf %bitcast3A_572, %bitcast3A_576 : vector<32xbf16>
          %get3A_578 = arith.index_cast %add3A_550 : i32 to index
          %get3A_579 = arith.constant 48 : index
          %get3A_580 = tpu.vector_load %arg10[%get3A_578, %get3A_579] {strides = array<i32>} : memref<256x64xi32, #tpu.memory_space<vmem>>, vector<16xi32>,
          %bitcast3A_581 = vector.bitcast %get3A_580 : vector<16xi32> to vector<32xbf16>
          %get3A_582 = arith.index_cast %add3A_550 : i32 to index
          %get3A_583 = arith.constant 48 : index
          %get3A_584 = tpu.vector_load %arg11[%get3A_582, %get3A_583] {strides = array<i32>} : memref<256x64xi32, #tpu.memory_space<vmem>>, vector<16xi32>,
          %bitcast3A_585 = vector.bitcast %get3A_584 : vector<16xi32> to vector<32xbf16>
          %mul3A_586 = arith.mulf %bitcast3A_581, %bitcast3A_585 : vector<32xbf16>
          %add3A_587 = arith.addf %mul3A_559, %mul3A_568 : vector<32xbf16>
          %add3A_588 = arith.addf %mul3A_577, %mul3A_586 : vector<32xbf16>
          %add3A_589 = arith.addf %add3A_587, %add3A_588 : vector<32xbf16>
          %unpack3A_590 = tpu.unpack_subelements %add3A_589, 0 {pack_format = #tpu.pack_format<interleaved>} : vector<32xbf16> -> vector<16xf32>
          %unpack3A_591 = tpu.unpack_subelements %add3A_589, 1 {pack_format = #tpu.pack_format<interleaved>} : vector<32xbf16> -> vector<16xf32>
          %eq3A_592 = arith.constant 7 : i32
          %eq3A_593 = vector.broadcast %eq3A_592 : i32 to vector<16xi32>
          %eq3A_594 = arith.cmpi eq, %iota3A, %eq3A_593 : vector<16xi32>
          %add3A_595 = arith.addf %unpack3A_590, %unpack3A_591 : vector<16xf32>
          %reduce_sum3A_596 = arith.constant true
          %reduce_sum3A_597 = vector.broadcast %reduce_sum3A_596 : i1 to vector<16xi1>
          %reduce_sum3A_598 = tpu.scan <sum>, %add3A_595 masked %reduce_sum3A_597 : vector<16xf32>, vector<16xi1> -> vector<16xf32>
          %reduce_sum3A_599 = vector.extract %reduce_sum3A_598[15] : f32 from vector<16xf32>
          %broadcast_in_dim3A_600 = vector.broadcast %reduce_sum3A_599 : f32 to vector<16xf32>
          %select_n3A_601 = arith.select %eq3A_594, %broadcast_in_dim3A_600, %select_n3A_546 : vector<16xi1>, vector<16xf32>
          %mul3A_602 = arith.constant 16 : i32
          %mul3A_603 = arith.muli %scan3A_165, %mul3A_602 : i32
          %add3A_604 = arith.constant 8 : i32
          %add3A_605 = arith.addi %mul3A_603, %add3A_604 : i32
          %get3A_606 = arith.index_cast %add3A_605 : i32 to index
          %get3A_607 = arith.constant 0 : index
          %get3A_608 = tpu.vector_load %arg10[%get3A_606, %get3A_607] {strides = array<i32>} : memref<256x64xi32, #tpu.memory_space<vmem>>, vector<16xi32>,
          %bitcast3A_609 = vector.bitcast %get3A_608 : vector<16xi32> to vector<32xbf16>
          %get3A_610 = arith.index_cast %add3A_605 : i32 to index
          %get3A_611 = arith.constant 0 : index
          %get3A_612 = tpu.vector_load %arg11[%get3A_610, %get3A_611] {strides = array<i32>} : memref<256x64xi32, #tpu.memory_space<vmem>>, vector<16xi32>,
          %bitcast3A_613 = vector.bitcast %get3A_612 : vector<16xi32> to vector<32xbf16>
          %mul3A_614 = arith.mulf %bitcast3A_609, %bitcast3A_613 : vector<32xbf16>
          %get3A_615 = arith.index_cast %add3A_605 : i32 to index
          %get3A_616 = arith.constant 16 : index
          %get3A_617 = tpu.vector_load %arg10[%get3A_615, %get3A_616] {strides = array<i32>} : memref<256x64xi32, #tpu.memory_space<vmem>>, vector<16xi32>,
          %bitcast3A_618 = vector.bitcast %get3A_617 : vector<16xi32> to vector<32xbf16>
          %get3A_619 = arith.index_cast %add3A_605 : i32 to index
          %get3A_620 = arith.constant 16 : index
          %get3A_621 = tpu.vector_load %arg11[%get3A_619, %get3A_620] {strides = array<i32>} : memref<256x64xi32, #tpu.memory_space<vmem>>, vector<16xi32>,
          %bitcast3A_622 = vector.bitcast %get3A_621 : vector<16xi32> to vector<32xbf16>
          %mul3A_623 = arith.mulf %bitcast3A_618, %bitcast3A_622 : vector<32xbf16>
          %get3A_624 = arith.index_cast %add3A_605 : i32 to index
          %get3A_625 = arith.constant 32 : index
          %get3A_626 = tpu.vector_load %arg10[%get3A_624, %get3A_625] {strides = array<i32>} : memref<256x64xi32, #tpu.memory_space<vmem>>, vector<16xi32>,
          %bitcast3A_627 = vector.bitcast %get3A_626 : vector<16xi32> to vector<32xbf16>
          %get3A_628 = arith.index_cast %add3A_605 : i32 to index
          %get3A_629 = arith.constant 32 : index
          %get3A_630 = tpu.vector_load %arg11[%get3A_628, %get3A_629] {strides = array<i32>} : memref<256x64xi32, #tpu.memory_space<vmem>>, vector<16xi32>,
          %bitcast3A_631 = vector.bitcast %get3A_630 : vector<16xi32> to vector<32xbf16>
          %mul3A_632 = arith.mulf %bitcast3A_627, %bitcast3A_631 : vector<32xbf16>
          %get3A_633 = arith.index_cast %add3A_605 : i32 to index
          %get3A_634 = arith.constant 48 : index
          %get3A_635 = tpu.vector_load %arg10[%get3A_633, %get3A_634] {strides = array<i32>} : memref<256x64xi32, #tpu.memory_space<vmem>>, vector<16xi32>,
          %bitcast3A_636 = vector.bitcast %get3A_635 : vector<16xi32> to vector<32xbf16>
          %get3A_637 = arith.index_cast %add3A_605 : i32 to index
          %get3A_638 = arith.constant 48 : index
          %get3A_639 = tpu.vector_load %arg11[%get3A_637, %get3A_638] {strides = array<i32>} : memref<256x64xi32, #tpu.memory_space<vmem>>, vector<16xi32>,
          %bitcast3A_640 = vector.bitcast %get3A_639 : vector<16xi32> to vector<32xbf16>
          %mul3A_641 = arith.mulf %bitcast3A_636, %bitcast3A_640 : vector<32xbf16>
          %add3A_642 = arith.addf %mul3A_614, %mul3A_623 : vector<32xbf16>
          %add3A_643 = arith.addf %mul3A_632, %mul3A_641 : vector<32xbf16>
          %add3A_644 = arith.addf %add3A_642, %add3A_643 : vector<32xbf16>
          %unpack3A_645 = tpu.unpack_subelements %add3A_644, 0 {pack_format = #tpu.pack_format<interleaved>} : vector<32xbf16> -> vector<16xf32>
          %unpack3A_646 = tpu.unpack_subelements %add3A_644, 1 {pack_format = #tpu.pack_format<interleaved>} : vector<32xbf16> -> vector<16xf32>
          %eq3A_647 = arith.constant 8 : i32
          %eq3A_648 = vector.broadcast %eq3A_647 : i32 to vector<16xi32>
          %eq3A_649 = arith.cmpi eq, %iota3A, %eq3A_648 : vector<16xi32>
          %add3A_650 = arith.addf %unpack3A_645, %unpack3A_646 : vector<16xf32>
          %reduce_sum3A_651 = arith.constant true
          %reduce_sum3A_652 = vector.broadcast %reduce_sum3A_651 : i1 to vector<16xi1>
          %reduce_sum3A_653 = tpu.scan <sum>, %add3A_650 masked %reduce_sum3A_652 : vector<16xf32>, vector<16xi1> -> vector<16xf32>
          %reduce_sum3A_654 = vector.extract %reduce_sum3A_653[15] : f32 from vector<16xf32>
          %broadcast_in_dim3A_655 = vector.broadcast %reduce_sum3A_654 : f32 to vector<16xf32>
          %select_n3A_656 = arith.select %eq3A_649, %broadcast_in_dim3A_655, %select_n3A_601 : vector<16xi1>, vector<16xf32>
          %mul3A_657 = arith.constant 16 : i32
          %mul3A_658 = arith.muli %scan3A_165, %mul3A_657 : i32
          %add3A_659 = arith.constant 9 : i32
          %add3A_660 = arith.addi %mul3A_658, %add3A_659 : i32
          %get3A_661 = arith.index_cast %add3A_660 : i32 to index
          %get3A_662 = arith.constant 0 : index
          %get3A_663 = tpu.vector_load %arg10[%get3A_661, %get3A_662] {strides = array<i32>} : memref<256x64xi32, #tpu.memory_space<vmem>>, vector<16xi32>,
          %bitcast3A_664 = vector.bitcast %get3A_663 : vector<16xi32> to vector<32xbf16>
          %get3A_665 = arith.index_cast %add3A_660 : i32 to index
          %get3A_666 = arith.constant 0 : index
          %get3A_667 = tpu.vector_load %arg11[%get3A_665, %get3A_666] {strides = array<i32>} : memref<256x64xi32, #tpu.memory_space<vmem>>, vector<16xi32>,
          %bitcast3A_668 = vector.bitcast %get3A_667 : vector<16xi32> to vector<32xbf16>
          %mul3A_669 = arith.mulf %bitcast3A_664, %bitcast3A_668 : vector<32xbf16>
          %get3A_670 = arith.index_cast %add3A_660 : i32 to index
          %get3A_671 = arith.constant 16 : index
          %get3A_672 = tpu.vector_load %arg10[%get3A_670, %get3A_671] {strides = array<i32>} : memref<256x64xi32, #tpu.memory_space<vmem>>, vector<16xi32>,
          %bitcast3A_673 = vector.bitcast %get3A_672 : vector<16xi32> to vector<32xbf16>
          %get3A_674 = arith.index_cast %add3A_660 : i32 to index
          %get3A_675 = arith.constant 16 : index
          %get3A_676 = tpu.vector_load %arg11[%get3A_674, %get3A_675] {strides = array<i32>} : memref<256x64xi32, #tpu.memory_space<vmem>>, vector<16xi32>,
          %bitcast3A_677 = vector.bitcast %get3A_676 : vector<16xi32> to vector<32xbf16>
          %mul3A_678 = arith.mulf %bitcast3A_673, %bitcast3A_677 : vector<32xbf16>
          %get3A_679 = arith.index_cast %add3A_660 : i32 to index
          %get3A_680 = arith.constant 32 : index
          %get3A_681 = tpu.vector_load %arg10[%get3A_679, %get3A_680] {strides = array<i32>} : memref<256x64xi32, #tpu.memory_space<vmem>>, vector<16xi32>,
          %bitcast3A_682 = vector.bitcast %get3A_681 : vector<16xi32> to vector<32xbf16>
          %get3A_683 = arith.index_cast %add3A_660 : i32 to index
          %get3A_684 = arith.constant 32 : index
          %get3A_685 = tpu.vector_load %arg11[%get3A_683, %get3A_684] {strides = array<i32>} : memref<256x64xi32, #tpu.memory_space<vmem>>, vector<16xi32>,
          %bitcast3A_686 = vector.bitcast %get3A_685 : vector<16xi32> to vector<32xbf16>
          %mul3A_687 = arith.mulf %bitcast3A_682, %bitcast3A_686 : vector<32xbf16>
          %get3A_688 = arith.index_cast %add3A_660 : i32 to index
          %get3A_689 = arith.constant 48 : index
          %get3A_690 = tpu.vector_load %arg10[%get3A_688, %get3A_689] {strides = array<i32>} : memref<256x64xi32, #tpu.memory_space<vmem>>, vector<16xi32>,
          %bitcast3A_691 = vector.bitcast %get3A_690 : vector<16xi32> to vector<32xbf16>
          %get3A_692 = arith.index_cast %add3A_660 : i32 to index
          %get3A_693 = arith.constant 48 : index
          %get3A_694 = tpu.vector_load %arg11[%get3A_692, %get3A_693] {strides = array<i32>} : memref<256x64xi32, #tpu.memory_space<vmem>>, vector<16xi32>,
          %bitcast3A_695 = vector.bitcast %get3A_694 : vector<16xi32> to vector<32xbf16>
          %mul3A_696 = arith.mulf %bitcast3A_691, %bitcast3A_695 : vector<32xbf16>
          %add3A_697 = arith.addf %mul3A_669, %mul3A_678 : vector<32xbf16>
          %add3A_698 = arith.addf %mul3A_687, %mul3A_696 : vector<32xbf16>
          %add3A_699 = arith.addf %add3A_697, %add3A_698 : vector<32xbf16>
          %unpack3A_700 = tpu.unpack_subelements %add3A_699, 0 {pack_format = #tpu.pack_format<interleaved>} : vector<32xbf16> -> vector<16xf32>
          %unpack3A_701 = tpu.unpack_subelements %add3A_699, 1 {pack_format = #tpu.pack_format<interleaved>} : vector<32xbf16> -> vector<16xf32>
          %eq3A_702 = arith.constant 9 : i32
          %eq3A_703 = vector.broadcast %eq3A_702 : i32 to vector<16xi32>
          %eq3A_704 = arith.cmpi eq, %iota3A, %eq3A_703 : vector<16xi32>
          %add3A_705 = arith.addf %unpack3A_700, %unpack3A_701 : vector<16xf32>
          %reduce_sum3A_706 = arith.constant true
          %reduce_sum3A_707 = vector.broadcast %reduce_sum3A_706 : i1 to vector<16xi1>
          %reduce_sum3A_708 = tpu.scan <sum>, %add3A_705 masked %reduce_sum3A_707 : vector<16xf32>, vector<16xi1> -> vector<16xf32>
          %reduce_sum3A_709 = vector.extract %reduce_sum3A_708[15] : f32 from vector<16xf32>
          %broadcast_in_dim3A_710 = vector.broadcast %reduce_sum3A_709 : f32 to vector<16xf32>
          %select_n3A_711 = arith.select %eq3A_704, %broadcast_in_dim3A_710, %select_n3A_656 : vector<16xi1>, vector<16xf32>
          %mul3A_712 = arith.constant 16 : i32
          %mul3A_713 = arith.muli %scan3A_165, %mul3A_712 : i32
          %add3A_714 = arith.constant 10 : i32
          %add3A_715 = arith.addi %mul3A_713, %add3A_714 : i32
          %get3A_716 = arith.index_cast %add3A_715 : i32 to index
          %get3A_717 = arith.constant 0 : index
          %get3A_718 = tpu.vector_load %arg10[%get3A_716, %get3A_717] {strides = array<i32>} : memref<256x64xi32, #tpu.memory_space<vmem>>, vector<16xi32>,
          %bitcast3A_719 = vector.bitcast %get3A_718 : vector<16xi32> to vector<32xbf16>
          %get3A_720 = arith.index_cast %add3A_715 : i32 to index
          %get3A_721 = arith.constant 0 : index
          %get3A_722 = tpu.vector_load %arg11[%get3A_720, %get3A_721] {strides = array<i32>} : memref<256x64xi32, #tpu.memory_space<vmem>>, vector<16xi32>,
          %bitcast3A_723 = vector.bitcast %get3A_722 : vector<16xi32> to vector<32xbf16>
          %mul3A_724 = arith.mulf %bitcast3A_719, %bitcast3A_723 : vector<32xbf16>
          %get3A_725 = arith.index_cast %add3A_715 : i32 to index
          %get3A_726 = arith.constant 16 : index
          %get3A_727 = tpu.vector_load %arg10[%get3A_725, %get3A_726] {strides = array<i32>} : memref<256x64xi32, #tpu.memory_space<vmem>>, vector<16xi32>,
          %bitcast3A_728 = vector.bitcast %get3A_727 : vector<16xi32> to vector<32xbf16>
          %get3A_729 = arith.index_cast %add3A_715 : i32 to index
          %get3A_730 = arith.constant 16 : index
          %get3A_731 = tpu.vector_load %arg11[%get3A_729, %get3A_730] {strides = array<i32>} : memref<256x64xi32, #tpu.memory_space<vmem>>, vector<16xi32>,
          %bitcast3A_732 = vector.bitcast %get3A_731 : vector<16xi32> to vector<32xbf16>
          %mul3A_733 = arith.mulf %bitcast3A_728, %bitcast3A_732 : vector<32xbf16>
          %get3A_734 = arith.index_cast %add3A_715 : i32 to index
          %get3A_735 = arith.constant 32 : index
          %get3A_736 = tpu.vector_load %arg10[%get3A_734, %get3A_735] {strides = array<i32>} : memref<256x64xi32, #tpu.memory_space<vmem>>, vector<16xi32>,
          %bitcast3A_737 = vector.bitcast %get3A_736 : vector<16xi32> to vector<32xbf16>
          %get3A_738 = arith.index_cast %add3A_715 : i32 to index
          %get3A_739 = arith.constant 32 : index
          %get3A_740 = tpu.vector_load %arg11[%get3A_738, %get3A_739] {strides = array<i32>} : memref<256x64xi32, #tpu.memory_space<vmem>>, vector<16xi32>,
          %bitcast3A_741 = vector.bitcast %get3A_740 : vector<16xi32> to vector<32xbf16>
          %mul3A_742 = arith.mulf %bitcast3A_737, %bitcast3A_741 : vector<32xbf16>
          %get3A_743 = arith.index_cast %add3A_715 : i32 to index
          %get3A_744 = arith.constant 48 : index
          %get3A_745 = tpu.vector_load %arg10[%get3A_743, %get3A_744] {strides = array<i32>} : memref<256x64xi32, #tpu.memory_space<vmem>>, vector<16xi32>,
          %bitcast3A_746 = vector.bitcast %get3A_745 : vector<16xi32> to vector<32xbf16>
          %get3A_747 = arith.index_cast %add3A_715 : i32 to index
          %get3A_748 = arith.constant 48 : index
          %get3A_749 = tpu.vector_load %arg11[%get3A_747, %get3A_748] {strides = array<i32>} : memref<256x64xi32, #tpu.memory_space<vmem>>, vector<16xi32>,
          %bitcast3A_750 = vector.bitcast %get3A_749 : vector<16xi32> to vector<32xbf16>
          %mul3A_751 = arith.mulf %bitcast3A_746, %bitcast3A_750 : vector<32xbf16>
          %add3A_752 = arith.addf %mul3A_724, %mul3A_733 : vector<32xbf16>
          %add3A_753 = arith.addf %mul3A_742, %mul3A_751 : vector<32xbf16>
          %add3A_754 = arith.addf %add3A_752, %add3A_753 : vector<32xbf16>
          %unpack3A_755 = tpu.unpack_subelements %add3A_754, 0 {pack_format = #tpu.pack_format<interleaved>} : vector<32xbf16> -> vector<16xf32>
          %unpack3A_756 = tpu.unpack_subelements %add3A_754, 1 {pack_format = #tpu.pack_format<interleaved>} : vector<32xbf16> -> vector<16xf32>
          %eq3A_757 = arith.constant 10 : i32
          %eq3A_758 = vector.broadcast %eq3A_757 : i32 to vector<16xi32>
          %eq3A_759 = arith.cmpi eq, %iota3A, %eq3A_758 : vector<16xi32>
          %add3A_760 = arith.addf %unpack3A_755, %unpack3A_756 : vector<16xf32>
          %reduce_sum3A_761 = arith.constant true
          %reduce_sum3A_762 = vector.broadcast %reduce_sum3A_761 : i1 to vector<16xi1>
          %reduce_sum3A_763 = tpu.scan <sum>, %add3A_760 masked %reduce_sum3A_762 : vector<16xf32>, vector<16xi1> -> vector<16xf32>
          %reduce_sum3A_764 = vector.extract %reduce_sum3A_763[15] : f32 from vector<16xf32>
          %broadcast_in_dim3A_765 = vector.broadcast %reduce_sum3A_764 : f32 to vector<16xf32>
          %select_n3A_766 = arith.select %eq3A_759, %broadcast_in_dim3A_765, %select_n3A_711 : vector<16xi1>, vector<16xf32>
          %mul3A_767 = arith.constant 16 : i32
          %mul3A_768 = arith.muli %scan3A_165, %mul3A_767 : i32
          %add3A_769 = arith.constant 11 : i32
          %add3A_770 = arith.addi %mul3A_768, %add3A_769 : i32
          %get3A_771 = arith.index_cast %add3A_770 : i32 to index
          %get3A_772 = arith.constant 0 : index
          %get3A_773 = tpu.vector_load %arg10[%get3A_771, %get3A_772] {strides = array<i32>} : memref<256x64xi32, #tpu.memory_space<vmem>>, vector<16xi32>,
          %bitcast3A_774 = vector.bitcast %get3A_773 : vector<16xi32> to vector<32xbf16>
          %get3A_775 = arith.index_cast %add3A_770 : i32 to index
          %get3A_776 = arith.constant 0 : index
          %get3A_777 = tpu.vector_load %arg11[%get3A_775, %get3A_776] {strides = array<i32>} : memref<256x64xi32, #tpu.memory_space<vmem>>, vector<16xi32>,
          %bitcast3A_778 = vector.bitcast %get3A_777 : vector<16xi32> to vector<32xbf16>
          %mul3A_779 = arith.mulf %bitcast3A_774, %bitcast3A_778 : vector<32xbf16>
          %get3A_780 = arith.index_cast %add3A_770 : i32 to index
          %get3A_781 = arith.constant 16 : index
          %get3A_782 = tpu.vector_load %arg10[%get3A_780, %get3A_781] {strides = array<i32>} : memref<256x64xi32, #tpu.memory_space<vmem>>, vector<16xi32>,
          %bitcast3A_783 = vector.bitcast %get3A_782 : vector<16xi32> to vector<32xbf16>
          %get3A_784 = arith.index_cast %add3A_770 : i32 to index
          %get3A_785 = arith.constant 16 : index
          %get3A_786 = tpu.vector_load %arg11[%get3A_784, %get3A_785] {strides = array<i32>} : memref<256x64xi32, #tpu.memory_space<vmem>>, vector<16xi32>,
          %bitcast3A_787 = vector.bitcast %get3A_786 : vector<16xi32> to vector<32xbf16>
          %mul3A_788 = arith.mulf %bitcast3A_783, %bitcast3A_787 : vector<32xbf16>
          %get3A_789 = arith.index_cast %add3A_770 : i32 to index
          %get3A_790 = arith.constant 32 : index
          %get3A_791 = tpu.vector_load %arg10[%get3A_789, %get3A_790] {strides = array<i32>} : memref<256x64xi32, #tpu.memory_space<vmem>>, vector<16xi32>,
          %bitcast3A_792 = vector.bitcast %get3A_791 : vector<16xi32> to vector<32xbf16>
          %get3A_793 = arith.index_cast %add3A_770 : i32 to index
          %get3A_794 = arith.constant 32 : index
          %get3A_795 = tpu.vector_load %arg11[%get3A_793, %get3A_794] {strides = array<i32>} : memref<256x64xi32, #tpu.memory_space<vmem>>, vector<16xi32>,
          %bitcast3A_796 = vector.bitcast %get3A_795 : vector<16xi32> to vector<32xbf16>
          %mul3A_797 = arith.mulf %bitcast3A_792, %bitcast3A_796 : vector<32xbf16>
          %get3A_798 = arith.index_cast %add3A_770 : i32 to index
          %get3A_799 = arith.constant 48 : index
          %get3A_800 = tpu.vector_load %arg10[%get3A_798, %get3A_799] {strides = array<i32>} : memref<256x64xi32, #tpu.memory_space<vmem>>, vector<16xi32>,
          %bitcast3A_801 = vector.bitcast %get3A_800 : vector<16xi32> to vector<32xbf16>
          %get3A_802 = arith.index_cast %add3A_770 : i32 to index
          %get3A_803 = arith.constant 48 : index
          %get3A_804 = tpu.vector_load %arg11[%get3A_802, %get3A_803] {strides = array<i32>} : memref<256x64xi32, #tpu.memory_space<vmem>>, vector<16xi32>,
          %bitcast3A_805 = vector.bitcast %get3A_804 : vector<16xi32> to vector<32xbf16>
          %mul3A_806 = arith.mulf %bitcast3A_801, %bitcast3A_805 : vector<32xbf16>
          %add3A_807 = arith.addf %mul3A_779, %mul3A_788 : vector<32xbf16>
          %add3A_808 = arith.addf %mul3A_797, %mul3A_806 : vector<32xbf16>
          %add3A_809 = arith.addf %add3A_807, %add3A_808 : vector<32xbf16>
          %unpack3A_810 = tpu.unpack_subelements %add3A_809, 0 {pack_format = #tpu.pack_format<interleaved>} : vector<32xbf16> -> vector<16xf32>
          %unpack3A_811 = tpu.unpack_subelements %add3A_809, 1 {pack_format = #tpu.pack_format<interleaved>} : vector<32xbf16> -> vector<16xf32>
          %eq3A_812 = arith.constant 11 : i32
          %eq3A_813 = vector.broadcast %eq3A_812 : i32 to vector<16xi32>
          %eq3A_814 = arith.cmpi eq, %iota3A, %eq3A_813 : vector<16xi32>
          %add3A_815 = arith.addf %unpack3A_810, %unpack3A_811 : vector<16xf32>
          %reduce_sum3A_816 = arith.constant true
          %reduce_sum3A_817 = vector.broadcast %reduce_sum3A_816 : i1 to vector<16xi1>
          %reduce_sum3A_818 = tpu.scan <sum>, %add3A_815 masked %reduce_sum3A_817 : vector<16xf32>, vector<16xi1> -> vector<16xf32>
          %reduce_sum3A_819 = vector.extract %reduce_sum3A_818[15] : f32 from vector<16xf32>
          %broadcast_in_dim3A_820 = vector.broadcast %reduce_sum3A_819 : f32 to vector<16xf32>
          %select_n3A_821 = arith.select %eq3A_814, %broadcast_in_dim3A_820, %select_n3A_766 : vector<16xi1>, vector<16xf32>
          %mul3A_822 = arith.constant 16 : i32
          %mul3A_823 = arith.muli %scan3A_165, %mul3A_822 : i32
          %add3A_824 = arith.constant 12 : i32
          %add3A_825 = arith.addi %mul3A_823, %add3A_824 : i32
          %get3A_826 = arith.index_cast %add3A_825 : i32 to index
          %get3A_827 = arith.constant 0 : index
          %get3A_828 = tpu.vector_load %arg10[%get3A_826, %get3A_827] {strides = array<i32>} : memref<256x64xi32, #tpu.memory_space<vmem>>, vector<16xi32>,
          %bitcast3A_829 = vector.bitcast %get3A_828 : vector<16xi32> to vector<32xbf16>
          %get3A_830 = arith.index_cast %add3A_825 : i32 to index
          %get3A_831 = arith.constant 0 : index
          %get3A_832 = tpu.vector_load %arg11[%get3A_830, %get3A_831] {strides = array<i32>} : memref<256x64xi32, #tpu.memory_space<vmem>>, vector<16xi32>,
          %bitcast3A_833 = vector.bitcast %get3A_832 : vector<16xi32> to vector<32xbf16>
          %mul3A_834 = arith.mulf %bitcast3A_829, %bitcast3A_833 : vector<32xbf16>
          %get3A_835 = arith.index_cast %add3A_825 : i32 to index
          %get3A_836 = arith.constant 16 : index
          %get3A_837 = tpu.vector_load %arg10[%get3A_835, %get3A_836] {strides = array<i32>} : memref<256x64xi32, #tpu.memory_space<vmem>>, vector<16xi32>,
          %bitcast3A_838 = vector.bitcast %get3A_837 : vector<16xi32> to vector<32xbf16>
          %get3A_839 = arith.index_cast %add3A_825 : i32 to index
          %get3A_840 = arith.constant 16 : index
          %get3A_841 = tpu.vector_load %arg11[%get3A_839, %get3A_840] {strides = array<i32>} : memref<256x64xi32, #tpu.memory_space<vmem>>, vector<16xi32>,
          %bitcast3A_842 = vector.bitcast %get3A_841 : vector<16xi32> to vector<32xbf16>
          %mul3A_843 = arith.mulf %bitcast3A_838, %bitcast3A_842 : vector<32xbf16>
          %get3A_844 = arith.index_cast %add3A_825 : i32 to index
          %get3A_845 = arith.constant 32 : index
          %get3A_846 = tpu.vector_load %arg10[%get3A_844, %get3A_845] {strides = array<i32>} : memref<256x64xi32, #tpu.memory_space<vmem>>, vector<16xi32>,
          %bitcast3A_847 = vector.bitcast %get3A_846 : vector<16xi32> to vector<32xbf16>
          %get3A_848 = arith.index_cast %add3A_825 : i32 to index
          %get3A_849 = arith.constant 32 : index
          %get3A_850 = tpu.vector_load %arg11[%get3A_848, %get3A_849] {strides = array<i32>} : memref<256x64xi32, #tpu.memory_space<vmem>>, vector<16xi32>,
          %bitcast3A_851 = vector.bitcast %get3A_850 : vector<16xi32> to vector<32xbf16>
          %mul3A_852 = arith.mulf %bitcast3A_847, %bitcast3A_851 : vector<32xbf16>
          %get3A_853 = arith.index_cast %add3A_825 : i32 to index
          %get3A_854 = arith.constant 48 : index
          %get3A_855 = tpu.vector_load %arg10[%get3A_853, %get3A_854] {strides = array<i32>} : memref<256x64xi32, #tpu.memory_space<vmem>>, vector<16xi32>,
          %bitcast3A_856 = vector.bitcast %get3A_855 : vector<16xi32> to vector<32xbf16>
          %get3A_857 = arith.index_cast %add3A_825 : i32 to index
          %get3A_858 = arith.constant 48 : index
          %get3A_859 = tpu.vector_load %arg11[%get3A_857, %get3A_858] {strides = array<i32>} : memref<256x64xi32, #tpu.memory_space<vmem>>, vector<16xi32>,
          %bitcast3A_860 = vector.bitcast %get3A_859 : vector<16xi32> to vector<32xbf16>
          %mul3A_861 = arith.mulf %bitcast3A_856, %bitcast3A_860 : vector<32xbf16>
          %add3A_862 = arith.addf %mul3A_834, %mul3A_843 : vector<32xbf16>
          %add3A_863 = arith.addf %mul3A_852, %mul3A_861 : vector<32xbf16>
          %add3A_864 = arith.addf %add3A_862, %add3A_863 : vector<32xbf16>
          %unpack3A_865 = tpu.unpack_subelements %add3A_864, 0 {pack_format = #tpu.pack_format<interleaved>} : vector<32xbf16> -> vector<16xf32>
          %unpack3A_866 = tpu.unpack_subelements %add3A_864, 1 {pack_format = #tpu.pack_format<interleaved>} : vector<32xbf16> -> vector<16xf32>
          %eq3A_867 = arith.constant 12 : i32
          %eq3A_868 = vector.broadcast %eq3A_867 : i32 to vector<16xi32>
          %eq3A_869 = arith.cmpi eq, %iota3A, %eq3A_868 : vector<16xi32>
          %add3A_870 = arith.addf %unpack3A_865, %unpack3A_866 : vector<16xf32>
          %reduce_sum3A_871 = arith.constant true
          %reduce_sum3A_872 = vector.broadcast %reduce_sum3A_871 : i1 to vector<16xi1>
          %reduce_sum3A_873 = tpu.scan <sum>, %add3A_870 masked %reduce_sum3A_872 : vector<16xf32>, vector<16xi1> -> vector<16xf32>
          %reduce_sum3A_874 = vector.extract %reduce_sum3A_873[15] : f32 from vector<16xf32>
          %broadcast_in_dim3A_875 = vector.broadcast %reduce_sum3A_874 : f32 to vector<16xf32>
          %select_n3A_876 = arith.select %eq3A_869, %broadcast_in_dim3A_875, %select_n3A_821 : vector<16xi1>, vector<16xf32>
          %mul3A_877 = arith.constant 16 : i32
          %mul3A_878 = arith.muli %scan3A_165, %mul3A_877 : i32
          %add3A_879 = arith.constant 13 : i32
          %add3A_880 = arith.addi %mul3A_878, %add3A_879 : i32
          %get3A_881 = arith.index_cast %add3A_880 : i32 to index
          %get3A_882 = arith.constant 0 : index
          %get3A_883 = tpu.vector_load %arg10[%get3A_881, %get3A_882] {strides = array<i32>} : memref<256x64xi32, #tpu.memory_space<vmem>>, vector<16xi32>,
          %bitcast3A_884 = vector.bitcast %get3A_883 : vector<16xi32> to vector<32xbf16>
          %get3A_885 = arith.index_cast %add3A_880 : i32 to index
          %get3A_886 = arith.constant 0 : index
          %get3A_887 = tpu.vector_load %arg11[%get3A_885, %get3A_886] {strides = array<i32>} : memref<256x64xi32, #tpu.memory_space<vmem>>, vector<16xi32>,
          %bitcast3A_888 = vector.bitcast %get3A_887 : vector<16xi32> to vector<32xbf16>
          %mul3A_889 = arith.mulf %bitcast3A_884, %bitcast3A_888 : vector<32xbf16>
          %get3A_890 = arith.index_cast %add3A_880 : i32 to index
          %get3A_891 = arith.constant 16 : index
          %get3A_892 = tpu.vector_load %arg10[%get3A_890, %get3A_891] {strides = array<i32>} : memref<256x64xi32, #tpu.memory_space<vmem>>, vector<16xi32>,
          %bitcast3A_893 = vector.bitcast %get3A_892 : vector<16xi32> to vector<32xbf16>
          %get3A_894 = arith.index_cast %add3A_880 : i32 to index
          %get3A_895 = arith.constant 16 : index
          %get3A_896 = tpu.vector_load %arg11[%get3A_894, %get3A_895] {strides = array<i32>} : memref<256x64xi32, #tpu.memory_space<vmem>>, vector<16xi32>,
          %bitcast3A_897 = vector.bitcast %get3A_896 : vector<16xi32> to vector<32xbf16>
          %mul3A_898 = arith.mulf %bitcast3A_893, %bitcast3A_897 : vector<32xbf16>
          %get3A_899 = arith.index_cast %add3A_880 : i32 to index
          %get3A_900 = arith.constant 32 : index
          %get3A_901 = tpu.vector_load %arg10[%get3A_899, %get3A_900] {strides = array<i32>} : memref<256x64xi32, #tpu.memory_space<vmem>>, vector<16xi32>,
          %bitcast3A_902 = vector.bitcast %get3A_901 : vector<16xi32> to vector<32xbf16>
          %get3A_903 = arith.index_cast %add3A_880 : i32 to index
          %get3A_904 = arith.constant 32 : index
          %get3A_905 = tpu.vector_load %arg11[%get3A_903, %get3A_904] {strides = array<i32>} : memref<256x64xi32, #tpu.memory_space<vmem>>, vector<16xi32>,
          %bitcast3A_906 = vector.bitcast %get3A_905 : vector<16xi32> to vector<32xbf16>
          %mul3A_907 = arith.mulf %bitcast3A_902, %bitcast3A_906 : vector<32xbf16>
          %get3A_908 = arith.index_cast %add3A_880 : i32 to index
          %get3A_909 = arith.constant 48 : index
          %get3A_910 = tpu.vector_load %arg10[%get3A_908, %get3A_909] {strides = array<i32>} : memref<256x64xi32, #tpu.memory_space<vmem>>, vector<16xi32>,
          %bitcast3A_911 = vector.bitcast %get3A_910 : vector<16xi32> to vector<32xbf16>
          %get3A_912 = arith.index_cast %add3A_880 : i32 to index
          %get3A_913 = arith.constant 48 : index
          %get3A_914 = tpu.vector_load %arg11[%get3A_912, %get3A_913] {strides = array<i32>} : memref<256x64xi32, #tpu.memory_space<vmem>>, vector<16xi32>,
          %bitcast3A_915 = vector.bitcast %get3A_914 : vector<16xi32> to vector<32xbf16>
          %mul3A_916 = arith.mulf %bitcast3A_911, %bitcast3A_915 : vector<32xbf16>
          %add3A_917 = arith.addf %mul3A_889, %mul3A_898 : vector<32xbf16>
          %add3A_918 = arith.addf %mul3A_907, %mul3A_916 : vector<32xbf16>
          %add3A_919 = arith.addf %add3A_917, %add3A_918 : vector<32xbf16>
          %unpack3A_920 = tpu.unpack_subelements %add3A_919, 0 {pack_format = #tpu.pack_format<interleaved>} : vector<32xbf16> -> vector<16xf32>
          %unpack3A_921 = tpu.unpack_subelements %add3A_919, 1 {pack_format = #tpu.pack_format<interleaved>} : vector<32xbf16> -> vector<16xf32>
          %eq3A_922 = arith.constant 13 : i32
          %eq3A_923 = vector.broadcast %eq3A_922 : i32 to vector<16xi32>
          %eq3A_924 = arith.cmpi eq, %iota3A, %eq3A_923 : vector<16xi32>
          %add3A_925 = arith.addf %unpack3A_920, %unpack3A_921 : vector<16xf32>
          %reduce_sum3A_926 = arith.constant true
          %reduce_sum3A_927 = vector.broadcast %reduce_sum3A_926 : i1 to vector<16xi1>
          %reduce_sum3A_928 = tpu.scan <sum>, %add3A_925 masked %reduce_sum3A_927 : vector<16xf32>, vector<16xi1> -> vector<16xf32>
          %reduce_sum3A_929 = vector.extract %reduce_sum3A_928[15] : f32 from vector<16xf32>
          %broadcast_in_dim3A_930 = vector.broadcast %reduce_sum3A_929 : f32 to vector<16xf32>
          %select_n3A_931 = arith.select %eq3A_924, %broadcast_in_dim3A_930, %select_n3A_876 : vector<16xi1>, vector<16xf32>
          %mul3A_932 = arith.constant 16 : i32
          %mul3A_933 = arith.muli %scan3A_165, %mul3A_932 : i32
          %add3A_934 = arith.constant 14 : i32
          %add3A_935 = arith.addi %mul3A_933, %add3A_934 : i32
          %get3A_936 = arith.index_cast %add3A_935 : i32 to index
          %get3A_937 = arith.constant 0 : index
          %get3A_938 = tpu.vector_load %arg10[%get3A_936, %get3A_937] {strides = array<i32>} : memref<256x64xi32, #tpu.memory_space<vmem>>, vector<16xi32>,
          %bitcast3A_939 = vector.bitcast %get3A_938 : vector<16xi32> to vector<32xbf16>
          %get3A_940 = arith.index_cast %add3A_935 : i32 to index
          %get3A_941 = arith.constant 0 : index
          %get3A_942 = tpu.vector_load %arg11[%get3A_940, %get3A_941] {strides = array<i32>} : memref<256x64xi32, #tpu.memory_space<vmem>>, vector<16xi32>,
          %bitcast3A_943 = vector.bitcast %get3A_942 : vector<16xi32> to vector<32xbf16>
          %mul3A_944 = arith.mulf %bitcast3A_939, %bitcast3A_943 : vector<32xbf16>
          %get3A_945 = arith.index_cast %add3A_935 : i32 to index
          %get3A_946 = arith.constant 16 : index
          %get3A_947 = tpu.vector_load %arg10[%get3A_945, %get3A_946] {strides = array<i32>} : memref<256x64xi32, #tpu.memory_space<vmem>>, vector<16xi32>,
          %bitcast3A_948 = vector.bitcast %get3A_947 : vector<16xi32> to vector<32xbf16>
          %get3A_949 = arith.index_cast %add3A_935 : i32 to index
          %get3A_950 = arith.constant 16 : index
          %get3A_951 = tpu.vector_load %arg11[%get3A_949, %get3A_950] {strides = array<i32>} : memref<256x64xi32, #tpu.memory_space<vmem>>, vector<16xi32>,
          %bitcast3A_952 = vector.bitcast %get3A_951 : vector<16xi32> to vector<32xbf16>
          %mul3A_953 = arith.mulf %bitcast3A_948, %bitcast3A_952 : vector<32xbf16>
          %get3A_954 = arith.index_cast %add3A_935 : i32 to index
          %get3A_955 = arith.constant 32 : index
          %get3A_956 = tpu.vector_load %arg10[%get3A_954, %get3A_955] {strides = array<i32>} : memref<256x64xi32, #tpu.memory_space<vmem>>, vector<16xi32>,
          %bitcast3A_957 = vector.bitcast %get3A_956 : vector<16xi32> to vector<32xbf16>
          %get3A_958 = arith.index_cast %add3A_935 : i32 to index
          %get3A_959 = arith.constant 32 : index
          %get3A_960 = tpu.vector_load %arg11[%get3A_958, %get3A_959] {strides = array<i32>} : memref<256x64xi32, #tpu.memory_space<vmem>>, vector<16xi32>,
          %bitcast3A_961 = vector.bitcast %get3A_960 : vector<16xi32> to vector<32xbf16>
          %mul3A_962 = arith.mulf %bitcast3A_957, %bitcast3A_961 : vector<32xbf16>
          %get3A_963 = arith.index_cast %add3A_935 : i32 to index
          %get3A_964 = arith.constant 48 : index
          %get3A_965 = tpu.vector_load %arg10[%get3A_963, %get3A_964] {strides = array<i32>} : memref<256x64xi32, #tpu.memory_space<vmem>>, vector<16xi32>,
          %bitcast3A_966 = vector.bitcast %get3A_965 : vector<16xi32> to vector<32xbf16>
          %get3A_967 = arith.index_cast %add3A_935 : i32 to index
          %get3A_968 = arith.constant 48 : index
          %get3A_969 = tpu.vector_load %arg11[%get3A_967, %get3A_968] {strides = array<i32>} : memref<256x64xi32, #tpu.memory_space<vmem>>, vector<16xi32>,
          %bitcast3A_970 = vector.bitcast %get3A_969 : vector<16xi32> to vector<32xbf16>
          %mul3A_971 = arith.mulf %bitcast3A_966, %bitcast3A_970 : vector<32xbf16>
          %add3A_972 = arith.addf %mul3A_944, %mul3A_953 : vector<32xbf16>
          %add3A_973 = arith.addf %mul3A_962, %mul3A_971 : vector<32xbf16>
          %add3A_974 = arith.addf %add3A_972, %add3A_973 : vector<32xbf16>
          %unpack3A_975 = tpu.unpack_subelements %add3A_974, 0 {pack_format = #tpu.pack_format<interleaved>} : vector<32xbf16> -> vector<16xf32>
          %unpack3A_976 = tpu.unpack_subelements %add3A_974, 1 {pack_format = #tpu.pack_format<interleaved>} : vector<32xbf16> -> vector<16xf32>
          %eq3A_977 = arith.constant 14 : i32
          %eq3A_978 = vector.broadcast %eq3A_977 : i32 to vector<16xi32>
          %eq3A_979 = arith.cmpi eq, %iota3A, %eq3A_978 : vector<16xi32>
          %add3A_980 = arith.addf %unpack3A_975, %unpack3A_976 : vector<16xf32>
          %reduce_sum3A_981 = arith.constant true
          %reduce_sum3A_982 = vector.broadcast %reduce_sum3A_981 : i1 to vector<16xi1>
          %reduce_sum3A_983 = tpu.scan <sum>, %add3A_980 masked %reduce_sum3A_982 : vector<16xf32>, vector<16xi1> -> vector<16xf32>
          %reduce_sum3A_984 = vector.extract %reduce_sum3A_983[15] : f32 from vector<16xf32>
          %broadcast_in_dim3A_985 = vector.broadcast %reduce_sum3A_984 : f32 to vector<16xf32>
          %select_n3A_986 = arith.select %eq3A_979, %broadcast_in_dim3A_985, %select_n3A_931 : vector<16xi1>, vector<16xf32>
          %mul3A_987 = arith.constant 16 : i32
          %mul3A_988 = arith.muli %scan3A_165, %mul3A_987 : i32
          %add3A_989 = arith.constant 15 : i32
          %add3A_990 = arith.addi %mul3A_988, %add3A_989 : i32
          %get3A_991 = arith.index_cast %add3A_990 : i32 to index
          %get3A_992 = arith.constant 0 : index
          %get3A_993 = tpu.vector_load %arg10[%get3A_991, %get3A_992] {strides = array<i32>} : memref<256x64xi32, #tpu.memory_space<vmem>>, vector<16xi32>,
          %bitcast3A_994 = vector.bitcast %get3A_993 : vector<16xi32> to vector<32xbf16>
          %get3A_995 = arith.index_cast %add3A_990 : i32 to index
          %get3A_996 = arith.constant 0 : index
          %get3A_997 = tpu.vector_load %arg11[%get3A_995, %get3A_996] {strides = array<i32>} : memref<256x64xi32, #tpu.memory_space<vmem>>, vector<16xi32>,
          %bitcast3A_998 = vector.bitcast %get3A_997 : vector<16xi32> to vector<32xbf16>
          %mul3A_999 = arith.mulf %bitcast3A_994, %bitcast3A_998 : vector<32xbf16>
          %get3A_1000 = arith.index_cast %add3A_990 : i32 to index
          %get3A_1001 = arith.constant 16 : index
          %get3A_1002 = tpu.vector_load %arg10[%get3A_1000, %get3A_1001] {strides = array<i32>} : memref<256x64xi32, #tpu.memory_space<vmem>>, vector<16xi32>,
          %bitcast3A_1003 = vector.bitcast %get3A_1002 : vector<16xi32> to vector<32xbf16>
          %get3A_1004 = arith.index_cast %add3A_990 : i32 to index
          %get3A_1005 = arith.constant 16 : index
          %get3A_1006 = tpu.vector_load %arg11[%get3A_1004, %get3A_1005] {strides = array<i32>} : memref<256x64xi32, #tpu.memory_space<vmem>>, vector<16xi32>,
          %bitcast3A_1007 = vector.bitcast %get3A_1006 : vector<16xi32> to vector<32xbf16>
          %mul3A_1008 = arith.mulf %bitcast3A_1003, %bitcast3A_1007 : vector<32xbf16>
          %get3A_1009 = arith.index_cast %add3A_990 : i32 to index
          %get3A_1010 = arith.constant 32 : index
          %get3A_1011 = tpu.vector_load %arg10[%get3A_1009, %get3A_1010] {strides = array<i32>} : memref<256x64xi32, #tpu.memory_space<vmem>>, vector<16xi32>,
          %bitcast3A_1012 = vector.bitcast %get3A_1011 : vector<16xi32> to vector<32xbf16>
          %get3A_1013 = arith.index_cast %add3A_990 : i32 to index
          %get3A_1014 = arith.constant 32 : index
          %get3A_1015 = tpu.vector_load %arg11[%get3A_1013, %get3A_1014] {strides = array<i32>} : memref<256x64xi32, #tpu.memory_space<vmem>>, vector<16xi32>,
          %bitcast3A_1016 = vector.bitcast %get3A_1015 : vector<16xi32> to vector<32xbf16>
          %mul3A_1017 = arith.mulf %bitcast3A_1012, %bitcast3A_1016 : vector<32xbf16>
          %get3A_1018 = arith.index_cast %add3A_990 : i32 to index
          %get3A_1019 = arith.constant 48 : index
          %get3A_1020 = tpu.vector_load %arg10[%get3A_1018, %get3A_1019] {strides = array<i32>} : memref<256x64xi32, #tpu.memory_space<vmem>>, vector<16xi32>,
          %bitcast3A_1021 = vector.bitcast %get3A_1020 : vector<16xi32> to vector<32xbf16>
          %get3A_1022 = arith.index_cast %add3A_990 : i32 to index
          %get3A_1023 = arith.constant 48 : index
          %get3A_1024 = tpu.vector_load %arg11[%get3A_1022, %get3A_1023] {strides = array<i32>} : memref<256x64xi32, #tpu.memory_space<vmem>>, vector<16xi32>,
          %bitcast3A_1025 = vector.bitcast %get3A_1024 : vector<16xi32> to vector<32xbf16>
          %mul3A_1026 = arith.mulf %bitcast3A_1021, %bitcast3A_1025 : vector<32xbf16>
          %add3A_1027 = arith.addf %mul3A_999, %mul3A_1008 : vector<32xbf16>
          %add3A_1028 = arith.addf %mul3A_1017, %mul3A_1026 : vector<32xbf16>
          %add3A_1029 = arith.addf %add3A_1027, %add3A_1028 : vector<32xbf16>
          %unpack3A_1030 = tpu.unpack_subelements %add3A_1029, 0 {pack_format = #tpu.pack_format<interleaved>} : vector<32xbf16> -> vector<16xf32>
          %unpack3A_1031 = tpu.unpack_subelements %add3A_1029, 1 {pack_format = #tpu.pack_format<interleaved>} : vector<32xbf16> -> vector<16xf32>
          %eq3A_1032 = arith.constant 15 : i32
          %eq3A_1033 = vector.broadcast %eq3A_1032 : i32 to vector<16xi32>
          %eq3A_1034 = arith.cmpi eq, %iota3A, %eq3A_1033 : vector<16xi32>
          %add3A_1035 = arith.addf %unpack3A_1030, %unpack3A_1031 : vector<16xf32>
          %reduce_sum3A_1036 = arith.constant true
          %reduce_sum3A_1037 = vector.broadcast %reduce_sum3A_1036 : i1 to vector<16xi1>
          %reduce_sum3A_1038 = tpu.scan <sum>, %add3A_1035 masked %reduce_sum3A_1037 : vector<16xf32>, vector<16xi1> -> vector<16xf32>
          %reduce_sum3A_1039 = vector.extract %reduce_sum3A_1038[15] : f32 from vector<16xf32>
          %broadcast_in_dim3A_1040 = vector.broadcast %reduce_sum3A_1039 : f32 to vector<16xf32>
          %select_n3A_1041 = arith.select %eq3A_1034, %broadcast_in_dim3A_1040, %select_n3A_986 : vector<16xi1>, vector<16xf32>
          %mul3A_1042 = arith.constant 1.000000e+01 : f32
          %mul3A_1043 = vector.broadcast %mul3A_1042 : f32 to vector<16xf32>
          %mul3A_1044 = arith.mulf %select_n3A_1041, %mul3A_1043 : vector<16xf32>
          %mul3A_1045 = arith.constant 16 : i32
          %mul3A_1046 = arith.muli %scan3A_165, %mul3A_1045 : i32
          %multiple_of3A_1047 = tpu.assume_multiple %mul3A_1046, 8 : i32
          %swap3A = arith.index_cast %multiple_of3A_1047 : i32 to index
          %swap3A_1048 = tpu.vector_load %arg13[%swap3A] {strides = array<i32>} : memref<256xf32, #tpu.memory_space<vmem>>, vector<16xf32>,
          tpu.vector_store %arg13[%swap3A], %mul3A_1044 {strides = array<i32>} : memref<256xf32, #tpu.memory_space<vmem>>, vector<16xf32>,
          %scan3A_1049 = arith.constant 0 : i32
          scf.yield %scan3A_1049 : i32
        }
        %scan3A_154 = arith.constant 16 : i32
        %add3A_155 = arith.addi %multiple_of3A, %multiple_of3A_143 : i32
        %dma_start3A_156 = tpu.memref_slice %arg5[%add3A_155] : memref<320000xf32, #tpu.memory_space<hbm>> -> memref<256xf32, #tpu.memory_space<hbm>>
        %dma_start3A_157 = tpu.memref_slice %arg5[%add3A_155] : memref<320000xf32, #tpu.memory_space<hbm>> -> memref<256xf32, #tpu.memory_space<hbm>>
        tpu.enqueue_dma source(%arg13 : memref<256xf32, #tpu.memory_space<vmem>>) target(%dma_start3A_157 : memref<256xf32, #tpu.memory_space<hbm>>) target_semaphore(%arg17 : memref<!tpu.dma_semaphore, #tpu.memory_space<semaphore_mem>>)
        %add3A_158 = arith.constant 2 : i32
        %add3A_159 = arith.addi %add3A_100, %add3A_158 : i32
        %lt3A_160 = arith.constant 40 : i32
        %lt3A_161 = arith.cmpi slt, %add3A_159, %lt3A_160 : i32
        %convert_element_type3A_162 = arith.extui %lt3A_161 : i1 to i32
        %cond3A_163 = arith.constant 0 : i32
        %cond3A_164 = arith.cmpi ne, %convert_element_type3A_162, %cond3A_163 : i32
        scf.if %cond3A_164 {
          %add3A_165 = arith.constant 2 : i32
          %add3A_166 = arith.addi %add3A_100, %add3A_165 : i32
          %mul3A_167 = arith.constant 256 : i32
          %mul3A_168 = arith.muli %add3A_166, %mul3A_167 : i32
          %min3A_169 = arith.constant 9744 : i32
          %min3A_170 = arith.minsi %mul3A_168, %min3A_169 : i32
          %multiple_of3A_171 = tpu.assume_multiple %min3A_170, 8 : i32
          %add3A_172 = arith.constant 0 : i32
          %add3A_173 = arith.addi %multiple_of3A_171, %add3A_172 : i32
          %multiple_of3A_174 = tpu.assume_multiple %add3A_173, 8 : i32
          %multiple_of3A_175 = arith.constant 0 : i32
          %multiple_of3A_176 = tpu.assume_multiple %multiple_of3A_175, 8 : i32
          %dma_start3A_177 = arith.constant 0 : i32
          %dma_start3A_178 = tpu.memref_slice %arg10[%multiple_of3A_176, %dma_start3A_177] : memref<256x64xi32, #tpu.memory_space<vmem>> -> memref<128x64xi32, #tpu.memory_space<vmem>>
          %dma_start3A_179 = tpu.memref_slice %arg6[%multiple_of3A_174] : memref<10000xi32, #tpu.memory_space<vmem>> -> memref<128xi32, #tpu.memory_space<vmem>>
          %dma_start3A_180 = arith.constant 0 : i32
          %dma_start3A_181 = arith.constant 0 : i32
          %dma_start3A_182 = tpu.memref_slice %arg2[%dma_start3A_180, %dma_start3A_181] : memref<10000x64xi32, #tpu.memory_space<hbm>> -> memref<10000x64xi32, #tpu.memory_space<hbm>>
          tpu.enqueue_indirect_dma source(%dma_start3A_182 : memref<10000x64xi32, #tpu.memory_space<hbm>>) target(%dma_start3A_178 : memref<128x64xi32, #tpu.memory_space<vmem>>) offsets(%dma_start3A_179 : memref<128xi32, #tpu.memory_space<vmem>>) semaphore(%arg15 : memref<!tpu.dma_semaphore, #tpu.memory_space<semaphore_mem>>)
          %dma_start3A_183 = arith.constant 0 : i32
          %dma_start3A_184 = tpu.memref_slice %arg11[%multiple_of3A_176, %dma_start3A_183] : memref<256x64xi32, #tpu.memory_space<vmem>> -> memref<128x64xi32, #tpu.memory_space<vmem>>
          %dma_start3A_185 = tpu.memref_slice %arg7[%multiple_of3A_174] : memref<10000xi32, #tpu.memory_space<vmem>> -> memref<128xi32, #tpu.memory_space<vmem>>
          %dma_start3A_186 = arith.constant 0 : i32
          %dma_start3A_187 = arith.constant 0 : i32
          %dma_start3A_188 = tpu.memref_slice %arg3[%dma_start3A_186, %dma_start3A_187] : memref<10000x64xi32, #tpu.memory_space<hbm>> -> memref<10000x64xi32, #tpu.memory_space<hbm>>
          tpu.enqueue_indirect_dma source(%dma_start3A_188 : memref<10000x64xi32, #tpu.memory_space<hbm>>) target(%dma_start3A_184 : memref<128x64xi32, #tpu.memory_space<vmem>>) offsets(%dma_start3A_185 : memref<128xi32, #tpu.memory_space<vmem>>) semaphore(%arg15 : memref<!tpu.dma_semaphore, #tpu.memory_space<semaphore_mem>>)
          %add3A_189 = arith.constant 128 : i32
          %add3A_190 = arith.addi %multiple_of3A_171, %add3A_189 : i32
          %multiple_of3A_191 = tpu.assume_multiple %add3A_190, 8 : i32
          %multiple_of3A_192 = arith.constant 128 : i32
          %multiple_of3A_193 = tpu.assume_multiple %multiple_of3A_192, 8 : i32
          %dma_start3A_194 = arith.constant 0 : i32
          %dma_start3A_195 = tpu.memref_slice %arg10[%multiple_of3A_193, %dma_start3A_194] : memref<256x64xi32, #tpu.memory_space<vmem>> -> memref<128x64xi32, #tpu.memory_space<vmem>>
          %dma_start3A_196 = tpu.memref_slice %arg6[%multiple_of3A_191] : memref<10000xi32, #tpu.memory_space<vmem>> -> memref<128xi32, #tpu.memory_space<vmem>>
          %dma_start3A_197 = arith.constant 0 : i32
          %dma_start3A_198 = arith.constant 0 : i32
          %dma_start3A_199 = tpu.memref_slice %arg2[%dma_start3A_197, %dma_start3A_198] : memref<10000x64xi32, #tpu.memory_space<hbm>> -> memref<10000x64xi32, #tpu.memory_space<hbm>>
          tpu.enqueue_indirect_dma source(%dma_start3A_199 : memref<10000x64xi32, #tpu.memory_space<hbm>>) target(%dma_start3A_195 : memref<128x64xi32, #tpu.memory_space<vmem>>) offsets(%dma_start3A_196 : memref<128xi32, #tpu.memory_space<vmem>>) semaphore(%arg15 : memref<!tpu.dma_semaphore, #tpu.memory_space<semaphore_mem>>)
          %dma_start3A_200 = arith.constant 0 : i32
          %dma_start3A_201 = tpu.memref_slice %arg11[%multiple_of3A_193, %dma_start3A_200] : memref<256x64xi32, #tpu.memory_space<vmem>> -> memref<128x64xi32, #tpu.memory_space<vmem>>
          %dma_start3A_202 = tpu.memref_slice %arg7[%multiple_of3A_191] : memref<10000xi32, #tpu.memory_space<vmem>> -> memref<128xi32, #tpu.memory_space<vmem>>
          %dma_start3A_203 = arith.constant 0 : i32
          %dma_start3A_204 = arith.constant 0 : i32
          %dma_start3A_205 = tpu.memref_slice %arg3[%dma_start3A_203, %dma_start3A_204] : memref<10000x64xi32, #tpu.memory_space<hbm>> -> memref<10000x64xi32, #tpu.memory_space<hbm>>
          tpu.enqueue_indirect_dma source(%dma_start3A_205 : memref<10000x64xi32, #tpu.memory_space<hbm>>) target(%dma_start3A_201 : memref<128x64xi32, #tpu.memory_space<vmem>>) offsets(%dma_start3A_202 : memref<128xi32, #tpu.memory_space<vmem>>) semaphore(%arg15 : memref<!tpu.dma_semaphore, #tpu.memory_space<semaphore_mem>>)
        } else {
        }
      } else {
      }
      %scan3A_106 = arith.constant 0 : i32
      scf.yield %scan3A_106 : i32
    }
    %scan3A_83 = arith.constant 20 : i32
    %dma_wait3A = arith.constant 0 : i32
    %dma_wait3A_84 = tpu.memref_slice %arg5[%dma_wait3A] : memref<320000xf32, #tpu.memory_space<hbm>> -> memref<256xf32, #tpu.memory_space<hbm>>
    %dma_wait3A_85 = arith.constant 0 : i32
    %dma_wait3A_86 = tpu.memref_slice %arg5[%dma_wait3A_85] : memref<320000xf32, #tpu.memory_space<hbm>> -> memref<256xf32, #tpu.memory_space<hbm>>
    tpu.wait_dma2 semaphore(%arg16 : memref<!tpu.dma_semaphore, #tpu.memory_space<semaphore_mem>>) src(%arg12 : memref<256xf32, #tpu.memory_space<vmem>>) dst(%dma_wait3A_86 : memref<256xf32, #tpu.memory_space<hbm>>)
    %dma_wait3A_87 = arith.constant 0 : i32
    %dma_wait3A_88 = tpu.memref_slice %arg5[%dma_wait3A_87] : memref<320000xf32, #tpu.memory_space<hbm>> -> memref<256xf32, #tpu.memory_space<hbm>>
    %dma_wait3A_89 = arith.constant 0 : i32
    %dma_wait3A_90 = tpu.memref_slice %arg5[%dma_wait3A_89] : memref<320000xf32, #tpu.memory_space<hbm>> -> memref<256xf32, #tpu.memory_space<hbm>>
    tpu.wait_dma2 semaphore(%arg17 : memref<!tpu.dma_semaphore, #tpu.memory_space<semaphore_mem>>) src(%arg13 : memref<256xf32, #tpu.memory_space<vmem>>) dst(%dma_wait3A_90 : memref<256xf32, #tpu.memory_space<hbm>>)
    return
  }
}

module attributes {stable_mosaic.version = 14 : i64} {
  func.func @_normalize_body(%arg0: i32, %arg1: memref<1000x128xf32, #tpu.memory_space<vmem>>, %arg2: memref<1000x128xf32, #tpu.memory_space<vmem>>, %arg3: memref<1000x64xi32, #tpu.memory_space<vmem>>, %arg4: memref<1000x64xi32, #tpu.memory_space<vmem>>) attributes {dimension_semantics = [#tpu.dimension_semantics<arbitrary>], iteration_bounds = array<i64: 10>, scalar_prefetch = 0 : i64, scratch_operands = 0 : i64, tpu.core_type = #tpu.core_type<tc>, window_params = [{transform_indices = @transform_0, window_bounds = array<i64: 1000, 128>}, {transform_indices = @transform_1, window_bounds = array<i64: 1000, 128>}, {transform_indices = @transform_2, window_bounds = array<i64: 1000, 64>}, {transform_indices = @transform_3, window_bounds = array<i64: 1000, 64>}]} {
    %get3A = arith.constant 0 : index
    %get3A_0 = arith.constant 0 : index
    %get3A_1 = vector.load %arg1[%get3A, %get3A_0] : memref<1000x128xf32, #tpu.memory_space<vmem>>, vector<1000x128xf32>
    %mul3A = arith.mulf %get3A_1, %get3A_1 : vector<1000x128xf32>
    %reduce_sum3A = arith.constant dense<0.000000e+00> : vector<1000xf32>
    %reduce_sum3A_2 = vector.multi_reduction <add>, %mul3A, %reduce_sum3A [1] : vector<1000x128xf32> to vector<1000xf32>
    %broadcast_in_dim3A = vector.shape_cast %reduce_sum3A_2 : vector<1000xf32> to vector<1000x1xf32>
    %sqrt3A = math.sqrt %broadcast_in_dim3A : vector<1000x1xf32>
    %max3A = arith.constant 9.99999996E-13 : f32
    %max3A_3 = vector.broadcast %max3A : f32 to vector<1000x1xf32>
    %max3A_4 = arith.maximumf %sqrt3A, %max3A_3 : vector<1000x1xf32>
    %div3A = vector.broadcast %max3A_4 : vector<1000x1xf32> to vector<1000x128xf32>
    %div3A_5 = arith.divf %get3A_1, %div3A : vector<1000x128xf32>
    %convert_element_type3A = arith.truncf %div3A_5 : vector<1000x128xf32> to vector<1000x128xbf16>
    %slice3A = vector.extract_strided_slice %convert_element_type3A {offsets = [0, 0], sizes = [1000, 64], strides = [1, 1]} : vector<1000x128xbf16> to vector<1000x64xbf16>
    %bitcast_convert_type3A = tpu.bitcast %slice3A : vector<1000x64xbf16> -> vector<1000x64xi16>
    %convert_element_type3A_6 = arith.extui %bitcast_convert_type3A : vector<1000x64xi16> to vector<1000x64xi32>
    %slice3A_7 = vector.extract_strided_slice %convert_element_type3A {offsets = [0, 64], sizes = [1000, 64], strides = [1, 1]} : vector<1000x128xbf16> to vector<1000x64xbf16>
    %bitcast_convert_type3A_8 = tpu.bitcast %slice3A_7 : vector<1000x64xbf16> -> vector<1000x64xi16>
    %convert_element_type3A_9 = arith.extui %bitcast_convert_type3A_8 : vector<1000x64xi16> to vector<1000x64xi32>
    %shift_left3A = arith.constant 16 : i32
    %shift_left3A_10 = vector.broadcast %shift_left3A : i32 to vector<1000x64xi32>
    %shift_left3A_11 = arith.shli %convert_element_type3A_9, %shift_left3A_10 : vector<1000x64xi32>
    %or3A = arith.ori %convert_element_type3A_6, %shift_left3A_11 : vector<1000x64xi32>
    %swap3A = arith.constant 0 : index
    %swap3A_12 = arith.constant 0 : index
    %swap3A_13 = vector.load %arg3[%swap3A, %swap3A_12] : memref<1000x64xi32, #tpu.memory_space<vmem>>, vector<1000x64xi32>
    tpu.vector_store %arg3[%swap3A, %swap3A_12], %or3A {strides = array<i32>} : memref<1000x64xi32, #tpu.memory_space<vmem>>, vector<1000x64xi32>,
    %get3A_14 = arith.constant 0 : index
    %get3A_15 = arith.constant 0 : index
    %get3A_16 = vector.load %arg2[%get3A_14, %get3A_15] : memref<1000x128xf32, #tpu.memory_space<vmem>>, vector<1000x128xf32>
    %mul3A_17 = arith.mulf %get3A_16, %get3A_16 : vector<1000x128xf32>
    %reduce_sum3A_18 = arith.constant dense<0.000000e+00> : vector<1000xf32>
    %reduce_sum3A_19 = vector.multi_reduction <add>, %mul3A_17, %reduce_sum3A_18 [1] : vector<1000x128xf32> to vector<1000xf32>
    %broadcast_in_dim3A_20 = vector.shape_cast %reduce_sum3A_19 : vector<1000xf32> to vector<1000x1xf32>
    %sqrt3A_21 = math.sqrt %broadcast_in_dim3A_20 : vector<1000x1xf32>
    %max3A_22 = arith.constant 9.99999996E-13 : f32
    %max3A_23 = vector.broadcast %max3A_22 : f32 to vector<1000x1xf32>
    %max3A_24 = arith.maximumf %sqrt3A_21, %max3A_23 : vector<1000x1xf32>
    %div3A_25 = vector.broadcast %max3A_24 : vector<1000x1xf32> to vector<1000x128xf32>
    %div3A_26 = arith.divf %get3A_16, %div3A_25 : vector<1000x128xf32>
    %convert_element_type3A_27 = arith.truncf %div3A_26 : vector<1000x128xf32> to vector<1000x128xbf16>
    %slice3A_28 = vector.extract_strided_slice %convert_element_type3A_27 {offsets = [0, 0], sizes = [1000, 64], strides = [1, 1]} : vector<1000x128xbf16> to vector<1000x64xbf16>
    %bitcast_convert_type3A_29 = tpu.bitcast %slice3A_28 : vector<1000x64xbf16> -> vector<1000x64xi16>
    %convert_element_type3A_30 = arith.extui %bitcast_convert_type3A_29 : vector<1000x64xi16> to vector<1000x64xi32>
    %slice3A_31 = vector.extract_strided_slice %convert_element_type3A_27 {offsets = [0, 64], sizes = [1000, 64], strides = [1, 1]} : vector<1000x128xbf16> to vector<1000x64xbf16>
    %bitcast_convert_type3A_32 = tpu.bitcast %slice3A_31 : vector<1000x64xbf16> -> vector<1000x64xi16>
    %convert_element_type3A_33 = arith.extui %bitcast_convert_type3A_32 : vector<1000x64xi16> to vector<1000x64xi32>
    %shift_left3A_34 = arith.constant 16 : i32
    %shift_left3A_35 = vector.broadcast %shift_left3A_34 : i32 to vector<1000x64xi32>
    %shift_left3A_36 = arith.shli %convert_element_type3A_33, %shift_left3A_35 : vector<1000x64xi32>
    %or3A_37 = arith.ori %convert_element_type3A_30, %shift_left3A_36 : vector<1000x64xi32>
    %swap3A_38 = arith.constant 0 : index
    %swap3A_39 = arith.constant 0 : index
    %swap3A_40 = vector.load %arg4[%swap3A_38, %swap3A_39] : memref<1000x64xi32, #tpu.memory_space<vmem>>, vector<1000x64xi32>
    tpu.vector_store %arg4[%swap3A_38, %swap3A_39], %or3A_37 {strides = array<i32>} : memref<1000x64xi32, #tpu.memory_space<vmem>>, vector<1000x64xi32>,
    return
  }
  func.func @transform_0(%arg0: i32) -> (i32, i32) {
    %c0_i32 = arith.constant 0 : i32
    %c0_i32_0 = arith.constant 0 : i32
    return %arg0, %c0_i32 : i32, i32
  }
  func.func @transform_1(%arg0: i32) -> (i32, i32) {
    %c0_i32 = arith.constant 0 : i32
    %c0_i32_0 = arith.constant 0 : i32
    return %arg0, %c0_i32 : i32, i32
  }
  func.func @transform_2(%arg0: i32) -> (i32, i32) {
    %c0_i32 = arith.constant 0 : i32
    %c0_i32_0 = arith.constant 0 : i32
    return %arg0, %c0_i32 : i32, i32
  }
  func.func @transform_3(%arg0: i32) -> (i32, i32) {
    %c0_i32 = arith.constant 0 : i32
    %c0_i32_0 = arith.constant 0 : i32
    return %arg0, %c0_i32 : i32, i32
  }
}

</mosaic_0001>

<sc_bundles>
// kernel: kernel.4.cloned.1.call-start
scs
__scs_entry_jumppad:
0x0: {  	(pc) =	sbr.rel $0x88, $3  }
0x1: {  	(tag) =	ssettag $0x0;
	lr =	simm.s32 $0x1  }
0x2: {  	[smem:$0x3F9E] =	sst lr;
	_ =	strace $0xD0000000  }
0x3: {  	_ = 	snop  }
0x4: {  	_ = 	snop  }
0x5: {  	_ = 	snop  }
0x6: {  	_ = 	snop  }
0x7: {  	_ = 	snop  }
__scs_overlays_trampoline_lowered:
0x8: {  	[smem:$0x3FAD] =	sst s0  }
0x9: {  	[smem:$0x3FAE] =	sst s1  }
0xa: {  	[smem:$0x3FAF] =	sst s2  }
0xb: {  	[smem:$0x3FB0] =	sst s3  }
0xc: {  	[smem:$0x3FB1] =	sst s4  }
0xd: {  	[smem:$0x3FB2] =	sst s5  }
0xe: {  	[smem:$0x3FB3] =	sst s6  }
0xf: {  	[smem:$0x3FB4] =	sst s7  }
0x10: {  	[smem:$0x3FB5] =	sst s8  }
0x11: {  	[smem:$0x3FB6] =	sst s9;
	s0 =	simm.s32 @!p0 $0x0  }
0x12: {  	s1 =	sld [smem:$0x3F9C];
	s0 =	simm.s32 @p0 $0x1  }
0x13: {  	[smem:$0x3FB7] =	sst s0;
	s0 =	simm.s32 @!p1 $0x0  }
0x14: {  	s2 =	sld [smem:$0x3F9B];
	s0 =	simm.s32 @p1 $0x1  }
0x15: {  	[smem:$0x3FB8] =	sst s0;
	s0 =	simm.s32 @!p2 $0x0  }
0x16: {  	s3 =	sld [smem:$0x3FDB];
	s0 =	simm.s32 @p2 $0x1  }
0x17: {  	s4 =	simm.s32 $0x1BF5;
	[smem:$0x3FBA] =	sst s0  }
0x18: {  	s0 =	sld [smem:$0x3F9D];
	_ =	swait.ge [sflag:s4], $0x0  }
0x19: {  	s7 =	sld [smem:$0x3F9E]  }
0x1a: {  	s8 =	sadd.s32 $0xFFFFE003, lr  }
0x1b: {  	s9 =	sadd.s32 $0xFFFFFEF7, lr;
	s5 =	simm.s32 $0xFFFFFFFF;
	p2 =	slt.u32 s8, $0xFFFFF086  }
0x1c: {  	p1 =	slt.u32 s9, $0xF7A;
	s5 =	simm.s32 @!p2 $0x0  }
0x1d: {  	s5 =	simm.s32 @p1 $0x1;
	p0 =	seq.s32 s7, s2  }
0x1e: {  	s7 =	smul.u32 @!p0 $0xF7A, s2;
	p2 =	seq.s32 @!p0 s5, $0x0  }
0x1f: {  	s9 =	smul.u32 $0xF7A, s1;
	s8 =	simm.s32 @!p0 $0x1BF5;
	p2 =	por !p2, p0  }
0x20: {  	[sflag:s8] =	ssyncset.s32 @!p0 $0xFFFFF086;
	s6 =	sadd.s32 @!p0 s3, s7;
	s7 =	simm.s32 @!p0 $0x108  }
0x21: {  	s3 =	sadd.s32 s3, s9;
	s6 =	sadd.s32 @!p0 $0x88, s6;
	s7 =	simm.s32 @p2 $0x1082  }
0x22: {  	[simem:s7], [sflag:s8] =	dma.local @!p0 [hbm:s6], $0xF7A  }
0x23: {  	s9 =	sor.u32 $0xD0000000, s2;
	s6 =	simm.s32 $0x108;
	_ =	swait.ge @!p0 [sflag:s8], $0x0  }
0x24: {  	s3 =	sadd.s32 $0x88, s3;
	s6 =	simm.s32 @!p1 $0x1082;
	[sflag:s4] =	ssyncset.s32 $0xFFFFF086  }
0x25: {  	[simem:s6], [sflag:s4] =	dma.local [hbm:s3], $0xF7A  }
0x26: {  	[smem:$0x3F9E] =	sst s1;
	(tag) =	ssettag s2;
	_ =	strace s9  }
0x27: {  	s1 =	sld [smem:$0x3FAE]  }
0x28: {  	s2 =	sld [smem:$0x3FAF]  }
0x29: {  	s4 =	sld [smem:$0x3FB1]  }
0x2a: {  	p0 =	seq.s32 s5, $0x0;
	s5 =	sld [smem:$0x3FB2]  }
0x2b: {  	s6 =	sld [smem:$0x3FB3]  }
0x2c: {  	s7 =	sld [smem:$0x3FB4]  }
0x2d: {  	s3 =	simm.s32 $0x108;
	s8 =	sld [smem:$0x3FB5]  }
0x2e: {  	s3 =	simm.s32 @!p0 $0x1082;
	s9 =	sld [smem:$0x3FB6]  }
0x2f: {  	lr =	sadd.s32 s0, s3;
	s0 =	sld [smem:$0x3FAD]  }
0x30: {  	s3 =	sld [smem:$0x3FB0]  }
0x31: {  	[smem:$0x3FB9] =	sst s10  }
0x32: {  	s10 =	sld [smem:$0x3FB7];
	_ =	sdelay $0x3  }
0x33: {  	p0 =	seq.s32 s10, $0x1;
	s10 =	sld [smem:$0x3FB9];
	_ =	sdelay $0x3  }
0x34: {  	[smem:$0x3FB9] =	sst s10  }
0x35: {  	s10 =	sld [smem:$0x3FB8];
	_ =	sdelay $0x3  }
0x36: {  	p1 =	seq.s32 s10, $0x1;
	s10 =	sld [smem:$0x3FB9];
	_ =	sdelay $0x3  }
0x37: {  	[smem:$0x3FB9] =	sst s10  }
0x38: {  	s10 =	sld [smem:$0x3FBA]  }
0x39: {  	_ = 	snop;
	(pc) =	sbr.ind lr, $3  }
0x3a: {  	_ = 	snop  }
0x3b: {  	_ = 	snop  }
0x3c: {  	p2 =	seq.s32 s10, $0x1;
	s10 =	sld [smem:$0x3FB9]  }
0x3d: {  	_ =	shalt  }
0x3e: {  	_ =	shalt  }
0x3f: {  	_ =	shalt  }
0x40: {  	_ =	shalt  }
0x41: {  	_ =	shalt  }
0x42: {  	_ =	shalt  }
0x43: {  	_ =	shalt  }
0x44: {  	_ =	shalt  }
0x45: {  	_ =	shalt  }
0x46: {  	_ =	shalt  }
0x47: {  	_ =	shalt  }
0x48: {  	_ =	shalt  }
0x49: {  	_ =	shalt  }
0x4a: {  	_ =	shalt  }
0x4b: {  	_ =	shalt  }
0x4c: {  	_ =	shalt  }
0x4d: {  	_ =	shalt  }
0x4e: {  	_ =	shalt  }
0x4f: {  	_ =	shalt  }
0x50: {  	_ =	shalt  }
0x51: {  	_ =	shalt  }
0x52: {  	_ =	shalt  }
0x53: {  	_ =	shalt  }
0x54: {  	_ =	shalt  }
0x55: {  	_ =	shalt  }
0x56: {  	_ =	shalt  }
0x57: {  	_ =	shalt  }
0x58: {  	_ =	shalt  }
0x59: {  	_ =	shalt  }
0x5a: {  	_ =	shalt  }
0x5b: {  	_ =	shalt  }
0x5c: {  	_ =	shalt  }
0x5d: {  	_ =	shalt  }
0x5e: {  	_ =	shalt  }
0x5f: {  	_ =	shalt  }
0x60: {  	_ =	shalt  }
0x61: {  	_ =	shalt  }
0x62: {  	_ =	shalt  }
0x63: {  	_ =	shalt  }
0x64: {  	_ =	shalt  }
0x65: {  	_ =	shalt  }
0x66: {  	_ =	shalt  }
0x67: {  	_ =	shalt  }
0x68: {  	_ =	shalt  }
0x69: {  	_ =	shalt  }
0x6a: {  	_ =	shalt  }
0x6b: {  	_ =	shalt  }
0x6c: {  	_ =	shalt  }
0x6d: {  	_ =	shalt  }
0x6e: {  	_ =	shalt  }
0x6f: {  	_ =	shalt  }
0x70: {  	_ =	shalt  }
0x71: {  	_ =	shalt  }
0x72: {  	_ =	shalt  }
0x73: {  	_ =	shalt  }
0x74: {  	_ =	shalt  }
0x75: {  	_ =	shalt  }
0x76: {  	_ =	shalt  }
0x77: {  	_ =	shalt  }
0x78: {  	_ =	shalt  }
0x79: {  	_ =	shalt  }
0x7a: {  	_ =	shalt  }
0x7b: {  	_ =	shalt  }
0x7c: {  	_ =	shalt  }
0x7d: {  	_ =	shalt  }
0x7e: {  	_ =	shalt  }
0x7f: {  	_ =	shalt  }
0x80: {  	_ =	shalt  }
0x81: {  	_ =	shalt  }
0x82: {  	_ =	shalt  }
0x83: {  	_ =	shalt  }
0x84: {  	_ =	shalt  }
0x85: {  	_ =	shalt  }
0x86: {  	_ =	shalt  }
0x87: {  	_ =	shalt  }
.Lfunc_end0:
.L_simem_size_0:
called_computation_lowered:
.L_overlay_start_0:
0x88: {  	s2 =	sld [smem:$0x3FD9]  }
0x89: {  	s3 =	sld [smem:$0x3FFE];
	_ =	sdelay $0x1  }
0x8a: {  	s1 =	srdreg.scid  }
0x8b: {  	s0 =	sand.u32 $0x1, s1  }
0x8c: {  	s17 =	sshll.u32 s0, $0xA;
	s2 =	sadd.s32 s3, s2  }
0x8d: {  	s2 =	sadd.s32 s2, s17  }
0x8e: {  	[smem:$0x3FC5] =	sst s2  }
0x8f: {  	_ = 	snop  }
0x90: {  	s2 =	sld [smem:$0x3FD0];
	(tm) =	ssettm $0x1  }
0x91: {  	s18 =	sld [smem:$0x3FFB];
	_ =	sdelay $0x3  }
0x92: {  	_ =	strace s18  }
0x93: {  	s3 =	sld [smem:$0x3FFC];
	_ =	sdelay $0x3  }
0x94: {  	_ =	strace s3  }
0x95: {  	s3 =	sld [smem:$0x3FFD];
	_ =	sdelay $0x3  }
0x96: {  	_ =	strace s3  }
0x97: {  	_ =	strace $0x8FFFFFFF  }
0x98: {  	s19 =	sld [smem:$0x3FDB];
	_ =	sdelay $0x1  }
0x99: {  	s4 =	simm.s32 $_scs_section_size  }
0x9a: {  	s5 =	simm.s32 $_size__tile_overlayer_lowered;
	s6 =	simm.s32 $_tile_overlayer_lowered  }
0x9b: {  	s22 =	simm.s32 $0x1BFF;
	s21 =	sshll.u32 s6, $0x1;
	s3 =	sadd.s32 s4, s19  }
0x9c: {  	s7 =	simm.s32 $0x0;
	s20 =	sshll.u32 s5, $0x1;
	s5 =	sadd.s32 s21, s3  }
0x9d: {  	[timem:s7], [sflag:s22] =	dma.local [hbm:s5], s20  }
0x9e: {  	_ =	swait.ge [sflag:s22], s20  }
0x9f: {  	s4 =	ssub.s32 $0x0, s20;
	[sflag:s22] =	ssyncset.done $0x0  }
0xa0: {  	[sflag:s22] =	ssyncadd.s32 s4;
	_ =	sdelay $0x1  }
0xa1: {  	s23 =	simm.s32 $0x1B8B  }
0xa2: {  	_ =	swait.ge [sflag:s23], $0x1  }
0xa3: {  	[sflag:s23] =	ssyncset.done $0x0  }
0xa4: {  	s25 =	simm.s32 $0x1B8E;
	s24 =	sld [smem:$0x3FFE];
	[sflag:s23] =	ssyncadd.s32 $0xFFFFFFFF  }
0xa5: {  	s26 =	simm.s32 $execute0_lowered;
	[smem:$0x3FD2] =	sst s25  }
0xa6: {  	s5 =	sshll.u32 s26, $0x1;
	_ =	strace $0x80000046;
	[dreg:$0x1] =	wrdreg $0xFFFFFFFF  }
0xa7: {  	s28 =	simm.s32 $_size_execute0_lowered;
	s3 =	sadd.s32 s3, s5;
	[dreg:$0x0] =	wrdreg $0x0  }
0xa8: {  	s5 =	sshll.u32 s28, $0x1;
	[dreg:$0x2] =	wrdreg s3  }
0xa9: {  	[dreg:$0x3] =	wrdreg s5  }
0xaa: {  	[dreg:$0x4] =	wrdreg $0xC0  }
0xab: {  	_ =	task [dreg:s7], $0x5FFFF  }
0xac: {  	[dreg:$0x1] =	wrdreg $0xFFFFFFFF  }
0xad: {  	[dreg:$0x0] =	wrdreg $0x60  }
0xae: {  	[dreg:$0x2] =	wrdreg s24  }
0xaf: {  	[dreg:$0x3] =	wrdreg s2  }
0xb0: {  	[dreg:$0x4] =	wrdreg $0x9  }
0xb1: {  	_ =	task.clear_ibuf [dreg:s7], $0x5FFFF;
	_ =	strace $0x90000046  }
0xb2: {  	s29 =	simm.s32 $0x9;
	_ =	strace $0x80000048  }
0xb3: {  	_ =	swait.ge [sflag:s29], $0x1  }
0xb4: {  	[sflag:s29] =	ssyncadd.s32 $0xFFFFFFFF  }
0xb5: {  	_ =	strace $0x90000048  }
0xb6: {  	_ =	sfence  }
0xb7: {  	s30 =	sld [smem:$0x0];
	_ =	sdelay $0x2  }
0xb8: {  	s31 =	sshll.u32 s1, $0xD;
	s1 =	sshrl.u32 s1, $0x2  }
0xb9: {  	s3 =	sand.u32 $0x4000, s31;
	s1 =	sadd.s32 s1, s30  }
0xba: {  	s0 =	sor.u32 s3, s0;
	s1 =	sshll.u32 s1, $0x11  }
0xbb: {  	s0 =	sor.u32 s1, s0  }
0xbc: {  	s0 =	sadd.s32 $0x8F2B, s0  }
0xbd: {  	[sflag:s0] =	ssyncadd.remote.s32 $0x1  }
0xbe: {  	_ =	sfence.sel $0xFFFF  }
0xbf: {  	[dreg:$0x0] =	wrdreg $0xFFFFFFFF;
	(pc) =	sbr.abs _section_cstart, $3  }
0xc0: {  	[dreg:$0x1] =	wrdreg $0xFFFFFFFF  }
0xc1: {  	_ =	task.clear_ibuf [dreg:s7], $0x2FFFF;
	_ =	strace $0x9FFFFFFF  }
0xc2: {  	(tm) =	ssettm $0x7FFFFFFF  }
0xc3: {  	_ =	shalt  }
tec
execute0_lowered:
.L_overlay_start_1:
0x0: {  	(tag) =	ssettag $0x1  }
0x1: {  	s0 =	rddreg [dreg:$0x0]  }
0x2: {  	s1 =	srdreg.scid;
	s3 =	stileid.u32  }
0x3: {  	s2 =	rddreg [dreg:$0x1];
	s10 =	simm.s32 $0x5;
	s11 =	simm.s32 $0x2710  }
0x4: {  	s12 =	simm.s32 $0x80;
	s19 =	simm.s32 $0xCE20;
	s20 =	simm.s32 $0x2810  }
0x5: {  	s21 =	simm.s32 $0x10E20;
	s22 =	simm.s32 $0x180;
	s23 =	simm.s32 $0xEE20  }
0x6: {  	s24 =	simm.s32 $0x2890;
	s25 =	simm.s32 $0x12E20;
	s28 =	simm.s32 $0x14E20  }
0x7: {  	s29 =	simm.s32 $0x2;
	s1 =	sand.u32 $0x1, s1;
	s4 =	sshll.u32 s3, $0x1  }
0x8: {  	s30 =	simm.s32 $0x14F20;
	s31 =	simm.s32 $0x3;
	s4 =	sor.u32 s1, s4  }
0x9: {  	s3 =	simm.s32 $0x0;
	s5 =	sadd.s32 $0x14600, s0;
	s4 =	smul.u32 $0x2710, s4  }
.Ltmp0:
0xa: {  	vm0 =	vmmov $0x1;
	vm1 =	vmmov $0x3;
	vm2 =	vmmov $0x7;
	[smem:$0x7FF] =	sst s3;
	s1 =	ssub.s32 $0x2, s1;
	(pc) =	sbr.rel .LBB2_1-.Ltmp0, $4  }
0xb: {  	vm3 =	vmmov $0xf;
	vm4 =	vmmov $0x1f;
	vm5 =	vmmov $0x3f;
	s6 =	sadd.s32 $0xC00, s0;
	_ =	strace $0x80000047;
	s26 =	sshrl.u32 s1, $0x1  }
0xc: {  	vm6 =	vmmov $0x7f;
	vm7 =	vmmov $0xff;
	vm8 =	vmmov $0x1ff;
	s1 =	ssub.s32 s1, s26;
	s26 =	simm.s32 $0x1;
	s7 =	sshrl.u32 s4, $0x3  }
0xd: {  	vm9 =	vmmov $0x3ff;
	vm10 =	vmmov $0x7ff;
	vm11 =	vmmov $0xfff;
	s9 =	smax.u32 s1, $0x1;
	s1 =	simm.s32 $0x4;
	s0 =	sadd.s32 s7, s0  }
0xe: {  	vm12 =	vmmov $0x1fff;
	vm13 =	vmmov $0x3fff;
	vm14 =	vmmov $0x7fff;
	s7 =	sadd.s32 $0x28000, s0;
	s8 =	sadd.s32 $0x31C40, s0;
	s0 =	simm.s32 $0x0  }
.LBB2_8:
0xf: {  	s0 =	sadd.s32 $0x1, s0  }
0x10: {  	_ =	swait.ge [sflag:s31], $0x100;
	p0 =	sne.s32 s0, s9  }
.Ltmp1:
0x11: {  	[sflag:s31] =	ssyncset.done $0x0;
	(pc) =	sbr.rel @!p0 .LBB2_9-.Ltmp1, $4  }
0x12: {  	[sflag:s31] =	ssyncadd.s32 $0xFFFFFF00  }
0x13: {  	_ =	swait.ge [sflag:s1], $0x100  }
0x14: {  	[sflag:s1] =	ssyncset.done $0x0  }
0x15: {  	[sflag:s1] =	ssyncadd.s32 $0xFFFFFF00  }
.LBB2_1:
0x16: {  	[tilespmem:s3], [sflag:$0x5] =	stream.linear.gather [hbm4b:s7+s3], $0x2710, $0x38;
	[tilespmem:$0x15020] =	vst v63  }
0x17: {  	_ =	swait.ge [sflag:s10], $0x2710  }
0x18: {  	[sflag:s10] =	ssyncset.done $0x0  }
0x19: {  	[sflag:s10] =	ssyncadd.s32 $0xFFFFD8F0  }
0x1a: {  	[tilespmem:s11], [sflag:$0x5] =	stream.linear.gather [hbm4b:s8+s3], $0x2710, $0x38;
	[tilespmem:$0x15020] =	vst v63  }
0x1b: {  	_ =	swait.ge [sflag:s10], $0x2710  }
0x1c: {  	[sflag:s10] =	ssyncset.done $0x0  }
0x1d: {  	s13 =	simm.s32 $0x4E20;
	[sflag:s10] =	ssyncadd.s32 $0xFFFFD8F0  }
0x1e: {  	[tilespmem:s13], [sflag:$0x1] =	stream.indirect.gather [hbm4b:s5+s12], $0x40, s3, s12, $0xb8;
	[tilespmem:$0x15020] =	vst v63  }
0x1f: {  	s15 =	simm.s32 $0x8E20  }
0x20: {  	[tilespmem:s15], [sflag:$0x1] =	stream.indirect.gather [hbm4b:s6+s12], $0x40, s11, s12, $0xb8;
	[tilespmem:$0x15020] =	vst v63  }
0x21: {  	s16 =	simm.s32 $0x6E20  }
0x22: {  	[tilespmem:s16], [sflag:$0x1] =	stream.indirect.gather [hbm4b:s5+s12], $0x40, s12, s12, $0xb8;
	[tilespmem:$0x15020] =	vst v63  }
0x23: {  	s17 =	simm.s32 $0x2790;
	s14 =	simm.s32 $0xAE20  }
0x24: {  	[tilespmem:s14], [sflag:$0x1] =	stream.indirect.gather [hbm4b:s6+s12], $0x40, s17, s12, $0xb8;
	[tilespmem:$0x15020] =	vst v63  }
0x25: {  	s18 =	simm.s32 $0x100  }
0x26: {  	[tilespmem:s19], [sflag:$0x2] =	stream.indirect.gather [hbm4b:s5+s12], $0x40, s18, s12, $0xb8;
	[tilespmem:$0x15020] =	vst v63  }
0x27: {  	_ = 	snop  }
0x28: {  	[tilespmem:s21], [sflag:$0x2] =	stream.indirect.gather [hbm4b:s6+s12], $0x40, s20, s12, $0xb8;
	[tilespmem:$0x15020] =	vst v63  }
0x29: {  	_ = 	snop  }
0x2a: {  	[tilespmem:s23], [sflag:$0x2] =	stream.indirect.gather [hbm4b:s5+s12], $0x40, s22, s12, $0xb8;
	[tilespmem:$0x15020] =	vst v63  }
0x2b: {  	s13 =	simm.s32 $0x0  }
0x2c: {  	[tilespmem:s25], [sflag:$0x2] =	stream.indirect.gather [hbm4b:s6+s12], $0x40, s24, s12, $0xb8;
	[tilespmem:$0x15020] =	vst v63  }
.LBB2_2:
0x2d: {  	_ =	swait.ge [sflag:s26], $0x2000  }
0x2e: {  	[sflag:s26] =	ssyncset.done $0x0  }
0x2f: {  	[sflag:s26] =	ssyncadd.s32 $0xFFFFE000  }
0x30: {  	_ =	swait.ge [sflag:s26], $0x2000  }
0x31: {  	[sflag:s26] =	ssyncset.done $0x0  }
0x32: {  	[sflag:s26] =	ssyncadd.s32 $0xFFFFE000  }
0x33: {  	_ =	swait.ge [sflag:s26], $0x2000  }
0x34: {  	[sflag:s26] =	ssyncset.done $0x0  }
0x35: {  	[sflag:s26] =	ssyncadd.s32 $0xFFFFE000  }
0x36: {  	_ =	swait.ge [sflag:s26], $0x2000  }
0x37: {  	p0 =	seq.s32 s13, $0x0;
	[sflag:s26] =	ssyncset.done $0x0  }
0x38: {  	s14 =	simm.s32 @!p0 $0x3;
	[sflag:s26] =	ssyncadd.s32 $0xFFFFE000  }
0x39: {  	_ =	swait.ge @!p0 [sflag:s14], $0x100  }
0x3a: {  	[sflag:s14] =	ssyncset.done @!p0 $0x0  }
0x3b: {  	s18 =	simm.s32 $0x0;
	[sflag:s14] =	ssyncadd.s32 @!p0 $0xFFFFFF00  }
0x3c: {  	v16 =	vld [tilespmem:s18+$0x9210]  }
0x3d: {  	v15 =	vld [tilespmem:s18+$0x5210]  }
0x3e: {  	v0 =	vld [tilespmem:s18+$0x9200]  }
0x3f: {  	v57 =	vld [tilespmem:s18+$0x5200]  }
0x40: {  	v58 =	vld [tilespmem:s18+$0x91F0]  }
0x41: {  	v21 =	vld [tilespmem:s18+$0x91D0]  }
0x42: {  	v22 =	vld [tilespmem:s18+$0x51D0]  }
0x43: {  	v23 =	vld [tilespmem:s18+$0x91C0]  }
0x44: {  	v24 =	vld [tilespmem:s18+$0x51C0]  }
0x45: {  	v25 =	vld [tilespmem:s18+$0x91B0]  }
0x46: {  	v26 =	vld [tilespmem:s18+$0x51B0]  }
0x47: {  	v27 =	vld [tilespmem:s18+$0x91A0]  }
0x48: {  	v28 =	vld [tilespmem:s18+$0x51A0]  }
0x49: {  	v29 =	vld [tilespmem:s18+$0x9190]  }
0x4a: {  	v30 =	vld [tilespmem:s18+$0x5190]  }
0x4b: {  	v59 =	vld [tilespmem:s18+$0x9180]  }
0x4c: {  	v60 =	vld [tilespmem:s18+$0x5180]  }
0x4d: {  	v61 =	vld [tilespmem:s18+$0x9170]  }
0x4e: {  	v31 =	vld [tilespmem:s18+$0x9150]  }
0x4f: {  	v32 =	vld [tilespmem:s18+$0x5150]  }
0x50: {  	v33 =	vld [tilespmem:s18+$0x9140]  }
0x51: {  	v34 =	vld [tilespmem:s18+$0x5140]  }
0x52: {  	v35 =	vld [tilespmem:s18+$0x9130]  }
0x53: {  	v36 =	vld [tilespmem:s18+$0x5130]  }
0x54: {  	v37 =	vld [tilespmem:s18+$0x9120]  }
0x55: {  	v38 =	vld [tilespmem:s18+$0x5120]  }
0x56: {  	v39 =	vld [tilespmem:s18+$0x9110]  }
0x57: {  	v40 =	vld [tilespmem:s18+$0x5110]  }
0x58: {  	v41 =	vld [tilespmem:s18+$0x9100]  }
0x59: {  	v42 =	vld [tilespmem:s18+$0x5100]  }
0x5a: {  	v43 =	vld [tilespmem:s18+$0x90F0]  }
0x5b: {  	v44 =	vld [tilespmem:s18+$0x50F0]  }
0x5c: {  	v45 =	vld [tilespmem:s18+$0x90E0]  }
0x5d: {  	v46 =	vld [tilespmem:s18+$0x50E0]  }
0x5e: {  	v62 =	vld [tilespmem:s18+$0x90D0]  }
0x5f: {  	v20 =	vld [tilespmem:s18+$0x50D0]  }
0x60: {  	v63 =	vld [tilespmem:s18+$0x90C0]  }
0x61: {  	v9 =	vld [tilespmem:s18+$0x50C0]  }
0x62: {  	v10 =	vld [tilespmem:s18+$0x90B0]  }
0x63: {  	v47 =	vld [tilespmem:s18+$0x9090]  }
0x64: {  	v48 =	vld [tilespmem:s18+$0x5090]  }
0x65: {  	v49 =	vld [tilespmem:s18+$0x9080]  }
0x66: {  	v50 =	vld [tilespmem:s18+$0x5080]  }
0x67: {  	v51 =	vld [tilespmem:s18+$0x9070]  }
0x68: {  	v52 =	vld [tilespmem:s18+$0x5070]  }
0x69: {  	v53 =	vld [tilespmem:s18+$0x9060]  }
0x6a: {  	v54 =	vld [tilespmem:s18+$0x5060]  }
0x6b: {  	v55 =	vld [tilespmem:s18+$0x9050]  }
0x6c: {  	v56 =	vld [tilespmem:s18+$0x5050]  }
0x6d: {  	v11 =	vld [tilespmem:s18+$0x9010]  }
0x6e: {  	v4 =	vld [tilespmem:s18+$0x4FD0]  }
0x6f: {  	v1 =	vld [tilespmem:s18+$0x8FC0]  }
0x70: {  	v6 =	vld [tilespmem:s18+$0x8FB0]  }
0x71: {  	v5 =	vld [tilespmem:s18+$0x4FB0]  }
0x72: {  	v3 =	vld [tilespmem:s18+$0x8FA0]  }
0x73: {  	v2 =	vld [tilespmem:s18+$0x4FA0]  }
0x74: {  	v14 =	vld [tilespmem:s18+$0x8F90]  }
0x75: {  	v7 =	vld [tilespmem:s18+$0x4F80]  }
0x76: {  	v13 =	vld [tilespmem:s18+$0x8F70]  }
0x77: {  	v12 =	vld [tilespmem:s18+$0x4F70]  }
0x78: {  	v8 =	vld [tilespmem:s18+$0x4F60]  }
0x79: {  	v18 =	vld [tilespmem:s18+$0x8F50]  }
0x7a: {  	v17 =	vld [tilespmem:s18+$0x4F50]  }
0x7b: {  	v19 =	vld [tilespmem:s18+$0x8F40]  }
0x7c: {  	[tilespmem:$0x1FEB0] =	vst v57;
	v57 =	vld [tilespmem:s18+$0x9040]  }
0x7d: {  	[tilespmem:$0x1FEC0] =	vst v58;
	v58 =	vld [tilespmem:s18+$0x5040]  }
0x7e: {  	[tilespmem:$0x1FE70] =	vst v59;
	v59 =	vld [tilespmem:s18+$0x9030]  }
0x7f: {  	[tilespmem:$0x1FE80] =	vst v60;
	v60 =	vld [tilespmem:s18+$0x5030]  }
0x80: {  	[tilespmem:$0x1FE90] =	vst v61;
	v61 =	vld [tilespmem:s18+$0x9020]  }
0x81: {  	[tilespmem:$0x1FDB0] =	vst v62;
	v62 =	vld [tilespmem:s18+$0x5020]  }
0x82: {  	[tilespmem:$0x1FE40] =	vst v63;
	v63 =	vld [tilespmem:s18+$0x5010]  }
0x83: {  	[tilespmem:$0x1FE50] =	vst v9;
	v9 =	vld [tilespmem:s18+$0x9000]  }
0x84: {  	[tilespmem:$0x1FE60] =	vst v10;
	v10 =	vld [tilespmem:s18+$0x5000]  }
0x85: {  	[tilespmem:$0x1FDC0] =	vst v11;
	v11 =	vld [tilespmem:s18+$0x8FF0]  }
0x86: {  	[tilespmem:$0x1FEA0] =	vst v0;
	v0 =	vld [tilespmem:s18+$0x4FC0]  }
0x87: {  	[tilespmem:$0x1FDE0] =	vst v19;
	v19 =	vld [tilespmem:s18+$0x4F40]  }
0x88: {  	v21 =	vmul.bf16 v21, v22;
	v22 =	vld [tilespmem:s18+$0x8F10]  }
0x89: {  	v25 =	vmul.bf16 v25, v26;
	v26 =	vld [tilespmem:s18+$0x4F10]  }
0x8a: {  	v23 =	vmul.bf16 v23, v24;
	v24 =	vmul.bf16 v27, v28;
	v27 =	vld [tilespmem:s18+$0x8F00]  }
0x8b: {  	v28 =	vmul.bf16 v31, v32;
	v31 =	vld [tilespmem:s18+$0x8EF0]  }
0x8c: {  	v32 =	vmul.bf16 v37, v38;
	v38 =	vld [tilespmem:s18+$0x8EC0]  }
0x8d: {  	v37 =	vld [tilespmem:s18+$0x4EC0]  }
0x8e: {  	v53 =	vmul.bf16 v53, v54;
	v54 =	vmul.bf16 v51, v52;
	v51 =	vld [tilespmem:s18+$0x4EA0]  }
0x8f: {  	v2 =	vmul.bf16 v3, v2;
	v3 =	vmul.bf16 v6, v5;
	v6 =	vld [tilespmem:s18+$0x8E30]  }
0x90: {  	v17 =	vmul.bf16 v18, v17;
	v18 =	vld [tilespmem:s18+$0x4F30]  }
0x91: {  	v21 =	vadd.bf16 v21, v23;
	v23 =	vld [tilespmem:s18+$0x4F00]  }
0x92: {  	v24 =	vadd.bf16 v25, v24;
	v25 =	vmul.bf16 v33, v34;
	v34 =	vld [tilespmem:s18+$0x4EF0]  }
0x93: {  	v33 =	vmul.bf16 v35, v36;
	v36 =	vld [tilespmem:s18+$0x8EE0]  }
0x94: {  	v35 =	vld [tilespmem:s18+$0x4ED0]  }
0x95: {  	v2 =	vadd.bf16 v3, v2;
	v3 =	vld [tilespmem:s18+$0x8E20]  }
0x96: {  	v24 =	vadd.bf16 v21, v24;
	v21 =	vmul.bf16 v16, v15;
	v16 =	vadd.bf16 v33, v32;
	v33 =	vld [tilespmem:s18+$0x4EE0]  }
0x97: {  	v15 =	vmul.bf16 v29, v30;
	v29 =	vld [tilespmem:s18+$0x8ED0]  }
0x98: {  	v25 =	vadd.bf16 v28, v25;
	v28 =	vmul.bf16 v41, v42;
	v42 =	vmul.bf16 v39, v40;
	v40 =	vld [tilespmem:s18+$0x4EB0]  }
0x99: {  	v45 =	vmul.bf16 v45, v46;
	v46 =	vmul.bf16 v43, v44;
	v39 =	vadd.bf16 v54, v53;
	v53 =	vld [tilespmem:s18+$0x8E50]  }
0x9a: {  	v30 =	vmul.bf16 v47, v48;
	v54 =	vld [tilespmem:s18+$0x4E50]  }
0x9b: {  	v32 =	vadd.bf16 v46, v45;
	[tilespmem:$0x1FDD0] =	vst v63;
	v63 =	vld [tilespmem:s18+$0x8FD0];
	v62 =	vmul.bf16 v61, v62;
	v0 =	vmul.bf16 v1, v0  }
0x9c: {  	[tilespmem:$0x1FE30] =	vst v11;
	v11 =	vld [tilespmem:s18+$0x4F90];
	v28 =	vadd.bf16 v42, v28;
	v16 =	vadd.bf16 v25, v16;
	v25 =	vmul.bf16 v49, v50  }
0x9d: {  	[tilespmem:$0x1FE20] =	vst v10;
	v10 =	vld [tilespmem:s18+$0x8F80];
	v50 =	vunpack.i.u.bf16.f32 v24;
	v24 =	vunpack.i.l.bf16.f32 v24;
	v49 =	vmul.bf16 v59, v60  }
0x9e: {  	[tilespmem:$0x1FE10] =	vst v9;
	v9 =	vld [tilespmem:s18+$0x8F60];
	v59 =	vmul.bf16 v13, v12;
	v13 =	vmul.bf16 v22, v26;
	v24 =	vadd.f32 v24, v50  }
0x9f: {  	[tilespmem:$0x1FDF0] =	vst v19;
	v19 =	vld [tilespmem:s18+$0x8F30];
	v12 =	vmul.bf16 v27, v23;
	v25 =	vadd.bf16 v30, v25;
	v28 =	vadd.bf16 v28, v32  }
0xa0: {  	v61 =	vld [tilespmem:$0x1FDB0];
	v30 =	vmul.bf16 v57, v58;
	v48 =	vunpack.i.u.bf16.f32 v16;
	v16 =	vunpack.i.l.bf16.f32 v16  }
0xa1: {  	v60 =	vld [tilespmem:s18+$0x4E20];
	v58 =	vmul.bf16 v55, v56;
	v42 =	vadd.bf16 v49, v62;
	v16 =	vadd.f32 v16, v48  }
0xa2: {  	v32 =	vld [tilespmem:s18+$0x8EB0];
	v12 =	vadd.bf16 v13, v12;
	v13 =	vmul.bf16 v38, v37;
	v23 =	vmul.bf16 v29, v35  }
0xa3: {  	v56 =	vld [tilespmem:s18+$0x8E40];
	v25 =	vadd.bf16 v25, v39;
	v4 =	vmul.bf16 v63, v4;
	v7 =	vmul.bf16 v10, v7  }
0xa4: {  	v57 =	vld [tilespmem:s18+$0x4E40];
	v30 =	vadd.bf16 v58, v30;
	v58 =	vmul.bf16 v14, v11;
	v8 =	vmul.bf16 v9, v8  }
0xa5: {  	v50 =	vld [tilespmem:s18+$0x8EA0];
	[tilespmem:$0x1FE00] =	vst v19;
	v52 =	vunpack.i.u.bf16.f32 v28;
	v14 =	vmul.bf16 v36, v33;
	v19 =	vmul.bf16 v31, v34  }
0xa6: {  	v27 =	vld [tilespmem:$0x1FDC0];
	v13 =	vadd.bf16 v23, v13;
	v3 =	vmul.bf16 v3, v60;
	v30 =	vadd.bf16 v30, v42  }
0xa7: {  	v29 =	vld [tilespmem:$0x1FDD0];
	v55 =	vunpack.i.u.bf16.f32 v25;
	v0 =	vadd.bf16 v4, v0;
	v7 =	vadd.bf16 v58, v7  }
0xa8: {  	v22 =	vld [tilespmem:s18+$0x8E80];
	v25 =	vunpack.i.l.bf16.f32 v25;
	v8 =	vadd.bf16 v59, v8;
	v14 =	vadd.bf16 v19, v14  }
0xa9: {  	v62 =	vld [tilespmem:s18+$0x8E90];
	v5 =	vadd.f32 v25, v55;
	v26 =	vmul.bf16 v32, v40;
	v1 =	vmul.bf16 v56, v57  }
0xaa: {  	v4 =	vunpack.i.u.bf16.f32 v30;
	v25 =	vunpack.i.l.bf16.f32 v30;
	v30 =	vld [tilespmem:s18+$0x4E30];
	v0 =	vadd.bf16 v0, v2  }
0xab: {  	v63 =	vld [tilespmem:s18+$0x4E90];
	v7 =	vadd.bf16 v7, v8;
	v4 =	vadd.f32 v25, v4;
	v25 =	vmul.bf16 v50, v51  }
0xac: {  	v23 =	vld [tilespmem:s18+$0x4E60];
	v2 =	vmul.bf16 v61, v20;
	v12 =	vadd.bf16 v12, v14;
	v27 =	vmul.bf16 v27, v29  }
0xad: {  	v8 =	vld [tilespmem:s18+$0x4E80];
	v14 =	vunpack.i.u.bf16.f32 v7;
	v7 =	vunpack.i.l.bf16.f32 v7;
	v25 =	vadd.bf16 v26, v25  }
0xae: {  	v19 =	vld [tilespmem:s18+$0x8E70];
	v20 =	vunpack.i.u.bf16.f32 v0;
	v0 =	vunpack.i.l.bf16.f32 v0;
	v7 =	vadd.f32 v7, v14  }
0xaf: {  	v29 =	vld [tilespmem:s18+$0x8E60];
	v14 =	vmul.bf16 v53, v54;
	v13 =	vadd.bf16 v13, v25;
	v6 =	vmul.bf16 v6, v30  }
0xb0: {  	v32 =	vunpack.i.l.bf16.f32 v12;
	v0 =	vadd.f32 v0, v20;
	v20 =	vld [tilespmem:s18+$0x4E70];
	v26 =	vunpack.i.u.bf16.f32 v12  }
0xb1: {  	v12 =	vld [tilespmem:s18+$0x8F20];
	v1 =	vadd.bf16 v14, v1;
	v14 =	vunpack.i.u.bf16.f32 v13;
	v3 =	vadd.bf16 v6, v3  }
0xb2: {  	v25 =	vld [tilespmem:s18+$0x4F20];
	v6 =	vmul.bf16 v22, v8;
	v8 =	vmul.bf16 v62, v63;
	v13 =	vunpack.i.l.bf16.f32 v13  }
0xb3: {  	v28 =	vunpack.i.l.bf16.f32 v28;
	v1 =	vadd.bf16 v1, v3;
	v3 =	vadd.f32 v13, v14;
	v13 =	vld [tilespmem:$0x1FDE0]  }
0xb4: {  	(xrf2) =	vadd.scan.msk.f32 $0xffff, v24;
	v28 =	vadd.f32 v28, v52;
	v6 =	vadd.bf16 v8, v6;
	v8 =	vld [tilespmem:$0x1FE00]  }
0xb5: {  	(xrf2) =	vadd.scan.msk.f32 $0xffff, v16;
	v14 =	vld [tilespmem:$0x1FDF0]  }
0xb6: {  	v35 =	vld [tilespmem:s18+$0x50B0];
	(xrf2) =	vadd.scan.msk.f32 $0xffff, v28;
	v34 =	vmul.bf16 v29, v23;
	v16 =	vmul.bf16 v19, v20  }
0xb7: {  	v33 =	vld [tilespmem:s18+$0x4FF0];
	(xrf2) =	vadd.scan.msk.f32 $0xffff, v5  }
0xb8: {  	(xrf2) =	vadd.scan.msk.f32 $0xffff, v4;
	v19 =	vld [tilespmem:s18+$0x8FE0];
	v5 =	vadd.bf16 v16, v34;
	v4 =	vunpack.i.u.bf16.f32 v1;
	v1 =	vunpack.i.l.bf16.f32 v1  }
0xb9: {  	v12 =	vmul.bf16 v12, v25;
	v36 =	vadd.f32 v1, v4;
	v4 =	vld [tilespmem:$0x1FE10];
	v8 =	vmul.bf16 v8, v18  }
0xba: {  	v11 =	vadd.f32 v32, v26;
	v13 =	vmul.bf16 v13, v14;
	v14 =	vld [tilespmem:s18+$0x4FE0]  }
0xbb: {  	(xrf2) =	vadd.scan.msk.f32 $0xffff, v0;
	v37 =	vadd.bf16 v6, v5;
	v6 =	vadd.bf16 v8, v12;
	v8 =	vld [tilespmem:$0x1FE30]  }
0xbc: {  	(xrf2) =	vadd.scan.msk.f32 $0xffff, v7;
	v5 =	vld [tilespmem:$0x1FE20];
	v7 =	vadd.bf16 v17, v13  }
0xbd: {  	v38 =	vld [tilespmem:s18+$0x5170];
	(xrf2) =	vadd.scan.msk.f32 $0xffff, v11  }
0xbe: {  	(xrf2) =	vadd.scan.msk.f32 $0xffff, v3;
	v3 =	vadd.bf16 v7, v6;
	v6 =	vld [tilespmem:$0x1FE40]  }
0xbf: {  	v7 =	vld [tilespmem:$0x1FE50]  }
0xc0: {  	v16 =	vld [tilespmem:s18+$0x90A0];
	v12 =	vmul.bf16 v19, v14;
	v8 =	vmul.bf16 v8, v33  }
0xc1: {  	v4 =	vmul.bf16 v4, v5;
	v5 =	vld [tilespmem:s18+$0x50A0]  }
0xc2: {  	v40 =	vadd.bf16 v8, v12;
	v8 =	vld [tilespmem:$0x1FE60]  }
0xc3: {  	v13 =	vld [tilespmem:s18+$0x9160]  }
0xc4: {  	v6 =	vmul.bf16 v6, v7;
	v7 =	vld [tilespmem:s18+$0x5160];
	v12 =	vunpack.i.u.bf16.f32 v3;
	v3 =	vunpack.i.l.bf16.f32 v3  }
0xc5: {  	v4 =	vadd.bf16 v27, v4;
	v3 =	vadd.f32 v3, v12;
	v12 =	vld [tilespmem:$0x1FE80]  }
0xc6: {  	v2 =	vadd.bf16 v2, v6;
	v6 =	vld [tilespmem:$0x1FE90]  }
0xc7: {  	v5 =	vmul.bf16 v16, v5;
	v0 =	vadd.bf16 v4, v40;
	v4 =	vld [tilespmem:$0x1FE70];
	v8 =	vmul.bf16 v8, v35  }
0xc8: {  	v41 =	vld [tilespmem:s18+$0x51F0]  }
0xc9: {  	v45 =	vld [tilespmem:$0x1FEB0];
	v39 =	vunpack.i.u.bf16.f32 v37;
	v1 =	vunpack.i.l.bf16.f32 v37;
	v5 =	vadd.bf16 v8, v5  }
0xca: {  	v1 =	vadd.f32 v1, v39;
	v14 =	vld [tilespmem:s18+$0x91E0]  }
0xcb: {  	(xrf2) =	vadd.scan.msk.f32 $0xffff, v36;
	v7 =	vmul.bf16 v13, v7;
	v6 =	vmul.bf16 v6, v38;
	v2 =	vadd.bf16 v2, v5;
	v5 =	vld [tilespmem:$0x1FEA0]  }
0xcc: {  	v42, _, _ =	vpop (xrf2);
	(xrf2) =	vadd.scan.msk.f32 $0xffff, v1;
	v4 =	vmul.bf16 v4, v12;
	v12 =	vld [tilespmem:s18+$0x51E0]  }
0xcd: {  	v43, _, _ =	vpop (xrf2);
	v6 =	vadd.bf16 v6, v7;
	v7 =	vld [tilespmem:$0x1FEC0]  }
0xce: {  	v16, _, _ =	vpop (xrf2)  }
0xcf: {  	v8, _, _ =	vpop (xrf2)  }
0xd0: {  	(xrf2) =	vadd.scan.msk.f32 $0xffff, v3;
	v44 =	vunpack.i.u.bf16.f32 v0;
	v3, _, _ =	vpop (xrf2);
	v5 =	vmul.bf16 v5, v45  }
0xd1: {  	v0 =	vunpack.i.l.bf16.f32 v0;
	v4 =	vadd.bf16 v15, v4;
	v46, _, _ =	vpop (xrf2);
	v12 =	vmul.bf16 v14, v12  }
0xd2: {  	v0 =	vadd.f32 v0, v44;
	v47, _, _ =	vpop (xrf2);
	v7 =	vmul.bf16 v7, v41;
	v5 =	vadd.bf16 v21, v5  }
0xd3: {  	v4 =	vadd.bf16 v4, v6;
	v48, _, _ =	vpop (xrf2)  }
0xd4: {  	(xrf2) =	vadd.scan.msk.f32 $0xffff, v0;
	v13 =	vunpack.i.u.bf16.f32 v2;
	v2 =	vunpack.i.l.bf16.f32 v2;
	v6, _, _ =	vpop (xrf2);
	v7 =	vadd.bf16 v7, v12  }
0xd5: {  	v2 =	vadd.f32 v2, v13;
	v13 =	vunpack.i.u.bf16.f32 v4;
	v4 =	vunpack.i.l.bf16.f32 v4;
	v12, _, _ =	vpop (xrf2)  }
0xd6: {  	v49 =	vadd.f32 v4, v13;
	v4 =	vadd.bf16 v5, v7;
	v5, _, _ =	vpop (xrf2)  }
0xd7: {  	(xrf2) =	vadd.scan.msk.f32 $0xffff, v2;
	v5 =	vbroadcast v5, $0xF;
	_ =	sdelay $0x1  }
0xd8: {  	v7 =	vbroadcast v12, $0xF  }
0xd9: {  	v6 =	vbroadcast v6, $0xF  }
0xda: {  	v0 =	vbroadcast v48, $0xF;
	v12 =	vunpack.i.u.bf16.f32 v4;
	v50 =	vsel vm0, v7, v5;
	v5, _, _ =	vpop (xrf2)  }
0xdb: {  	(xrf2) =	vadd.scan.msk.f32 $0xffff, v49;
	v4 =	vunpack.i.l.bf16.f32 v4;
	v2 =	vsel vm1, v50, v6;
	v5 =	vbroadcast v5, $0xF  }
0xdc: {  	v51 =	vbroadcast v47, $0xF;
	v4 =	vadd.f32 v4, v12;
	v0 =	vsel vm2, v2, v0  }
0xdd: {  	v6, _, _ =	vpop (xrf2);
	v0 =	vsel vm3, v0, v5;
	v5 =	vbroadcast v46, $0xF  }
0xde: {  	v52 =	vbroadcast v6, $0xF;
	v0 =	vsel vm4, v0, v51  }
0xdf: {  	v3 =	vbroadcast v3, $0xF;
	(xrf2) =	vadd.scan.msk.f32 $0xffff, v4;
	v0 =	vsel vm5, v0, v5  }
0xe0: {  	v4, _, _ =	vpop (xrf2);
	v0 =	vsel vm6, v0, v52  }
0xe1: {  	v0 =	vsel vm7, v0, v3;
	v3 =	vbroadcast v4, $0xF  }
0xe2: {  	v53 =	vbroadcast v8, $0xF;
	_ =	sdelay $0x1  }
0xe3: {  	v54 =	vbroadcast v16, $0xF;
	v0 =	vsel vm8, v0, v53  }
0xe4: {  	v1 =	vbroadcast v43, $0xF;
	v0 =	vsel vm9, v0, v3;
	v3, _, _ =	vpop (xrf2)  }
0xe5: {  	v0 =	vsel vm10, v0, v54;
	v55 =	vbroadcast v3, $0xF  }
0xe6: {  	v56 =	vbroadcast v42, $0xF;
	v0 =	vsel vm11, v0, v1  }
0xe7: {  	v0 =	vsel vm12, v0, v55  }
0xe8: {  	v57, _, _ =	vpop (xrf2);
	v0 =	vsel vm13, v0, v56  }
0xe9: {  	v0 =	vsel vm14, v0, v57  }
0xea: {  	v0 =	vmul.f32 $1.000000000e+01, v0  }
0xeb: {  	s15 =	simm.s32 $0x14E20  }
0xec: {  	s16 =	simm.s32 $0x400;
	[tilespmem:s15+$0x0] =	vst v0  }
0xed: {  	v13 =	vld [tilespmem:s16+$0x9210]  }
0xee: {  	v0 =	vld [tilespmem:s16+$0x5210]  }
0xef: {  	v58 =	vld [tilespmem:s16+$0x9200]  }
0xf0: {  	v59 =	vld [tilespmem:s16+$0x5200]  }
0xf1: {  	v18 =	vld [tilespmem:s16+$0x91F0]  }
0xf2: {  	v21 =	vld [tilespmem:s16+$0x91D0]  }
0xf3: {  	v24 =	vld [tilespmem:s16+$0x51D0]  }
0xf4: {  	v25 =	vld [tilespmem:s16+$0x91C0]  }
0xf5: {  	v26 =	vld [tilespmem:s16+$0x51C0]  }
0xf6: {  	v27 =	vld [tilespmem:s16+$0x91B0]  }
0xf7: {  	v28 =	vld [tilespmem:s16+$0x51B0]  }
0xf8: {  	v29 =	vld [tilespmem:s16+$0x91A0]  }
0xf9: {  	v30 =	vld [tilespmem:s16+$0x51A0]  }
0xfa: {  	v11 =	vld [tilespmem:s16+$0x9190]  }
0xfb: {  	v12 =	vld [tilespmem:s16+$0x5190]  }
0xfc: {  	v60 =	vld [tilespmem:s16+$0x9180]  }
0xfd: {  	v61 =	vld [tilespmem:s16+$0x5180]  }
0xfe: {  	v62 =	vld [tilespmem:s16+$0x9170]  }
0xff: {  	v33 =	vld [tilespmem:s16+$0x9150]  }
0x100: {  	v34 =	vld [tilespmem:s16+$0x5150]  }
0x101: {  	v35 =	vld [tilespmem:s16+$0x9140]  }
0x102: {  	v36 =	vld [tilespmem:s16+$0x5140]  }
0x103: {  	v37 =	vld [tilespmem:s16+$0x9130]  }
0x104: {  	v38 =	vld [tilespmem:s16+$0x5130]  }
0x105: {  	v39 =	vld [tilespmem:s16+$0x9120]  }
0x106: {  	v40 =	vld [tilespmem:s16+$0x5120]  }
0x107: {  	v41 =	vld [tilespmem:s16+$0x9110]  }
0x108: {  	v42 =	vld [tilespmem:s16+$0x5110]  }
0x109: {  	v43 =	vld [tilespmem:s16+$0x9100]  }
0x10a: {  	v44 =	vld [tilespmem:s16+$0x5100]  }
0x10b: {  	v45 =	vld [tilespmem:s16+$0x90F0]  }
0x10c: {  	v46 =	vld [tilespmem:s16+$0x50F0]  }
0x10d: {  	v47 =	vld [tilespmem:s16+$0x90E0]  }
0x10e: {  	v48 =	vld [tilespmem:s16+$0x50E0]  }
0x10f: {  	v7 =	vld [tilespmem:s16+$0x90D0]  }
0x110: {  	v8 =	vld [tilespmem:s16+$0x50D0]  }
0x111: {  	v63 =	vld [tilespmem:s16+$0x90C0]  }
0x112: {  	v9 =	vld [tilespmem:s16+$0x50C0]  }
0x113: {  	v10 =	vld [tilespmem:s16+$0x90B0]  }
0x114: {  	v49 =	vld [tilespmem:s16+$0x9090]  }
0x115: {  	v50 =	vld [tilespmem:s16+$0x5090]  }
0x116: {  	v51 =	vld [tilespmem:s16+$0x9080]  }
0x117: {  	v52 =	vld [tilespmem:s16+$0x5080]  }
0x118: {  	v53 =	vld [tilespmem:s16+$0x9070]  }
0x119: {  	v54 =	vld [tilespmem:s16+$0x5070]  }
0x11a: {  	v55 =	vld [tilespmem:s16+$0x9060]  }
0x11b: {  	v56 =	vld [tilespmem:s16+$0x5060]  }
0x11c: {  	v57 =	vld [tilespmem:s16+$0x9050]  }
0x11d: {  	v1 =	vld [tilespmem:s16+$0x5020]  }
0x11e: {  	v32 =	vld [tilespmem:s16+$0x9000]  }
0x11f: {  	v22 =	vld [tilespmem:s16+$0x4FD0]  }
0x120: {  	v3 =	vld [tilespmem:s16+$0x8FC0]  }
0x121: {  	v2 =	vld [tilespmem:s16+$0x4FC0]  }
0x122: {  	v4 =	vld [tilespmem:s16+$0x8FB0]  }
0x123: {  	v31 =	vld [tilespmem:s16+$0x8FA0]  }
0x124: {  	v23 =	vld [tilespmem:s16+$0x4FA0]  }
0x125: {  	v16 =	vld [tilespmem:s16+$0x8F90]  }
0x126: {  	v17 =	vld [tilespmem:s16+$0x4F90]  }
0x127: {  	v14 =	vld [tilespmem:s16+$0x8F70]  }
0x128: {  	v15 =	vld [tilespmem:s16+$0x4F70]  }
0x129: {  	v19 =	vld [tilespmem:s16+$0x8F60]  }
0x12a: {  	v20 =	vld [tilespmem:s16+$0x4F60]  }
0x12b: {  	v5 =	vld [tilespmem:s16+$0x8F50]  }
0x12c: {  	v6 =	vld [tilespmem:s16+$0x4F50]  }
0x12d: {  	[tilespmem:$0x1FED0] =	vst v58;
	v58 =	vld [tilespmem:s16+$0x5050]  }
0x12e: {  	[tilespmem:$0x1FEE0] =	vst v59;
	v59 =	vld [tilespmem:s16+$0x9040]  }
0x12f: {  	[tilespmem:$0x1FEF0] =	vst v60;
	v60 =	vld [tilespmem:s16+$0x5040]  }
0x130: {  	[tilespmem:$0x1FF00] =	vst v61;
	v61 =	vld [tilespmem:s16+$0x9030]  }
0x131: {  	[tilespmem:$0x1FF10] =	vst v62;
	v62 =	vld [tilespmem:s16+$0x5030]  }
0x132: {  	[tilespmem:$0x1FF20] =	vst v63;
	v63 =	vld [tilespmem:s16+$0x9020]  }
0x133: {  	[tilespmem:$0x1FF30] =	vst v9;
	v9 =	vld [tilespmem:s16+$0x9010]  }
0x134: {  	[tilespmem:$0x1FF40] =	vst v10;
	v10 =	vld [tilespmem:s16+$0x5010]  }
0x135: {  	[tilespmem:$0x1FF50] =	vst v32;
	v32 =	vld [tilespmem:s16+$0x5000]  }
0x136: {  	[tilespmem:$0x1FFB0] =	vst v4;
	v4 =	vld [tilespmem:s16+$0x4FB0]  }
0x137: {  	v25 =	vmul.bf16 v25, v26;
	v21 =	vmul.bf16 v21, v24;
	v24 =	vld [tilespmem:s16+$0x4F10]  }
0x138: {  	v26 =	vmul.bf16 v27, v28;
	v28 =	vmul.bf16 v33, v34;
	v33 =	vld [tilespmem:s16+$0x4F00]  }
0x139: {  	v34 =	vld [tilespmem:s16+$0x8EF0]  }
0x13a: {  	v27 =	vmul.bf16 v35, v36;
	v35 =	vld [tilespmem:s16+$0x4EF0]  }
0x13b: {  	v36 =	vld [tilespmem:s16+$0x8EE0]  }
0x13c: {  	v21 =	vadd.bf16 v21, v25;
	v25 =	vadd.bf16 v28, v27;
	v28 =	vmul.bf16 v41, v42;
	v42 =	vld [tilespmem:s16+$0x8EC0]  }
0x13d: {  	v41 =	vld [tilespmem:s16+$0x4EC0]  }
0x13e: {  	v27 =	vmul.bf16 v43, v44;
	v44 =	vld [tilespmem:s16+$0x4EB0]  }
0x13f: {  	[tilespmem:$0x1FFC0] =	vst v4;
	v4 =	vld [tilespmem:s16+$0x8F80]  }
0x140: {  	[tilespmem:$0x1FF60] =	vst v32;
	v32 =	vld [tilespmem:s16+$0x8FF0]  }
0x141: {  	[tilespmem:$0x1FFF0] =	vst v24;
	v24 =	vmul.bf16 v29, v30;
	v30 =	vld [tilespmem:s16+$0x8F00]  }
0x142: {  	v29 =	vmul.bf16 v37, v38;
	v37 =	vld [tilespmem:s16+$0x4EE0]  }
0x143: {  	v38 =	vld [tilespmem:s16+$0x8ED0]  }
0x144: {  	[tilespmem:$0x1FFD0] =	vst v4;
	v4 =	vld [tilespmem:s16+$0x4F80]  }
0x145: {  	v34 =	vmul.bf16 v34, v35;
	v35 =	vld [tilespmem:s16+$0x4E80]  }
0x146: {  	v24 =	vadd.bf16 v26, v24;
	v26 =	vmul.bf16 v39, v40;
	v39 =	vld [tilespmem:s16+$0x4ED0]  }
0x147: {  	v40 =	vld [tilespmem:s16+$0x8EB0]  }
0x148: {  	v21 =	vadd.bf16 v21, v24;
	v24 =	vmul.bf16 v47, v48;
	v47 =	vmul.bf16 v13, v0;
	v0 =	vld [tilespmem:s16+$0x8EA0]  }
0x149: {  	[tilespmem:$0x1FFE0] =	vst v4;
	v4 =	vld [tilespmem:s16+$0x8F40]  }
0x14a: {  	v26 =	vadd.bf16 v29, v26;
	v29 =	vmul.bf16 v45, v46;
	v46 =	vld [tilespmem:s16+$0x4EA0]  }
0x14b: {  	v27 =	vadd.bf16 v28, v27;
	v28 =	vmul.bf16 v49, v50;
	[tilespmem:$0x1FF70] =	vst v32;
	v32 =	vld [tilespmem:s16+$0x8FD0];
	v36 =	vmul.bf16 v36, v37  }
0x14c: {  	v37 =	vld [tilespmem:s16+$0x4E70];
	v25 =	vadd.bf16 v25, v26;
	v26 =	vmul.bf16 v51, v52;
	v52 =	vmul.bf16 v53, v54  }
0x14d: {  	v54 =	vmul.bf16 v57, v58;
	v57 =	vmul.bf16 v3, v2;
	v3 =	vld [tilespmem:$0x1FFB0]  }
0x14e: {  	v41 =	vmul.bf16 v42, v41;
	v24 =	vadd.bf16 v29, v24;
	v29 =	vmul.bf16 v55, v56;
	[tilespmem:$0x1FF80] =	vst v4;
	v4 =	vld [tilespmem:s16+$0x4F40]  }
0x14f: {  	v53 =	vunpack.i.u.bf16.f32 v21;
	v21 =	vunpack.i.l.bf16.f32 v21;
	v55 =	vmul.bf16 v61, v62;
	v61 =	vld [tilespmem:$0x1FFD0]  }
0x150: {  	v21 =	vadd.f32 v21, v53;
	v26 =	vadd.bf16 v28, v26;
	v28 =	vmul.bf16 v59, v60;
	v60 =	vld [tilespmem:$0x1FFC0]  }
0x151: {  	v53 =	vmul.bf16 v30, v33;
	v33 =	vld [tilespmem:s16+$0x4E20];
	v29 =	vadd.bf16 v52, v29;
	v27 =	vadd.bf16 v27, v24  }
0x152: {  	v30 =	vld [tilespmem:s16+$0x8E90];
	v24 =	vmul.bf16 v63, v1;
	v56 =	vunpack.i.u.bf16.f32 v25;
	v25 =	vunpack.i.l.bf16.f32 v25  }
0x153: {  	(xrf2) =	vadd.scan.msk.f32 $0xffff, v21;
	v21 =	vmul.bf16 v31, v23;
	v26 =	vadd.bf16 v26, v29;
	[tilespmem:$0x1FF90] =	vst v4;
	v4 =	vld [tilespmem:s16+$0x8F30]  }
0x154: {  	v29 =	vadd.f32 v25, v56;
	v45 =	vadd.bf16 v55, v24;
	v25 =	vunpack.i.u.bf16.f32 v27;
	v24 =	vld [tilespmem:s16+$0x8E50]  }
0x155: {  	v28 =	vadd.bf16 v54, v28;
	v27 =	vunpack.i.l.bf16.f32 v27;
	v23 =	vmul.bf16 v3, v60;
	v3 =	vld [tilespmem:$0x1FFE0]  }
0x156: {  	v62 =	vmul.bf16 v16, v17;
	v58 =	vmul.bf16 v32, v22;
	v54 =	vld [tilespmem:$0x1FFF0];
	v43 =	vadd.f32 v27, v25  }
0x157: {  	v25 =	vld [tilespmem:s16+$0x4E50];
	v22 =	vunpack.i.u.bf16.f32 v26;
	v27 =	vunpack.i.l.bf16.f32 v26;
	v59 =	vadd.bf16 v28, v45;
	(xrf2) =	vadd.scan.msk.f32 $0xffff, v29  }
0x158: {  	v63 =	vmul.bf16 v14, v15;
	v2 =	vadd.bf16 v58, v57;
	v22 =	vadd.f32 v27, v22;
	[tilespmem:$0x1FFA0] =	vst v4;
	v4 =	vld [tilespmem:s16+$0x8F10]  }
0x159: {  	v26 =	vld [tilespmem:s16+$0x8E40];
	v31 =	vunpack.i.u.bf16.f32 v59;
	v32 =	vunpack.i.l.bf16.f32 v59;
	v21 =	vadd.bf16 v23, v21  }
0x15a: {  	v28 =	vld [tilespmem:s16+$0x4E40];
	v59 =	vadd.bf16 v34, v36;
	v23 =	vmul.bf16 v19, v20;
	v3 =	vmul.bf16 v61, v3  }
0x15b: {  	v48 =	vmul.bf16 v11, v12;
	v29 =	vld [tilespmem:s16+$0x4E30];
	v52 =	vadd.f32 v32, v31;
	v56 =	vadd.bf16 v2, v21  }
0x15c: {  	v40 =	vmul.bf16 v40, v44;
	v27 =	vld [tilespmem:s16+$0x8E30];
	v23 =	vadd.bf16 v63, v23;
	v3 =	vadd.bf16 v62, v3  }
0x15d: {  	v34 =	vld [tilespmem:s16+$0x8E80];
	v60 =	vunpack.i.u.bf16.f32 v56;
	v61 =	vunpack.i.l.bf16.f32 v56;
	v55 =	vmul.bf16 v4, v54  }
0x15e: {  	(xrf2) =	vadd.scan.msk.f32 $0xffff, v43;
	v36 =	vld [tilespmem:s16+$0x8E70];
	v62 =	vmul.bf16 v38, v39;
	v58 =	vadd.bf16 v3, v23;
	v23 =	vmul.bf16 v0, v46  }
0x15f: {  	v31 =	vld [tilespmem:s16+$0x8E20];
	(xrf2) =	vadd.scan.msk.f32 $0xffff, v22;
	v22 =	vmul.bf16 v9, v10;
	v63 =	vadd.f32 v61, v60;
	v57 =	vadd.bf16 v55, v53  }
0x160: {  	v32 =	vld [tilespmem:s16+$0x4E90];
	v21 =	vmul.bf16 v7, v8;
	(xrf2) =	vadd.scan.msk.f32 $0xffff, v52;
	v12, _, _ =	vpop (xrf2);
	v39 =	vadd.bf16 v40, v23;
	v40 =	vadd.bf16 v62, v41  }
0x161: {  	s17 =	simm.s32 $0x2000;
	s14 =	sshll.u32 s13, $0x9;
	v13, _, _ =	vpop (xrf2);
	(xrf2) =	vadd.scan.msk.f32 $0xffff, v63;
	v41 =	vunpack.i.u.bf16.f32 v58;
	v23 =	vld [tilespmem:s16+$0x8E60];
	v42 =	vunpack.i.l.bf16.f32 v58;
	v38 =	vadd.bf16 v57, v59  }
.LBB2_3:
0x162: {  	v43 =	vld [tilespmem:s16+$0x4E60]  }
0x163: {  	v51 =	vld [tilespmem:s16+$0x8F20]  }
0x164: {  	v52 =	vld [tilespmem:s16+$0x4F20]  }
0x165: {  	v53 =	vld [tilespmem:s16+$0x4FF0]  }
0x166: {  	v55 =	vld [tilespmem:s16+$0x8FE0]  }
0x167: {  	v56 =	vld [tilespmem:$0x1FF80]  }
0x168: {  	v1 =	vld [tilespmem:$0x1FF90]  }
0x169: {  	v17 =	vld [tilespmem:s16+$0x4FE0]  }
0x16a: {  	v57 =	vld [tilespmem:$0x1FFA0]  }
0x16b: {  	v58 =	vld [tilespmem:$0x1FF50]  }
0x16c: {  	v59 =	vld [tilespmem:$0x1FF60]  }
0x16d: {  	v11 =	vld [tilespmem:s16+$0x50A0]  }
0x16e: {  	v61 =	vld [tilespmem:$0x1FF70]  }
0x16f: {  	v44 =	vunpack.i.u.bf16.f32 v38;
	v62 =	vld [tilespmem:$0x1FF20];
	v45 =	vmul.bf16 v5, v6;
	v26 =	vmul.bf16 v26, v28  }
0x170: {  	v0 =	vadd.f32 v42, v41;
	v63 =	vld [tilespmem:$0x1FF30];
	v24 =	vmul.bf16 v24, v25;
	v31 =	vmul.bf16 v31, v33  }
0x171: {  	v8 =	vld [tilespmem:s16+$0x5160];
	v25 =	vadd.bf16 v40, v39;
	v27 =	vmul.bf16 v27, v29;
	v30 =	vmul.bf16 v30, v32  }
0x172: {  	v28 =	vld [tilespmem:s16+$0x4F30];
	v29 =	vunpack.i.l.bf16.f32 v38;
	v54 =	vmul.bf16 v36, v37;
	v23 =	vmul.bf16 v23, v43  }
0x173: {  	v33 =	vld [tilespmem:$0x1FF40];
	v29 =	vadd.f32 v29, v44;
	v16 =	vmul.bf16 v56, v1;
	v9 =	vmul.bf16 v61, v53  }
0x174: {  	v19, _, _ =	vpop (xrf2);
	(xrf2) =	vadd.scan.msk.f32 $0xffff, v0;
	v5 =	vld [tilespmem:s16+$0x51E0];
	v24 =	vadd.bf16 v24, v26;
	v26 =	vunpack.i.u.bf16.f32 v25;
	v25 =	vunpack.i.l.bf16.f32 v25  }
0x175: {  	v37 =	vld [tilespmem:$0x1FF10];
	v27 =	vadd.bf16 v27, v31;
	v31 =	vmul.bf16 v34, v35;
	v2 =	vadd.f32 v25, v26  }
0x176: {  	v39 =	vld [tilespmem:$0x1FED0];
	v17 =	vmul.bf16 v55, v17;
	v23 =	vadd.bf16 v54, v23;
	v60 =	vadd.bf16 v45, v16  }
0x177: {  	v20, _, _ =	vpop (xrf2);
	v10 =	vmul.bf16 v58, v59;
	v34 =	vld [tilespmem:$0x1FEF0];
	(xrf2) =	vadd.scan.msk.f32 $0xffff, v29;
	v24 =	vadd.bf16 v24, v27;
	v27 =	vadd.bf16 v30, v31  }
0x178: {  	v9 =	vadd.bf16 v9, v17;
	v30 =	vmul.bf16 v51, v52;
	v31 =	vld [tilespmem:s16+$0x90A0];
	v14 =	vmul.bf16 v57, v28  }
0x179: {  	v32 =	vadd.bf16 v22, v10;
	v28 =	vld [tilespmem:s16+$0x50B0];
	v23 =	vadd.bf16 v27, v23  }
0x17a: {  	v35 =	vld [tilespmem:$0x1FF00];
	v26, _, _ =	vpop (xrf2);
	(xrf2) =	vadd.scan.msk.f32 $0xffff, v2;
	v29 =	vunpack.i.u.bf16.f32 v24;
	v24 =	vunpack.i.l.bf16.f32 v24;
	v14 =	vadd.bf16 v14, v30  }
0x17b: {  	v27 =	vld [tilespmem:s16+$0x5170];
	v24 =	vadd.f32 v24, v29;
	v29 =	vunpack.i.u.bf16.f32 v23;
	v23 =	vunpack.i.l.bf16.f32 v23  }
0x17c: {  	v30 =	vld [tilespmem:s16+$0x9160];
	v23 =	vadd.f32 v23, v29;
	v14 =	vadd.bf16 v60, v14  }
0x17d: {  	v40 =	vld [tilespmem:$0x1FEE0];
	v7 =	vmul.bf16 v62, v63;
	v9 =	vadd.bf16 v32, v9;
	v25, _, _ =	vpop (xrf2);
	(xrf2) =	vadd.scan.msk.f32 $0xffff, v24;
	v11 =	vmul.bf16 v31, v11  }
0x17e: {  	v17 =	vld [tilespmem:s16+$0x51F0];
	v16, _, _ =	vpop (xrf2);
	v6 =	vmul.bf16 v33, v28;
	v22 =	vunpack.i.u.bf16.f32 v14;
	v14 =	vunpack.i.l.bf16.f32 v14;
	(xrf2) =	vadd.scan.msk.f32 $0xffff, v23  }
0x17f: {  	v7 =	vadd.bf16 v21, v7;
	v24 =	vld [tilespmem:s16+$0x91E0];
	v14 =	vadd.f32 v14, v22  }
0x180: {  	v4 =	vmul.bf16 v34, v35;
	v38 =	vunpack.i.u.bf16.f32 v9;
	v6 =	vadd.bf16 v6, v11  }
0x181: {  	v9 =	vunpack.i.l.bf16.f32 v9;
	v3 =	vmul.bf16 v37, v27;
	v8 =	vmul.bf16 v30, v8;
	v36, _, _ =	vpop (xrf2);
	(xrf2) =	vadd.scan.msk.f32 $0xffff, v14  }
0x182: {  	v1 =	vmul.bf16 v39, v40;
	v9 =	vadd.f32 v9, v38;
	v6 =	vadd.bf16 v7, v6  }
0x183: {  	v42 =	vmul.bf16 v18, v17;
	v3 =	vadd.bf16 v3, v8;
	v8 =	vadd.bf16 v48, v4  }
0x184: {  	v5 =	vmul.bf16 v24, v5;
	v41, _, _ =	vpop (xrf2);
	(xrf2) =	vadd.scan.msk.f32 $0xffff, v9;
	v7 =	vunpack.i.u.bf16.f32 v6;
	v6 =	vunpack.i.l.bf16.f32 v6  }
0x185: {  	v3 =	vadd.bf16 v8, v3;
	v6 =	vadd.f32 v6, v7  }
0x186: {  	v0 =	vadd.bf16 v42, v5;
	v7 =	vadd.bf16 v47, v1  }
0x187: {  	v5 =	vunpack.i.u.bf16.f32 v3;
	v3 =	vunpack.i.l.bf16.f32 v3;
	v4, _, _ =	vpop (xrf2);
	(xrf2) =	vadd.scan.msk.f32 $0xffff, v6  }
0x188: {  	v3 =	vadd.f32 v3, v5;
	v0 =	vadd.bf16 v7, v0;
	v43, _, _ =	vpop (xrf2)  }
0x189: {  	v6 =	vbroadcast v4, $0xF;
	v1 =	vbroadcast v43, $0xF  }
0x18a: {  	v2 =	vbroadcast v41, $0xF;
	v5 =	vunpack.i.u.bf16.f32 v0;
	(xrf2) =	vadd.scan.msk.f32 $0xffff, v3  }
0x18b: {  	v3 =	vbroadcast v36, $0xF;
	v0 =	vunpack.i.l.bf16.f32 v0;
	v1 =	vsel vm0, v6, v1;
	v4, _, _ =	vpop (xrf2)  }
0x18c: {  	v0 =	vadd.f32 v0, v5;
	v1 =	vsel vm1, v1, v2;
	v44 =	vbroadcast v4, $0xF  }
0x18d: {  	v1 =	vsel vm2, v1, v3;
	v3 =	vbroadcast v16, $0xF  }
0x18e: {  	v45 =	vbroadcast v25, $0xF;
	v4, _, _ =	vpop (xrf2);
	(xrf2) =	vadd.scan.msk.f32 $0xffff, v0;
	v1 =	vsel vm3, v1, v44  }
0x18f: {  	v47 =	vbroadcast v4, $0xF;
	v46 =	vsel vm4, v1, v3  }
0x190: {  	v48 =	vbroadcast v26, $0xF;
	v0 =	vsel vm5, v46, v45  }
0x191: {  	v49 =	vbroadcast v20, $0xF;
	v0 =	vsel vm6, v0, v47;
	v3, _, _ =	vpop (xrf2)  }
0x192: {  	v0 =	vsel vm7, v0, v48;
	v50 =	vbroadcast v3, $0xF  }
0x193: {  	v51 =	vbroadcast v19, $0xF;
	v0 =	vsel vm8, v0, v49  }
0x194: {  	v52 =	vbroadcast v13, $0xF;
	v3, _, _ =	vpop (xrf2);
	v0 =	vsel vm9, v0, v50  }
0x195: {  	v3 =	vbroadcast v3, $0xF;
	v0 =	vsel vm10, v0, v51  }
0x196: {  	v53 =	vbroadcast v12, $0xF;
	v0 =	vsel vm11, v0, v52  }
0x197: {  	v0 =	vsel vm12, v0, v3  }
0x198: {  	v54, _, _ =	vpop (xrf2);
	v0 =	vsel vm13, v0, v53  }
0x199: {  	v0 =	vsel vm14, v0, v54  }
0x19a: {  	v0 =	vmul.f32 $1.000000000e+01, v0  }
0x19b: {  	s15 =	sadd.s32 $0x10, s15  }
0x19c: {  	s16 =	sshra.s32 s17, $0x2;
	[tilespmem:s15+$0x0] =	vst v0  }
0x19d: {  	v23 =	vld [tilespmem:s16+$0x9210]  }
0x19e: {  	v22 =	vld [tilespmem:s16+$0x5210]  }
0x19f: {  	v0 =	vld [tilespmem:s16+$0x9200]  }
0x1a0: {  	v55 =	vld [tilespmem:s16+$0x5200]  }
0x1a1: {  	v56 =	vld [tilespmem:s16+$0x91F0]  }
0x1a2: {  	v25 =	vld [tilespmem:s16+$0x91D0]  }
0x1a3: {  	v26 =	vld [tilespmem:s16+$0x51D0]  }
0x1a4: {  	v28 =	vld [tilespmem:s16+$0x91C0]  }
0x1a5: {  	v30 =	vld [tilespmem:s16+$0x51C0]  }
0x1a6: {  	v27 =	vld [tilespmem:s16+$0x91B0]  }
0x1a7: {  	v31 =	vld [tilespmem:s16+$0x91A0]  }
0x1a8: {  	v33 =	vld [tilespmem:s16+$0x51A0]  }
0x1a9: {  	v21 =	vld [tilespmem:s16+$0x9190]  }
0x1aa: {  	v24 =	vld [tilespmem:s16+$0x5190]  }
0x1ab: {  	v57 =	vld [tilespmem:s16+$0x9180]  }
0x1ac: {  	v58 =	vld [tilespmem:s16+$0x5180]  }
0x1ad: {  	v59 =	vld [tilespmem:s16+$0x9170]  }
0x1ae: {  	v32 =	vld [tilespmem:s16+$0x9150]  }
0x1af: {  	v35 =	vld [tilespmem:s16+$0x5150]  }
0x1b0: {  	v40 =	vld [tilespmem:s16+$0x9140]  }
0x1b1: {  	v43 =	vld [tilespmem:s16+$0x5140]  }
0x1b2: {  	v36 =	vld [tilespmem:s16+$0x9130]  }
0x1b3: {  	v39 =	vld [tilespmem:s16+$0x5130]  }
0x1b4: {  	v44 =	vld [tilespmem:s16+$0x9120]  }
0x1b5: {  	v47 =	vld [tilespmem:s16+$0x5120]  }
0x1b6: {  	v34 =	vld [tilespmem:s16+$0x9110]  }
0x1b7: {  	v37 =	vld [tilespmem:s16+$0x5110]  }
0x1b8: {  	v42 =	vld [tilespmem:s16+$0x9100]  }
0x1b9: {  	v45 =	vld [tilespmem:s16+$0x5100]  }
0x1ba: {  	v38 =	vld [tilespmem:s16+$0x90F0]  }
0x1bb: {  	v41 =	vld [tilespmem:s16+$0x50F0]  }
0x1bc: {  	v46 =	vld [tilespmem:s16+$0x90E0]  }
0x1bd: {  	v48 =	vld [tilespmem:s16+$0x50E0]  }
0x1be: {  	v60 =	vld [tilespmem:s16+$0x90D0]  }
0x1bf: {  	v61 =	vld [tilespmem:s16+$0x50D0]  }
0x1c0: {  	v62 =	vld [tilespmem:s16+$0x90C0]  }
0x1c1: {  	v63 =	vld [tilespmem:s16+$0x50C0]  }
0x1c2: {  	v9 =	vld [tilespmem:s16+$0x90B0]  }
0x1c3: {  	v49 =	vld [tilespmem:s16+$0x9090]  }
0x1c4: {  	v50 =	vld [tilespmem:s16+$0x5090]  }
0x1c5: {  	v51 =	vld [tilespmem:s16+$0x9080]  }
0x1c6: {  	v52 =	vld [tilespmem:s16+$0x5080]  }
0x1c7: {  	v53 =	vld [tilespmem:s16+$0x9070]  }
0x1c8: {  	v54 =	vld [tilespmem:s16+$0x5070]  }
0x1c9: {  	v29 =	vld [tilespmem:s16+$0x5020]  }
0x1ca: {  	v10 =	vld [tilespmem:s16+$0x9010]  }
0x1cb: {  	v11 =	vld [tilespmem:s16+$0x5010]  }
0x1cc: {  	v1 =	vld [tilespmem:s16+$0x8FD0]  }
0x1cd: {  	v2 =	vld [tilespmem:s16+$0x4FD0]  }
0x1ce: {  	v3 =	vld [tilespmem:s16+$0x8FC0]  }
0x1cf: {  	v4 =	vld [tilespmem:s16+$0x4FC0]  }
0x1d0: {  	v5 =	vld [tilespmem:s16+$0x8FB0]  }
0x1d1: {  	v6 =	vld [tilespmem:s16+$0x4FB0]  }
0x1d2: {  	v7 =	vld [tilespmem:s16+$0x8FA0]  }
0x1d3: {  	v8 =	vld [tilespmem:s16+$0x4FA0]  }
0x1d4: {  	v14 =	vld [tilespmem:s16+$0x4F80]  }
0x1d5: {  	v12 =	vld [tilespmem:s16+$0x8F70]  }
0x1d6: {  	v13 =	vld [tilespmem:s16+$0x4F70]  }
0x1d7: {  	v16 =	vld [tilespmem:s16+$0x8F60]  }
0x1d8: {  	v15 =	vld [tilespmem:s16+$0x4F60]  }
0x1d9: {  	v17 =	vld [tilespmem:s16+$0x8F50]  }
0x1da: {  	v19 =	vld [tilespmem:s16+$0x4F10]  }
0x1db: {  	v18 =	vld [tilespmem:s16+$0x8F00]  }
0x1dc: {  	v20 =	vld [tilespmem:s16+$0x4F00]  }
0x1dd: {  	[tilespmem:$0x1FED0] =	vst v0;
	v0 =	vld [tilespmem:s16+$0x51B0]  }
0x1de: {  	[tilespmem:$0x1FEE0] =	vst v55;
	v55 =	vld [tilespmem:s16+$0x9060]  }
0x1df: {  	[tilespmem:$0x1FD60] =	vst v56;
	v56 =	vld [tilespmem:s16+$0x5060]  }
0x1e0: {  	[tilespmem:$0x1FEF0] =	vst v57;
	v57 =	vld [tilespmem:s16+$0x9050]  }
0x1e1: {  	[tilespmem:$0x1FF00] =	vst v58;
	v58 =	vld [tilespmem:s16+$0x5050]  }
0x1e2: {  	[tilespmem:$0x1FF10] =	vst v59;
	v59 =	vld [tilespmem:s16+$0x9040]  }
0x1e3: {  	[tilespmem:$0x1FD40] =	vst v60;
	v60 =	vld [tilespmem:s16+$0x5040]  }
0x1e4: {  	[tilespmem:$0x1FD50] =	vst v61;
	v61 =	vld [tilespmem:s16+$0x9030]  }
0x1e5: {  	[tilespmem:$0x1FF20] =	vst v62;
	v62 =	vld [tilespmem:s16+$0x5030]  }
0x1e6: {  	[tilespmem:$0x1FF30] =	vst v63;
	v63 =	vld [tilespmem:s16+$0x9020]  }
0x1e7: {  	[tilespmem:$0x1FF40] =	vst v9;
	v9 =	vld [tilespmem:s16+$0x9000]  }
0x1e8: {  	[tilespmem:$0x1FD70] =	vst v10;
	v10 =	vld [tilespmem:s16+$0x5000]  }
0x1e9: {  	[tilespmem:$0x1FD80] =	vst v11;
	v11 =	vld [tilespmem:s16+$0x8FF0]  }
0x1ea: {  	[tilespmem:$0x1FDA0] =	vst v17;
	v17 =	vld [tilespmem:s16+$0x4F50];
	v28 =	vmul.bf16 v28, v30  }
0x1eb: {  	v25 =	vmul.bf16 v25, v26;
	v30 =	vmul.bf16 v36, v39;
	v36 =	vld [tilespmem:s16+$0x8EE0]  }
0x1ec: {  	v26 =	vmul.bf16 v31, v33;
	v31 =	vmul.bf16 v34, v37;
	v37 =	vld [tilespmem:s16+$0x8ED0]  }
0x1ed: {  	v39 =	vld [tilespmem:s16+$0x8EC0]  }
0x1ee: {  	v3 =	vmul.bf16 v3, v4;
	v1 =	vmul.bf16 v1, v2;
	v33 =	vld [tilespmem:s16+$0x4E20]  }
0x1ef: {  	v4 =	vmul.bf16 v7, v8;
	v5 =	vmul.bf16 v5, v6;
	v34 =	vld [tilespmem:s16+$0x8E80]  }
0x1f0: {  	v25 =	vadd.bf16 v25, v28;
	v28 =	vmul.bf16 v32, v35;
	v35 =	vld [tilespmem:s16+$0x4EF0]  }
0x1f1: {  	v1 =	vadd.bf16 v1, v3;
	v4 =	vadd.bf16 v5, v4;
	v32 =	vld [tilespmem:s16+$0x4E90]  }
0x1f2: {  	v27 =	vmul.bf16 v27, v0;
	v0 =	vld [tilespmem:s16+$0x8EF0]  }
0x1f3: {  	v1 =	vadd.bf16 v1, v4;
	v4 =	vld [tilespmem:$0x1FD40]  }
0x1f4: {  	[tilespmem:$0x1FF50] =	vst v9;
	v9 =	vld [tilespmem:s16+$0x8F90];
	v26 =	vadd.bf16 v27, v26  }
0x1f5: {  	[tilespmem:$0x1FD90] =	vst v17;
	v17 =	vld [tilespmem:s16+$0x8F40];
	v29 =	vmul.bf16 v63, v29;
	v27 =	vmul.bf16 v40, v43  }
0x1f6: {  	[tilespmem:$0x1FF60] =	vst v10;
	v10 =	vld [tilespmem:s16+$0x4F90];
	v25 =	vadd.bf16 v25, v26;
	v26 =	vmul.bf16 v44, v47;
	v47 =	vmul.bf16 v23, v22  }
0x1f7: {  	[tilespmem:$0x1FF70] =	vst v11;
	v11 =	vld [tilespmem:s16+$0x8F80];
	v27 =	vadd.bf16 v28, v27;
	v23 =	vmul.bf16 v42, v45;
	v0 =	vmul.bf16 v0, v35  }
0x1f8: {  	v63 =	vld [tilespmem:$0x1FD70];
	v26 =	vadd.bf16 v30, v26;
	v30 =	vmul.bf16 v46, v48;
	v46 =	vmul.bf16 v38, v41  }
0x1f9: {  	v22 =	vld [tilespmem:s16+$0x4EE0];
	v28 =	vunpack.i.u.bf16.f32 v25;
	v23 =	vadd.bf16 v31, v23;
	v48 =	vmul.bf16 v21, v24  }
0x1fa: {  	[tilespmem:$0x1FF80] =	vst v17;
	v17 =	vld [tilespmem:s16+$0x4F40];
	v21 =	vmul.bf16 v51, v52;
	v26 =	vadd.bf16 v27, v26;
	v27 =	vadd.bf16 v46, v30  }
0x1fb: {  	v35 =	vld [tilespmem:s16+$0x4E80];
	v25 =	vunpack.i.l.bf16.f32 v25;
	v31 =	vmul.bf16 v53, v54;
	v30 =	vmul.bf16 v55, v56  }
0x1fc: {  	v38 =	vld [tilespmem:s16+$0x4ED0];
	v25 =	vadd.f32 v25, v28;
	v28 =	vmul.bf16 v57, v58;
	v23 =	vadd.bf16 v23, v27  }
0x1fd: {  	v52 =	vld [tilespmem:s16+$0x4EC0];
	v27 =	vmul.bf16 v59, v60;
	v30 =	vadd.bf16 v31, v30;
	v31 =	vmul.bf16 v61, v62  }
0x1fe: {  	v57 =	vld [tilespmem:s16+$0x8EA0]  }
0x1ff: {  	v24 =	vmul.bf16 v49, v50;
	v58 =	vld [tilespmem:s16+$0x4EA0];
	v29 =	vadd.bf16 v31, v29;
	v27 =	vadd.bf16 v28, v27  }
0x200: {  	[tilespmem:$0x1FF90] =	vst v17;
	v17 =	vld [tilespmem:s16+$0x8F30]  }
0x201: {  	v55 =	vld [tilespmem:s16+$0x8EB0];
	v21 =	vadd.bf16 v24, v21;
	v60 =	vadd.bf16 v27, v29  }
0x202: {  	v7 =	vmul.bf16 v11, v14;
	v8 =	vmul.bf16 v9, v10;
	v56 =	vld [tilespmem:s16+$0x4EB0];
	v24 =	vunpack.i.u.bf16.f32 v26  }
0x203: {  	(xrf2) =	vadd.scan.msk.f32 $0xffff, v25;
	v25 =	vld [tilespmem:s16+$0x4E50];
	v21 =	vadd.bf16 v21, v30;
	v3 =	vunpack.i.u.bf16.f32 v60;
	v2 =	vunpack.i.l.bf16.f32 v60  }
0x204: {  	v26 =	vunpack.i.l.bf16.f32 v26;
	v2 =	vadd.f32 v2, v3;
	v3 =	vadd.bf16 v8, v7;
	v7 =	vld [tilespmem:$0x1FD50]  }
0x205: {  	v59 =	vadd.f32 v26, v24;
	v30 =	vunpack.i.u.bf16.f32 v23;
	v23 =	vunpack.i.l.bf16.f32 v23;
	[tilespmem:$0x1FFA0] =	vst v17;
	v17 =	vld [tilespmem:s16+$0x8F10]  }
0x206: {  	v24 =	vld [tilespmem:s16+$0x8E50];
	v23 =	vadd.f32 v23, v30;
	v31 =	vunpack.i.u.bf16.f32 v21;
	v21 =	vunpack.i.l.bf16.f32 v21  }
0x207: {  	v26 =	vld [tilespmem:s16+$0x8E40];
	(xrf2) =	vadd.scan.msk.f32 $0xffff, v59;
	v6 =	vadd.f32 v21, v31  }
0x208: {  	v28 =	vld [tilespmem:s16+$0x4E40];
	(xrf2) =	vadd.scan.msk.f32 $0xffff, v23  }
0x209: {  	v30 =	vld [tilespmem:s16+$0x8E90];
	(xrf2) =	vadd.scan.msk.f32 $0xffff, v6;
	v6 =	vmul.bf16 v36, v22;
	v21 =	vmul.bf16 v4, v7  }
0x20a: {  	v27 =	vld [tilespmem:s16+$0x8E30];
	v4 =	vmul.bf16 v18, v20;
	v7 =	vmul.bf16 v17, v19  }
0x20b: {  	v5 =	vmul.bf16 v16, v15;
	v61 =	vmul.bf16 v12, v13;
	v29 =	vld [tilespmem:s16+$0x4E30]  }
0x20c: {  	v31 =	vld [tilespmem:s16+$0x8E20];
	v0 =	vadd.bf16 v0, v6;
	v4 =	vadd.bf16 v7, v4  }
0x20d: {  	v5 =	vadd.bf16 v61, v5;
	v62 =	vmul.bf16 v57, v58;
	v23 =	vld [tilespmem:s16+$0x8E60]  }
0x20e: {  	p1 =	sne.s32 s17, $0xF000;
	v6 =	vmul.bf16 v55, v56;
	v7 =	vmul.bf16 v37, v38;
	v38 =	vadd.bf16 v4, v0;
	v4 =	vld [tilespmem:$0x1FD80]  }
.Ltmp2:
0x20f: {  	v8 =	vunpack.i.u.bf16.f32 v1;
	v1 =	vunpack.i.l.bf16.f32 v1;
	v36 =	vld [tilespmem:s16+$0x8E70];
	(pc) =	sbr.rel @p1 .LBB2_3-.Ltmp2, $4  }
0x210: {  	v3 =	vadd.bf16 v3, v5;
	v5 =	vmul.bf16 v39, v52;
	v39 =	vadd.bf16 v6, v62;
	v6 =	vld [tilespmem:$0x1FD90]  }
0x211: {  	v1 =	vadd.f32 v1, v8;
	v18 =	vld [tilespmem:$0x1FD60]  }
0x212: {  	v12, _, _ =	vpop (xrf2);
	(xrf2) =	vadd.scan.msk.f32 $0xffff, v2;
	v41 =	vunpack.i.u.bf16.f32 v3;
	v37 =	vld [tilespmem:s16+$0x4E70]  }
0x213: {  	s17 =	sadd.s32 $0x1000, s17;
	v42 =	vunpack.i.l.bf16.f32 v3;
	v13, _, _ =	vpop (xrf2);
	(xrf2) =	vadd.scan.msk.f32 $0xffff, v1;
	v40 =	vadd.bf16 v7, v5;
	v5 =	vld [tilespmem:$0x1FDA0];
	v22 =	vmul.bf16 v63, v4  }
0x214: {  	_ =	sdelay $0x1  }
0x215: {  	v4 =	vmul.bf16 v26, v28  }
0x216: {  	v0 =	vld [tilespmem:s16+$0x4E60];
	v8 =	vmul.bf16 v31, v33;
	v9 =	vmul.bf16 v27, v29  }
0x217: {  	v7 =	vld [tilespmem:s16+$0x4F30];
	v2 =	vmul.bf16 v5, v6;
	v5 =	vmul.bf16 v24, v25;
	v6 =	vadd.bf16 v40, v39  }
0x218: {  	v11 =	vld [tilespmem:s16+$0x8F20];
	v8 =	vadd.bf16 v9, v8  }
0x219: {  	v59 =	vld [tilespmem:s16+$0x4F20];
	v4 =	vadd.bf16 v5, v4;
	v5 =	vunpack.i.u.bf16.f32 v6;
	v6 =	vunpack.i.l.bf16.f32 v6  }
0x21a: {  	v5 =	vadd.f32 v6, v5;
	v6 =	vld [tilespmem:$0x1FF80]  }
0x21b: {  	v4 =	vadd.bf16 v4, v8;
	v8 =	vld [tilespmem:$0x1FF90]  }
0x21c: {  	v60 =	vmul.bf16 v34, v35;
	v14 =	vmul.bf16 v30, v32;
	v15 =	vld [tilespmem:s16+$0x4FF0]  }
0x21d: {  	v17 =	vld [tilespmem:s16+$0x8FE0];
	v16 =	vmul.bf16 v36, v37;
	v0 =	vmul.bf16 v23, v0  }
0x21e: {  	v62 =	vld [tilespmem:$0x1FF50];
	v9 =	vadd.bf16 v14, v60  }
0x21f: {  	v14 =	vld [tilespmem:$0x1FFA0];
	v0 =	vadd.bf16 v16, v0;
	v16 =	vunpack.i.u.bf16.f32 v4;
	v4 =	vunpack.i.l.bf16.f32 v4  }
0x220: {  	v4 =	vadd.f32 v4, v16;
	v16 =	vld [tilespmem:$0x1FF60];
	v6 =	vmul.bf16 v6, v8  }
0x221: {  	v8 =	vld [tilespmem:s16+$0x4FE0]  }
0x222: {  	v2 =	vadd.bf16 v2, v6;
	v6 =	vld [tilespmem:$0x1FF70]  }
0x223: {  	v1 =	vunpack.i.u.bf16.f32 v38;
	v3 =	vadd.f32 v42, v41;
	v10 =	vunpack.i.l.bf16.f32 v38;
	v61 =	vld [tilespmem:s16+$0x90A0]  }
0x224: {  	v32 =	vld [tilespmem:s16+$0x9160];
	v1 =	vadd.f32 v10, v1;
	v10 =	vmul.bf16 v11, v59;
	v7 =	vmul.bf16 v14, v7  }
0x225: {  	v34 =	vld [tilespmem:$0x1FF20]  }
0x226: {  	(xrf2) =	vadd.scan.msk.f32 $0xffff, v3;
	v39 =	vld [tilespmem:$0x1FF10];
	v0 =	vadd.bf16 v9, v0;
	v3 =	vadd.bf16 v7, v10;
	v9 =	vmul.bf16 v62, v16  }
0x227: {  	(xrf2) =	vadd.scan.msk.f32 $0xffff, v1;
	v14 =	vld [tilespmem:s16+$0x50B0];
	v8 =	vmul.bf16 v17, v8;
	v6 =	vmul.bf16 v6, v15  }
0x228: {  	(xrf2) =	vadd.scan.msk.f32 $0xffff, v5;
	v16 =	vld [tilespmem:s16+$0x50A0];
	v33 =	vadd.bf16 v2, v3  }
0x229: {  	(xrf2) =	vadd.scan.msk.f32 $0xffff, v4;
	v3 =	vld [tilespmem:$0x1FF30];
	v5 =	vadd.bf16 v22, v9;
	v4 =	vadd.bf16 v6, v8  }
0x22a: {  	v6 =	vld [tilespmem:$0x1FF40]  }
0x22b: {  	v37 =	vadd.bf16 v5, v4;
	v4 =	vld [tilespmem:$0x1FEF0]  }
0x22c: {  	v5 =	vld [tilespmem:$0x1FF00]  }
0x22d: {  	v7 =	vld [tilespmem:s16+$0x5170]  }
0x22e: {  	v63 =	vunpack.i.u.bf16.f32 v0;
	v2 =	vmul.bf16 v34, v3;
	v3 =	vld [tilespmem:s16+$0x5160]  }
0x22f: {  	v0 =	vunpack.i.l.bf16.f32 v0;
	v11 =	vmul.bf16 v61, v16;
	v8 =	vld [tilespmem:s16+$0x51F0];
	v6 =	vmul.bf16 v6, v14  }
0x230: {  	v0 =	vadd.f32 v0, v63;
	v14 =	vld [tilespmem:s16+$0x91E0]  }
0x231: {  	v2 =	vadd.bf16 v21, v2;
	v4 =	vmul.bf16 v4, v5;
	v5 =	vld [tilespmem:s16+$0x51E0];
	v6 =	vadd.bf16 v6, v11  }
0x232: {  	v42 =	vld [tilespmem:$0x1FEE0];
	(xrf2) =	vadd.scan.msk.f32 $0xffff, v0  }
0x233: {  	v7 =	vmul.bf16 v39, v7;
	v3 =	vmul.bf16 v32, v3;
	v2 =	vadd.bf16 v2, v6;
	v6 =	vld [tilespmem:$0x1FED0]  }
0x234: {  	v38, _, _ =	vpop (xrf2);
	v35 =	vunpack.i.u.bf16.f32 v33;
	v1 =	vunpack.i.l.bf16.f32 v33  }
0x235: {  	v40, _, _ =	vpop (xrf2);
	v36 =	vadd.f32 v1, v35;
	v3 =	vadd.bf16 v7, v3  }
0x236: {  	v41, _, _ =	vpop (xrf2);
	v7 =	vmul.bf16 v18, v8;
	v4 =	vadd.bf16 v48, v4;
	v5 =	vmul.bf16 v14, v5  }
0x237: {  	v43, _, _ =	vpop (xrf2);
	(xrf2) =	vadd.scan.msk.f32 $0xffff, v36;
	v15 =	vunpack.i.u.bf16.f32 v37;
	v1 =	vunpack.i.l.bf16.f32 v37  }
0x238: {  	v1 =	vadd.f32 v1, v15;
	v8, _, _ =	vpop (xrf2);
	v6 =	vmul.bf16 v6, v42;
	v5 =	vadd.bf16 v7, v5  }
0x239: {  	v44, _, _ =	vpop (xrf2);
	v3 =	vadd.bf16 v4, v3  }
0x23a: {  	(xrf2) =	vadd.scan.msk.f32 $0xffff, v1;
	v15 =	vunpack.i.u.bf16.f32 v2;
	v2 =	vunpack.i.l.bf16.f32 v2;
	v4, _, _ =	vpop (xrf2);
	v6 =	vadd.bf16 v47, v6  }
0x23b: {  	v2 =	vadd.f32 v2, v15;
	v14 =	vunpack.i.u.bf16.f32 v3;
	v3 =	vunpack.i.l.bf16.f32 v3;
	v7, _, _ =	vpop (xrf2)  }
0x23c: {  	v45 =	vadd.f32 v3, v14;
	v3 =	vadd.bf16 v6, v5;
	v5, _, _ =	vpop (xrf2)  }
0x23d: {  	(xrf2) =	vadd.scan.msk.f32 $0xffff, v2;
	v5 =	vbroadcast v5, $0xF;
	_ =	sdelay $0x1  }
0x23e: {  	v6 =	vbroadcast v7, $0xF  }
0x23f: {  	v1 =	vbroadcast v44, $0xF;
	v4 =	vbroadcast v4, $0xF;
	(xrf2) =	vadd.scan.msk.f32 $0xffff, v45  }
0x240: {  	v7 =	vunpack.i.u.bf16.f32 v3;
	v3 =	vunpack.i.l.bf16.f32 v3;
	v46 =	vsel vm0, v6, v5;
	v5, _, _ =	vpop (xrf2)  }
0x241: {  	v3 =	vadd.f32 v3, v7;
	v2 =	vsel vm1, v46, v4;
	v4 =	vbroadcast v5, $0xF  }
0x242: {  	v47 =	vbroadcast v8, $0xF;
	v1 =	vsel vm2, v2, v1  }
0x243: {  	(xrf2) =	vadd.scan.msk.f32 $0xffff, v3;
	v5, _, _ =	vpop (xrf2);
	v1 =	vsel vm3, v1, v4;
	v4 =	vbroadcast v43, $0xF  }
0x244: {  	v48 =	vbroadcast v5, $0xF;
	v1 =	vsel vm4, v1, v47  }
0x245: {  	v0 =	vbroadcast v41, $0xF;
	v1 =	vsel vm5, v1, v4  }
0x246: {  	v49 =	vbroadcast v40, $0xF;
	v3, _, _ =	vpop (xrf2);
	v1 =	vsel vm6, v1, v48  }
0x247: {  	v50 =	vbroadcast v3, $0xF;
	v0 =	vsel vm7, v1, v0  }
0x248: {  	v51 =	vbroadcast v38, $0xF;
	v0 =	vsel vm8, v0, v49  }
0x249: {  	v52 =	vbroadcast v13, $0xF;
	v3, _, _ =	vpop (xrf2);
	v0 =	vsel vm9, v0, v50  }
0x24a: {  	v53 =	vbroadcast v3, $0xF;
	v0 =	vsel vm10, v0, v51  }
0x24b: {  	v54 =	vbroadcast v12, $0xF;
	v0 =	vsel vm11, v0, v52  }
0x24c: {  	v0 =	vsel vm12, v0, v53  }
0x24d: {  	v55, _, _ =	vpop (xrf2);
	v0 =	vsel vm13, v0, v54  }
0x24e: {  	v0 =	vsel vm14, v0, v55  }
0x24f: {  	s18 =	sadd.s32 s4, s14;
	v0 =	vmul.f32 $1.000000000e+01, v0  }
0x250: {  	s15 =	sadd.s32 $0x10, s15;
	p1 =	seq.s32 s13, $0x13;
	s16 =	sshrl.u32 s18, $0x3  }
0x251: {  	s16 =	sadd.s32 s2, s16;
	[tilespmem:s15+$0x0] =	vst v0;
	s15 =	smin.u32 @!p1 s14, $0x2410  }
0x252: {  	[hbm4b:s16+s3] =	stream.linear.scatter [tilespmem:s28], [sflag:$0x3], $0x100, $0x38;
	[tilespmem:$0x15020] =	vst v63  }
0x253: {  	s17 =	simm.s32 @!p1 $0x80;
	s18 =	simm.s32 @!p1 $0x4E20;
	s16 =	sadd.s32 @!p1 $0x200, s15  }
0x254: {  	[tilespmem:s18], [sflag:$0x1] =	stream.indirect.gather @!p1 [hbm4b:s5+s17], $0x40, s16, s17, $0xb8;
	[tilespmem:$0x15020] =	vst v63  }
0x255: {  	s16 =	sadd.s32 @!p1 $0x2910, s15;
	s18 =	simm.s32 @!p1 $0x8E20  }
0x256: {  	[tilespmem:s18], [sflag:$0x1] =	stream.indirect.gather @!p1 [hbm4b:s6+s17], $0x40, s16, s17, $0xb8;
	[tilespmem:$0x15020] =	vst v63  }
0x257: {  	s16 =	sadd.s32 @!p1 $0x280, s15;
	s18 =	simm.s32 @!p1 $0x6E20  }
0x258: {  	[tilespmem:s18], [sflag:$0x1] =	stream.indirect.gather @!p1 [hbm4b:s5+s17], $0x40, s16, s17, $0xb8;
	[tilespmem:$0x15020] =	vst v63  }
0x259: {  	s15 =	sadd.s32 @!p1 $0x2990, s15;
	s16 =	simm.s32 @!p1 $0xAE20  }
0x25a: {  	[tilespmem:s16], [sflag:$0x1] =	stream.indirect.gather @!p1 [hbm4b:s6+s17], $0x40, s15, s17, $0xb8;
	[tilespmem:$0x15020] =	vst v63  }
0x25b: {  	_ =	swait.ge [sflag:s29], $0x2000  }
0x25c: {  	[sflag:s29] =	ssyncset.done $0x0  }
0x25d: {  	[sflag:s29] =	ssyncadd.s32 $0xFFFFE000  }
0x25e: {  	_ =	swait.ge [sflag:s29], $0x2000  }
0x25f: {  	[sflag:s29] =	ssyncset.done $0x0  }
0x260: {  	[sflag:s29] =	ssyncadd.s32 $0xFFFFE000  }
0x261: {  	_ =	swait.ge [sflag:s29], $0x2000  }
0x262: {  	[sflag:s29] =	ssyncset.done $0x0  }
0x263: {  	[sflag:s29] =	ssyncadd.s32 $0xFFFFE000  }
0x264: {  	_ =	swait.ge [sflag:s29], $0x2000  }
0x265: {  	[sflag:s29] =	ssyncset.done $0x0  }
0x266: {  	s15 =	simm.s32 @!p0 $0x4;
	[sflag:s29] =	ssyncadd.s32 $0xFFFFE000  }
0x267: {  	_ =	swait.ge @!p0 [sflag:s15], $0x100  }
0x268: {  	[sflag:s15] =	ssyncset.done @!p0 $0x0  }
0x269: {  	s17 =	simm.s32 $0x0;
	[sflag:s15] =	ssyncadd.s32 @!p0 $0xFFFFFF00  }
0x26a: {  	v16 =	vld [tilespmem:s17+$0x11210]  }
0x26b: {  	v15 =	vld [tilespmem:s17+$0xD210]  }
0x26c: {  	v56 =	vld [tilespmem:s17+$0x11200]  }
0x26d: {  	v57 =	vld [tilespmem:s17+$0xD200]  }
0x26e: {  	v58 =	vld [tilespmem:s17+$0x111F0]  }
0x26f: {  	v21 =	vld [tilespmem:s17+$0x111D0]  }
0x270: {  	v22 =	vld [tilespmem:s17+$0xD1D0]  }
0x271: {  	v23 =	vld [tilespmem:s17+$0x111C0]  }
0x272: {  	v24 =	vld [tilespmem:s17+$0xD1C0]  }
0x273: {  	v25 =	vld [tilespmem:s17+$0x111B0]  }
0x274: {  	v26 =	vld [tilespmem:s17+$0xD1B0]  }
0x275: {  	v27 =	vld [tilespmem:s17+$0x111A0]  }
0x276: {  	v28 =	vld [tilespmem:s17+$0xD1A0]  }
0x277: {  	v29 =	vld [tilespmem:s17+$0x11190]  }
0x278: {  	v30 =	vld [tilespmem:s17+$0xD190]  }
0x279: {  	v59 =	vld [tilespmem:s17+$0x11180]  }
0x27a: {  	v60 =	vld [tilespmem:s17+$0xD180]  }
0x27b: {  	v61 =	vld [tilespmem:s17+$0x11170]  }
0x27c: {  	v31 =	vld [tilespmem:s17+$0x11150]  }
0x27d: {  	v32 =	vld [tilespmem:s17+$0xD150]  }
0x27e: {  	v33 =	vld [tilespmem:s17+$0x11140]  }
0x27f: {  	v34 =	vld [tilespmem:s17+$0xD140]  }
0x280: {  	v35 =	vld [tilespmem:s17+$0x11130]  }
0x281: {  	v36 =	vld [tilespmem:s17+$0xD130]  }
0x282: {  	v37 =	vld [tilespmem:s17+$0x11120]  }
0x283: {  	v38 =	vld [tilespmem:s17+$0xD120]  }
0x284: {  	v39 =	vld [tilespmem:s17+$0x11110]  }
0x285: {  	v40 =	vld [tilespmem:s17+$0xD110]  }
0x286: {  	v41 =	vld [tilespmem:s17+$0x11100]  }
0x287: {  	v42 =	vld [tilespmem:s17+$0xD100]  }
0x288: {  	v43 =	vld [tilespmem:s17+$0x110F0]  }
0x289: {  	v44 =	vld [tilespmem:s17+$0xD0F0]  }
0x28a: {  	v45 =	vld [tilespmem:s17+$0x110E0]  }
0x28b: {  	v46 =	vld [tilespmem:s17+$0xD0E0]  }
0x28c: {  	v62 =	vld [tilespmem:s17+$0x110D0]  }
0x28d: {  	v20 =	vld [tilespmem:s17+$0xD0D0]  }
0x28e: {  	v63 =	vld [tilespmem:s17+$0x110C0]  }
0x28f: {  	v9 =	vld [tilespmem:s17+$0xD0C0]  }
0x290: {  	v10 =	vld [tilespmem:s17+$0x110B0]  }
0x291: {  	v47 =	vld [tilespmem:s17+$0x11090]  }
0x292: {  	v48 =	vld [tilespmem:s17+$0xD090]  }
0x293: {  	v49 =	vld [tilespmem:s17+$0x11080]  }
0x294: {  	v50 =	vld [tilespmem:s17+$0xD080]  }
0x295: {  	v51 =	vld [tilespmem:s17+$0x11070]  }
0x296: {  	v52 =	vld [tilespmem:s17+$0xD070]  }
0x297: {  	v53 =	vld [tilespmem:s17+$0x11060]  }
0x298: {  	v54 =	vld [tilespmem:s17+$0xD060]  }
0x299: {  	v55 =	vld [tilespmem:s17+$0x11050]  }
0x29a: {  	v11 =	vld [tilespmem:s17+$0x11010]  }
0x29b: {  	v4 =	vld [tilespmem:s17+$0xCFD0]  }
0x29c: {  	v1 =	vld [tilespmem:s17+$0x10FC0]  }
0x29d: {  	v0 =	vld [tilespmem:s17+$0xCFC0]  }
0x29e: {  	v6 =	vld [tilespmem:s17+$0x10FB0]  }
0x29f: {  	v5 =	vld [tilespmem:s17+$0xCFB0]  }
0x2a0: {  	v3 =	vld [tilespmem:s17+$0x10FA0]  }
0x2a1: {  	v2 =	vld [tilespmem:s17+$0xCFA0]  }
0x2a2: {  	v14 =	vld [tilespmem:s17+$0x10F90]  }
0x2a3: {  	v7 =	vld [tilespmem:s17+$0xCF80]  }
0x2a4: {  	v13 =	vld [tilespmem:s17+$0x10F70]  }
0x2a5: {  	v12 =	vld [tilespmem:s17+$0xCF70]  }
0x2a6: {  	v8 =	vld [tilespmem:s17+$0xCF60]  }
0x2a7: {  	v18 =	vld [tilespmem:s17+$0x10F50]  }
0x2a8: {  	v17 =	vld [tilespmem:s17+$0xCF50]  }
0x2a9: {  	v19 =	vld [tilespmem:s17+$0x10F40]  }
0x2aa: {  	[tilespmem:$0x1FBE0] =	vst v56;
	v56 =	vld [tilespmem:s17+$0xD050]  }
0x2ab: {  	[tilespmem:$0x1FBF0] =	vst v57;
	v57 =	vld [tilespmem:s17+$0x11040]  }
0x2ac: {  	[tilespmem:$0x1FC00] =	vst v58;
	v58 =	vld [tilespmem:s17+$0xD040]  }
0x2ad: {  	[tilespmem:$0x1FBB0] =	vst v59;
	v59 =	vld [tilespmem:s17+$0x11030]  }
0x2ae: {  	[tilespmem:$0x1FBC0] =	vst v60;
	v60 =	vld [tilespmem:s17+$0xD030]  }
0x2af: {  	[tilespmem:$0x1FBD0] =	vst v61;
	v61 =	vld [tilespmem:s17+$0x11020]  }
0x2b0: {  	[tilespmem:$0x1FAF0] =	vst v62;
	v62 =	vld [tilespmem:s17+$0xD020]  }
0x2b1: {  	[tilespmem:$0x1FB80] =	vst v63;
	v63 =	vld [tilespmem:s17+$0xD010]  }
0x2b2: {  	[tilespmem:$0x1FB90] =	vst v9;
	v9 =	vld [tilespmem:s17+$0x11000]  }
0x2b3: {  	[tilespmem:$0x1FBA0] =	vst v10;
	v10 =	vld [tilespmem:s17+$0xD000]  }
0x2b4: {  	[tilespmem:$0x1FB00] =	vst v11;
	v11 =	vld [tilespmem:s17+$0x10FF0]  }
0x2b5: {  	[tilespmem:$0x1FB20] =	vst v19;
	v19 =	vld [tilespmem:s17+$0xCF40]  }
0x2b6: {  	v21 =	vmul.bf16 v21, v22;
	v22 =	vld [tilespmem:s17+$0x10F10]  }
0x2b7: {  	v25 =	vmul.bf16 v25, v26;
	v26 =	vld [tilespmem:s17+$0xCF10]  }
0x2b8: {  	v23 =	vmul.bf16 v23, v24;
	v24 =	vmul.bf16 v27, v28;
	v27 =	vld [tilespmem:s17+$0x10F00]  }
0x2b9: {  	v28 =	vmul.bf16 v31, v32;
	v31 =	vld [tilespmem:s17+$0x10EF0]  }
0x2ba: {  	v32 =	vmul.bf16 v37, v38;
	v38 =	vld [tilespmem:s17+$0x10EC0]  }
0x2bb: {  	v37 =	vld [tilespmem:s17+$0xCEC0]  }
0x2bc: {  	v53 =	vmul.bf16 v53, v54;
	v54 =	vmul.bf16 v51, v52;
	v52 =	vld [tilespmem:s17+$0x10E50]  }
0x2bd: {  	v2 =	vmul.bf16 v3, v2;
	v3 =	vmul.bf16 v6, v5;
	v6 =	vld [tilespmem:s17+$0x10E30]  }
0x2be: {  	v17 =	vmul.bf16 v18, v17;
	v18 =	vld [tilespmem:s17+$0xCF30]  }
0x2bf: {  	v21 =	vadd.bf16 v21, v23;
	v23 =	vld [tilespmem:s17+$0xCF00]  }
0x2c0: {  	v24 =	vadd.bf16 v25, v24;
	v25 =	vmul.bf16 v33, v34;
	v34 =	vld [tilespmem:s17+$0xCEF0]  }
0x2c1: {  	v33 =	vmul.bf16 v35, v36;
	v36 =	vld [tilespmem:s17+$0x10EE0]  }
0x2c2: {  	v35 =	vld [tilespmem:s17+$0xCED0]  }
0x2c3: {  	v45 =	vmul.bf16 v45, v46;
	v2 =	vadd.bf16 v3, v2;
	v3 =	vld [tilespmem:s17+$0x10E20]  }
0x2c4: {  	v24 =	vadd.bf16 v21, v24;
	v21 =	vmul.bf16 v16, v15;
	v16 =	vadd.bf16 v33, v32;
	v33 =	vld [tilespmem:s17+$0xCEE0]  }
0x2c5: {  	v46 =	vmul.bf16 v43, v44;
	v15 =	vmul.bf16 v29, v30;
	v29 =	vld [tilespmem:s17+$0x10ED0]  }
0x2c6: {  	v25 =	vadd.bf16 v28, v25;
	v28 =	vmul.bf16 v41, v42;
	v42 =	vmul.bf16 v39, v40;
	v40 =	vld [tilespmem:s17+$0xCEB0]  }
0x2c7: {  	v39 =	vadd.bf16 v54, v53;
	v53 =	vld [tilespmem:s17+$0xCE50]  }
0x2c8: {  	v30 =	vmul.bf16 v47, v48;
	v32 =	vadd.bf16 v46, v45;
	[tilespmem:$0x1FB10] =	vst v63;
	v63 =	vld [tilespmem:s17+$0x10FD0]  }
0x2c9: {  	[tilespmem:$0x1FB70] =	vst v11;
	v11 =	vld [tilespmem:s17+$0xCF90];
	v61 =	vmul.bf16 v61, v62;
	v48 =	vmul.bf16 v59, v60;
	v16 =	vadd.bf16 v25, v16  }
0x2ca: {  	[tilespmem:$0x1FB60] =	vst v10;
	v10 =	vld [tilespmem:s17+$0x10F80];
	v25 =	vmul.bf16 v49, v50;
	v50 =	vunpack.i.u.bf16.f32 v24;
	v24 =	vunpack.i.l.bf16.f32 v24  }
0x2cb: {  	[tilespmem:$0x1FB50] =	vst v9;
	v9 =	vld [tilespmem:s17+$0x10F60];
	v28 =	vadd.bf16 v42, v28;
	v24 =	vadd.f32 v24, v50  }
0x2cc: {  	v0 =	vmul.bf16 v1, v0;
	[tilespmem:$0x1FB30] =	vst v19;
	v19 =	vld [tilespmem:s17+$0x10F30];
	v42 =	vadd.bf16 v48, v61;
	v25 =	vadd.bf16 v30, v25  }
0x2cd: {  	v59 =	vld [tilespmem:s17+$0xCE20];
	v28 =	vadd.bf16 v28, v32;
	v30 =	vmul.bf16 v57, v58;
	v58 =	vmul.bf16 v55, v56  }
0x2ce: {  	v60 =	vld [tilespmem:$0x1FAF0];
	v62 =	vunpack.i.u.bf16.f32 v16;
	v16 =	vunpack.i.l.bf16.f32 v16;
	v4 =	vmul.bf16 v63, v4  }
0x2cf: {  	v49 =	vld [tilespmem:s17+$0x10EA0];
	v16 =	vadd.f32 v16, v62;
	v7 =	vmul.bf16 v10, v7;
	v57 =	vmul.bf16 v14, v11  }
0x2d0: {  	v32 =	vld [tilespmem:s17+$0x10EB0];
	v30 =	vadd.bf16 v58, v30;
	v8 =	vmul.bf16 v9, v8;
	v58 =	vmul.bf16 v13, v12  }
0x2d1: {  	v55 =	vld [tilespmem:s17+$0x10E40];
	v25 =	vadd.bf16 v25, v39;
	v12 =	vmul.bf16 v27, v23;
	v13 =	vmul.bf16 v22, v26  }
0x2d2: {  	v56 =	vld [tilespmem:s17+$0xCE40];
	[tilespmem:$0x1FB40] =	vst v19;
	v51 =	vunpack.i.u.bf16.f32 v28;
	v14 =	vmul.bf16 v36, v33;
	v19 =	vmul.bf16 v31, v34  }
0x2d3: {  	v50 =	vld [tilespmem:s17+$0xCEA0];
	v23 =	vmul.bf16 v29, v35;
	v3 =	vmul.bf16 v3, v59;
	v30 =	vadd.bf16 v30, v42  }
0x2d4: {  	v27 =	vld [tilespmem:$0x1FB00];
	v54 =	vunpack.i.u.bf16.f32 v25;
	v0 =	vadd.bf16 v4, v0;
	v7 =	vadd.bf16 v57, v7  }
0x2d5: {  	v29 =	vld [tilespmem:$0x1FB10];
	v25 =	vunpack.i.l.bf16.f32 v25;
	v8 =	vadd.bf16 v58, v8;
	v12 =	vadd.bf16 v13, v12  }
0x2d6: {  	v61 =	vld [tilespmem:s17+$0x10E90];
	v13 =	vmul.bf16 v38, v37;
	v14 =	vadd.bf16 v19, v14;
	v5 =	vadd.f32 v25, v54  }
0x2d7: {  	v62 =	vld [tilespmem:s17+$0xCE90];
	v26 =	vmul.bf16 v32, v40;
	v1 =	vmul.bf16 v55, v56;
	v4 =	vunpack.i.u.bf16.f32 v30  }
0x2d8: {  	v25 =	vunpack.i.l.bf16.f32 v30;
	v30 =	vld [tilespmem:s17+$0xCE30];
	v0 =	vadd.bf16 v0, v2;
	v2 =	vmul.bf16 v60, v20  }
0x2d9: {  	v22 =	vld [tilespmem:s17+$0x10E80];
	v7 =	vadd.bf16 v7, v8;
	v4 =	vadd.f32 v25, v4;
	v25 =	vmul.bf16 v49, v50  }
0x2da: {  	v19 =	vld [tilespmem:s17+$0x10E70];
	v12 =	vadd.bf16 v12, v14;
	v13 =	vadd.bf16 v23, v13;
	v27 =	vmul.bf16 v27, v29  }
0x2db: {  	v8 =	vld [tilespmem:s17+$0xCE80];
	v14 =	vunpack.i.u.bf16.f32 v7;
	v7 =	vunpack.i.l.bf16.f32 v7;
	v25 =	vadd.bf16 v26, v25  }
0x2dc: {  	v23 =	vld [tilespmem:s17+$0xCE60];
	v20 =	vunpack.i.u.bf16.f32 v0;
	v0 =	vunpack.i.l.bf16.f32 v0;
	v7 =	vadd.f32 v7, v14  }
0x2dd: {  	v29 =	vld [tilespmem:s17+$0x10E60];
	v14 =	vmul.bf16 v52, v53;
	v13 =	vadd.bf16 v13, v25;
	v6 =	vmul.bf16 v6, v30  }
0x2de: {  	v63 =	vunpack.i.l.bf16.f32 v12;
	v0 =	vadd.f32 v0, v20;
	v20 =	vld [tilespmem:s17+$0xCE70];
	v26 =	vunpack.i.u.bf16.f32 v12  }
0x2df: {  	v12 =	vld [tilespmem:s17+$0x10F20];
	v1 =	vadd.bf16 v14, v1;
	v14 =	vunpack.i.u.bf16.f32 v13;
	v3 =	vadd.bf16 v6, v3  }
0x2e0: {  	v25 =	vld [tilespmem:s17+$0xCF20];
	v6 =	vmul.bf16 v22, v8;
	v8 =	vmul.bf16 v61, v62;
	v13 =	vunpack.i.l.bf16.f32 v13  }
0x2e1: {  	v28 =	vunpack.i.l.bf16.f32 v28;
	v1 =	vadd.bf16 v1, v3;
	v3 =	vadd.f32 v13, v14;
	v13 =	vld [tilespmem:$0x1FB20]  }
0x2e2: {  	(xrf2) =	vadd.scan.msk.f32 $0xffff, v24;
	v28 =	vadd.f32 v28, v51;
	v6 =	vadd.bf16 v8, v6;
	v8 =	vld [tilespmem:$0x1FB40]  }
0x2e3: {  	(xrf2) =	vadd.scan.msk.f32 $0xffff, v16;
	v14 =	vld [tilespmem:$0x1FB30]  }
0x2e4: {  	v34 =	vld [tilespmem:s17+$0xD0B0];
	(xrf2) =	vadd.scan.msk.f32 $0xffff, v28;
	v33 =	vmul.bf16 v29, v23;
	v16 =	vmul.bf16 v19, v20  }
0x2e5: {  	v32 =	vld [tilespmem:s17+$0xCFF0];
	(xrf2) =	vadd.scan.msk.f32 $0xffff, v5  }
0x2e6: {  	(xrf2) =	vadd.scan.msk.f32 $0xffff, v4;
	v19 =	vld [tilespmem:s17+$0x10FE0];
	v5 =	vadd.bf16 v16, v33;
	v4 =	vunpack.i.u.bf16.f32 v1;
	v1 =	vunpack.i.l.bf16.f32 v1  }
0x2e7: {  	v12 =	vmul.bf16 v12, v25;
	v35 =	vadd.f32 v1, v4;
	v4 =	vld [tilespmem:$0x1FB50];
	v8 =	vmul.bf16 v8, v18  }
0x2e8: {  	v11 =	vadd.f32 v63, v26;
	v13 =	vmul.bf16 v13, v14;
	v14 =	vld [tilespmem:s17+$0xCFE0]  }
0x2e9: {  	(xrf2) =	vadd.scan.msk.f32 $0xffff, v0;
	v36 =	vadd.bf16 v6, v5;
	v6 =	vadd.bf16 v8, v12;
	v8 =	vld [tilespmem:$0x1FB70]  }
0x2ea: {  	(xrf2) =	vadd.scan.msk.f32 $0xffff, v7;
	v5 =	vld [tilespmem:$0x1FB60];
	v7 =	vadd.bf16 v17, v13  }
0x2eb: {  	v37 =	vld [tilespmem:s17+$0xD170];
	(xrf2) =	vadd.scan.msk.f32 $0xffff, v11  }
0x2ec: {  	(xrf2) =	vadd.scan.msk.f32 $0xffff, v3;
	v3 =	vadd.bf16 v7, v6;
	v6 =	vld [tilespmem:$0x1FB80]  }
0x2ed: {  	v7 =	vld [tilespmem:$0x1FB90]  }
0x2ee: {  	v16 =	vld [tilespmem:s17+$0x110A0];
	v12 =	vmul.bf16 v19, v14;
	v8 =	vmul.bf16 v8, v32  }
0x2ef: {  	v4 =	vmul.bf16 v4, v5;
	v5 =	vld [tilespmem:s17+$0xD0A0]  }
0x2f0: {  	v39 =	vadd.bf16 v8, v12;
	v8 =	vld [tilespmem:$0x1FBA0]  }
0x2f1: {  	v13 =	vld [tilespmem:s17+$0x11160]  }
0x2f2: {  	v6 =	vmul.bf16 v6, v7;
	v7 =	vld [tilespmem:s17+$0xD160];
	v12 =	vunpack.i.u.bf16.f32 v3;
	v3 =	vunpack.i.l.bf16.f32 v3  }
0x2f3: {  	v4 =	vadd.bf16 v27, v4;
	v3 =	vadd.f32 v3, v12;
	v12 =	vld [tilespmem:$0x1FBC0]  }
0x2f4: {  	v2 =	vadd.bf16 v2, v6;
	v6 =	vld [tilespmem:$0x1FBD0]  }
0x2f5: {  	v5 =	vmul.bf16 v16, v5;
	v0 =	vadd.bf16 v4, v39;
	v4 =	vld [tilespmem:$0x1FBB0];
	v8 =	vmul.bf16 v8, v34  }
0x2f6: {  	v44 =	vld [tilespmem:$0x1FBF0]  }
0x2f7: {  	v40 =	vld [tilespmem:s17+$0xD1F0];
	v38 =	vunpack.i.u.bf16.f32 v36;
	v1 =	vunpack.i.l.bf16.f32 v36;
	v5 =	vadd.bf16 v8, v5  }
0x2f8: {  	v1 =	vadd.f32 v1, v38;
	v14 =	vld [tilespmem:s17+$0x111E0]  }
0x2f9: {  	(xrf2) =	vadd.scan.msk.f32 $0xffff, v35;
	v7 =	vmul.bf16 v13, v7;
	v6 =	vmul.bf16 v6, v37;
	v2 =	vadd.bf16 v2, v5;
	v5 =	vld [tilespmem:$0x1FBE0]  }
0x2fa: {  	v41, _, _ =	vpop (xrf2);
	(xrf2) =	vadd.scan.msk.f32 $0xffff, v1;
	v4 =	vmul.bf16 v4, v12;
	v12 =	vld [tilespmem:s17+$0xD1E0]  }
0x2fb: {  	v42, _, _ =	vpop (xrf2);
	v6 =	vadd.bf16 v6, v7;
	v7 =	vld [tilespmem:$0x1FC00]  }
0x2fc: {  	v16, _, _ =	vpop (xrf2)  }
0x2fd: {  	v8, _, _ =	vpop (xrf2)  }
0x2fe: {  	(xrf2) =	vadd.scan.msk.f32 $0xffff, v3;
	v43 =	vunpack.i.u.bf16.f32 v0;
	v3, _, _ =	vpop (xrf2);
	v5 =	vmul.bf16 v5, v44  }
0x2ff: {  	v0 =	vunpack.i.l.bf16.f32 v0;
	v4 =	vadd.bf16 v15, v4;
	v45, _, _ =	vpop (xrf2);
	v12 =	vmul.bf16 v14, v12  }
0x300: {  	v0 =	vadd.f32 v0, v43;
	v46, _, _ =	vpop (xrf2);
	v7 =	vmul.bf16 v7, v40;
	v5 =	vadd.bf16 v21, v5  }
0x301: {  	v4 =	vadd.bf16 v4, v6;
	v47, _, _ =	vpop (xrf2)  }
0x302: {  	(xrf2) =	vadd.scan.msk.f32 $0xffff, v0;
	v13 =	vunpack.i.u.bf16.f32 v2;
	v2 =	vunpack.i.l.bf16.f32 v2;
	v6, _, _ =	vpop (xrf2);
	v7 =	vadd.bf16 v7, v12  }
0x303: {  	v2 =	vadd.f32 v2, v13;
	v13 =	vunpack.i.u.bf16.f32 v4;
	v4 =	vunpack.i.l.bf16.f32 v4;
	v12, _, _ =	vpop (xrf2)  }
0x304: {  	v48 =	vadd.f32 v4, v13;
	v4 =	vadd.bf16 v5, v7;
	v5, _, _ =	vpop (xrf2)  }
0x305: {  	(xrf2) =	vadd.scan.msk.f32 $0xffff, v2;
	v5 =	vbroadcast v5, $0xF;
	_ =	sdelay $0x1  }
0x306: {  	v7 =	vbroadcast v12, $0xF  }
0x307: {  	v6 =	vbroadcast v6, $0xF  }
0x308: {  	v0 =	vbroadcast v47, $0xF;
	v12 =	vunpack.i.u.bf16.f32 v4;
	v49 =	vsel vm0, v7, v5;
	v5, _, _ =	vpop (xrf2)  }
0x309: {  	(xrf2) =	vadd.scan.msk.f32 $0xffff, v48;
	v4 =	vunpack.i.l.bf16.f32 v4;
	v2 =	vsel vm1, v49, v6;
	v5 =	vbroadcast v5, $0xF  }
0x30a: {  	v50 =	vbroadcast v46, $0xF;
	v4 =	vadd.f32 v4, v12;
	v0 =	vsel vm2, v2, v0  }
0x30b: {  	v6, _, _ =	vpop (xrf2);
	v0 =	vsel vm3, v0, v5;
	v5 =	vbroadcast v45, $0xF  }
0x30c: {  	v51 =	vbroadcast v6, $0xF;
	v0 =	vsel vm4, v0, v50  }
0x30d: {  	v3 =	vbroadcast v3, $0xF;
	(xrf2) =	vadd.scan.msk.f32 $0xffff, v4;
	v0 =	vsel vm5, v0, v5  }
0x30e: {  	v4, _, _ =	vpop (xrf2);
	v0 =	vsel vm6, v0, v51  }
0x30f: {  	v0 =	vsel vm7, v0, v3;
	v3 =	vbroadcast v4, $0xF  }
0x310: {  	v52 =	vbroadcast v8, $0xF;
	_ =	sdelay $0x1  }
0x311: {  	v53 =	vbroadcast v16, $0xF;
	v0 =	vsel vm8, v0, v52  }
0x312: {  	v1 =	vbroadcast v42, $0xF;
	v0 =	vsel vm9, v0, v3;
	v3, _, _ =	vpop (xrf2)  }
0x313: {  	v0 =	vsel vm10, v0, v53;
	v54 =	vbroadcast v3, $0xF  }
0x314: {  	v55 =	vbroadcast v41, $0xF;
	v0 =	vsel vm11, v0, v1  }
0x315: {  	v0 =	vsel vm12, v0, v54  }
0x316: {  	v56, _, _ =	vpop (xrf2);
	v0 =	vsel vm13, v0, v55  }
0x317: {  	v0 =	vsel vm14, v0, v56  }
0x318: {  	v0 =	vmul.f32 $1.000000000e+01, v0  }
0x319: {  	s15 =	simm.s32 $0x14F20  }
0x31a: {  	s16 =	simm.s32 $0x400;
	[tilespmem:s15+$0x0] =	vst v0  }
0x31b: {  	v13 =	vld [tilespmem:s16+$0x11210]  }
0x31c: {  	v0 =	vld [tilespmem:s16+$0xD210]  }
0x31d: {  	v57 =	vld [tilespmem:s16+$0x11200]  }
0x31e: {  	v58 =	vld [tilespmem:s16+$0xD200]  }
0x31f: {  	v18 =	vld [tilespmem:s16+$0x111F0]  }
0x320: {  	v23 =	vld [tilespmem:s16+$0x111D0]  }
0x321: {  	v24 =	vld [tilespmem:s16+$0xD1D0]  }
0x322: {  	v25 =	vld [tilespmem:s16+$0x111C0]  }
0x323: {  	v26 =	vld [tilespmem:s16+$0xD1C0]  }
0x324: {  	v27 =	vld [tilespmem:s16+$0x111B0]  }
0x325: {  	v28 =	vld [tilespmem:s16+$0xD1B0]  }
0x326: {  	v29 =	vld [tilespmem:s16+$0x111A0]  }
0x327: {  	v30 =	vld [tilespmem:s16+$0xD1A0]  }
0x328: {  	v11 =	vld [tilespmem:s16+$0x11190]  }
0x329: {  	v12 =	vld [tilespmem:s16+$0xD190]  }
0x32a: {  	v59 =	vld [tilespmem:s16+$0x11180]  }
0x32b: {  	v60 =	vld [tilespmem:s16+$0xD180]  }
0x32c: {  	v61 =	vld [tilespmem:s16+$0x11170]  }
0x32d: {  	v33 =	vld [tilespmem:s16+$0x11150]  }
0x32e: {  	v34 =	vld [tilespmem:s16+$0xD150]  }
0x32f: {  	v35 =	vld [tilespmem:s16+$0x11140]  }
0x330: {  	v36 =	vld [tilespmem:s16+$0xD140]  }
0x331: {  	v37 =	vld [tilespmem:s16+$0x11130]  }
0x332: {  	v38 =	vld [tilespmem:s16+$0xD130]  }
0x333: {  	v39 =	vld [tilespmem:s16+$0x11120]  }
0x334: {  	v40 =	vld [tilespmem:s16+$0xD120]  }
0x335: {  	v41 =	vld [tilespmem:s16+$0x11110]  }
0x336: {  	v42 =	vld [tilespmem:s16+$0xD110]  }
0x337: {  	v43 =	vld [tilespmem:s16+$0x11100]  }
0x338: {  	v44 =	vld [tilespmem:s16+$0xD100]  }
0x339: {  	v45 =	vld [tilespmem:s16+$0x110F0]  }
0x33a: {  	v46 =	vld [tilespmem:s16+$0xD0F0]  }
0x33b: {  	v47 =	vld [tilespmem:s16+$0x110E0]  }
0x33c: {  	v48 =	vld [tilespmem:s16+$0xD0E0]  }
0x33d: {  	v7 =	vld [tilespmem:s16+$0x110D0]  }
0x33e: {  	v9 =	vld [tilespmem:s16+$0xD0D0]  }
0x33f: {  	v62 =	vld [tilespmem:s16+$0x110C0]  }
0x340: {  	v63 =	vld [tilespmem:s16+$0xD0C0]  }
0x341: {  	v10 =	vld [tilespmem:s16+$0x110B0]  }
0x342: {  	v49 =	vld [tilespmem:s16+$0x11090]  }
0x343: {  	v50 =	vld [tilespmem:s16+$0xD090]  }
0x344: {  	v51 =	vld [tilespmem:s16+$0x11080]  }
0x345: {  	v52 =	vld [tilespmem:s16+$0xD080]  }
0x346: {  	v53 =	vld [tilespmem:s16+$0x11070]  }
0x347: {  	v54 =	vld [tilespmem:s16+$0xD070]  }
0x348: {  	v55 =	vld [tilespmem:s16+$0x11060]  }
0x349: {  	v56 =	vld [tilespmem:s16+$0xD060]  }
0x34a: {  	v1 =	vld [tilespmem:s16+$0xD020]  }
0x34b: {  	v8 =	vld [tilespmem:s16+$0x11010]  }
0x34c: {  	v32 =	vld [tilespmem:s16+$0x11000]  }
0x34d: {  	v21 =	vld [tilespmem:s16+$0xCFD0]  }
0x34e: {  	v3 =	vld [tilespmem:s16+$0x10FC0]  }
0x34f: {  	v2 =	vld [tilespmem:s16+$0xCFC0]  }
0x350: {  	v4 =	vld [tilespmem:s16+$0x10FB0]  }
0x351: {  	v31 =	vld [tilespmem:s16+$0x10FA0]  }
0x352: {  	v22 =	vld [tilespmem:s16+$0xCFA0]  }
0x353: {  	v16 =	vld [tilespmem:s16+$0x10F90]  }
0x354: {  	v17 =	vld [tilespmem:s16+$0xCF90]  }
0x355: {  	v14 =	vld [tilespmem:s16+$0x10F70]  }
0x356: {  	v15 =	vld [tilespmem:s16+$0xCF70]  }
0x357: {  	v19 =	vld [tilespmem:s16+$0x10F60]  }
0x358: {  	v20 =	vld [tilespmem:s16+$0xCF60]  }
0x359: {  	v5 =	vld [tilespmem:s16+$0x10F50]  }
0x35a: {  	v6 =	vld [tilespmem:s16+$0xCF50]  }
0x35b: {  	[tilespmem:$0x1FC10] =	vst v57;
	v57 =	vld [tilespmem:s16+$0x11050]  }
0x35c: {  	[tilespmem:$0x1FC20] =	vst v58;
	v58 =	vld [tilespmem:s16+$0xD050]  }
0x35d: {  	[tilespmem:$0x1FC30] =	vst v59;
	v59 =	vld [tilespmem:s16+$0x11040]  }
0x35e: {  	[tilespmem:$0x1FC40] =	vst v60;
	v60 =	vld [tilespmem:s16+$0xD040]  }
0x35f: {  	[tilespmem:$0x1FC50] =	vst v61;
	v61 =	vld [tilespmem:s16+$0x11030]  }
0x360: {  	[tilespmem:$0x1FC60] =	vst v62;
	v62 =	vld [tilespmem:s16+$0xD030]  }
0x361: {  	[tilespmem:$0x1FC70] =	vst v63;
	v63 =	vld [tilespmem:s16+$0x11020]  }
0x362: {  	[tilespmem:$0x1FC80] =	vst v10;
	v10 =	vld [tilespmem:s16+$0xD010]  }
0x363: {  	[tilespmem:$0x1FC90] =	vst v32;
	v32 =	vld [tilespmem:s16+$0xD000]  }
0x364: {  	[tilespmem:$0x1FCF0] =	vst v4;
	v4 =	vld [tilespmem:s16+$0xCFB0]  }
0x365: {  	v25 =	vmul.bf16 v25, v26;
	v23 =	vmul.bf16 v23, v24;
	v24 =	vld [tilespmem:s16+$0xCF10]  }
0x366: {  	v26 =	vmul.bf16 v27, v28;
	v28 =	vmul.bf16 v33, v34;
	v33 =	vld [tilespmem:s16+$0xCF00]  }
0x367: {  	v34 =	vld [tilespmem:s16+$0x10EF0]  }
0x368: {  	v27 =	vmul.bf16 v35, v36;
	v35 =	vld [tilespmem:s16+$0xCEF0]  }
0x369: {  	v36 =	vld [tilespmem:s16+$0x10EE0]  }
0x36a: {  	v23 =	vadd.bf16 v23, v25;
	v25 =	vadd.bf16 v28, v27;
	v28 =	vmul.bf16 v41, v42;
	v42 =	vld [tilespmem:s16+$0x10EC0]  }
0x36b: {  	v41 =	vld [tilespmem:s16+$0xCEC0]  }
0x36c: {  	v27 =	vmul.bf16 v43, v44;
	v44 =	vld [tilespmem:s16+$0xCEB0]  }
0x36d: {  	[tilespmem:$0x1FD00] =	vst v4;
	v4 =	vld [tilespmem:s16+$0x10F80]  }
0x36e: {  	v27 =	vadd.bf16 v28, v27;
	v28 =	vmul.bf16 v49, v50;
	v49 =	vmul.bf16 v3, v2;
	v3 =	vld [tilespmem:$0x1FCF0]  }
0x36f: {  	[tilespmem:$0x1FCA0] =	vst v32;
	v32 =	vld [tilespmem:s16+$0x10FF0]  }
0x370: {  	[tilespmem:$0x1FD30] =	vst v24;
	v24 =	vmul.bf16 v29, v30;
	v30 =	vld [tilespmem:s16+$0x10F00]  }
0x371: {  	v29 =	vmul.bf16 v37, v38;
	v37 =	vld [tilespmem:s16+$0xCEE0]  }
0x372: {  	[tilespmem:$0x1FD10] =	vst v4;
	v4 =	vld [tilespmem:s16+$0xCF80]  }
0x373: {  	v38 =	vld [tilespmem:s16+$0x10ED0]  }
0x374: {  	v34 =	vmul.bf16 v34, v35;
	v35 =	vld [tilespmem:s16+$0xCE80]  }
0x375: {  	v24 =	vadd.bf16 v26, v24;
	v26 =	vmul.bf16 v39, v40;
	v39 =	vld [tilespmem:s16+$0xCED0]  }
0x376: {  	v40 =	vld [tilespmem:s16+$0x10EB0]  }
0x377: {  	[tilespmem:$0x1FD20] =	vst v4;
	v4 =	vld [tilespmem:s16+$0x10F40]  }
0x378: {  	v22 =	vmul.bf16 v31, v22;
	[tilespmem:$0x1FCB0] =	vst v32;
	v32 =	vld [tilespmem:s16+$0x10FD0]  }
0x379: {  	v58 =	vmul.bf16 v57, v58;
	v26 =	vadd.bf16 v29, v26;
	v57 =	vmul.bf16 v30, v33;
	v33 =	vld [tilespmem:s16+$0xCE20]  }
0x37a: {  	v23 =	vadd.bf16 v23, v24;
	v24 =	vmul.bf16 v47, v48;
	v29 =	vmul.bf16 v45, v46;
	v30 =	vld [tilespmem:s16+$0x10E90]  }
0x37b: {  	v41 =	vmul.bf16 v42, v41;
	v36 =	vmul.bf16 v36, v37;
	v37 =	vld [tilespmem:s16+$0xCE70];
	v25 =	vadd.bf16 v25, v26  }
0x37c: {  	v26 =	vmul.bf16 v51, v52;
	v24 =	vadd.bf16 v29, v24;
	v29 =	vmul.bf16 v55, v56;
	[tilespmem:$0x1FCC0] =	vst v4;
	v4 =	vld [tilespmem:s16+$0xCF40]  }
0x37d: {  	v55 =	vmul.bf16 v53, v54;
	v56 =	vunpack.i.u.bf16.f32 v23;
	v23 =	vunpack.i.l.bf16.f32 v23;
	v52 =	vld [tilespmem:$0x1FD00]  }
0x37e: {  	v54 =	vld [tilespmem:$0x1FD10];
	v23 =	vadd.f32 v23, v56;
	v26 =	vadd.bf16 v28, v26;
	v28 =	vmul.bf16 v59, v60  }
0x37f: {  	v29 =	vadd.bf16 v55, v29;
	v27 =	vadd.bf16 v27, v24;
	v59 =	vmul.bf16 v61, v62;
	v61 =	vld [tilespmem:s16+$0x10EA0]  }
0x380: {  	v24 =	vmul.bf16 v63, v1;
	v60 =	vunpack.i.u.bf16.f32 v25;
	v25 =	vunpack.i.l.bf16.f32 v25;
	v62 =	vld [tilespmem:s16+$0xCEA0]  }
0x381: {  	v47 =	vmul.bf16 v13, v0;
	v26 =	vadd.bf16 v26, v29;
	v29 =	vadd.f32 v25, v60;
	[tilespmem:$0x1FCD0] =	vst v4;
	v4 =	vld [tilespmem:s16+$0x10F30]  }
0x382: {  	(xrf2) =	vadd.scan.msk.f32 $0xffff, v23;
	v45 =	vadd.bf16 v59, v24;
	v25 =	vunpack.i.u.bf16.f32 v27;
	v23 =	vmul.bf16 v3, v52;
	v3 =	vld [tilespmem:$0x1FD20]  }
0x383: {  	v28 =	vadd.bf16 v58, v28;
	v24 =	vld [tilespmem:s16+$0x10E50];
	v27 =	vunpack.i.l.bf16.f32 v27;
	v50 =	vmul.bf16 v32, v21  }
0x384: {  	v55 =	vmul.bf16 v14, v15;
	v58 =	vld [tilespmem:$0x1FD30];
	v63 =	vadd.f32 v27, v25;
	v21 =	vunpack.i.u.bf16.f32 v26  }
0x385: {  	v25 =	vld [tilespmem:s16+$0xCE50];
	v27 =	vunpack.i.l.bf16.f32 v26;
	v51 =	vadd.bf16 v28, v45;
	(xrf2) =	vadd.scan.msk.f32 $0xffff, v29;
	v2 =	vadd.bf16 v50, v49  }
0x386: {  	v53 =	vadd.f32 v27, v21;
	v21 =	vmul.bf16 v16, v17;
	v22 =	vadd.bf16 v23, v22;
	[tilespmem:$0x1FCE0] =	vst v4;
	v4 =	vld [tilespmem:s16+$0x10F10]  }
0x387: {  	v26 =	vld [tilespmem:s16+$0x10E40];
	v23 =	vmul.bf16 v19, v20;
	v3 =	vmul.bf16 v54, v3  }
0x388: {  	v48 =	vmul.bf16 v11, v12;
	v28 =	vld [tilespmem:s16+$0xCE40];
	v31 =	vunpack.i.u.bf16.f32 v51;
	v2 =	vadd.bf16 v2, v22  }
0x389: {  	v29 =	vld [tilespmem:s16+$0xCE30];
	v32 =	vunpack.i.l.bf16.f32 v51;
	v23 =	vadd.bf16 v55, v23;
	v3 =	vadd.bf16 v21, v3  }
0x38a: {  	v40 =	vmul.bf16 v40, v44;
	v27 =	vld [tilespmem:s16+$0x10E30];
	v56 =	vadd.f32 v32, v31;
	v60 =	vunpack.i.u.bf16.f32 v2  }
0x38b: {  	v31 =	vld [tilespmem:s16+$0x10E20];
	v1 =	vadd.bf16 v3, v23;
	v3 =	vadd.bf16 v34, v36;
	v59 =	vmul.bf16 v4, v58  }
0x38c: {  	(xrf2) =	vadd.scan.msk.f32 $0xffff, v63;
	v32 =	vld [tilespmem:s16+$0xCE90];
	v23 =	vmul.bf16 v61, v62;
	v61 =	vunpack.i.l.bf16.f32 v2;
	v62 =	vmul.bf16 v38, v39  }
0x38d: {  	(xrf2) =	vadd.scan.msk.f32 $0xffff, v53;
	v21 =	vmul.bf16 v7, v9;
	v34 =	vld [tilespmem:s16+$0x10E80];
	v63 =	vadd.f32 v61, v60;
	v22 =	vadd.bf16 v59, v57  }
0x38e: {  	s18 =	sor.u32 $0x100, s14;
	(xrf2) =	vadd.scan.msk.f32 $0xffff, v56;
	v12, _, _ =	vpop (xrf2);
	v36 =	vld [tilespmem:s16+$0x10E70];
	v39 =	vadd.bf16 v40, v23;
	v40 =	vadd.bf16 v62, v41;
	v41 =	vunpack.i.u.bf16.f32 v1  }
0x38f: {  	s17 =	smin.u32 s18, $0x2610;
	s18 =	simm.s32 $0x2000;
	v13, _, _ =	vpop (xrf2);
	v23 =	vld [tilespmem:s16+$0x10E60];
	v42 =	vunpack.i.l.bf16.f32 v1;
	(xrf2) =	vadd.scan.msk.f32 $0xffff, v63;
	v38 =	vadd.bf16 v22, v3;
	v22 =	vmul.bf16 v8, v10  }
.LBB2_5:
0x390: {  	v43 =	vld [tilespmem:s16+$0xCE60]  }
0x391: {  	v51 =	vld [tilespmem:s16+$0x10F20]  }
0x392: {  	v52 =	vld [tilespmem:s16+$0xCF20]  }
0x393: {  	v53 =	vld [tilespmem:s16+$0xCFF0]  }
0x394: {  	v55 =	vld [tilespmem:s16+$0x10FE0]  }
0x395: {  	v56 =	vld [tilespmem:$0x1FCC0]  }
0x396: {  	v1 =	vld [tilespmem:$0x1FCD0]  }
0x397: {  	v17 =	vld [tilespmem:s16+$0xCFE0]  }
0x398: {  	v57 =	vld [tilespmem:$0x1FCE0]  }
0x399: {  	v58 =	vld [tilespmem:$0x1FC90]  }
0x39a: {  	v59 =	vld [tilespmem:$0x1FCA0]  }
0x39b: {  	v11 =	vld [tilespmem:s16+$0xD0A0]  }
0x39c: {  	v61 =	vld [tilespmem:$0x1FCB0]  }
0x39d: {  	v44 =	vunpack.i.u.bf16.f32 v38;
	v62 =	vld [tilespmem:$0x1FC60];
	v45 =	vmul.bf16 v5, v6;
	v26 =	vmul.bf16 v26, v28  }
0x39e: {  	v0 =	vadd.f32 v42, v41;
	v63 =	vld [tilespmem:$0x1FC70];
	v24 =	vmul.bf16 v24, v25;
	v31 =	vmul.bf16 v31, v33  }
0x39f: {  	v8 =	vld [tilespmem:s16+$0xD160];
	v25 =	vadd.bf16 v40, v39;
	v27 =	vmul.bf16 v27, v29;
	v30 =	vmul.bf16 v30, v32  }
0x3a0: {  	v28 =	vld [tilespmem:s16+$0xCF30];
	v29 =	vunpack.i.l.bf16.f32 v38;
	v54 =	vmul.bf16 v36, v37;
	v23 =	vmul.bf16 v23, v43  }
0x3a1: {  	v33 =	vld [tilespmem:$0x1FC80];
	v29 =	vadd.f32 v29, v44;
	v16 =	vmul.bf16 v56, v1;
	v9 =	vmul.bf16 v61, v53  }
0x3a2: {  	v19, _, _ =	vpop (xrf2);
	(xrf2) =	vadd.scan.msk.f32 $0xffff, v0;
	v5 =	vld [tilespmem:s16+$0xD1E0];
	v24 =	vadd.bf16 v24, v26;
	v26 =	vunpack.i.u.bf16.f32 v25;
	v25 =	vunpack.i.l.bf16.f32 v25  }
0x3a3: {  	v37 =	vld [tilespmem:$0x1FC50];
	v27 =	vadd.bf16 v27, v31;
	v31 =	vmul.bf16 v34, v35;
	v2 =	vadd.f32 v25, v26  }
0x3a4: {  	v39 =	vld [tilespmem:$0x1FC10];
	v17 =	vmul.bf16 v55, v17;
	v23 =	vadd.bf16 v54, v23;
	v60 =	vadd.bf16 v45, v16  }
0x3a5: {  	v20, _, _ =	vpop (xrf2);
	v10 =	vmul.bf16 v58, v59;
	v34 =	vld [tilespmem:$0x1FC30];
	(xrf2) =	vadd.scan.msk.f32 $0xffff, v29;
	v24 =	vadd.bf16 v24, v27;
	v27 =	vadd.bf16 v30, v31  }
0x3a6: {  	v9 =	vadd.bf16 v9, v17;
	v30 =	vmul.bf16 v51, v52;
	v31 =	vld [tilespmem:s16+$0x110A0];
	v14 =	vmul.bf16 v57, v28  }
0x3a7: {  	v32 =	vadd.bf16 v22, v10;
	v28 =	vld [tilespmem:s16+$0xD0B0];
	v23 =	vadd.bf16 v27, v23  }
0x3a8: {  	v35 =	vld [tilespmem:$0x1FC40];
	v26, _, _ =	vpop (xrf2);
	(xrf2) =	vadd.scan.msk.f32 $0xffff, v2;
	v29 =	vunpack.i.u.bf16.f32 v24;
	v24 =	vunpack.i.l.bf16.f32 v24;
	v14 =	vadd.bf16 v14, v30  }
0x3a9: {  	v27 =	vld [tilespmem:s16+$0xD170];
	v24 =	vadd.f32 v24, v29;
	v29 =	vunpack.i.u.bf16.f32 v23;
	v23 =	vunpack.i.l.bf16.f32 v23  }
0x3aa: {  	v30 =	vld [tilespmem:s16+$0x11160];
	v23 =	vadd.f32 v23, v29;
	v14 =	vadd.bf16 v60, v14  }
0x3ab: {  	v40 =	vld [tilespmem:$0x1FC20];
	v7 =	vmul.bf16 v62, v63;
	v9 =	vadd.bf16 v32, v9;
	v25, _, _ =	vpop (xrf2);
	(xrf2) =	vadd.scan.msk.f32 $0xffff, v24;
	v11 =	vmul.bf16 v31, v11  }
0x3ac: {  	v17 =	vld [tilespmem:s16+$0xD1F0];
	v16, _, _ =	vpop (xrf2);
	v6 =	vmul.bf16 v33, v28;
	v22 =	vunpack.i.u.bf16.f32 v14;
	v14 =	vunpack.i.l.bf16.f32 v14;
	(xrf2) =	vadd.scan.msk.f32 $0xffff, v23  }
0x3ad: {  	v7 =	vadd.bf16 v21, v7;
	v24 =	vld [tilespmem:s16+$0x111E0];
	v14 =	vadd.f32 v14, v22  }
0x3ae: {  	v4 =	vmul.bf16 v34, v35;
	v38 =	vunpack.i.u.bf16.f32 v9;
	v6 =	vadd.bf16 v6, v11  }
0x3af: {  	v9 =	vunpack.i.l.bf16.f32 v9;
	v3 =	vmul.bf16 v37, v27;
	v8 =	vmul.bf16 v30, v8;
	v36, _, _ =	vpop (xrf2);
	(xrf2) =	vadd.scan.msk.f32 $0xffff, v14  }
0x3b0: {  	v1 =	vmul.bf16 v39, v40;
	v9 =	vadd.f32 v9, v38;
	v6 =	vadd.bf16 v7, v6  }
0x3b1: {  	v42 =	vmul.bf16 v18, v17;
	v3 =	vadd.bf16 v3, v8;
	v8 =	vadd.bf16 v48, v4  }
0x3b2: {  	v5 =	vmul.bf16 v24, v5;
	v41, _, _ =	vpop (xrf2);
	(xrf2) =	vadd.scan.msk.f32 $0xffff, v9;
	v7 =	vunpack.i.u.bf16.f32 v6;
	v6 =	vunpack.i.l.bf16.f32 v6  }
0x3b3: {  	v3 =	vadd.bf16 v8, v3;
	v6 =	vadd.f32 v6, v7  }
0x3b4: {  	v0 =	vadd.bf16 v42, v5;
	v7 =	vadd.bf16 v47, v1  }
0x3b5: {  	v5 =	vunpack.i.u.bf16.f32 v3;
	v3 =	vunpack.i.l.bf16.f32 v3;
	v4, _, _ =	vpop (xrf2);
	(xrf2) =	vadd.scan.msk.f32 $0xffff, v6  }
0x3b6: {  	v3 =	vadd.f32 v3, v5;
	v0 =	vadd.bf16 v7, v0;
	v43, _, _ =	vpop (xrf2)  }
0x3b7: {  	v6 =	vbroadcast v4, $0xF;
	v1 =	vbroadcast v43, $0xF  }
0x3b8: {  	v2 =	vbroadcast v41, $0xF;
	v5 =	vunpack.i.u.bf16.f32 v0;
	(xrf2) =	vadd.scan.msk.f32 $0xffff, v3  }
0x3b9: {  	v3 =	vbroadcast v36, $0xF;
	v0 =	vunpack.i.l.bf16.f32 v0;
	v1 =	vsel vm0, v6, v1;
	v4, _, _ =	vpop (xrf2)  }
0x3ba: {  	v0 =	vadd.f32 v0, v5;
	v1 =	vsel vm1, v1, v2;
	v44 =	vbroadcast v4, $0xF  }
0x3bb: {  	v1 =	vsel vm2, v1, v3;
	v3 =	vbroadcast v16, $0xF  }
0x3bc: {  	v45 =	vbroadcast v25, $0xF;
	v4, _, _ =	vpop (xrf2);
	(xrf2) =	vadd.scan.msk.f32 $0xffff, v0;
	v1 =	vsel vm3, v1, v44  }
0x3bd: {  	v47 =	vbroadcast v4, $0xF;
	v46 =	vsel vm4, v1, v3  }
0x3be: {  	v48 =	vbroadcast v26, $0xF;
	v0 =	vsel vm5, v46, v45  }
0x3bf: {  	v49 =	vbroadcast v20, $0xF;
	v0 =	vsel vm6, v0, v47;
	v3, _, _ =	vpop (xrf2)  }
0x3c0: {  	v0 =	vsel vm7, v0, v48;
	v50 =	vbroadcast v3, $0xF  }
0x3c1: {  	v51 =	vbroadcast v19, $0xF;
	v0 =	vsel vm8, v0, v49  }
0x3c2: {  	v52 =	vbroadcast v13, $0xF;
	v3, _, _ =	vpop (xrf2);
	v0 =	vsel vm9, v0, v50  }
0x3c3: {  	v3 =	vbroadcast v3, $0xF;
	v0 =	vsel vm10, v0, v51  }
0x3c4: {  	v53 =	vbroadcast v12, $0xF;
	v0 =	vsel vm11, v0, v52  }
0x3c5: {  	v0 =	vsel vm12, v0, v3  }
0x3c6: {  	v54, _, _ =	vpop (xrf2);
	v0 =	vsel vm13, v0, v53  }
0x3c7: {  	v0 =	vsel vm14, v0, v54  }
0x3c8: {  	v0 =	vmul.f32 $1.000000000e+01, v0  }
0x3c9: {  	s15 =	sadd.s32 $0x10, s15  }
0x3ca: {  	s16 =	sshra.s32 s18, $0x2;
	[tilespmem:s15+$0x0] =	vst v0  }
0x3cb: {  	v23 =	vld [tilespmem:s16+$0x11210]  }
0x3cc: {  	v22 =	vld [tilespmem:s16+$0xD210]  }
0x3cd: {  	v0 =	vld [tilespmem:s16+$0x11200]  }
0x3ce: {  	v55 =	vld [tilespmem:s16+$0xD200]  }
0x3cf: {  	v56 =	vld [tilespmem:s16+$0x111F0]  }
0x3d0: {  	v25 =	vld [tilespmem:s16+$0x111D0]  }
0x3d1: {  	v26 =	vld [tilespmem:s16+$0xD1D0]  }
0x3d2: {  	v28 =	vld [tilespmem:s16+$0x111C0]  }
0x3d3: {  	v30 =	vld [tilespmem:s16+$0xD1C0]  }
0x3d4: {  	v27 =	vld [tilespmem:s16+$0x111B0]  }
0x3d5: {  	v31 =	vld [tilespmem:s16+$0x111A0]  }
0x3d6: {  	v33 =	vld [tilespmem:s16+$0xD1A0]  }
0x3d7: {  	v21 =	vld [tilespmem:s16+$0x11190]  }
0x3d8: {  	v24 =	vld [tilespmem:s16+$0xD190]  }
0x3d9: {  	v57 =	vld [tilespmem:s16+$0x11180]  }
0x3da: {  	v58 =	vld [tilespmem:s16+$0xD180]  }
0x3db: {  	v59 =	vld [tilespmem:s16+$0x11170]  }
0x3dc: {  	v32 =	vld [tilespmem:s16+$0x11150]  }
0x3dd: {  	v35 =	vld [tilespmem:s16+$0xD150]  }
0x3de: {  	v40 =	vld [tilespmem:s16+$0x11140]  }
0x3df: {  	v43 =	vld [tilespmem:s16+$0xD140]  }
0x3e0: {  	v36 =	vld [tilespmem:s16+$0x11130]  }
0x3e1: {  	v39 =	vld [tilespmem:s16+$0xD130]  }
0x3e2: {  	v44 =	vld [tilespmem:s16+$0x11120]  }
0x3e3: {  	v47 =	vld [tilespmem:s16+$0xD120]  }
0x3e4: {  	v34 =	vld [tilespmem:s16+$0x11110]  }
0x3e5: {  	v37 =	vld [tilespmem:s16+$0xD110]  }
0x3e6: {  	v42 =	vld [tilespmem:s16+$0x11100]  }
0x3e7: {  	v45 =	vld [tilespmem:s16+$0xD100]  }
0x3e8: {  	v38 =	vld [tilespmem:s16+$0x110F0]  }
0x3e9: {  	v41 =	vld [tilespmem:s16+$0xD0F0]  }
0x3ea: {  	v46 =	vld [tilespmem:s16+$0x110E0]  }
0x3eb: {  	v48 =	vld [tilespmem:s16+$0xD0E0]  }
0x3ec: {  	v60 =	vld [tilespmem:s16+$0x110D0]  }
0x3ed: {  	v61 =	vld [tilespmem:s16+$0xD0D0]  }
0x3ee: {  	v62 =	vld [tilespmem:s16+$0x110C0]  }
0x3ef: {  	v63 =	vld [tilespmem:s16+$0xD0C0]  }
0x3f0: {  	v9 =	vld [tilespmem:s16+$0x110B0]  }
0x3f1: {  	v49 =	vld [tilespmem:s16+$0x11090]  }
0x3f2: {  	v50 =	vld [tilespmem:s16+$0xD090]  }
0x3f3: {  	v51 =	vld [tilespmem:s16+$0x11080]  }
0x3f4: {  	v52 =	vld [tilespmem:s16+$0xD080]  }
0x3f5: {  	v53 =	vld [tilespmem:s16+$0x11070]  }
0x3f6: {  	v54 =	vld [tilespmem:s16+$0xD070]  }
0x3f7: {  	v29 =	vld [tilespmem:s16+$0xD020]  }
0x3f8: {  	v10 =	vld [tilespmem:s16+$0x11010]  }
0x3f9: {  	v11 =	vld [tilespmem:s16+$0xD010]  }
0x3fa: {  	v1 =	vld [tilespmem:s16+$0x10FD0]  }
0x3fb: {  	v2 =	vld [tilespmem:s16+$0xCFD0]  }
0x3fc: {  	v3 =	vld [tilespmem:s16+$0x10FC0]  }
0x3fd: {  	v4 =	vld [tilespmem:s16+$0xCFC0]  }
0x3fe: {  	v5 =	vld [tilespmem:s16+$0x10FB0]  }
0x3ff: {  	v6 =	vld [tilespmem:s16+$0xCFB0]  }
0x400: {  	v7 =	vld [tilespmem:s16+$0x10FA0]  }
0x401: {  	v8 =	vld [tilespmem:s16+$0xCFA0]  }
0x402: {  	v14 =	vld [tilespmem:s16+$0xCF80]  }
0x403: {  	v12 =	vld [tilespmem:s16+$0x10F70]  }
0x404: {  	v13 =	vld [tilespmem:s16+$0xCF70]  }
0x405: {  	v16 =	vld [tilespmem:s16+$0x10F60]  }
0x406: {  	v15 =	vld [tilespmem:s16+$0xCF60]  }
0x407: {  	v17 =	vld [tilespmem:s16+$0x10F50]  }
0x408: {  	v19 =	vld [tilespmem:s16+$0xCF10]  }
0x409: {  	v18 =	vld [tilespmem:s16+$0x10F00]  }
0x40a: {  	v20 =	vld [tilespmem:s16+$0xCF00]  }
0x40b: {  	[tilespmem:$0x1FC10] =	vst v0;
	v0 =	vld [tilespmem:s16+$0xD1B0]  }
0x40c: {  	[tilespmem:$0x1FC20] =	vst v55;
	v55 =	vld [tilespmem:s16+$0x11060]  }
0x40d: {  	[tilespmem:$0x1FAA0] =	vst v56;
	v56 =	vld [tilespmem:s16+$0xD060]  }
0x40e: {  	[tilespmem:$0x1FC30] =	vst v57;
	v57 =	vld [tilespmem:s16+$0x11050]  }
0x40f: {  	[tilespmem:$0x1FC40] =	vst v58;
	v58 =	vld [tilespmem:s16+$0xD050]  }
0x410: {  	[tilespmem:$0x1FC50] =	vst v59;
	v59 =	vld [tilespmem:s16+$0x11040]  }
0x411: {  	[tilespmem:$0x1FA80] =	vst v60;
	v60 =	vld [tilespmem:s16+$0xD040]  }
0x412: {  	[tilespmem:$0x1FA90] =	vst v61;
	v61 =	vld [tilespmem:s16+$0x11030]  }
0x413: {  	[tilespmem:$0x1FC60] =	vst v62;
	v62 =	vld [tilespmem:s16+$0xD030]  }
0x414: {  	[tilespmem:$0x1FC70] =	vst v63;
	v63 =	vld [tilespmem:s16+$0x11020]  }
0x415: {  	[tilespmem:$0x1FC80] =	vst v9;
	v9 =	vld [tilespmem:s16+$0x11000]  }
0x416: {  	[tilespmem:$0x1FAB0] =	vst v10;
	v10 =	vld [tilespmem:s16+$0xD000]  }
0x417: {  	[tilespmem:$0x1FAC0] =	vst v11;
	v11 =	vld [tilespmem:s16+$0x10FF0]  }
0x418: {  	[tilespmem:$0x1FAE0] =	vst v17;
	v17 =	vld [tilespmem:s16+$0xCF50];
	v28 =	vmul.bf16 v28, v30  }
0x419: {  	v25 =	vmul.bf16 v25, v26;
	v30 =	vmul.bf16 v36, v39;
	v36 =	vld [tilespmem:s16+$0x10EE0]  }
0x41a: {  	v26 =	vmul.bf16 v31, v33;
	v31 =	vmul.bf16 v34, v37;
	v37 =	vld [tilespmem:s16+$0x10ED0]  }
0x41b: {  	v39 =	vld [tilespmem:s16+$0x10EC0]  }
0x41c: {  	v3 =	vmul.bf16 v3, v4;
	v1 =	vmul.bf16 v1, v2;
	v33 =	vld [tilespmem:s16+$0xCE20]  }
0x41d: {  	v4 =	vmul.bf16 v7, v8;
	v5 =	vmul.bf16 v5, v6;
	v34 =	vld [tilespmem:s16+$0x10E80]  }
0x41e: {  	v25 =	vadd.bf16 v25, v28;
	v28 =	vmul.bf16 v32, v35;
	v35 =	vld [tilespmem:s16+$0xCEF0]  }
0x41f: {  	v1 =	vadd.bf16 v1, v3;
	v4 =	vadd.bf16 v5, v4;
	v32 =	vld [tilespmem:s16+$0xCE90]  }
0x420: {  	v27 =	vmul.bf16 v27, v0;
	v0 =	vld [tilespmem:s16+$0x10EF0]  }
0x421: {  	v1 =	vadd.bf16 v1, v4;
	v4 =	vld [tilespmem:$0x1FA80]  }
0x422: {  	[tilespmem:$0x1FC90] =	vst v9;
	v9 =	vld [tilespmem:s16+$0x10F90];
	v26 =	vadd.bf16 v27, v26  }
0x423: {  	[tilespmem:$0x1FAD0] =	vst v17;
	v17 =	vld [tilespmem:s16+$0x10F40];
	v29 =	vmul.bf16 v63, v29;
	v27 =	vmul.bf16 v40, v43  }
0x424: {  	[tilespmem:$0x1FCA0] =	vst v10;
	v10 =	vld [tilespmem:s16+$0xCF90];
	v25 =	vadd.bf16 v25, v26;
	v26 =	vmul.bf16 v44, v47;
	v47 =	vmul.bf16 v23, v22  }
0x425: {  	[tilespmem:$0x1FCB0] =	vst v11;
	v11 =	vld [tilespmem:s16+$0x10F80];
	v27 =	vadd.bf16 v28, v27;
	v23 =	vmul.bf16 v42, v45;
	v0 =	vmul.bf16 v0, v35  }
0x426: {  	v63 =	vld [tilespmem:$0x1FAB0];
	v26 =	vadd.bf16 v30, v26;
	v30 =	vmul.bf16 v46, v48;
	v46 =	vmul.bf16 v38, v41  }
0x427: {  	v22 =	vld [tilespmem:s16+$0xCEE0];
	v28 =	vunpack.i.u.bf16.f32 v25;
	v23 =	vadd.bf16 v31, v23;
	v48 =	vmul.bf16 v21, v24  }
0x428: {  	[tilespmem:$0x1FCC0] =	vst v17;
	v17 =	vld [tilespmem:s16+$0xCF40];
	v21 =	vmul.bf16 v51, v52;
	v26 =	vadd.bf16 v27, v26;
	v27 =	vadd.bf16 v46, v30  }
0x429: {  	v35 =	vld [tilespmem:s16+$0xCE80];
	v25 =	vunpack.i.l.bf16.f32 v25;
	v31 =	vmul.bf16 v53, v54;
	v30 =	vmul.bf16 v55, v56  }
0x42a: {  	v38 =	vld [tilespmem:s16+$0xCED0];
	v25 =	vadd.f32 v25, v28;
	v28 =	vmul.bf16 v57, v58;
	v23 =	vadd.bf16 v23, v27  }
0x42b: {  	v52 =	vld [tilespmem:s16+$0xCEC0];
	v27 =	vmul.bf16 v59, v60;
	v30 =	vadd.bf16 v31, v30;
	v31 =	vmul.bf16 v61, v62  }
0x42c: {  	v57 =	vld [tilespmem:s16+$0x10EA0]  }
0x42d: {  	v24 =	vmul.bf16 v49, v50;
	v58 =	vld [tilespmem:s16+$0xCEA0];
	v29 =	vadd.bf16 v31, v29;
	v27 =	vadd.bf16 v28, v27  }
0x42e: {  	[tilespmem:$0x1FCD0] =	vst v17;
	v17 =	vld [tilespmem:s16+$0x10F30]  }
0x42f: {  	v55 =	vld [tilespmem:s16+$0x10EB0];
	v21 =	vadd.bf16 v24, v21;
	v60 =	vadd.bf16 v27, v29  }
0x430: {  	v7 =	vmul.bf16 v11, v14;
	v8 =	vmul.bf16 v9, v10;
	v56 =	vld [tilespmem:s16+$0xCEB0];
	v24 =	vunpack.i.u.bf16.f32 v26  }
0x431: {  	(xrf2) =	vadd.scan.msk.f32 $0xffff, v25;
	v25 =	vld [tilespmem:s16+$0xCE50];
	v21 =	vadd.bf16 v21, v30;
	v3 =	vunpack.i.u.bf16.f32 v60;
	v2 =	vunpack.i.l.bf16.f32 v60  }
0x432: {  	v26 =	vunpack.i.l.bf16.f32 v26;
	v2 =	vadd.f32 v2, v3;
	v3 =	vadd.bf16 v8, v7;
	v7 =	vld [tilespmem:$0x1FA90]  }
0x433: {  	v59 =	vadd.f32 v26, v24;
	v30 =	vunpack.i.u.bf16.f32 v23;
	v23 =	vunpack.i.l.bf16.f32 v23;
	[tilespmem:$0x1FCE0] =	vst v17;
	v17 =	vld [tilespmem:s16+$0x10F10]  }
0x434: {  	v24 =	vld [tilespmem:s16+$0x10E50];
	v23 =	vadd.f32 v23, v30;
	v31 =	vunpack.i.u.bf16.f32 v21;
	v21 =	vunpack.i.l.bf16.f32 v21  }
0x435: {  	v26 =	vld [tilespmem:s16+$0x10E40];
	(xrf2) =	vadd.scan.msk.f32 $0xffff, v59;
	v6 =	vadd.f32 v21, v31  }
0x436: {  	v28 =	vld [tilespmem:s16+$0xCE40];
	(xrf2) =	vadd.scan.msk.f32 $0xffff, v23  }
0x437: {  	v30 =	vld [tilespmem:s16+$0x10E90];
	(xrf2) =	vadd.scan.msk.f32 $0xffff, v6;
	v6 =	vmul.bf16 v36, v22;
	v21 =	vmul.bf16 v4, v7  }
0x438: {  	v27 =	vld [tilespmem:s16+$0x10E30];
	v4 =	vmul.bf16 v18, v20;
	v7 =	vmul.bf16 v17, v19  }
0x439: {  	v5 =	vmul.bf16 v16, v15;
	v61 =	vmul.bf16 v12, v13;
	v29 =	vld [tilespmem:s16+$0xCE30]  }
0x43a: {  	v31 =	vld [tilespmem:s16+$0x10E20];
	v0 =	vadd.bf16 v0, v6;
	v4 =	vadd.bf16 v7, v4  }
0x43b: {  	v5 =	vadd.bf16 v61, v5;
	v62 =	vmul.bf16 v57, v58;
	v23 =	vld [tilespmem:s16+$0x10E60]  }
0x43c: {  	p0 =	sne.s32 s18, $0xF000;
	v6 =	vmul.bf16 v55, v56;
	v7 =	vmul.bf16 v37, v38;
	v38 =	vadd.bf16 v4, v0;
	v4 =	vld [tilespmem:$0x1FAC0]  }
.Ltmp3:
0x43d: {  	v8 =	vunpack.i.u.bf16.f32 v1;
	v1 =	vunpack.i.l.bf16.f32 v1;
	v36 =	vld [tilespmem:s16+$0x10E70];
	(pc) =	sbr.rel @p0 .LBB2_5-.Ltmp3, $4  }
0x43e: {  	v3 =	vadd.bf16 v3, v5;
	v5 =	vmul.bf16 v39, v52;
	v39 =	vadd.bf16 v6, v62;
	v6 =	vld [tilespmem:$0x1FAD0]  }
0x43f: {  	v1 =	vadd.f32 v1, v8;
	v18 =	vld [tilespmem:$0x1FAA0]  }
0x440: {  	v12, _, _ =	vpop (xrf2);
	(xrf2) =	vadd.scan.msk.f32 $0xffff, v2;
	v41 =	vunpack.i.u.bf16.f32 v3;
	v37 =	vld [tilespmem:s16+$0xCE70]  }
0x441: {  	s18 =	sadd.s32 $0x1000, s18;
	v42 =	vunpack.i.l.bf16.f32 v3;
	v13, _, _ =	vpop (xrf2);
	(xrf2) =	vadd.scan.msk.f32 $0xffff, v1;
	v40 =	vadd.bf16 v7, v5;
	v5 =	vld [tilespmem:$0x1FAE0];
	v22 =	vmul.bf16 v63, v4  }
0x442: {  	v0 =	vld [tilespmem:s16+$0xCE60]  }
0x443: {  	v7 =	vld [tilespmem:s16+$0xCF30]  }
0x444: {  	v11 =	vld [tilespmem:s16+$0x10F20]  }
0x445: {  	v15 =	vld [tilespmem:s16+$0xCFF0]  }
0x446: {  	v17 =	vld [tilespmem:s16+$0x10FE0]  }
0x447: {  	v3 =	vadd.f32 v42, v41;
	v41 =	vld [tilespmem:$0x1FCC0]  }
0x448: {  	v42 =	vld [tilespmem:$0x1FCD0]  }
0x449: {  	v43 =	vld [tilespmem:s16+$0xCFE0]  }
0x44a: {  	v44 =	vld [tilespmem:$0x1FCE0]  }
0x44b: {  	v45 =	vld [tilespmem:s16+$0xD0B0]  }
0x44c: {  	v49 =	vld [tilespmem:s16+$0x110A0]  }
0x44d: {  	v50 =	vld [tilespmem:$0x1FC90]  }
0x44e: {  	v51 =	vld [tilespmem:$0x1FCA0]  }
0x44f: {  	v1 =	vunpack.i.u.bf16.f32 v38;
	v4 =	vmul.bf16 v26, v28;
	v26 =	vmul.bf16 v24, v25;
	v52 =	vld [tilespmem:s16+$0xD0A0]  }
0x450: {  	v8 =	vmul.bf16 v31, v33;
	v9 =	vmul.bf16 v27, v29;
	v10 =	vunpack.i.l.bf16.f32 v38;
	v54 =	vld [tilespmem:$0x1FCB0]  }
0x451: {  	v57 =	vld [tilespmem:s16+$0x11160];
	v28 =	vadd.bf16 v40, v39;
	v1 =	vadd.f32 v10, v1  }
0x452: {  	v14 =	vmul.bf16 v30, v32;
	v61 =	vld [tilespmem:s16+$0xD160];
	v4 =	vadd.bf16 v26, v4;
	v8 =	vadd.bf16 v9, v8  }
0x453: {  	v39 =	vld [tilespmem:s16+$0xCF20];
	v40 =	vmul.bf16 v34, v35;
	v38 =	vunpack.i.u.bf16.f32 v28;
	v16 =	vmul.bf16 v36, v37  }
0x454: {  	v55 =	vld [tilespmem:s16+$0xD170];
	v2 =	vmul.bf16 v5, v6;
	v6 =	vunpack.i.l.bf16.f32 v28;
	v4 =	vadd.bf16 v4, v8  }
0x455: {  	v59 =	vld [tilespmem:$0x1FC60];
	v0 =	vmul.bf16 v23, v0;
	v5 =	vadd.f32 v6, v38;
	v6 =	vmul.bf16 v41, v42  }
0x456: {  	v60 =	vld [tilespmem:$0x1FC70];
	v9 =	vadd.bf16 v14, v40;
	v7 =	vmul.bf16 v44, v7;
	v8 =	vmul.bf16 v17, v43  }
0x457: {  	v29 =	vld [tilespmem:$0x1FC50];
	(xrf2) =	vadd.scan.msk.f32 $0xffff, v3;
	v3 =	vmul.bf16 v57, v61;
	v46 =	vunpack.i.u.bf16.f32 v4;
	v0 =	vadd.bf16 v16, v0  }
0x458: {  	v17 =	vld [tilespmem:$0x1FC80];
	v4 =	vunpack.i.l.bf16.f32 v4;
	v10 =	vmul.bf16 v11, v39;
	v11 =	vmul.bf16 v49, v52  }
0x459: {  	v25 =	vld [tilespmem:$0x1FC30];
	v2 =	vadd.bf16 v2, v6;
	v6 =	vmul.bf16 v54, v15;
	v0 =	vadd.bf16 v9, v0  }
0x45a: {  	v26 =	vld [tilespmem:$0x1FC40];
	v4 =	vadd.f32 v4, v46;
	v53 =	vadd.bf16 v7, v10;
	v9 =	vmul.bf16 v50, v51  }
0x45b: {  	(xrf2) =	vadd.scan.msk.f32 $0xffff, v1;
	v62 =	vadd.bf16 v6, v8;
	v56 =	vunpack.i.u.bf16.f32 v0;
	v0 =	vunpack.i.l.bf16.f32 v0  }
0x45c: {  	v19 =	vld [tilespmem:s16+$0xD1F0];
	(xrf2) =	vadd.scan.msk.f32 $0xffff, v5;
	v7 =	vmul.bf16 v29, v55;
	v58 =	vadd.bf16 v2, v53;
	v0 =	vadd.f32 v0, v56  }
0x45d: {  	v27 =	vld [tilespmem:s16+$0xD1E0];
	(xrf2) =	vadd.scan.msk.f32 $0xffff, v4;
	v2 =	vmul.bf16 v59, v60;
	v6 =	vmul.bf16 v17, v45;
	v63 =	vadd.bf16 v22, v9  }
0x45e: {  	v33 =	vld [tilespmem:$0x1FC10];
	v3 =	vadd.bf16 v7, v3;
	v20 =	vunpack.i.u.bf16.f32 v58;
	v1 =	vunpack.i.l.bf16.f32 v58;
	(xrf2) =	vadd.scan.msk.f32 $0xffff, v0  }
0x45f: {  	v34 =	vld [tilespmem:$0x1FC20];
	v4 =	vmul.bf16 v25, v26;
	v23 =	vadd.f32 v1, v20;
	v24 =	vadd.bf16 v63, v62  }
0x460: {  	v28, _, _ =	vpop (xrf2);
	v22 =	vld [tilespmem:s16+$0x111E0];
	v6 =	vadd.bf16 v6, v11;
	v2 =	vadd.bf16 v21, v2  }
0x461: {  	v30, _, _ =	vpop (xrf2);
	v4 =	vadd.bf16 v48, v4;
	v31 =	vunpack.i.u.bf16.f32 v24;
	v1 =	vunpack.i.l.bf16.f32 v24;
	(xrf2) =	vadd.scan.msk.f32 $0xffff, v23  }
0x462: {  	v32, _, _ =	vpop (xrf2);
	v2 =	vadd.bf16 v2, v6;
	v1 =	vadd.f32 v1, v31  }
0x463: {  	v36 =	vmul.bf16 v18, v19;
	v35, _, _ =	vpop (xrf2)  }
0x464: {  	v37, _, _ =	vpop (xrf2);
	v3 =	vadd.bf16 v4, v3;
	v38 =	vunpack.i.u.bf16.f32 v2;
	v2 =	vunpack.i.l.bf16.f32 v2;
	(xrf2) =	vadd.scan.msk.f32 $0xffff, v1  }
0x465: {  	v39, _, _ =	vpop (xrf2);
	v6 =	vmul.bf16 v33, v34;
	v5 =	vmul.bf16 v22, v27;
	v2 =	vadd.f32 v2, v38  }
0x466: {  	v42 =	vunpack.i.u.bf16.f32 v3;
	v40, _, _ =	vpop (xrf2)  }
0x467: {  	v3 =	vunpack.i.l.bf16.f32 v3;
	v6 =	vadd.bf16 v47, v6;
	v5 =	vadd.bf16 v36, v5;
	v41, _, _ =	vpop (xrf2);
	(xrf2) =	vadd.scan.msk.f32 $0xffff, v2  }
0x468: {  	v43 =	vadd.f32 v3, v42;
	v45, _, _ =	vpop (xrf2)  }
0x469: {  	v44 =	vadd.bf16 v6, v5;
	v46 =	vbroadcast v41, $0xF;
	v5 =	vbroadcast v45, $0xF  }
0x46a: {  	v4 =	vbroadcast v40, $0xF;
	v1 =	vbroadcast v39, $0xF;
	(xrf2) =	vadd.scan.msk.f32 $0xffff, v43  }
0x46b: {  	v47 =	vunpack.i.u.bf16.f32 v44;
	v3 =	vunpack.i.l.bf16.f32 v44;
	v49, _, _ =	vpop (xrf2);
	v48 =	vsel vm0, v46, v5  }
0x46c: {  	v3 =	vadd.f32 v3, v47;
	v50 =	vbroadcast v49, $0xF;
	v2 =	vsel vm1, v48, v4  }
0x46d: {  	v51 =	vbroadcast v37, $0xF;
	v1 =	vsel vm2, v2, v1  }
0x46e: {  	v52 =	vbroadcast v35, $0xF;
	(xrf2) =	vadd.scan.msk.f32 $0xffff, v3;
	v53, _, _ =	vpop (xrf2);
	v1 =	vsel vm3, v1, v50  }
0x46f: {  	v54 =	vbroadcast v53, $0xF;
	v1 =	vsel vm4, v1, v51  }
0x470: {  	v0 =	vbroadcast v32, $0xF;
	v1 =	vsel vm5, v1, v52  }
0x471: {  	v55 =	vbroadcast v30, $0xF;
	v56, _, _ =	vpop (xrf2);
	v1 =	vsel vm6, v1, v54  }
0x472: {  	v57 =	vbroadcast v56, $0xF;
	v0 =	vsel vm7, v1, v0  }
0x473: {  	v58 =	vbroadcast v28, $0xF;
	v0 =	vsel vm8, v0, v55  }
0x474: {  	v59 =	vbroadcast v13, $0xF;
	v60, _, _ =	vpop (xrf2);
	v0 =	vsel vm9, v0, v57  }
0x475: {  	v61 =	vbroadcast v60, $0xF;
	v0 =	vsel vm10, v0, v58  }
0x476: {  	v62 =	vbroadcast v12, $0xF;
	v0 =	vsel vm11, v0, v59  }
0x477: {  	v0 =	vsel vm12, v0, v61  }
0x478: {  	v63, _, _ =	vpop (xrf2);
	v0 =	vsel vm13, v0, v62  }
.Ltmp4:
0x479: {  	v0 =	vsel vm14, v0, v63;
	(pc) =	sbr.rel @p1 .LBB2_8-.Ltmp4, $4  }
0x47a: {  	s17 =	sadd.s32 s4, s17;
	v0 =	vmul.f32 $1.000000000e+01, v0  }
0x47b: {  	s15 =	sadd.s32 $0x10, s15;
	s16 =	sshrl.u32 s17, $0x3  }
0x47c: {  	s18 =	sadd.s32 s2, s16;
	[tilespmem:s15+$0x0] =	vst v0  }
0x47d: {  	[hbm4b:s18+s3] =	stream.linear.scatter [tilespmem:s30], [sflag:$0x4], $0x100, $0x38;
	[tilespmem:$0x15020] =	vst v63  }
0x47e: {  	s14 =	smin.u32 s14, $0x2310  }
0x47f: {  	s15 =	sadd.s32 $0x300, s14  }
0x480: {  	[tilespmem:s19], [sflag:$0x2] =	stream.indirect.gather [hbm4b:s5+s12], $0x40, s15, s12, $0xb8;
	[tilespmem:$0x15020] =	vst v63  }
0x481: {  	s17 =	sadd.s32 $0x2A10, s14  }
0x482: {  	[tilespmem:s21], [sflag:$0x2] =	stream.indirect.gather [hbm4b:s6+s12], $0x40, s17, s12, $0xb8;
	[tilespmem:$0x15020] =	vst v63  }
.Ltmp5:
0x483: {  	_ = 	snop;
	(pc) =	sbr.rel .LBB2_2-.Ltmp5, $4  }
0x484: {  	s18 =	sadd.s32 $0x380, s14  }
0x485: {  	[tilespmem:s23], [sflag:$0x2] =	stream.indirect.gather [hbm4b:s5+s12], $0x40, s18, s12, $0xb8;
	[tilespmem:$0x15020] =	vst v63  }
0x486: {  	s13 =	sadd.s32 $0x1, s13;
	s14 =	sadd.s32 $0x2A90, s14  }
0x487: {  	[tilespmem:s25], [sflag:$0x2] =	stream.indirect.gather [hbm4b:s6+s12], $0x40, s14, s12, $0xb8;
	[tilespmem:$0x15020] =	vst v63  }
.LBB2_9:
0x488: {  	_ =	sfence.sel $0x180000  }
0x489: {  	[bflag:$0x0] =	sbarrier.arrive $0xFFFF  }
0x48a: {  	_ =	strace $0x90000047  }
0x48b: {  	s0 =	stileid.u32;
	[bflag:$0x2] =	sbarrier.arrive $0xFFFF  }
0x48c: {  	p0 =	sne.s32 s0, $0x0;
	s0 =	rddreg [dreg:$0x2]  }
0x48d: {  	s0 =	sadd.s32 @!p0 $0x100000, s0  }
0x48e: {  	[sflag:s0] =	ssyncadd.tile.s32 @!p0 $0x1;
	_ =	shalt  }
.Lfunc_end2:
_tile_overlayer_lowered:
.L_overlay_start_2:
0x48f: {  	(tag) =	ssettag $0x2  }
0x490: {  	s0 =	rddreg [dreg:$0x0];
	s2 =	stileid.u32  }
0x491: {  	s1 =	rddreg [dreg:$0x1];
	p0 =	sne.s32 s2, $0x0  }
0x492: {  	s3 =	rddreg [dreg:$0x2];
	[bflag:$0x3] =	sbarrier.arrive $0xFFFF;
	s2 =	simm.s32 @!p0 $0x1C05  }
0x493: {  	[timem:s3], [sflag:s2] =	dma.local @!p0 [hbm:s0], s1  }
0x494: {  	s0 =	simm.s32 @!p0 $0x5  }
0x495: {  	_ =	swait.ge @!p0 [sflag:s0], s1  }
0x496: {  	s1 =	ssub.s32 @!p0 $0x0, s1;
	[sflag:s0] =	ssyncset.done @!p0 $0x0  }
0x497: {  	[sflag:s0] =	ssyncadd.s32 @!p0 s1  }
0x498: {  	[bflag:$0x3] =	sbarrier.arrive $0xFFFF  }
0x499: {  	_ =	shalt  }

</sc_bundles>
